<compile_context>
chip_gen: v7x
topology: tpu7x:2x2x1
jax: 0.10.2.dev20260603
libtpu: 0.0.44.dev20260713+nightly
codegen_flags: <defaults>
</compile_context>

<pallas_src>
import functools

import jax
import jax.numpy as jnp
from jax import lax
from jax.experimental import pallas as pl
from jax.experimental.pallas import tpu as pltpu
from jax.experimental.pallas import tpu_sc as plsc

E = 8
K = 2
H = 1024
F = 768
M = 2048
BLK = 128
NBLK = 39
NPAD = NBLK * BLK
NC, NS = 2, 16
NW = NC * NS
TPW = M // NW


def _router_body(x_ref, rw_ref, pos0_ref, pos1_ref, w0_ref, w1_ref,
                 offb_ref, lenb_ref):
    x = x_ref[...]
    rw = rw_ref[...]
    lt = lax.dot_general(rw, x, (((0,), (1,)), ((), ())),
                         preferred_element_type=jnp.float32)

    m1 = jnp.max(lt, axis=0, keepdims=True)
    sel1 = lt == m1
    masked = jnp.where(sel1, -1e30, lt)
    m2 = jnp.max(masked, axis=0, keepdims=True)
    sel2 = masked == m2

    r = jnp.exp(m2 - m1)
    w0 = 1.0 / (1.0 + r)
    w0_ref[...] = w0.reshape(M)
    w1_ref[...] = (1.0 - w0).reshape(M)

    memb = jnp.where(sel1 | sel2, 1.0, 0.0)
    zc = jnp.zeros((E, M), jnp.float32)
    c = memb
    for k in range(11):
        s = 1 << k
        c = c + jnp.concatenate([zc[:, :s], c[:, : M - s]], axis=1)
    cex = c - memb

    counts = c[:, M - 1 : M]
    cnt_i = counts.astype(jnp.int32)
    padded_i = ((cnt_i + (BLK - 1)) >> 7) << 7
    padded_f = padded_i.astype(jnp.float32)
    zo = jnp.zeros((E, 1), jnp.float32)
    o = padded_f
    for k in range(3):
        s = 1 << k
        o = o + jnp.concatenate([zo[:s, :] * 0.0, o[: E - s, :]], axis=0)
    off = o - padded_f

    dest = off + cex
    pos0 = jnp.sum(jnp.where(sel1, dest, 0.0), axis=0)
    pos1 = jnp.sum(jnp.where(sel2, dest, 0.0), axis=0)
    pos0_ref[...] = pos0.astype(jnp.int32)
    pos1_ref[...] = pos1.astype(jnp.int32)

    offb_ref[...] = (off * (1.0 / BLK)).astype(jnp.int32)
    lenb_ref[...] = (padded_f * (1.0 / BLK)).astype(jnp.int32)


_router = pl.pallas_call(
    _router_body,
    out_shape=[
        jax.ShapeDtypeStruct((M,), jnp.int32),
        jax.ShapeDtypeStruct((M,), jnp.int32),
        jax.ShapeDtypeStruct((M,), jnp.float32),
        jax.ShapeDtypeStruct((M,), jnp.float32),
        jax.ShapeDtypeStruct((E, 1), jnp.int32),
        jax.ShapeDtypeStruct((E, 1), jnp.int32),
    ],
    compiler_params=pltpu.CompilerParams(vmem_limit_bytes=100 * 1024 * 1024),
)


@functools.cache
def _sc_kernels():
    mesh = plsc.VectorSubcoreMesh(core_axis_name="c", subcore_axis_name="s",
                                  num_cores=NC, num_subcores=NS)

    @functools.partial(
        pl.kernel,
        out_type=jax.ShapeDtypeStruct((NPAD, H), jnp.float32),
        mesh=mesh,
        scratch_types=[
            pltpu.VMEM((TPW,), jnp.int32),
            pltpu.VMEM((TPW,), jnp.int32),
            pltpu.VMEM((TPW, H), jnp.float32),
            pltpu.SemaphoreType.DMA,
        ],
    )
    def dispatch(x_hbm, pos0_hbm, pos1_hbm, xs_hbm, idx0_v, idx1_v, rows_v, sem):
        wid = lax.axis_index("s") * NC + lax.axis_index("c")
        base = wid * TPW
        pltpu.sync_copy(pos0_hbm.at[pl.ds(base, TPW)], idx0_v)
        pltpu.sync_copy(pos1_hbm.at[pl.ds(base, TPW)], idx1_v)
        pltpu.sync_copy(x_hbm.at[pl.ds(base, TPW)], rows_v)
        a = pltpu.async_copy(rows_v, xs_hbm.at[idx0_v], sem)
        b = pltpu.async_copy(rows_v, xs_hbm.at[idx1_v], sem)
        a.wait()
        b.wait()

    @functools.partial(
        pl.kernel,
        out_type=[
            jax.ShapeDtypeStruct((M, H), jnp.float32),
            jax.ShapeDtypeStruct((M, H), jnp.float32),
        ],
        mesh=mesh,
        scratch_types=[
            pltpu.VMEM((TPW,), jnp.int32),
            pltpu.VMEM((TPW,), jnp.int32),
            pltpu.VMEM((TPW // 2, H), jnp.float32),
            pltpu.VMEM((TPW // 2, H), jnp.float32),
            pltpu.SemaphoreType.DMA,
            pltpu.SemaphoreType.DMA,
            pltpu.SemaphoreType.DMA,
            pltpu.SemaphoreType.DMA,
        ],
    )
    def gather(ys_hbm, pos0_hbm, pos1_hbm, y0_hbm, y1_hbm, idx0_v, idx1_v,
               rows_a, rows_b, sga, sgb, ssa, ssb):
        wid = lax.axis_index("s") * NC + lax.axis_index("c")
        base = wid * TPW
        Ch = TPW // 2
        pltpu.sync_copy(pos0_hbm.at[pl.ds(base, TPW)], idx0_v)
        pltpu.sync_copy(pos1_hbm.at[pl.ds(base, TPW)], idx1_v)
        g = pltpu.async_copy(ys_hbm.at[idx0_v.at[pl.ds(0, Ch)]], rows_a, sga)
        h = pltpu.async_copy(ys_hbm.at[idx0_v.at[pl.ds(Ch, Ch)]], rows_b, sgb)
        g.wait()
        s0 = pltpu.async_copy(rows_a, y0_hbm.at[pl.ds(base, Ch)], ssa)
        h.wait()
        s1 = pltpu.async_copy(rows_b, y0_hbm.at[pl.ds(base + Ch, Ch)], ssb)
        s0.wait()
        g = pltpu.async_copy(ys_hbm.at[idx1_v.at[pl.ds(0, Ch)]], rows_a, sga)
        s1.wait()
        h = pltpu.async_copy(ys_hbm.at[idx1_v.at[pl.ds(Ch, Ch)]], rows_b, sgb)
        g.wait()
        s0 = pltpu.async_copy(rows_a, y1_hbm.at[pl.ds(base, Ch)], ssa)
        h.wait()
        s1 = pltpu.async_copy(rows_b, y1_hbm.at[pl.ds(base + Ch, Ch)], ssb)
        s0.wait()
        s1.wait()

    return dispatch, gather


def _gemm_body(offb_ref, lenb_ref, xs_hbm, w1_hbm, w3_hbm, w2_hbm, out_hbm,
               w1b, w3b, w2b, xsb, outb, wsem, xsem, osem):
    def w_copies(e, slot):
        return (
            pltpu.make_async_copy(w1_hbm.at[e], w1b.at[slot], wsem.at[slot]),
            pltpu.make_async_copy(w3_hbm.at[e], w3b.at[slot], wsem.at[slot]),
            pltpu.make_async_copy(w2_hbm.at[e], w2b.at[slot], wsem.at[slot]),
        )

    def xs_copy(b, slot):
        return pltpu.make_async_copy(xs_hbm.at[pl.ds(b * BLK, BLK)],
                                     xsb.at[slot], xsem.at[slot])

    def out_copy(b, slot):
        return pltpu.make_async_copy(outb.at[slot],
                                     out_hbm.at[pl.ds(b * BLK, BLK)],
                                     osem.at[slot])

    tot = offb_ref[E - 1, 0] + lenb_ref[E - 1, 0]
    for c in w_copies(0, 0):
        c.start()
    xs_copy(0, 0).start()
    for k in range(E):
        slot = k & 1
        for c in w_copies(k, slot):
            c.wait()
        if k + 1 < E:
            for c in w_copies(k + 1, 1 - slot):
                c.start()

        def body(b, carry, kslot=slot):
            bs = b & 1
            xs_copy(b, bs).wait()

            @pl.when(b + 1 < tot)
            def _():
                xs_copy(b + 1, 1 - bs).start()

            @pl.when(b >= 2)
            def _():
                out_copy(b - 2, bs).wait()

            xb = xsb[bs]
            hh = jnp.dot(xb, w1b[kslot], preferred_element_type=jnp.float32)
            uu = jnp.dot(xb, w3b[kslot], preferred_element_type=jnp.float32)
            act = hh * (1.0 / (1.0 + jnp.exp(-hh))) * uu
            outb[bs] = jnp.dot(act, w2b[kslot], preferred_element_type=jnp.float32)
            out_copy(b, bs).start()
            return carry

        lo = offb_ref[k, 0]
        lax.fori_loop(lo, lo + lenb_ref[k, 0], body, 0)
    out_copy(tot - 2, (tot - 2) & 1).wait()
    out_copy(tot - 1, (tot - 1) & 1).wait()


_gemm = pl.pallas_call(
    _gemm_body,
    in_specs=[
        pl.BlockSpec(memory_space=pltpu.MemorySpace.SMEM),
        pl.BlockSpec(memory_space=pltpu.MemorySpace.SMEM),
        pl.BlockSpec(memory_space=pltpu.MemorySpace.HBM),
        pl.BlockSpec(memory_space=pltpu.MemorySpace.HBM),
        pl.BlockSpec(memory_space=pltpu.MemorySpace.HBM),
        pl.BlockSpec(memory_space=pltpu.MemorySpace.HBM),
    ],
    out_specs=pl.BlockSpec(memory_space=pltpu.MemorySpace.HBM),
    out_shape=jax.ShapeDtypeStruct((NPAD, H), jnp.float32),
    scratch_shapes=[
        pltpu.VMEM((2, H, F), jnp.float32),
        pltpu.VMEM((2, H, F), jnp.float32),
        pltpu.VMEM((2, F, H), jnp.float32),
        pltpu.VMEM((2, BLK, H), jnp.float32),
        pltpu.VMEM((2, BLK, H), jnp.float32),
        pltpu.SemaphoreType.DMA((2,)),
        pltpu.SemaphoreType.DMA((2,)),
        pltpu.SemaphoreType.DMA((2,)),
    ],
    compiler_params=pltpu.CompilerParams(vmem_limit_bytes=100 * 1024 * 1024),
)


def _combine_body(y0_ref, y1_ref, w0_ref, w1_ref, o_ref):
    w0 = w0_ref[...].reshape(BLK, 1)
    w1 = w1_ref[...].reshape(BLK, 1)
    o_ref[...] = y0_ref[...] * w0 + y1_ref[...] * w1


_combine = pl.pallas_call(
    _combine_body,
    grid=(M // BLK,),
    in_specs=[
        pl.BlockSpec((BLK, H), lambda b: (b, 0)),
        pl.BlockSpec((BLK, H), lambda b: (b, 0)),
        pl.BlockSpec((BLK,), lambda b: (b,)),
        pl.BlockSpec((BLK,), lambda b: (b,)),
    ],
    out_specs=pl.BlockSpec((BLK, H), lambda b: (b, 0)),
    out_shape=jax.ShapeDtypeStruct((M, H), jnp.float32),
)


def kernel(x, router_w, w1, w3, w2):
    bs, seqlen, dim = x.shape
    xt = x.reshape(M, H)
    pos0, pos1, wt0, wt1, offb, lenb = _router(xt, router_w)
    dispatch, gather = _sc_kernels()
    xs = dispatch(xt, pos0, pos1)
    ys = _gemm(offb, lenb, xs, w1, w3, w2)
    y0, y1 = gather(ys, pos0, pos1)
    out = _combine(y0, y1, wt0, wt1)
    return out.reshape(bs, seqlen, dim)

# --- scband reference (transcript-rebuilt; emitter-appended) ---
"""Pipeline reference for scband-qwen3-moe-sparse-moe-block-3109556322625 (READ-ONLY COPY).

The authoritative reference and input builder live on the scoring server;
editing this copy changes nothing except your own understanding.
"""

import jax, jax.numpy as jnp
import numpy as np

NUM_EXPERTS = 8
TOP_K = 2
HIDDEN = 1024
FFN = 768
BS = 1
SEQ = 2048


def setup_inputs(seed: int = 0) -> dict:
    key = jax.random.key(seed)
    k1, k2, k3, k4, k5 = jax.random.split(key, 5)
    x = jax.random.normal(k1, (BS, SEQ, HIDDEN), dtype=jnp.float32)
    router_w = jax.random.normal(k2, (HIDDEN, NUM_EXPERTS), dtype=jnp.float32) * 0.02
    w1 = jax.random.normal(k3, (NUM_EXPERTS, HIDDEN, FFN), dtype=jnp.float32) * 0.02  # gate_proj
    w3 = jax.random.normal(k4, (NUM_EXPERTS, HIDDEN, FFN), dtype=jnp.float32) * 0.02  # up_proj
    w2 = jax.random.normal(k5, (NUM_EXPERTS, FFN, HIDDEN), dtype=jnp.float32) * 0.02  # down_proj
    return {"x": x, "router_w": router_w, "w1": w1, "w3": w3, "w2": w2}


def reference(x, router_w, w1, w3, w2):
    bs, seqlen, dim = x.shape
    M = bs * seqlen
    xt = x.reshape(M, dim)
    # TokenChoiceTopKRouter: linear -> softmax scores -> top-k -> normalize
    logits = xt @ router_w
    probs = jax.nn.softmax(logits.astype(jnp.float32), axis=-1)
    topk_w, topk_idx = jax.lax.top_k(probs, TOP_K)
    topk_w = topk_w / jnp.sum(topk_w, axis=-1, keepdims=True)  # norm_topk_prob=True
    # combine weights [M, E]: routing weight for selected experts, 0 elsewhere
    combine = jnp.sum(
        jax.nn.one_hot(topk_idx, NUM_EXPERTS, dtype=xt.dtype) * topk_w[..., None].astype(xt.dtype),
        axis=1,
    )
    # GroupedExperts SwiGLU FFN, dense-equivalent formulation:
    # out = sum_e combine[:, e] * ((silu(x @ w1[e]) * (x @ w3[e])) @ w2[e])
    h = jnp.einsum('md,edf->emf', xt, w1)
    u = jnp.einsum('md,edf->emf', xt, w3)
    act = jax.nn.silu(h) * u
    eo = jnp.einsum('emf,efd->emd', act, w2)
    out = jnp.einsum('me,emd->md', combine, eo)
    return out.reshape(bs, seqlen, dim)

if __name__ == "__main__":
    import jax
    _d = setup_inputs()
    print(jax.jit(kernel)(*tuple(_d.values())))

</pallas_src>

<mosaic_0001>
#map = affine_map<(d0, d1) -> (0, 0)>
#map1 = affine_map<(d0, d1) -> (0)>
module attributes {stable_mosaic.version = 14 : i64} {
  func.func @gather(%arg0: i32, %arg1: i32, %arg2: memref<4992x1024xf32, #tpu.memory_space<hbm>>, %arg3: memref<2048xi32, #tpu.memory_space<hbm>>, %arg4: memref<2048xi32, #tpu.memory_space<hbm>>, %arg5: memref<2048x1024xf32, #tpu.memory_space<hbm>>, %arg6: memref<2048x1024xf32, #tpu.memory_space<hbm>>, %arg7: memref<64xi32, #tpu.memory_space<vmem>>, %arg8: memref<64xi32, #tpu.memory_space<vmem>>, %arg9: memref<32x1024xf32, #tpu.memory_space<vmem>>, %arg10: memref<32x1024xf32, #tpu.memory_space<vmem>>, %arg11: memref<!tpu.dma_semaphore, #tpu.memory_space<semaphore_mem>>, %arg12: memref<!tpu.dma_semaphore, #tpu.memory_space<semaphore_mem>>, %arg13: memref<!tpu.dma_semaphore, #tpu.memory_space<semaphore_mem>>, %arg14: memref<!tpu.dma_semaphore, #tpu.memory_space<semaphore_mem>>) attributes {dimension_semantics = [#tpu.dimension_semantics<core_parallel>, #tpu.dimension_semantics<subcore_parallel>], iteration_bounds = array<i64: 2, 16>, scalar_prefetch = 0 : i64, scratch_operands = 8 : i64, tpu.core_type = #tpu.core_type<sc_vector_subcore>, window_params = [{transform_indices = #map}, {transform_indices = #map1}, {transform_indices = #map1}, {transform_indices = #map}, {transform_indices = #map}]} {
    %mul3A = arith.constant 2 : i32
    %mul3A_0 = arith.muli %arg1, %mul3A : i32
    %add3A = arith.addi %mul3A_0, %arg0 : i32
    %mul3A_1 = arith.constant 64 : i32
    %mul3A_2 = arith.muli %add3A, %mul3A_1 : i32
    "tpu.region"() ({
      %run_scoped3A = tpu.sem_alloc : memref<!tpu.dma_semaphore, #tpu.memory_space<semaphore_mem>>
      %dma_start3A_77 = tpu.memref_slice %arg3[%mul3A_2] : memref<2048xi32, #tpu.memory_space<hbm>> -> memref<64xi32, #tpu.memory_space<hbm>>
      %dma_start3A_78 = tpu.memref_slice %arg3[%mul3A_2] : memref<2048xi32, #tpu.memory_space<hbm>> -> memref<64xi32, #tpu.memory_space<hbm>>
      tpu.enqueue_dma source(%dma_start3A_78 : memref<64xi32, #tpu.memory_space<hbm>>) target(%arg7 : memref<64xi32, #tpu.memory_space<vmem>>) target_semaphore(%run_scoped3A : memref<!tpu.dma_semaphore, #tpu.memory_space<semaphore_mem>>)
      %dma_wait3A_79 = tpu.memref_slice %arg3[%mul3A_2] : memref<2048xi32, #tpu.memory_space<hbm>> -> memref<64xi32, #tpu.memory_space<hbm>>
      %dma_wait3A_80 = tpu.memref_slice %arg3[%mul3A_2] : memref<2048xi32, #tpu.memory_space<hbm>> -> memref<64xi32, #tpu.memory_space<hbm>>
      tpu.wait_dma2 semaphore(%run_scoped3A : memref<!tpu.dma_semaphore, #tpu.memory_space<semaphore_mem>>) src(%dma_wait3A_80 : memref<64xi32, #tpu.memory_space<hbm>>) dst(%arg7 : memref<64xi32, #tpu.memory_space<vmem>>)
      tpu.yield
    }) : () -> ()
    "tpu.region"() ({
      %run_scoped3A = tpu.sem_alloc : memref<!tpu.dma_semaphore, #tpu.memory_space<semaphore_mem>>
      %dma_start3A_77 = tpu.memref_slice %arg4[%mul3A_2] : memref<2048xi32, #tpu.memory_space<hbm>> -> memref<64xi32, #tpu.memory_space<hbm>>
      %dma_start3A_78 = tpu.memref_slice %arg4[%mul3A_2] : memref<2048xi32, #tpu.memory_space<hbm>> -> memref<64xi32, #tpu.memory_space<hbm>>
      tpu.enqueue_dma source(%dma_start3A_78 : memref<64xi32, #tpu.memory_space<hbm>>) target(%arg8 : memref<64xi32, #tpu.memory_space<vmem>>) target_semaphore(%run_scoped3A : memref<!tpu.dma_semaphore, #tpu.memory_space<semaphore_mem>>)
      %dma_wait3A_79 = tpu.memref_slice %arg4[%mul3A_2] : memref<2048xi32, #tpu.memory_space<hbm>> -> memref<64xi32, #tpu.memory_space<hbm>>
      %dma_wait3A_80 = tpu.memref_slice %arg4[%mul3A_2] : memref<2048xi32, #tpu.memory_space<hbm>> -> memref<64xi32, #tpu.memory_space<hbm>>
      tpu.wait_dma2 semaphore(%run_scoped3A : memref<!tpu.dma_semaphore, #tpu.memory_space<semaphore_mem>>) src(%dma_wait3A_80 : memref<64xi32, #tpu.memory_space<hbm>>) dst(%arg8 : memref<64xi32, #tpu.memory_space<vmem>>)
      tpu.yield
    }) : () -> ()
    %dma_start3A = arith.constant 0 : i32
    %dma_start3A_3 = tpu.memref_slice %arg7[%dma_start3A] : memref<64xi32, #tpu.memory_space<vmem>> -> memref<32xi32, #tpu.memory_space<vmem>>
    %dma_start3A_4 = arith.constant 0 : i32
    %dma_start3A_5 = arith.constant 0 : i32
    %dma_start3A_6 = tpu.memref_slice %arg2[%dma_start3A_4, %dma_start3A_5] : memref<4992x1024xf32, #tpu.memory_space<hbm>> -> memref<4992x1024xf32, #tpu.memory_space<hbm>>
    tpu.enqueue_indirect_dma source(%dma_start3A_6 : memref<4992x1024xf32, #tpu.memory_space<hbm>>) target(%arg9 : memref<32x1024xf32, #tpu.memory_space<vmem>>) offsets(%dma_start3A_3 : memref<32xi32, #tpu.memory_space<vmem>>) semaphore(%arg11 : memref<!tpu.dma_semaphore, #tpu.memory_space<semaphore_mem>>)
    %dma_start3A_7 = arith.constant 32 : i32
    %dma_start3A_8 = tpu.memref_slice %arg7[%dma_start3A_7] : memref<64xi32, #tpu.memory_space<vmem>> -> memref<32xi32, #tpu.memory_space<vmem>>
    %dma_start3A_9 = arith.constant 0 : i32
    %dma_start3A_10 = arith.constant 0 : i32
    %dma_start3A_11 = tpu.memref_slice %arg2[%dma_start3A_9, %dma_start3A_10] : memref<4992x1024xf32, #tpu.memory_space<hbm>> -> memref<4992x1024xf32, #tpu.memory_space<hbm>>
    tpu.enqueue_indirect_dma source(%dma_start3A_11 : memref<4992x1024xf32, #tpu.memory_space<hbm>>) target(%arg10 : memref<32x1024xf32, #tpu.memory_space<vmem>>) offsets(%dma_start3A_8 : memref<32xi32, #tpu.memory_space<vmem>>) semaphore(%arg12 : memref<!tpu.dma_semaphore, #tpu.memory_space<semaphore_mem>>)
    %dma_wait3A = arith.constant 0 : i32
    %dma_wait3A_12 = tpu.memref_slice %arg7[%dma_wait3A] : memref<64xi32, #tpu.memory_space<vmem>> -> memref<32xi32, #tpu.memory_space<vmem>>
    %dma_wait3A_13 = arith.constant 0 : i32
    %dma_wait3A_14 = arith.constant 0 : i32
    %dma_wait3A_15 = tpu.memref_slice %arg2[%dma_wait3A_13, %dma_wait3A_14] : memref<4992x1024xf32, #tpu.memory_space<hbm>> -> memref<4992x1024xf32, #tpu.memory_space<hbm>>
    tpu.wait_indirect_dma semaphore(%arg11 : memref<!tpu.dma_semaphore, #tpu.memory_space<semaphore_mem>>) src(%dma_wait3A_15 : memref<4992x1024xf32, #tpu.memory_space<hbm>>) dst(%arg9 : memref<32x1024xf32, #tpu.memory_space<vmem>>)
    %dma_start3A_16 = arith.constant 0 : i32
    %dma_start3A_17 = tpu.memref_slice %arg5[%mul3A_2, %dma_start3A_16] : memref<2048x1024xf32, #tpu.memory_space<hbm>> -> memref<32x1024xf32, #tpu.memory_space<hbm>>
    %dma_start3A_18 = arith.constant 0 : i32
    %dma_start3A_19 = tpu.memref_slice %arg5[%mul3A_2, %dma_start3A_18] : memref<2048x1024xf32, #tpu.memory_space<hbm>> -> memref<32x1024xf32, #tpu.memory_space<hbm>>
    tpu.enqueue_dma source(%arg9 : memref<32x1024xf32, #tpu.memory_space<vmem>>) target(%dma_start3A_19 : memref<32x1024xf32, #tpu.memory_space<hbm>>) target_semaphore(%arg13 : memref<!tpu.dma_semaphore, #tpu.memory_space<semaphore_mem>>)
    %dma_wait3A_20 = arith.constant 32 : i32
    %dma_wait3A_21 = tpu.memref_slice %arg7[%dma_wait3A_20] : memref<64xi32, #tpu.memory_space<vmem>> -> memref<32xi32, #tpu.memory_space<vmem>>
    %dma_wait3A_22 = arith.constant 0 : i32
    %dma_wait3A_23 = arith.constant 0 : i32
    %dma_wait3A_24 = tpu.memref_slice %arg2[%dma_wait3A_22, %dma_wait3A_23] : memref<4992x1024xf32, #tpu.memory_space<hbm>> -> memref<4992x1024xf32, #tpu.memory_space<hbm>>
    tpu.wait_indirect_dma semaphore(%arg12 : memref<!tpu.dma_semaphore, #tpu.memory_space<semaphore_mem>>) src(%dma_wait3A_24 : memref<4992x1024xf32, #tpu.memory_space<hbm>>) dst(%arg10 : memref<32x1024xf32, #tpu.memory_space<vmem>>)
    %add3A_25 = arith.constant 32 : i32
    %add3A_26 = arith.addi %mul3A_2, %add3A_25 : i32
    %dma_start3A_27 = arith.constant 0 : i32
    %dma_start3A_28 = tpu.memref_slice %arg5[%add3A_26, %dma_start3A_27] : memref<2048x1024xf32, #tpu.memory_space<hbm>> -> memref<32x1024xf32, #tpu.memory_space<hbm>>
    %dma_start3A_29 = arith.constant 0 : i32
    %dma_start3A_30 = tpu.memref_slice %arg5[%add3A_26, %dma_start3A_29] : memref<2048x1024xf32, #tpu.memory_space<hbm>> -> memref<32x1024xf32, #tpu.memory_space<hbm>>
    tpu.enqueue_dma source(%arg10 : memref<32x1024xf32, #tpu.memory_space<vmem>>) target(%dma_start3A_30 : memref<32x1024xf32, #tpu.memory_space<hbm>>) target_semaphore(%arg14 : memref<!tpu.dma_semaphore, #tpu.memory_space<semaphore_mem>>)
    %dma_wait3A_31 = arith.constant 0 : i32
    %dma_wait3A_32 = tpu.memref_slice %arg5[%mul3A_2, %dma_wait3A_31] : memref<2048x1024xf32, #tpu.memory_space<hbm>> -> memref<32x1024xf32, #tpu.memory_space<hbm>>
    %dma_wait3A_33 = arith.constant 0 : i32
    %dma_wait3A_34 = tpu.memref_slice %arg5[%mul3A_2, %dma_wait3A_33] : memref<2048x1024xf32, #tpu.memory_space<hbm>> -> memref<32x1024xf32, #tpu.memory_space<hbm>>
    tpu.wait_dma2 semaphore(%arg13 : memref<!tpu.dma_semaphore, #tpu.memory_space<semaphore_mem>>) src(%arg9 : memref<32x1024xf32, #tpu.memory_space<vmem>>) dst(%dma_wait3A_34 : memref<32x1024xf32, #tpu.memory_space<hbm>>)
    %dma_start3A_35 = arith.constant 0 : i32
    %dma_start3A_36 = tpu.memref_slice %arg8[%dma_start3A_35] : memref<64xi32, #tpu.memory_space<vmem>> -> memref<32xi32, #tpu.memory_space<vmem>>
    %dma_start3A_37 = arith.constant 0 : i32
    %dma_start3A_38 = arith.constant 0 : i32
    %dma_start3A_39 = tpu.memref_slice %arg2[%dma_start3A_37, %dma_start3A_38] : memref<4992x1024xf32, #tpu.memory_space<hbm>> -> memref<4992x1024xf32, #tpu.memory_space<hbm>>
    tpu.enqueue_indirect_dma source(%dma_start3A_39 : memref<4992x1024xf32, #tpu.memory_space<hbm>>) target(%arg9 : memref<32x1024xf32, #tpu.memory_space<vmem>>) offsets(%dma_start3A_36 : memref<32xi32, #tpu.memory_space<vmem>>) semaphore(%arg11 : memref<!tpu.dma_semaphore, #tpu.memory_space<semaphore_mem>>)
    %dma_wait3A_40 = arith.constant 0 : i32
    %dma_wait3A_41 = tpu.memref_slice %arg5[%add3A_26, %dma_wait3A_40] : memref<2048x1024xf32, #tpu.memory_space<hbm>> -> memref<32x1024xf32, #tpu.memory_space<hbm>>
    %dma_wait3A_42 = arith.constant 0 : i32
    %dma_wait3A_43 = tpu.memref_slice %arg5[%add3A_26, %dma_wait3A_42] : memref<2048x1024xf32, #tpu.memory_space<hbm>> -> memref<32x1024xf32, #tpu.memory_space<hbm>>
    tpu.wait_dma2 semaphore(%arg14 : memref<!tpu.dma_semaphore, #tpu.memory_space<semaphore_mem>>) src(%arg10 : memref<32x1024xf32, #tpu.memory_space<vmem>>) dst(%dma_wait3A_43 : memref<32x1024xf32, #tpu.memory_space<hbm>>)
    %dma_start3A_44 = arith.constant 32 : i32
    %dma_start3A_45 = tpu.memref_slice %arg8[%dma_start3A_44] : memref<64xi32, #tpu.memory_space<vmem>> -> memref<32xi32, #tpu.memory_space<vmem>>
    %dma_start3A_46 = arith.constant 0 : i32
    %dma_start3A_47 = arith.constant 0 : i32
    %dma_start3A_48 = tpu.memref_slice %arg2[%dma_start3A_46, %dma_start3A_47] : memref<4992x1024xf32, #tpu.memory_space<hbm>> -> memref<4992x1024xf32, #tpu.memory_space<hbm>>
    tpu.enqueue_indirect_dma source(%dma_start3A_48 : memref<4992x1024xf32, #tpu.memory_space<hbm>>) target(%arg10 : memref<32x1024xf32, #tpu.memory_space<vmem>>) offsets(%dma_start3A_45 : memref<32xi32, #tpu.memory_space<vmem>>) semaphore(%arg12 : memref<!tpu.dma_semaphore, #tpu.memory_space<semaphore_mem>>)
    %dma_wait3A_49 = arith.constant 0 : i32
    %dma_wait3A_50 = tpu.memref_slice %arg8[%dma_wait3A_49] : memref<64xi32, #tpu.memory_space<vmem>> -> memref<32xi32, #tpu.memory_space<vmem>>
    %dma_wait3A_51 = arith.constant 0 : i32
    %dma_wait3A_52 = arith.constant 0 : i32
    %dma_wait3A_53 = tpu.memref_slice %arg2[%dma_wait3A_51, %dma_wait3A_52] : memref<4992x1024xf32, #tpu.memory_space<hbm>> -> memref<4992x1024xf32, #tpu.memory_space<hbm>>
    tpu.wait_indirect_dma semaphore(%arg11 : memref<!tpu.dma_semaphore, #tpu.memory_space<semaphore_mem>>) src(%dma_wait3A_53 : memref<4992x1024xf32, #tpu.memory_space<hbm>>) dst(%arg9 : memref<32x1024xf32, #tpu.memory_space<vmem>>)
    %dma_start3A_54 = arith.constant 0 : i32
    %dma_start3A_55 = tpu.memref_slice %arg6[%mul3A_2, %dma_start3A_54] : memref<2048x1024xf32, #tpu.memory_space<hbm>> -> memref<32x1024xf32, #tpu.memory_space<hbm>>
    %dma_start3A_56 = arith.constant 0 : i32
    %dma_start3A_57 = tpu.memref_slice %arg6[%mul3A_2, %dma_start3A_56] : memref<2048x1024xf32, #tpu.memory_space<hbm>> -> memref<32x1024xf32, #tpu.memory_space<hbm>>
    tpu.enqueue_dma source(%arg9 : memref<32x1024xf32, #tpu.memory_space<vmem>>) target(%dma_start3A_57 : memref<32x1024xf32, #tpu.memory_space<hbm>>) target_semaphore(%arg13 : memref<!tpu.dma_semaphore, #tpu.memory_space<semaphore_mem>>)
    %dma_wait3A_58 = arith.constant 32 : i32
    %dma_wait3A_59 = tpu.memref_slice %arg8[%dma_wait3A_58] : memref<64xi32, #tpu.memory_space<vmem>> -> memref<32xi32, #tpu.memory_space<vmem>>
    %dma_wait3A_60 = arith.constant 0 : i32
    %dma_wait3A_61 = arith.constant 0 : i32
    %dma_wait3A_62 = tpu.memref_slice %arg2[%dma_wait3A_60, %dma_wait3A_61] : memref<4992x1024xf32, #tpu.memory_space<hbm>> -> memref<4992x1024xf32, #tpu.memory_space<hbm>>
    tpu.wait_indirect_dma semaphore(%arg12 : memref<!tpu.dma_semaphore, #tpu.memory_space<semaphore_mem>>) src(%dma_wait3A_62 : memref<4992x1024xf32, #tpu.memory_space<hbm>>) dst(%arg10 : memref<32x1024xf32, #tpu.memory_space<vmem>>)
    %add3A_63 = arith.constant 32 : i32
    %add3A_64 = arith.addi %mul3A_2, %add3A_63 : i32
    %dma_start3A_65 = arith.constant 0 : i32
    %dma_start3A_66 = tpu.memref_slice %arg6[%add3A_64, %dma_start3A_65] : memref<2048x1024xf32, #tpu.memory_space<hbm>> -> memref<32x1024xf32, #tpu.memory_space<hbm>>
    %dma_start3A_67 = arith.constant 0 : i32
    %dma_start3A_68 = tpu.memref_slice %arg6[%add3A_64, %dma_start3A_67] : memref<2048x1024xf32, #tpu.memory_space<hbm>> -> memref<32x1024xf32, #tpu.memory_space<hbm>>
    tpu.enqueue_dma source(%arg10 : memref<32x1024xf32, #tpu.memory_space<vmem>>) target(%dma_start3A_68 : memref<32x1024xf32, #tpu.memory_space<hbm>>) target_semaphore(%arg14 : memref<!tpu.dma_semaphore, #tpu.memory_space<semaphore_mem>>)
    %dma_wait3A_69 = arith.constant 0 : i32
    %dma_wait3A_70 = tpu.memref_slice %arg6[%mul3A_2, %dma_wait3A_69] : memref<2048x1024xf32, #tpu.memory_space<hbm>> -> memref<32x1024xf32, #tpu.memory_space<hbm>>
    %dma_wait3A_71 = arith.constant 0 : i32
    %dma_wait3A_72 = tpu.memref_slice %arg6[%mul3A_2, %dma_wait3A_71] : memref<2048x1024xf32, #tpu.memory_space<hbm>> -> memref<32x1024xf32, #tpu.memory_space<hbm>>
    tpu.wait_dma2 semaphore(%arg13 : memref<!tpu.dma_semaphore, #tpu.memory_space<semaphore_mem>>) src(%arg9 : memref<32x1024xf32, #tpu.memory_space<vmem>>) dst(%dma_wait3A_72 : memref<32x1024xf32, #tpu.memory_space<hbm>>)
    %dma_wait3A_73 = arith.constant 0 : i32
    %dma_wait3A_74 = tpu.memref_slice %arg6[%add3A_64, %dma_wait3A_73] : memref<2048x1024xf32, #tpu.memory_space<hbm>> -> memref<32x1024xf32, #tpu.memory_space<hbm>>
    %dma_wait3A_75 = arith.constant 0 : i32
    %dma_wait3A_76 = tpu.memref_slice %arg6[%add3A_64, %dma_wait3A_75] : memref<2048x1024xf32, #tpu.memory_space<hbm>> -> memref<32x1024xf32, #tpu.memory_space<hbm>>
    tpu.wait_dma2 semaphore(%arg14 : memref<!tpu.dma_semaphore, #tpu.memory_space<semaphore_mem>>) src(%arg10 : memref<32x1024xf32, #tpu.memory_space<vmem>>) dst(%dma_wait3A_76 : memref<32x1024xf32, #tpu.memory_space<hbm>>)
    return
  }
}

#map = affine_map<(d0, d1) -> (0, 0)>
#map1 = affine_map<(d0, d1) -> (0)>
module attributes {stable_mosaic.version = 14 : i64} {
  func.func @dispatch(%arg0: i32, %arg1: i32, %arg2: memref<2048x1024xf32, #tpu.memory_space<hbm>>, %arg3: memref<2048xi32, #tpu.memory_space<hbm>>, %arg4: memref<2048xi32, #tpu.memory_space<hbm>>, %arg5: memref<4992x1024xf32, #tpu.memory_space<hbm>>, %arg6: memref<64xi32, #tpu.memory_space<vmem>>, %arg7: memref<64xi32, #tpu.memory_space<vmem>>, %arg8: memref<64x1024xf32, #tpu.memory_space<vmem>>, %arg9: memref<!tpu.dma_semaphore, #tpu.memory_space<semaphore_mem>>) attributes {dimension_semantics = [#tpu.dimension_semantics<core_parallel>, #tpu.dimension_semantics<subcore_parallel>], iteration_bounds = array<i64: 2, 16>, scalar_prefetch = 0 : i64, scratch_operands = 4 : i64, tpu.core_type = #tpu.core_type<sc_vector_subcore>, window_params = [{transform_indices = #map}, {transform_indices = #map1}, {transform_indices = #map1}, {transform_indices = #map}]} {
    %mul3A = arith.constant 2 : i32
    %mul3A_0 = arith.muli %arg1, %mul3A : i32
    %add3A = arith.addi %mul3A_0, %arg0 : i32
    %mul3A_1 = arith.constant 64 : i32
    %mul3A_2 = arith.muli %add3A, %mul3A_1 : i32
    "tpu.region"() ({
      %run_scoped3A = tpu.sem_alloc : memref<!tpu.dma_semaphore, #tpu.memory_space<semaphore_mem>>
      %dma_start3A_13 = tpu.memref_slice %arg3[%mul3A_2] : memref<2048xi32, #tpu.memory_space<hbm>> -> memref<64xi32, #tpu.memory_space<hbm>>
      %dma_start3A_14 = tpu.memref_slice %arg3[%mul3A_2] : memref<2048xi32, #tpu.memory_space<hbm>> -> memref<64xi32, #tpu.memory_space<hbm>>
      tpu.enqueue_dma source(%dma_start3A_14 : memref<64xi32, #tpu.memory_space<hbm>>) target(%arg6 : memref<64xi32, #tpu.memory_space<vmem>>) target_semaphore(%run_scoped3A : memref<!tpu.dma_semaphore, #tpu.memory_space<semaphore_mem>>)
      %dma_wait3A_15 = tpu.memref_slice %arg3[%mul3A_2] : memref<2048xi32, #tpu.memory_space<hbm>> -> memref<64xi32, #tpu.memory_space<hbm>>
      %dma_wait3A_16 = tpu.memref_slice %arg3[%mul3A_2] : memref<2048xi32, #tpu.memory_space<hbm>> -> memref<64xi32, #tpu.memory_space<hbm>>
      tpu.wait_dma2 semaphore(%run_scoped3A : memref<!tpu.dma_semaphore, #tpu.memory_space<semaphore_mem>>) src(%dma_wait3A_16 : memref<64xi32, #tpu.memory_space<hbm>>) dst(%arg6 : memref<64xi32, #tpu.memory_space<vmem>>)
      tpu.yield
    }) : () -> ()
    "tpu.region"() ({
      %run_scoped3A = tpu.sem_alloc : memref<!tpu.dma_semaphore, #tpu.memory_space<semaphore_mem>>
      %dma_start3A_13 = tpu.memref_slice %arg4[%mul3A_2] : memref<2048xi32, #tpu.memory_space<hbm>> -> memref<64xi32, #tpu.memory_space<hbm>>
      %dma_start3A_14 = tpu.memref_slice %arg4[%mul3A_2] : memref<2048xi32, #tpu.memory_space<hbm>> -> memref<64xi32, #tpu.memory_space<hbm>>
      tpu.enqueue_dma source(%dma_start3A_14 : memref<64xi32, #tpu.memory_space<hbm>>) target(%arg7 : memref<64xi32, #tpu.memory_space<vmem>>) target_semaphore(%run_scoped3A : memref<!tpu.dma_semaphore, #tpu.memory_space<semaphore_mem>>)
      %dma_wait3A_15 = tpu.memref_slice %arg4[%mul3A_2] : memref<2048xi32, #tpu.memory_space<hbm>> -> memref<64xi32, #tpu.memory_space<hbm>>
      %dma_wait3A_16 = tpu.memref_slice %arg4[%mul3A_2] : memref<2048xi32, #tpu.memory_space<hbm>> -> memref<64xi32, #tpu.memory_space<hbm>>
      tpu.wait_dma2 semaphore(%run_scoped3A : memref<!tpu.dma_semaphore, #tpu.memory_space<semaphore_mem>>) src(%dma_wait3A_16 : memref<64xi32, #tpu.memory_space<hbm>>) dst(%arg7 : memref<64xi32, #tpu.memory_space<vmem>>)
      tpu.yield
    }) : () -> ()
    "tpu.region"() ({
      %run_scoped3A = tpu.sem_alloc : memref<!tpu.dma_semaphore, #tpu.memory_space<semaphore_mem>>
      %dma_start3A_13 = arith.constant 0 : i32
      %dma_start3A_14 = tpu.memref_slice %arg2[%mul3A_2, %dma_start3A_13] : memref<2048x1024xf32, #tpu.memory_space<hbm>> -> memref<64x1024xf32, #tpu.memory_space<hbm>>
      %dma_start3A_15 = arith.constant 0 : i32
      %dma_start3A_16 = tpu.memref_slice %arg2[%mul3A_2, %dma_start3A_15] : memref<2048x1024xf32, #tpu.memory_space<hbm>> -> memref<64x1024xf32, #tpu.memory_space<hbm>>
      tpu.enqueue_dma source(%dma_start3A_16 : memref<64x1024xf32, #tpu.memory_space<hbm>>) target(%arg8 : memref<64x1024xf32, #tpu.memory_space<vmem>>) target_semaphore(%run_scoped3A : memref<!tpu.dma_semaphore, #tpu.memory_space<semaphore_mem>>)
      %dma_wait3A_17 = arith.constant 0 : i32
      %dma_wait3A_18 = tpu.memref_slice %arg2[%mul3A_2, %dma_wait3A_17] : memref<2048x1024xf32, #tpu.memory_space<hbm>> -> memref<64x1024xf32, #tpu.memory_space<hbm>>
      %dma_wait3A_19 = arith.constant 0 : i32
      %dma_wait3A_20 = tpu.memref_slice %arg2[%mul3A_2, %dma_wait3A_19] : memref<2048x1024xf32, #tpu.memory_space<hbm>> -> memref<64x1024xf32, #tpu.memory_space<hbm>>
      tpu.wait_dma2 semaphore(%run_scoped3A : memref<!tpu.dma_semaphore, #tpu.memory_space<semaphore_mem>>) src(%dma_wait3A_20 : memref<64x1024xf32, #tpu.memory_space<hbm>>) dst(%arg8 : memref<64x1024xf32, #tpu.memory_space<vmem>>)
      tpu.yield
    }) : () -> ()
    %dma_start3A = arith.constant 0 : i32
    %dma_start3A_3 = arith.constant 0 : i32
    %dma_start3A_4 = tpu.memref_slice %arg5[%dma_start3A, %dma_start3A_3] : memref<4992x1024xf32, #tpu.memory_space<hbm>> -> memref<4992x1024xf32, #tpu.memory_space<hbm>>
    tpu.enqueue_indirect_dma source(%arg8 : memref<64x1024xf32, #tpu.memory_space<vmem>>) target(%dma_start3A_4 : memref<4992x1024xf32, #tpu.memory_space<hbm>>) offsets(%arg6 : memref<64xi32, #tpu.memory_space<vmem>>) semaphore(%arg9 : memref<!tpu.dma_semaphore, #tpu.memory_space<semaphore_mem>>)
    %dma_start3A_5 = arith.constant 0 : i32
    %dma_start3A_6 = arith.constant 0 : i32
    %dma_start3A_7 = tpu.memref_slice %arg5[%dma_start3A_5, %dma_start3A_6] : memref<4992x1024xf32, #tpu.memory_space<hbm>> -> memref<4992x1024xf32, #tpu.memory_space<hbm>>
    tpu.enqueue_indirect_dma source(%arg8 : memref<64x1024xf32, #tpu.memory_space<vmem>>) target(%dma_start3A_7 : memref<4992x1024xf32, #tpu.memory_space<hbm>>) offsets(%arg7 : memref<64xi32, #tpu.memory_space<vmem>>) semaphore(%arg9 : memref<!tpu.dma_semaphore, #tpu.memory_space<semaphore_mem>>)
    %dma_wait3A = arith.constant 0 : i32
    %dma_wait3A_8 = arith.constant 0 : i32
    %dma_wait3A_9 = tpu.memref_slice %arg5[%dma_wait3A, %dma_wait3A_8] : memref<4992x1024xf32, #tpu.memory_space<hbm>> -> memref<4992x1024xf32, #tpu.memory_space<hbm>>
    tpu.wait_indirect_dma semaphore(%arg9 : memref<!tpu.dma_semaphore, #tpu.memory_space<semaphore_mem>>) src(%arg8 : memref<64x1024xf32, #tpu.memory_space<vmem>>) dst(%dma_wait3A_9 : memref<4992x1024xf32, #tpu.memory_space<hbm>>)
    %dma_wait3A_10 = arith.constant 0 : i32
    %dma_wait3A_11 = arith.constant 0 : i32
    %dma_wait3A_12 = tpu.memref_slice %arg5[%dma_wait3A_10, %dma_wait3A_11] : memref<4992x1024xf32, #tpu.memory_space<hbm>> -> memref<4992x1024xf32, #tpu.memory_space<hbm>>
    tpu.wait_indirect_dma semaphore(%arg9 : memref<!tpu.dma_semaphore, #tpu.memory_space<semaphore_mem>>) src(%arg8 : memref<64x1024xf32, #tpu.memory_space<vmem>>) dst(%dma_wait3A_12 : memref<4992x1024xf32, #tpu.memory_space<hbm>>)
    return
  }
}

module attributes {stable_mosaic.version = 14 : i64} {
  func.func @_router_body(%arg0: memref<2048x1024xf32, #tpu.memory_space<vmem>>, %arg1: memref<1024x8xf32, #tpu.memory_space<vmem>>, %arg2: memref<2048xi32, #tpu.memory_space<vmem>>, %arg3: memref<2048xi32, #tpu.memory_space<vmem>>, %arg4: memref<2048xf32, #tpu.memory_space<vmem>>, %arg5: memref<2048xf32, #tpu.memory_space<vmem>>, %arg6: memref<8x1xi32, #tpu.memory_space<vmem>>, %arg7: memref<8x1xi32, #tpu.memory_space<vmem>>) attributes {dimension_semantics = [], scalar_prefetch = 0 : i64, scratch_operands = 0 : i64, tpu.core_type = #tpu.core_type<tc>} {
    %get3A = arith.constant 0 : index
    %get3A_0 = arith.constant 0 : index
    %get3A_1 = vector.load %arg0[%get3A, %get3A_0] : memref<2048x1024xf32, #tpu.memory_space<vmem>>, vector<2048x1024xf32>
    %get3A_2 = arith.constant 0 : index
    %get3A_3 = arith.constant 0 : index
    %get3A_4 = vector.load %arg1[%get3A_2, %get3A_3] : memref<1024x8xf32, #tpu.memory_space<vmem>>, vector<1024x8xf32>
    %dot_general3A = arith.constant dense<0.000000e+00> : vector<8x2048xf32>
    %dot_general3A_5 = tpu.matmul %get3A_4, %get3A_1, %dot_general3A {dimension_numbers = #tpu.dot_dimension_numbers<[0], [1], [1], [0], [0, 1, 1, 0], [], []>, transpose_lhs_hint = false} : vector<1024x8xf32>, vector<2048x1024xf32>, vector<8x2048xf32> -> vector<8x2048xf32>
    %reduce_max3A = arith.constant dense<0xFF800000> : vector<2048xf32>
    %reduce_max3A_6 = vector.multi_reduction <maximumf>, %dot_general3A_5, %reduce_max3A [0] : vector<8x2048xf32> to vector<2048xf32>
    %broadcast_in_dim3A = vector.shape_cast %reduce_max3A_6 : vector<2048xf32> to vector<1x2048xf32>
    %eq3A = vector.broadcast %broadcast_in_dim3A : vector<1x2048xf32> to vector<8x2048xf32>
    %eq3A_7 = arith.cmpf oeq, %dot_general3A_5, %eq3A : vector<8x2048xf32>
    %jit3A = arith.constant -1.000000e+30 : f32
    %broadcast_in_dim3A_8 = vector.broadcast %jit3A : f32 to vector<8x2048xf32>
    %select_n3A = arith.select %eq3A_7, %broadcast_in_dim3A_8, %dot_general3A_5 : vector<8x2048xi1>, vector<8x2048xf32>
    %reduce_max3A_9 = arith.constant dense<0xFF800000> : vector<2048xf32>
    %reduce_max3A_10 = vector.multi_reduction <maximumf>, %select_n3A, %reduce_max3A_9 [0] : vector<8x2048xf32> to vector<2048xf32>
    %broadcast_in_dim3A_11 = vector.shape_cast %reduce_max3A_10 : vector<2048xf32> to vector<1x2048xf32>
    %eq3A_12 = vector.broadcast %broadcast_in_dim3A_11 : vector<1x2048xf32> to vector<8x2048xf32>
    %eq3A_13 = arith.cmpf oeq, %select_n3A, %eq3A_12 : vector<8x2048xf32>
    %sub3A = arith.subf %broadcast_in_dim3A_11, %broadcast_in_dim3A : vector<1x2048xf32>
    %exp3A = math.exp %sub3A : vector<1x2048xf32>
    %add3A = arith.constant 1.000000e+00 : f32
    %add3A_14 = vector.broadcast %add3A : f32 to vector<1x2048xf32>
    %add3A_15 = arith.addf %add3A_14, %exp3A : vector<1x2048xf32>
    %div3A = arith.constant 1.000000e+00 : f32
    %div3A_16 = vector.broadcast %div3A : f32 to vector<1x2048xf32>
    %div3A_17 = arith.divf %div3A_16, %add3A_15 : vector<1x2048xf32>
    %reshape3A = vector.shape_cast %div3A_17 : vector<1x2048xf32> to vector<2048xf32>
    %swap3A = arith.constant 0 : index
    %swap3A_18 = vector.load %arg4[%swap3A] : memref<2048xf32, #tpu.memory_space<vmem>>, vector<2048xf32>
    tpu.vector_store %arg4[%swap3A], %reshape3A {strides = array<i32>} : memref<2048xf32, #tpu.memory_space<vmem>>, vector<2048xf32>,
    %sub3A_19 = arith.constant 1.000000e+00 : f32
    %sub3A_20 = vector.broadcast %sub3A_19 : f32 to vector<1x2048xf32>
    %sub3A_21 = arith.subf %sub3A_20, %div3A_17 : vector<1x2048xf32>
    %reshape3A_22 = vector.shape_cast %sub3A_21 : vector<1x2048xf32> to vector<2048xf32>
    %swap3A_23 = arith.constant 0 : index
    %swap3A_24 = vector.load %arg5[%swap3A_23] : memref<2048xf32, #tpu.memory_space<vmem>>, vector<2048xf32>
    tpu.vector_store %arg5[%swap3A_23], %reshape3A_22 {strides = array<i32>} : memref<2048xf32, #tpu.memory_space<vmem>>, vector<2048xf32>,
    %or3A = arith.ori %eq3A_7, %eq3A_13 : vector<8x2048xi1>
    %jit3A_25 = arith.constant 1.000000e+00 : f32
    %jit3A_26 = arith.constant 0.000000e+00 : f32
    %broadcast_in_dim3A_27 = vector.broadcast %jit3A_25 : f32 to vector<8x2048xf32>
    %broadcast_in_dim3A_28 = vector.broadcast %jit3A_26 : f32 to vector<8x2048xf32>
    %select_n3A_29 = arith.select %or3A, %broadcast_in_dim3A_27, %broadcast_in_dim3A_28 : vector<8x2048xi1>, vector<8x2048xf32>
    %broadcast_in_dim3A_30 = arith.constant 0.000000e+00 : f32
    %broadcast_in_dim3A_31 = vector.broadcast %broadcast_in_dim3A_30 : f32 to vector<8x2048xf32>
    %slice3A = vector.extract_strided_slice %broadcast_in_dim3A_31 {offsets = [0, 0], sizes = [8, 1], strides = [1, 1]} : vector<8x2048xf32> to vector<8x1xf32>
    %slice3A_32 = vector.extract_strided_slice %select_n3A_29 {offsets = [0, 0], sizes = [8, 2047], strides = [1, 1]} : vector<8x2048xf32> to vector<8x2047xf32>
    %concatenate3A = tpu.concatenate %slice3A, %slice3A_32 in 1 : vector<8x1xf32>, vector<8x2047xf32> -> vector<8x2048xf32>
    %add3A_33 = arith.addf %select_n3A_29, %concatenate3A : vector<8x2048xf32>
    %slice3A_34 = vector.extract_strided_slice %broadcast_in_dim3A_31 {offsets = [0, 0], sizes = [8, 2], strides = [1, 1]} : vector<8x2048xf32> to vector<8x2xf32>
    %slice3A_35 = vector.extract_strided_slice %add3A_33 {offsets = [0, 0], sizes = [8, 2046], strides = [1, 1]} : vector<8x2048xf32> to vector<8x2046xf32>
    %concatenate3A_36 = tpu.concatenate %slice3A_34, %slice3A_35 in 1 : vector<8x2xf32>, vector<8x2046xf32> -> vector<8x2048xf32>
    %add3A_37 = arith.addf %add3A_33, %concatenate3A_36 : vector<8x2048xf32>
    %slice3A_38 = vector.extract_strided_slice %broadcast_in_dim3A_31 {offsets = [0, 0], sizes = [8, 4], strides = [1, 1]} : vector<8x2048xf32> to vector<8x4xf32>
    %slice3A_39 = vector.extract_strided_slice %add3A_37 {offsets = [0, 0], sizes = [8, 2044], strides = [1, 1]} : vector<8x2048xf32> to vector<8x2044xf32>
    %concatenate3A_40 = tpu.concatenate %slice3A_38, %slice3A_39 in 1 : vector<8x4xf32>, vector<8x2044xf32> -> vector<8x2048xf32>
    %add3A_41 = arith.addf %add3A_37, %concatenate3A_40 : vector<8x2048xf32>
    %slice3A_42 = vector.extract_strided_slice %broadcast_in_dim3A_31 {offsets = [0, 0], sizes = [8, 8], strides = [1, 1]} : vector<8x2048xf32> to vector<8x8xf32>
    %slice3A_43 = vector.extract_strided_slice %add3A_41 {offsets = [0, 0], sizes = [8, 2040], strides = [1, 1]} : vector<8x2048xf32> to vector<8x2040xf32>
    %concatenate3A_44 = tpu.concatenate %slice3A_42, %slice3A_43 in 1 : vector<8x8xf32>, vector<8x2040xf32> -> vector<8x2048xf32>
    %add3A_45 = arith.addf %add3A_41, %concatenate3A_44 : vector<8x2048xf32>
    %slice3A_46 = vector.extract_strided_slice %broadcast_in_dim3A_31 {offsets = [0, 0], sizes = [8, 16], strides = [1, 1]} : vector<8x2048xf32> to vector<8x16xf32>
    %slice3A_47 = vector.extract_strided_slice %add3A_45 {offsets = [0, 0], sizes = [8, 2032], strides = [1, 1]} : vector<8x2048xf32> to vector<8x2032xf32>
    %concatenate3A_48 = tpu.concatenate %slice3A_46, %slice3A_47 in 1 : vector<8x16xf32>, vector<8x2032xf32> -> vector<8x2048xf32>
    %add3A_49 = arith.addf %add3A_45, %concatenate3A_48 : vector<8x2048xf32>
    %slice3A_50 = vector.extract_strided_slice %broadcast_in_dim3A_31 {offsets = [0, 0], sizes = [8, 32], strides = [1, 1]} : vector<8x2048xf32> to vector<8x32xf32>
    %slice3A_51 = vector.extract_strided_slice %add3A_49 {offsets = [0, 0], sizes = [8, 2016], strides = [1, 1]} : vector<8x2048xf32> to vector<8x2016xf32>
    %concatenate3A_52 = tpu.concatenate %slice3A_50, %slice3A_51 in 1 : vector<8x32xf32>, vector<8x2016xf32> -> vector<8x2048xf32>
    %add3A_53 = arith.addf %add3A_49, %concatenate3A_52 : vector<8x2048xf32>
    %slice3A_54 = vector.extract_strided_slice %broadcast_in_dim3A_31 {offsets = [0, 0], sizes = [8, 64], strides = [1, 1]} : vector<8x2048xf32> to vector<8x64xf32>
    %slice3A_55 = vector.extract_strided_slice %add3A_53 {offsets = [0, 0], sizes = [8, 1984], strides = [1, 1]} : vector<8x2048xf32> to vector<8x1984xf32>
    %concatenate3A_56 = tpu.concatenate %slice3A_54, %slice3A_55 in 1 : vector<8x64xf32>, vector<8x1984xf32> -> vector<8x2048xf32>
    %add3A_57 = arith.addf %add3A_53, %concatenate3A_56 : vector<8x2048xf32>
    %slice3A_58 = vector.extract_strided_slice %broadcast_in_dim3A_31 {offsets = [0, 0], sizes = [8, 128], strides = [1, 1]} : vector<8x2048xf32> to vector<8x128xf32>
    %slice3A_59 = vector.extract_strided_slice %add3A_57 {offsets = [0, 0], sizes = [8, 1920], strides = [1, 1]} : vector<8x2048xf32> to vector<8x1920xf32>
    %concatenate3A_60 = tpu.concatenate %slice3A_58, %slice3A_59 in 1 : vector<8x128xf32>, vector<8x1920xf32> -> vector<8x2048xf32>
    %add3A_61 = arith.addf %add3A_57, %concatenate3A_60 : vector<8x2048xf32>
    %slice3A_62 = vector.extract_strided_slice %broadcast_in_dim3A_31 {offsets = [0, 0], sizes = [8, 256], strides = [1, 1]} : vector<8x2048xf32> to vector<8x256xf32>
    %slice3A_63 = vector.extract_strided_slice %add3A_61 {offsets = [0, 0], sizes = [8, 1792], strides = [1, 1]} : vector<8x2048xf32> to vector<8x1792xf32>
    %concatenate3A_64 = tpu.concatenate %slice3A_62, %slice3A_63 in 1 : vector<8x256xf32>, vector<8x1792xf32> -> vector<8x2048xf32>
    %add3A_65 = arith.addf %add3A_61, %concatenate3A_64 : vector<8x2048xf32>
    %slice3A_66 = vector.extract_strided_slice %broadcast_in_dim3A_31 {offsets = [0, 0], sizes = [8, 512], strides = [1, 1]} : vector<8x2048xf32> to vector<8x512xf32>
    %slice3A_67 = vector.extract_strided_slice %add3A_65 {offsets = [0, 0], sizes = [8, 1536], strides = [1, 1]} : vector<8x2048xf32> to vector<8x1536xf32>
    %concatenate3A_68 = tpu.concatenate %slice3A_66, %slice3A_67 in 1 : vector<8x512xf32>, vector<8x1536xf32> -> vector<8x2048xf32>
    %add3A_69 = arith.addf %add3A_65, %concatenate3A_68 : vector<8x2048xf32>
    %slice3A_70 = vector.extract_strided_slice %broadcast_in_dim3A_31 {offsets = [0, 0], sizes = [8, 1024], strides = [1, 1]} : vector<8x2048xf32> to vector<8x1024xf32>
    %slice3A_71 = vector.extract_strided_slice %add3A_69 {offsets = [0, 0], sizes = [8, 1024], strides = [1, 1]} : vector<8x2048xf32> to vector<8x1024xf32>
    %concatenate3A_72 = tpu.concatenate %slice3A_70, %slice3A_71 in 1 : vector<8x1024xf32>, vector<8x1024xf32> -> vector<8x2048xf32>
    %add3A_73 = arith.addf %add3A_69, %concatenate3A_72 : vector<8x2048xf32>
    %sub3A_74 = arith.subf %add3A_73, %select_n3A_29 : vector<8x2048xf32>
    %slice3A_75 = vector.extract_strided_slice %add3A_73 {offsets = [0, 2047], sizes = [8, 1], strides = [1, 1]} : vector<8x2048xf32> to vector<8x1xf32>
    %convert_element_type3A = arith.fptosi %slice3A_75 : vector<8x1xf32> to vector<8x1xi32>
    %add3A_76 = arith.constant 127 : i32
    %add3A_77 = vector.broadcast %add3A_76 : i32 to vector<8x1xi32>
    %add3A_78 = arith.addi %convert_element_type3A, %add3A_77 : vector<8x1xi32>
    %shift_right_arithmetic3A = arith.constant 7 : i32
    %shift_right_arithmetic3A_79 = vector.broadcast %shift_right_arithmetic3A : i32 to vector<8x1xi32>
    %shift_right_arithmetic3A_80 = arith.shrsi %add3A_78, %shift_right_arithmetic3A_79 : vector<8x1xi32>
    %shift_left3A = arith.constant 7 : i32
    %shift_left3A_81 = vector.broadcast %shift_left3A : i32 to vector<8x1xi32>
    %shift_left3A_82 = arith.shli %shift_right_arithmetic3A_80, %shift_left3A_81 : vector<8x1xi32>
    %convert_element_type3A_83 = arith.sitofp %shift_left3A_82 : vector<8x1xi32> to vector<8x1xf32>
    %broadcast_in_dim3A_84 = arith.constant 0.000000e+00 : f32
    %broadcast_in_dim3A_85 = vector.broadcast %broadcast_in_dim3A_84 : f32 to vector<8x1xf32>
    %slice3A_86 = vector.extract_strided_slice %broadcast_in_dim3A_85 {offsets = [0, 0], sizes = [1, 1], strides = [1, 1]} : vector<8x1xf32> to vector<1x1xf32>
    %mul3A = arith.constant 0.000000e+00 : f32
    %mul3A_87 = vector.broadcast %mul3A : f32 to vector<1x1xf32>
    %mul3A_88 = arith.mulf %slice3A_86, %mul3A_87 : vector<1x1xf32>
    %slice3A_89 = vector.extract_strided_slice %convert_element_type3A_83 {offsets = [0, 0], sizes = [7, 1], strides = [1, 1]} : vector<8x1xf32> to vector<7x1xf32>
    %concatenate3A_90 = tpu.concatenate %mul3A_88, %slice3A_89 in 0 : vector<1x1xf32>, vector<7x1xf32> -> vector<8x1xf32>
    %add3A_91 = arith.addf %convert_element_type3A_83, %concatenate3A_90 : vector<8x1xf32>
    %slice3A_92 = vector.extract_strided_slice %broadcast_in_dim3A_85 {offsets = [0, 0], sizes = [2, 1], strides = [1, 1]} : vector<8x1xf32> to vector<2x1xf32>
    %mul3A_93 = arith.constant 0.000000e+00 : f32
    %mul3A_94 = vector.broadcast %mul3A_93 : f32 to vector<2x1xf32>
    %mul3A_95 = arith.mulf %slice3A_92, %mul3A_94 : vector<2x1xf32>
    %slice3A_96 = vector.extract_strided_slice %add3A_91 {offsets = [0, 0], sizes = [6, 1], strides = [1, 1]} : vector<8x1xf32> to vector<6x1xf32>
    %concatenate3A_97 = tpu.concatenate %mul3A_95, %slice3A_96 in 0 : vector<2x1xf32>, vector<6x1xf32> -> vector<8x1xf32>
    %add3A_98 = arith.addf %add3A_91, %concatenate3A_97 : vector<8x1xf32>
    %slice3A_99 = vector.extract_strided_slice %broadcast_in_dim3A_85 {offsets = [0, 0], sizes = [4, 1], strides = [1, 1]} : vector<8x1xf32> to vector<4x1xf32>
    %mul3A_100 = arith.constant 0.000000e+00 : f32
    %mul3A_101 = vector.broadcast %mul3A_100 : f32 to vector<4x1xf32>
    %mul3A_102 = arith.mulf %slice3A_99, %mul3A_101 : vector<4x1xf32>
    %slice3A_103 = vector.extract_strided_slice %add3A_98 {offsets = [0, 0], sizes = [4, 1], strides = [1, 1]} : vector<8x1xf32> to vector<4x1xf32>
    %concatenate3A_104 = tpu.concatenate %mul3A_102, %slice3A_103 in 0 : vector<4x1xf32>, vector<4x1xf32> -> vector<8x1xf32>
    %add3A_105 = arith.addf %add3A_98, %concatenate3A_104 : vector<8x1xf32>
    %sub3A_106 = arith.subf %add3A_105, %convert_element_type3A_83 : vector<8x1xf32>
    %add3A_107 = vector.broadcast %sub3A_106 : vector<8x1xf32> to vector<8x2048xf32>
    %add3A_108 = arith.addf %add3A_107, %sub3A_74 : vector<8x2048xf32>
    %jit3A_109 = arith.constant 0.000000e+00 : f32
    %broadcast_in_dim3A_110 = vector.broadcast %jit3A_109 : f32 to vector<8x2048xf32>
    %select_n3A_111 = arith.select %eq3A_7, %add3A_108, %broadcast_in_dim3A_110 : vector<8x2048xi1>, vector<8x2048xf32>
    %reduce_sum3A = arith.constant dense<0.000000e+00> : vector<2048xf32>
    %reduce_sum3A_112 = vector.multi_reduction <add>, %select_n3A_111, %reduce_sum3A [0] : vector<8x2048xf32> to vector<2048xf32>
    %jit3A_113 = arith.constant 0.000000e+00 : f32
    %broadcast_in_dim3A_114 = vector.broadcast %jit3A_113 : f32 to vector<8x2048xf32>
    %select_n3A_115 = arith.select %eq3A_13, %add3A_108, %broadcast_in_dim3A_114 : vector<8x2048xi1>, vector<8x2048xf32>
    %reduce_sum3A_116 = arith.constant dense<0.000000e+00> : vector<2048xf32>
    %reduce_sum3A_117 = vector.multi_reduction <add>, %select_n3A_115, %reduce_sum3A_116 [0] : vector<8x2048xf32> to vector<2048xf32>
    %convert_element_type3A_118 = arith.fptosi %reduce_sum3A_112 : vector<2048xf32> to vector<2048xi32>
    %swap3A_119 = arith.constant 0 : index
    %swap3A_120 = vector.load %arg2[%swap3A_119] : memref<2048xi32, #tpu.memory_space<vmem>>, vector<2048xi32>
    tpu.vector_store %arg2[%swap3A_119], %convert_element_type3A_118 {strides = array<i32>} : memref<2048xi32, #tpu.memory_space<vmem>>, vector<2048xi32>,
    %convert_element_type3A_121 = arith.fptosi %reduce_sum3A_117 : vector<2048xf32> to vector<2048xi32>
    %swap3A_122 = arith.constant 0 : index
    %swap3A_123 = vector.load %arg3[%swap3A_122] : memref<2048xi32, #tpu.memory_space<vmem>>, vector<2048xi32>
    tpu.vector_store %arg3[%swap3A_122], %convert_element_type3A_121 {strides = array<i32>} : memref<2048xi32, #tpu.memory_space<vmem>>, vector<2048xi32>,
    %mul3A_124 = arith.constant 7.812500e-03 : f32
    %mul3A_125 = vector.broadcast %mul3A_124 : f32 to vector<8x1xf32>
    %mul3A_126 = arith.mulf %sub3A_106, %mul3A_125 : vector<8x1xf32>
    %convert_element_type3A_127 = arith.fptosi %mul3A_126 : vector<8x1xf32> to vector<8x1xi32>
    %swap3A_128 = arith.constant 0 : index
    %swap3A_129 = arith.constant 0 : index
    %swap3A_130 = vector.load %arg6[%swap3A_128, %swap3A_129] : memref<8x1xi32, #tpu.memory_space<vmem>>, vector<8x1xi32>
    tpu.vector_store %arg6[%swap3A_128, %swap3A_129], %convert_element_type3A_127 {strides = array<i32>} : memref<8x1xi32, #tpu.memory_space<vmem>>, vector<8x1xi32>,
    %mul3A_131 = arith.constant 7.812500e-03 : f32
    %mul3A_132 = vector.broadcast %mul3A_131 : f32 to vector<8x1xf32>
    %mul3A_133 = arith.mulf %convert_element_type3A_83, %mul3A_132 : vector<8x1xf32>
    %convert_element_type3A_134 = arith.fptosi %mul3A_133 : vector<8x1xf32> to vector<8x1xi32>
    %swap3A_135 = arith.constant 0 : index
    %swap3A_136 = arith.constant 0 : index
    %swap3A_137 = vector.load %arg7[%swap3A_135, %swap3A_136] : memref<8x1xi32, #tpu.memory_space<vmem>>, vector<8x1xi32>
    tpu.vector_store %arg7[%swap3A_135, %swap3A_136], %convert_element_type3A_134 {strides = array<i32>} : memref<8x1xi32, #tpu.memory_space<vmem>>, vector<8x1xi32>,
    return
  }
}

module attributes {stable_mosaic.version = 14 : i64} {
  func.func @_combine_body(%arg0: i32, %arg1: memref<128x1024xf32, #tpu.memory_space<vmem>>, %arg2: memref<128x1024xf32, #tpu.memory_space<vmem>>, %arg3: memref<128xf32, #tpu.memory_space<vmem>>, %arg4: memref<128xf32, #tpu.memory_space<vmem>>, %arg5: memref<128x1024xf32, #tpu.memory_space<vmem>>) attributes {dimension_semantics = [#tpu.dimension_semantics<arbitrary>], iteration_bounds = array<i64: 16>, scalar_prefetch = 0 : i64, scratch_operands = 0 : i64, tpu.core_type = #tpu.core_type<tc>, window_params = [{transform_indices = @transform_0, window_bounds = array<i64: 128, 1024>}, {transform_indices = @transform_1, window_bounds = array<i64: 128, 1024>}, {transform_indices = @transform_2, window_bounds = array<i64: 128>}, {transform_indices = @transform_3, window_bounds = array<i64: 128>}, {transform_indices = @transform_4, window_bounds = array<i64: 128, 1024>}]} {
    %get3A = arith.constant 0 : index
    %get3A_0 = vector.load %arg3[%get3A] : memref<128xf32, #tpu.memory_space<vmem>>, vector<128xf32>
    %reshape3A = vector.shape_cast %get3A_0 : vector<128xf32> to vector<128x1xf32>
    %get3A_1 = arith.constant 0 : index
    %get3A_2 = vector.load %arg4[%get3A_1] : memref<128xf32, #tpu.memory_space<vmem>>, vector<128xf32>
    %reshape3A_3 = vector.shape_cast %get3A_2 : vector<128xf32> to vector<128x1xf32>
    %get3A_4 = arith.constant 0 : index
    %get3A_5 = arith.constant 0 : index
    %get3A_6 = vector.load %arg1[%get3A_4, %get3A_5] : memref<128x1024xf32, #tpu.memory_space<vmem>>, vector<128x1024xf32>
    %mul3A = vector.broadcast %reshape3A : vector<128x1xf32> to vector<128x1024xf32>
    %mul3A_7 = arith.mulf %get3A_6, %mul3A : vector<128x1024xf32>
    %get3A_8 = arith.constant 0 : index
    %get3A_9 = arith.constant 0 : index
    %get3A_10 = vector.load %arg2[%get3A_8, %get3A_9] : memref<128x1024xf32, #tpu.memory_space<vmem>>, vector<128x1024xf32>
    %mul3A_11 = vector.broadcast %reshape3A_3 : vector<128x1xf32> to vector<128x1024xf32>
    %mul3A_12 = arith.mulf %get3A_10, %mul3A_11 : vector<128x1024xf32>
    %add3A = arith.addf %mul3A_7, %mul3A_12 : vector<128x1024xf32>
    %swap3A = arith.constant 0 : index
    %swap3A_13 = arith.constant 0 : index
    %swap3A_14 = vector.load %arg5[%swap3A, %swap3A_13] : memref<128x1024xf32, #tpu.memory_space<vmem>>, vector<128x1024xf32>
    tpu.vector_store %arg5[%swap3A, %swap3A_13], %add3A {strides = array<i32>} : memref<128x1024xf32, #tpu.memory_space<vmem>>, vector<128x1024xf32>,
    return
  }
  func.func @transform_0(%arg0: i32) -> (i32, i32) {
    %c0_i32 = arith.constant 0 : i32
    %c0_i32_0 = arith.constant 0 : i32
    return %arg0, %c0_i32 : i32, i32
  }
  func.func @transform_1(%arg0: i32) -> (i32, i32) {
    %c0_i32 = arith.constant 0 : i32
    %c0_i32_0 = arith.constant 0 : i32
    return %arg0, %c0_i32 : i32, i32
  }
  func.func @transform_2(%arg0: i32) -> i32 {
    %c0_i32 = arith.constant 0 : i32
    return %arg0 : i32
  }
  func.func @transform_3(%arg0: i32) -> i32 {
    %c0_i32 = arith.constant 0 : i32
    return %arg0 : i32
  }
  func.func @transform_4(%arg0: i32) -> (i32, i32) {
    %c0_i32 = arith.constant 0 : i32
    %c0_i32_0 = arith.constant 0 : i32
    return %arg0, %c0_i32 : i32, i32
  }
}

module attributes {stable_mosaic.version = 14 : i64} {
  func.func @_gemm_body(%arg0: memref<8x1xi32, #tpu.memory_space<smem>>, %arg1: memref<8x1xi32, #tpu.memory_space<smem>>, %arg2: memref<4992x1024xf32, #tpu.memory_space<hbm>>, %arg3: memref<8x1024x768xf32, #tpu.memory_space<hbm>>, %arg4: memref<8x1024x768xf32, #tpu.memory_space<hbm>>, %arg5: memref<8x768x1024xf32, #tpu.memory_space<hbm>>, %arg6: memref<4992x1024xf32, #tpu.memory_space<hbm>>, %arg7: memref<2x1024x768xf32, #tpu.memory_space<vmem>>, %arg8: memref<2x1024x768xf32, #tpu.memory_space<vmem>>, %arg9: memref<2x768x1024xf32, #tpu.memory_space<vmem>>, %arg10: memref<2x128x1024xf32, #tpu.memory_space<vmem>>, %arg11: memref<2x128x1024xf32, #tpu.memory_space<vmem>>, %arg12: memref<2x!tpu.dma_semaphore, #tpu.memory_space<semaphore_mem>>, %arg13: memref<2x!tpu.dma_semaphore, #tpu.memory_space<semaphore_mem>>, %arg14: memref<2x!tpu.dma_semaphore, #tpu.memory_space<semaphore_mem>>) attributes {dimension_semantics = [], scalar_prefetch = 0 : i64, scratch_operands = 8 : i64, tpu.core_type = #tpu.core_type<tc>} {
    %get3A = arith.constant 7 : index
    %get3A_0 = arith.constant 0 : index
    %get3A_1 = memref.load %arg0[%get3A, %get3A_0] : memref<8x1xi32, #tpu.memory_space<smem>>
    %get3A_2 = arith.constant 7 : index
    %get3A_3 = arith.constant 0 : index
    %get3A_4 = memref.load %arg1[%get3A_2, %get3A_3] : memref<8x1xi32, #tpu.memory_space<smem>>
    %add3A = arith.addi %get3A_1, %get3A_4 : i32
    %dma_start3A = arith.constant 0 : i32
    %dma_start3A_5 = arith.constant 0 : i32
    %dma_start3A_6 = arith.constant 0 : i32
    %dma_start3A_7 = tpu.memref_slice %arg12[%dma_start3A_6] : memref<2x!tpu.dma_semaphore, #tpu.memory_space<semaphore_mem>> -> memref<1x!tpu.dma_semaphore, #tpu.memory_space<semaphore_mem>>
    %dma_start3A_8 = tpu.memref_squeeze %dma_start3A_7 : memref<1x!tpu.dma_semaphore, #tpu.memory_space<semaphore_mem>> -> memref<!tpu.dma_semaphore, #tpu.memory_space<semaphore_mem>>
    %dma_start3A_9 = arith.constant 0 : i32
    %dma_start3A_10 = arith.constant 0 : i32
    %dma_start3A_11 = tpu.memref_slice %arg7[%dma_start3A_5, %dma_start3A_9, %dma_start3A_10] : memref<2x1024x768xf32, #tpu.memory_space<vmem>> -> memref<1x1024x768xf32, #tpu.memory_space<vmem>>
    %dma_start3A_12 = tpu.memref_squeeze %dma_start3A_11 : memref<1x1024x768xf32, #tpu.memory_space<vmem>> -> memref<1024x768xf32, #tpu.memory_space<vmem>>
    %dma_start3A_13 = arith.constant 0 : i32
    %dma_start3A_14 = arith.constant 0 : i32
    %dma_start3A_15 = tpu.memref_slice %arg3[%dma_start3A, %dma_start3A_13, %dma_start3A_14] : memref<8x1024x768xf32, #tpu.memory_space<hbm>> -> memref<1x1024x768xf32, #tpu.memory_space<hbm>>
    %dma_start3A_16 = tpu.memref_squeeze %dma_start3A_15 : memref<1x1024x768xf32, #tpu.memory_space<hbm>> -> memref<1024x768xf32, #tpu.memory_space<hbm>>
    tpu.enqueue_dma source(%dma_start3A_16 : memref<1024x768xf32, #tpu.memory_space<hbm>>) target(%dma_start3A_12 : memref<1024x768xf32, #tpu.memory_space<vmem>>) target_semaphore(%dma_start3A_8 : memref<!tpu.dma_semaphore, #tpu.memory_space<semaphore_mem>>)
    %dma_start3A_17 = arith.constant 0 : i32
    %dma_start3A_18 = arith.constant 0 : i32
    %dma_start3A_19 = arith.constant 0 : i32
    %dma_start3A_20 = tpu.memref_slice %arg12[%dma_start3A_19] : memref<2x!tpu.dma_semaphore, #tpu.memory_space<semaphore_mem>> -> memref<1x!tpu.dma_semaphore, #tpu.memory_space<semaphore_mem>>
    %dma_start3A_21 = tpu.memref_squeeze %dma_start3A_20 : memref<1x!tpu.dma_semaphore, #tpu.memory_space<semaphore_mem>> -> memref<!tpu.dma_semaphore, #tpu.memory_space<semaphore_mem>>
    %dma_start3A_22 = arith.constant 0 : i32
    %dma_start3A_23 = arith.constant 0 : i32
    %dma_start3A_24 = tpu.memref_slice %arg8[%dma_start3A_18, %dma_start3A_22, %dma_start3A_23] : memref<2x1024x768xf32, #tpu.memory_space<vmem>> -> memref<1x1024x768xf32, #tpu.memory_space<vmem>>
    %dma_start3A_25 = tpu.memref_squeeze %dma_start3A_24 : memref<1x1024x768xf32, #tpu.memory_space<vmem>> -> memref<1024x768xf32, #tpu.memory_space<vmem>>
    %dma_start3A_26 = arith.constant 0 : i32
    %dma_start3A_27 = arith.constant 0 : i32
    %dma_start3A_28 = tpu.memref_slice %arg4[%dma_start3A_17, %dma_start3A_26, %dma_start3A_27] : memref<8x1024x768xf32, #tpu.memory_space<hbm>> -> memref<1x1024x768xf32, #tpu.memory_space<hbm>>
    %dma_start3A_29 = tpu.memref_squeeze %dma_start3A_28 : memref<1x1024x768xf32, #tpu.memory_space<hbm>> -> memref<1024x768xf32, #tpu.memory_space<hbm>>
    tpu.enqueue_dma source(%dma_start3A_29 : memref<1024x768xf32, #tpu.memory_space<hbm>>) target(%dma_start3A_25 : memref<1024x768xf32, #tpu.memory_space<vmem>>) target_semaphore(%dma_start3A_21 : memref<!tpu.dma_semaphore, #tpu.memory_space<semaphore_mem>>)
    %dma_start3A_30 = arith.constant 0 : i32
    %dma_start3A_31 = arith.constant 0 : i32
    %dma_start3A_32 = arith.constant 0 : i32
    %dma_start3A_33 = tpu.memref_slice %arg12[%dma_start3A_32] : memref<2x!tpu.dma_semaphore, #tpu.memory_space<semaphore_mem>> -> memref<1x!tpu.dma_semaphore, #tpu.memory_space<semaphore_mem>>
    %dma_start3A_34 = tpu.memref_squeeze %dma_start3A_33 : memref<1x!tpu.dma_semaphore, #tpu.memory_space<semaphore_mem>> -> memref<!tpu.dma_semaphore, #tpu.memory_space<semaphore_mem>>
    %dma_start3A_35 = arith.constant 0 : i32
    %dma_start3A_36 = arith.constant 0 : i32
    %dma_start3A_37 = tpu.memref_slice %arg9[%dma_start3A_31, %dma_start3A_35, %dma_start3A_36] : memref<2x768x1024xf32, #tpu.memory_space<vmem>> -> memref<1x768x1024xf32, #tpu.memory_space<vmem>>
    %dma_start3A_38 = tpu.memref_squeeze %dma_start3A_37 : memref<1x768x1024xf32, #tpu.memory_space<vmem>> -> memref<768x1024xf32, #tpu.memory_space<vmem>>
    %dma_start3A_39 = arith.constant 0 : i32
    %dma_start3A_40 = arith.constant 0 : i32
    %dma_start3A_41 = tpu.memref_slice %arg5[%dma_start3A_30, %dma_start3A_39, %dma_start3A_40] : memref<8x768x1024xf32, #tpu.memory_space<hbm>> -> memref<1x768x1024xf32, #tpu.memory_space<hbm>>
    %dma_start3A_42 = tpu.memref_squeeze %dma_start3A_41 : memref<1x768x1024xf32, #tpu.memory_space<hbm>> -> memref<768x1024xf32, #tpu.memory_space<hbm>>
    tpu.enqueue_dma source(%dma_start3A_42 : memref<768x1024xf32, #tpu.memory_space<hbm>>) target(%dma_start3A_38 : memref<768x1024xf32, #tpu.memory_space<vmem>>) target_semaphore(%dma_start3A_34 : memref<!tpu.dma_semaphore, #tpu.memory_space<semaphore_mem>>)
    %dma_start3A_43 = arith.constant 0 : i32
    %dma_start3A_44 = arith.constant 0 : i32
    %dma_start3A_45 = tpu.memref_slice %arg13[%dma_start3A_44] : memref<2x!tpu.dma_semaphore, #tpu.memory_space<semaphore_mem>> -> memref<1x!tpu.dma_semaphore, #tpu.memory_space<semaphore_mem>>
    %dma_start3A_46 = tpu.memref_squeeze %dma_start3A_45 : memref<1x!tpu.dma_semaphore, #tpu.memory_space<semaphore_mem>> -> memref<!tpu.dma_semaphore, #tpu.memory_space<semaphore_mem>>
    %dma_start3A_47 = arith.constant 0 : i32
    %dma_start3A_48 = arith.constant 0 : i32
    %dma_start3A_49 = tpu.memref_slice %arg10[%dma_start3A_43, %dma_start3A_47, %dma_start3A_48] : memref<2x128x1024xf32, #tpu.memory_space<vmem>> -> memref<1x128x1024xf32, #tpu.memory_space<vmem>>
    %dma_start3A_50 = tpu.memref_squeeze %dma_start3A_49 : memref<1x128x1024xf32, #tpu.memory_space<vmem>> -> memref<128x1024xf32, #tpu.memory_space<vmem>>
    %dma_start3A_51 = arith.constant 0 : i32
    %dma_start3A_52 = arith.constant 0 : i32
    %dma_start3A_53 = tpu.memref_slice %arg2[%dma_start3A_51, %dma_start3A_52] : memref<4992x1024xf32, #tpu.memory_space<hbm>> -> memref<128x1024xf32, #tpu.memory_space<hbm>>
    tpu.enqueue_dma source(%dma_start3A_53 : memref<128x1024xf32, #tpu.memory_space<hbm>>) target(%dma_start3A_50 : memref<128x1024xf32, #tpu.memory_space<vmem>>) target_semaphore(%dma_start3A_46 : memref<!tpu.dma_semaphore, #tpu.memory_space<semaphore_mem>>)
    %dma_wait3A = arith.constant 0 : i32
    %dma_wait3A_54 = arith.constant 0 : i32
    %dma_wait3A_55 = arith.constant 0 : i32
    %dma_wait3A_56 = tpu.memref_slice %arg12[%dma_wait3A_55] : memref<2x!tpu.dma_semaphore, #tpu.memory_space<semaphore_mem>> -> memref<1x!tpu.dma_semaphore, #tpu.memory_space<semaphore_mem>>
    %dma_wait3A_57 = tpu.memref_squeeze %dma_wait3A_56 : memref<1x!tpu.dma_semaphore, #tpu.memory_space<semaphore_mem>> -> memref<!tpu.dma_semaphore, #tpu.memory_space<semaphore_mem>>
    %dma_wait3A_58 = arith.constant 0 : i32
    %dma_wait3A_59 = arith.constant 0 : i32
    %dma_wait3A_60 = tpu.memref_slice %arg7[%dma_wait3A_54, %dma_wait3A_58, %dma_wait3A_59] : memref<2x1024x768xf32, #tpu.memory_space<vmem>> -> memref<1x1024x768xf32, #tpu.memory_space<vmem>>
    %dma_wait3A_61 = tpu.memref_squeeze %dma_wait3A_60 : memref<1x1024x768xf32, #tpu.memory_space<vmem>> -> memref<1024x768xf32, #tpu.memory_space<vmem>>
    %dma_wait3A_62 = arith.constant 0 : i32
    %dma_wait3A_63 = arith.constant 0 : i32
    %dma_wait3A_64 = tpu.memref_slice %arg3[%dma_wait3A, %dma_wait3A_62, %dma_wait3A_63] : memref<8x1024x768xf32, #tpu.memory_space<hbm>> -> memref<1x1024x768xf32, #tpu.memory_space<hbm>>
    %dma_wait3A_65 = tpu.memref_squeeze %dma_wait3A_64 : memref<1x1024x768xf32, #tpu.memory_space<hbm>> -> memref<1024x768xf32, #tpu.memory_space<hbm>>
    tpu.wait_dma2 semaphore(%dma_wait3A_57 : memref<!tpu.dma_semaphore, #tpu.memory_space<semaphore_mem>>) src(%dma_wait3A_65 : memref<1024x768xf32, #tpu.memory_space<hbm>>) dst(%dma_wait3A_61 : memref<1024x768xf32, #tpu.memory_space<vmem>>)
    %dma_wait3A_66 = arith.constant 0 : i32
    %dma_wait3A_67 = arith.constant 0 : i32
    %dma_wait3A_68 = arith.constant 0 : i32
    %dma_wait3A_69 = tpu.memref_slice %arg12[%dma_wait3A_68] : memref<2x!tpu.dma_semaphore, #tpu.memory_space<semaphore_mem>> -> memref<1x!tpu.dma_semaphore, #tpu.memory_space<semaphore_mem>>
    %dma_wait3A_70 = tpu.memref_squeeze %dma_wait3A_69 : memref<1x!tpu.dma_semaphore, #tpu.memory_space<semaphore_mem>> -> memref<!tpu.dma_semaphore, #tpu.memory_space<semaphore_mem>>
    %dma_wait3A_71 = arith.constant 0 : i32
    %dma_wait3A_72 = arith.constant 0 : i32
    %dma_wait3A_73 = tpu.memref_slice %arg8[%dma_wait3A_67, %dma_wait3A_71, %dma_wait3A_72] : memref<2x1024x768xf32, #tpu.memory_space<vmem>> -> memref<1x1024x768xf32, #tpu.memory_space<vmem>>
    %dma_wait3A_74 = tpu.memref_squeeze %dma_wait3A_73 : memref<1x1024x768xf32, #tpu.memory_space<vmem>> -> memref<1024x768xf32, #tpu.memory_space<vmem>>
    %dma_wait3A_75 = arith.constant 0 : i32
    %dma_wait3A_76 = arith.constant 0 : i32
    %dma_wait3A_77 = tpu.memref_slice %arg4[%dma_wait3A_66, %dma_wait3A_75, %dma_wait3A_76] : memref<8x1024x768xf32, #tpu.memory_space<hbm>> -> memref<1x1024x768xf32, #tpu.memory_space<hbm>>
    %dma_wait3A_78 = tpu.memref_squeeze %dma_wait3A_77 : memref<1x1024x768xf32, #tpu.memory_space<hbm>> -> memref<1024x768xf32, #tpu.memory_space<hbm>>
    tpu.wait_dma2 semaphore(%dma_wait3A_70 : memref<!tpu.dma_semaphore, #tpu.memory_space<semaphore_mem>>) src(%dma_wait3A_78 : memref<1024x768xf32, #tpu.memory_space<hbm>>) dst(%dma_wait3A_74 : memref<1024x768xf32, #tpu.memory_space<vmem>>)
    %dma_wait3A_79 = arith.constant 0 : i32
    %dma_wait3A_80 = arith.constant 0 : i32
    %dma_wait3A_81 = arith.constant 0 : i32
    %dma_wait3A_82 = tpu.memref_slice %arg12[%dma_wait3A_81] : memref<2x!tpu.dma_semaphore, #tpu.memory_space<semaphore_mem>> -> memref<1x!tpu.dma_semaphore, #tpu.memory_space<semaphore_mem>>
    %dma_wait3A_83 = tpu.memref_squeeze %dma_wait3A_82 : memref<1x!tpu.dma_semaphore, #tpu.memory_space<semaphore_mem>> -> memref<!tpu.dma_semaphore, #tpu.memory_space<semaphore_mem>>
    %dma_wait3A_84 = arith.constant 0 : i32
    %dma_wait3A_85 = arith.constant 0 : i32
    %dma_wait3A_86 = tpu.memref_slice %arg9[%dma_wait3A_80, %dma_wait3A_84, %dma_wait3A_85] : memref<2x768x1024xf32, #tpu.memory_space<vmem>> -> memref<1x768x1024xf32, #tpu.memory_space<vmem>>
    %dma_wait3A_87 = tpu.memref_squeeze %dma_wait3A_86 : memref<1x768x1024xf32, #tpu.memory_space<vmem>> -> memref<768x1024xf32, #tpu.memory_space<vmem>>
    %dma_wait3A_88 = arith.constant 0 : i32
    %dma_wait3A_89 = arith.constant 0 : i32
    %dma_wait3A_90 = tpu.memref_slice %arg5[%dma_wait3A_79, %dma_wait3A_88, %dma_wait3A_89] : memref<8x768x1024xf32, #tpu.memory_space<hbm>> -> memref<1x768x1024xf32, #tpu.memory_space<hbm>>
    %dma_wait3A_91 = tpu.memref_squeeze %dma_wait3A_90 : memref<1x768x1024xf32, #tpu.memory_space<hbm>> -> memref<768x1024xf32, #tpu.memory_space<hbm>>
    tpu.wait_dma2 semaphore(%dma_wait3A_83 : memref<!tpu.dma_semaphore, #tpu.memory_space<semaphore_mem>>) src(%dma_wait3A_91 : memref<768x1024xf32, #tpu.memory_space<hbm>>) dst(%dma_wait3A_87 : memref<768x1024xf32, #tpu.memory_space<vmem>>)
    %dma_start3A_92 = arith.constant 1 : i32
    %dma_start3A_93 = arith.constant 1 : i32
    %dma_start3A_94 = arith.constant 1 : i32
    %dma_start3A_95 = tpu.memref_slice %arg12[%dma_start3A_94] : memref<2x!tpu.dma_semaphore, #tpu.memory_space<semaphore_mem>> -> memref<1x!tpu.dma_semaphore, #tpu.memory_space<semaphore_mem>>
    %dma_start3A_96 = tpu.memref_squeeze %dma_start3A_95 : memref<1x!tpu.dma_semaphore, #tpu.memory_space<semaphore_mem>> -> memref<!tpu.dma_semaphore, #tpu.memory_space<semaphore_mem>>
    %dma_start3A_97 = arith.constant 0 : i32
    %dma_start3A_98 = arith.constant 0 : i32
    %dma_start3A_99 = tpu.memref_slice %arg7[%dma_start3A_93, %dma_start3A_97, %dma_start3A_98] : memref<2x1024x768xf32, #tpu.memory_space<vmem>> -> memref<1x1024x768xf32, #tpu.memory_space<vmem>>
    %dma_start3A_100 = tpu.memref_squeeze %dma_start3A_99 : memref<1x1024x768xf32, #tpu.memory_space<vmem>> -> memref<1024x768xf32, #tpu.memory_space<vmem>>
    %dma_start3A_101 = arith.constant 0 : i32
    %dma_start3A_102 = arith.constant 0 : i32
    %dma_start3A_103 = tpu.memref_slice %arg3[%dma_start3A_92, %dma_start3A_101, %dma_start3A_102] : memref<8x1024x768xf32, #tpu.memory_space<hbm>> -> memref<1x1024x768xf32, #tpu.memory_space<hbm>>
    %dma_start3A_104 = tpu.memref_squeeze %dma_start3A_103 : memref<1x1024x768xf32, #tpu.memory_space<hbm>> -> memref<1024x768xf32, #tpu.memory_space<hbm>>
    tpu.enqueue_dma source(%dma_start3A_104 : memref<1024x768xf32, #tpu.memory_space<hbm>>) target(%dma_start3A_100 : memref<1024x768xf32, #tpu.memory_space<vmem>>) target_semaphore(%dma_start3A_96 : memref<!tpu.dma_semaphore, #tpu.memory_space<semaphore_mem>>)
    %dma_start3A_105 = arith.constant 1 : i32
    %dma_start3A_106 = arith.constant 1 : i32
    %dma_start3A_107 = arith.constant 1 : i32
    %dma_start3A_108 = tpu.memref_slice %arg12[%dma_start3A_107] : memref<2x!tpu.dma_semaphore, #tpu.memory_space<semaphore_mem>> -> memref<1x!tpu.dma_semaphore, #tpu.memory_space<semaphore_mem>>
    %dma_start3A_109 = tpu.memref_squeeze %dma_start3A_108 : memref<1x!tpu.dma_semaphore, #tpu.memory_space<semaphore_mem>> -> memref<!tpu.dma_semaphore, #tpu.memory_space<semaphore_mem>>
    %dma_start3A_110 = arith.constant 0 : i32
    %dma_start3A_111 = arith.constant 0 : i32
    %dma_start3A_112 = tpu.memref_slice %arg8[%dma_start3A_106, %dma_start3A_110, %dma_start3A_111] : memref<2x1024x768xf32, #tpu.memory_space<vmem>> -> memref<1x1024x768xf32, #tpu.memory_space<vmem>>
    %dma_start3A_113 = tpu.memref_squeeze %dma_start3A_112 : memref<1x1024x768xf32, #tpu.memory_space<vmem>> -> memref<1024x768xf32, #tpu.memory_space<vmem>>
    %dma_start3A_114 = arith.constant 0 : i32
    %dma_start3A_115 = arith.constant 0 : i32
    %dma_start3A_116 = tpu.memref_slice %arg4[%dma_start3A_105, %dma_start3A_114, %dma_start3A_115] : memref<8x1024x768xf32, #tpu.memory_space<hbm>> -> memref<1x1024x768xf32, #tpu.memory_space<hbm>>
    %dma_start3A_117 = tpu.memref_squeeze %dma_start3A_116 : memref<1x1024x768xf32, #tpu.memory_space<hbm>> -> memref<1024x768xf32, #tpu.memory_space<hbm>>
    tpu.enqueue_dma source(%dma_start3A_117 : memref<1024x768xf32, #tpu.memory_space<hbm>>) target(%dma_start3A_113 : memref<1024x768xf32, #tpu.memory_space<vmem>>) target_semaphore(%dma_start3A_109 : memref<!tpu.dma_semaphore, #tpu.memory_space<semaphore_mem>>)
    %dma_start3A_118 = arith.constant 1 : i32
    %dma_start3A_119 = arith.constant 1 : i32
    %dma_start3A_120 = arith.constant 1 : i32
    %dma_start3A_121 = tpu.memref_slice %arg12[%dma_start3A_120] : memref<2x!tpu.dma_semaphore, #tpu.memory_space<semaphore_mem>> -> memref<1x!tpu.dma_semaphore, #tpu.memory_space<semaphore_mem>>
    %dma_start3A_122 = tpu.memref_squeeze %dma_start3A_121 : memref<1x!tpu.dma_semaphore, #tpu.memory_space<semaphore_mem>> -> memref<!tpu.dma_semaphore, #tpu.memory_space<semaphore_mem>>
    %dma_start3A_123 = arith.constant 0 : i32
    %dma_start3A_124 = arith.constant 0 : i32
    %dma_start3A_125 = tpu.memref_slice %arg9[%dma_start3A_119, %dma_start3A_123, %dma_start3A_124] : memref<2x768x1024xf32, #tpu.memory_space<vmem>> -> memref<1x768x1024xf32, #tpu.memory_space<vmem>>
    %dma_start3A_126 = tpu.memref_squeeze %dma_start3A_125 : memref<1x768x1024xf32, #tpu.memory_space<vmem>> -> memref<768x1024xf32, #tpu.memory_space<vmem>>
    %dma_start3A_127 = arith.constant 0 : i32
    %dma_start3A_128 = arith.constant 0 : i32
    %dma_start3A_129 = tpu.memref_slice %arg5[%dma_start3A_118, %dma_start3A_127, %dma_start3A_128] : memref<8x768x1024xf32, #tpu.memory_space<hbm>> -> memref<1x768x1024xf32, #tpu.memory_space<hbm>>
    %dma_start3A_130 = tpu.memref_squeeze %dma_start3A_129 : memref<1x768x1024xf32, #tpu.memory_space<hbm>> -> memref<768x1024xf32, #tpu.memory_space<hbm>>
    tpu.enqueue_dma source(%dma_start3A_130 : memref<768x1024xf32, #tpu.memory_space<hbm>>) target(%dma_start3A_126 : memref<768x1024xf32, #tpu.memory_space<vmem>>) target_semaphore(%dma_start3A_122 : memref<!tpu.dma_semaphore, #tpu.memory_space<semaphore_mem>>)
    %get3A_131 = arith.constant 0 : index
    %get3A_132 = arith.constant 0 : index
    %get3A_133 = memref.load %arg0[%get3A_131, %get3A_132] : memref<8x1xi32, #tpu.memory_space<smem>>
    %get3A_134 = arith.constant 0 : index
    %get3A_135 = arith.constant 0 : index
    %get3A_136 = memref.load %arg1[%get3A_134, %get3A_135] : memref<8x1xi32, #tpu.memory_space<smem>>
    %add3A_137 = arith.addi %get3A_133, %get3A_136 : i32
    %while3A = arith.constant 0 : i32
    %while3A_138 = arith.subi %add3A_137, %get3A_133 : i32
    %while3A_139 = arith.addi %get3A_133, %while3A_138 : i32
    %while3A_140 = arith.constant 1 : i32
    %while3A_141 = arith.divsi %while3A_138, %while3A_140 : i32
    %while3A_142 = arith.muli %while3A_141, %while3A_140 : i32
    %while3A_143 = arith.addi %get3A_133, %while3A_142 : i32
    %while3A_144 = arith.constant 1 : i32
    scf.for %while3A_794 = %get3A_133 to %while3A_143 step %while3A_144  : i32 {
      %and3A_795 = arith.constant 1 : i32
      %and3A_796 = arith.andi %while3A_794, %and3A_795 : i32
      %mul3A_797 = arith.constant 128 : i32
      %mul3A_798 = arith.muli %while3A_794, %mul3A_797 : i32
      %dma_wait3A_799 = tpu.memref_slice %arg13[%and3A_796] : memref<2x!tpu.dma_semaphore, #tpu.memory_space<semaphore_mem>> -> memref<1x!tpu.dma_semaphore, #tpu.memory_space<semaphore_mem>>
      %dma_wait3A_800 = tpu.memref_squeeze %dma_wait3A_799 : memref<1x!tpu.dma_semaphore, #tpu.memory_space<semaphore_mem>> -> memref<!tpu.dma_semaphore, #tpu.memory_space<semaphore_mem>>
      %dma_wait3A_801 = arith.constant 0 : i32
      %dma_wait3A_802 = arith.constant 0 : i32
      %dma_wait3A_803 = tpu.memref_slice %arg10[%and3A_796, %dma_wait3A_801, %dma_wait3A_802] : memref<2x128x1024xf32, #tpu.memory_space<vmem>> -> memref<1x128x1024xf32, #tpu.memory_space<vmem>>
      %dma_wait3A_804 = tpu.memref_squeeze %dma_wait3A_803 : memref<1x128x1024xf32, #tpu.memory_space<vmem>> -> memref<128x1024xf32, #tpu.memory_space<vmem>>
      %dma_wait3A_805 = arith.constant 0 : i32
      %dma_wait3A_806 = tpu.memref_slice %arg2[%mul3A_798, %dma_wait3A_805] : memref<4992x1024xf32, #tpu.memory_space<hbm>> -> memref<128x1024xf32, #tpu.memory_space<hbm>>
      tpu.wait_dma2 semaphore(%dma_wait3A_800 : memref<!tpu.dma_semaphore, #tpu.memory_space<semaphore_mem>>) src(%dma_wait3A_806 : memref<128x1024xf32, #tpu.memory_space<hbm>>) dst(%dma_wait3A_804 : memref<128x1024xf32, #tpu.memory_space<vmem>>)
      %add3A_807 = arith.constant 1 : i32
      %add3A_808 = arith.addi %while3A_794, %add3A_807 : i32
      %lt3A = arith.cmpi slt, %add3A_808, %add3A : i32
      %convert_element_type3A = arith.extui %lt3A : i1 to i32
      %cond3A = arith.constant 0 : i32
      %cond3A_809 = arith.cmpi ne, %convert_element_type3A, %cond3A : i32
      scf.if %cond3A_809 {
        %add3A_863 = arith.constant 1 : i32
        %add3A_864 = arith.addi %while3A_794, %add3A_863 : i32
        %sub3A_865 = arith.constant 1 : i32
        %sub3A_866 = arith.subi %sub3A_865, %and3A_796 : i32
        %mul3A_867 = arith.constant 128 : i32
        %mul3A_868 = arith.muli %add3A_864, %mul3A_867 : i32
        %dma_start3A_869 = tpu.memref_slice %arg13[%sub3A_866] : memref<2x!tpu.dma_semaphore, #tpu.memory_space<semaphore_mem>> -> memref<1x!tpu.dma_semaphore, #tpu.memory_space<semaphore_mem>>
        %dma_start3A_870 = tpu.memref_squeeze %dma_start3A_869 : memref<1x!tpu.dma_semaphore, #tpu.memory_space<semaphore_mem>> -> memref<!tpu.dma_semaphore, #tpu.memory_space<semaphore_mem>>
        %dma_start3A_871 = arith.constant 0 : i32
        %dma_start3A_872 = arith.constant 0 : i32
        %dma_start3A_873 = tpu.memref_slice %arg10[%sub3A_866, %dma_start3A_871, %dma_start3A_872] : memref<2x128x1024xf32, #tpu.memory_space<vmem>> -> memref<1x128x1024xf32, #tpu.memory_space<vmem>>
        %dma_start3A_874 = tpu.memref_squeeze %dma_start3A_873 : memref<1x128x1024xf32, #tpu.memory_space<vmem>> -> memref<128x1024xf32, #tpu.memory_space<vmem>>
        %dma_start3A_875 = arith.constant 0 : i32
        %dma_start3A_876 = tpu.memref_slice %arg2[%mul3A_868, %dma_start3A_875] : memref<4992x1024xf32, #tpu.memory_space<hbm>> -> memref<128x1024xf32, #tpu.memory_space<hbm>>
        tpu.enqueue_dma source(%dma_start3A_876 : memref<128x1024xf32, #tpu.memory_space<hbm>>) target(%dma_start3A_874 : memref<128x1024xf32, #tpu.memory_space<vmem>>) target_semaphore(%dma_start3A_870 : memref<!tpu.dma_semaphore, #tpu.memory_space<semaphore_mem>>)
      } else {
      }
      %ge3A = arith.constant 2 : i32
      %ge3A_810 = arith.cmpi sge, %while3A_794, %ge3A : i32
      %convert_element_type3A_811 = arith.extui %ge3A_810 : i1 to i32
      %cond3A_812 = arith.constant 0 : i32
      %cond3A_813 = arith.cmpi ne, %convert_element_type3A_811, %cond3A_812 : i32
      scf.if %cond3A_813 {
        %sub3A_863 = arith.constant 2 : i32
        %sub3A_864 = arith.subi %while3A_794, %sub3A_863 : i32
        %mul3A_865 = arith.constant 128 : i32
        %mul3A_866 = arith.muli %sub3A_864, %mul3A_865 : i32
        %dma_wait3A_867 = tpu.memref_slice %arg14[%and3A_796] : memref<2x!tpu.dma_semaphore, #tpu.memory_space<semaphore_mem>> -> memref<1x!tpu.dma_semaphore, #tpu.memory_space<semaphore_mem>>
        %dma_wait3A_868 = tpu.memref_squeeze %dma_wait3A_867 : memref<1x!tpu.dma_semaphore, #tpu.memory_space<semaphore_mem>> -> memref<!tpu.dma_semaphore, #tpu.memory_space<semaphore_mem>>
        %dma_wait3A_869 = arith.constant 0 : i32
        %dma_wait3A_870 = tpu.memref_slice %arg6[%mul3A_866, %dma_wait3A_869] : memref<4992x1024xf32, #tpu.memory_space<hbm>> -> memref<128x1024xf32, #tpu.memory_space<hbm>>
        %dma_wait3A_871 = arith.constant 0 : i32
        %dma_wait3A_872 = arith.constant 0 : i32
        %dma_wait3A_873 = tpu.memref_slice %arg11[%and3A_796, %dma_wait3A_871, %dma_wait3A_872] : memref<2x128x1024xf32, #tpu.memory_space<vmem>> -> memref<1x128x1024xf32, #tpu.memory_space<vmem>>
        %dma_wait3A_874 = tpu.memref_squeeze %dma_wait3A_873 : memref<1x128x1024xf32, #tpu.memory_space<vmem>> -> memref<128x1024xf32, #tpu.memory_space<vmem>>
        tpu.wait_dma2 semaphore(%dma_wait3A_868 : memref<!tpu.dma_semaphore, #tpu.memory_space<semaphore_mem>>) src(%dma_wait3A_874 : memref<128x1024xf32, #tpu.memory_space<vmem>>) dst(%dma_wait3A_870 : memref<128x1024xf32, #tpu.memory_space<hbm>>)
      } else {
      }
      %get3A_814 = arith.index_cast %and3A_796 : i32 to index
      %get3A_815 = arith.constant 0 : index
      %get3A_816 = arith.constant 0 : index
      %get3A_817 = vector.load %arg10[%get3A_814, %get3A_815, %get3A_816] : memref<2x128x1024xf32, #tpu.memory_space<vmem>>, vector<1x128x1024xf32>
      %get3A_818 = vector.shape_cast %get3A_817 : vector<1x128x1024xf32> to vector<128x1024xf32>
      %get3A_819 = arith.constant 0 : index
      %get3A_820 = arith.constant 0 : index
      %get3A_821 = arith.constant 0 : index
      %get3A_822 = vector.load %arg7[%get3A_819, %get3A_820, %get3A_821] : memref<2x1024x768xf32, #tpu.memory_space<vmem>>, vector<1x1024x768xf32>
      %get3A_823 = vector.shape_cast %get3A_822 : vector<1x1024x768xf32> to vector<1024x768xf32>
      %dot_general3A = arith.constant dense<0.000000e+00> : vector<128x768xf32>
      %dot_general3A_824 = tpu.matmul %get3A_818, %get3A_823, %dot_general3A {dimension_numbers = #tpu.dot_dimension_numbers<[1], [0], [0], [1], [0, 0, 1, 1], [], []>, transpose_lhs_hint = false} : vector<128x1024xf32>, vector<1024x768xf32>, vector<128x768xf32> -> vector<128x768xf32>
      %get3A_825 = arith.constant 0 : index
      %get3A_826 = arith.constant 0 : index
      %get3A_827 = arith.constant 0 : index
      %get3A_828 = vector.load %arg8[%get3A_825, %get3A_826, %get3A_827] : memref<2x1024x768xf32, #tpu.memory_space<vmem>>, vector<1x1024x768xf32>
      %get3A_829 = vector.shape_cast %get3A_828 : vector<1x1024x768xf32> to vector<1024x768xf32>
      %dot_general3A_830 = arith.constant dense<0.000000e+00> : vector<128x768xf32>
      %dot_general3A_831 = tpu.matmul %get3A_818, %get3A_829, %dot_general3A_830 {dimension_numbers = #tpu.dot_dimension_numbers<[1], [0], [0], [1], [0, 0, 1, 1], [], []>, transpose_lhs_hint = false} : vector<128x1024xf32>, vector<1024x768xf32>, vector<128x768xf32> -> vector<128x768xf32>
      %neg3A = arith.constant 0.000000e+00 : f32
      %neg3A_832 = vector.broadcast %neg3A : f32 to vector<128x768xf32>
      %neg3A_833 = arith.subf %neg3A_832, %dot_general3A_824 : vector<128x768xf32>
      %exp3A = math.exp %neg3A_833 : vector<128x768xf32>
      %add3A_834 = arith.constant 1.000000e+00 : f32
      %add3A_835 = vector.broadcast %add3A_834 : f32 to vector<128x768xf32>
      %add3A_836 = arith.addf %add3A_835, %exp3A : vector<128x768xf32>
      %div3A = arith.constant 1.000000e+00 : f32
      %div3A_837 = vector.broadcast %div3A : f32 to vector<128x768xf32>
      %div3A_838 = arith.divf %div3A_837, %add3A_836 : vector<128x768xf32>
      %mul3A_839 = arith.mulf %dot_general3A_824, %div3A_838 : vector<128x768xf32>
      %mul3A_840 = arith.mulf %mul3A_839, %dot_general3A_831 : vector<128x768xf32>
      %get3A_841 = arith.constant 0 : index
      %get3A_842 = arith.constant 0 : index
      %get3A_843 = arith.constant 0 : index
      %get3A_844 = vector.load %arg9[%get3A_841, %get3A_842, %get3A_843] : memref<2x768x1024xf32, #tpu.memory_space<vmem>>, vector<1x768x1024xf32>
      %get3A_845 = vector.shape_cast %get3A_844 : vector<1x768x1024xf32> to vector<768x1024xf32>
      %dot_general3A_846 = arith.constant dense<0.000000e+00> : vector<128x1024xf32>
      %dot_general3A_847 = tpu.matmul %mul3A_840, %get3A_845, %dot_general3A_846 {dimension_numbers = #tpu.dot_dimension_numbers<[1], [0], [0], [1], [0, 0, 1, 1], [], []>, transpose_lhs_hint = false} : vector<128x768xf32>, vector<768x1024xf32>, vector<128x1024xf32> -> vector<128x1024xf32>
      %swap3A = arith.index_cast %and3A_796 : i32 to index
      %swap3A_848 = arith.constant 0 : index
      %swap3A_849 = arith.constant 0 : index
      %swap3A_850 = vector.load %arg11[%swap3A, %swap3A_848, %swap3A_849] : memref<2x128x1024xf32, #tpu.memory_space<vmem>>, vector<1x128x1024xf32>
      %swap3A_851 = vector.shape_cast %swap3A_850 : vector<1x128x1024xf32> to vector<128x1024xf32>
      %swap3A_852 = vector.shape_cast %dot_general3A_847 : vector<128x1024xf32> to vector<1x128x1024xf32>
      tpu.vector_store %arg11[%swap3A, %swap3A_848, %swap3A_849], %swap3A_852 {strides = array<i32>} : memref<2x128x1024xf32, #tpu.memory_space<vmem>>, vector<1x128x1024xf32>,
      %mul3A_853 = arith.constant 128 : i32
      %mul3A_854 = arith.muli %while3A_794, %mul3A_853 : i32
      %dma_start3A_855 = tpu.memref_slice %arg14[%and3A_796] : memref<2x!tpu.dma_semaphore, #tpu.memory_space<semaphore_mem>> -> memref<1x!tpu.dma_semaphore, #tpu.memory_space<semaphore_mem>>
      %dma_start3A_856 = tpu.memref_squeeze %dma_start3A_855 : memref<1x!tpu.dma_semaphore, #tpu.memory_space<semaphore_mem>> -> memref<!tpu.dma_semaphore, #tpu.memory_space<semaphore_mem>>
      %dma_start3A_857 = arith.constant 0 : i32
      %dma_start3A_858 = tpu.memref_slice %arg6[%mul3A_854, %dma_start3A_857] : memref<4992x1024xf32, #tpu.memory_space<hbm>> -> memref<128x1024xf32, #tpu.memory_space<hbm>>
      %dma_start3A_859 = arith.constant 0 : i32
      %dma_start3A_860 = arith.constant 0 : i32
      %dma_start3A_861 = tpu.memref_slice %arg11[%and3A_796, %dma_start3A_859, %dma_start3A_860] : memref<2x128x1024xf32, #tpu.memory_space<vmem>> -> memref<1x128x1024xf32, #tpu.memory_space<vmem>>
      %dma_start3A_862 = tpu.memref_squeeze %dma_start3A_861 : memref<1x128x1024xf32, #tpu.memory_space<vmem>> -> memref<128x1024xf32, #tpu.memory_space<vmem>>
      tpu.enqueue_dma source(%dma_start3A_862 : memref<128x1024xf32, #tpu.memory_space<vmem>>) target(%dma_start3A_858 : memref<128x1024xf32, #tpu.memory_space<hbm>>) target_semaphore(%dma_start3A_856 : memref<!tpu.dma_semaphore, #tpu.memory_space<semaphore_mem>>)
    }
    %while3A_145 = arith.constant 1 : i32
    scf.for %while3A_794 = %while3A_143 to %while3A_139 step %while3A_145  : i32 {
      %and3A_795 = arith.constant 1 : i32
      %and3A_796 = arith.andi %while3A_794, %and3A_795 : i32
      %mul3A_797 = arith.constant 128 : i32
      %mul3A_798 = arith.muli %while3A_794, %mul3A_797 : i32
      %dma_wait3A_799 = tpu.memref_slice %arg13[%and3A_796] : memref<2x!tpu.dma_semaphore, #tpu.memory_space<semaphore_mem>> -> memref<1x!tpu.dma_semaphore, #tpu.memory_space<semaphore_mem>>
      %dma_wait3A_800 = tpu.memref_squeeze %dma_wait3A_799 : memref<1x!tpu.dma_semaphore, #tpu.memory_space<semaphore_mem>> -> memref<!tpu.dma_semaphore, #tpu.memory_space<semaphore_mem>>
      %dma_wait3A_801 = arith.constant 0 : i32
      %dma_wait3A_802 = arith.constant 0 : i32
      %dma_wait3A_803 = tpu.memref_slice %arg10[%and3A_796, %dma_wait3A_801, %dma_wait3A_802] : memref<2x128x1024xf32, #tpu.memory_space<vmem>> -> memref<1x128x1024xf32, #tpu.memory_space<vmem>>
      %dma_wait3A_804 = tpu.memref_squeeze %dma_wait3A_803 : memref<1x128x1024xf32, #tpu.memory_space<vmem>> -> memref<128x1024xf32, #tpu.memory_space<vmem>>
      %dma_wait3A_805 = arith.constant 0 : i32
      %dma_wait3A_806 = tpu.memref_slice %arg2[%mul3A_798, %dma_wait3A_805] : memref<4992x1024xf32, #tpu.memory_space<hbm>> -> memref<128x1024xf32, #tpu.memory_space<hbm>>
      tpu.wait_dma2 semaphore(%dma_wait3A_800 : memref<!tpu.dma_semaphore, #tpu.memory_space<semaphore_mem>>) src(%dma_wait3A_806 : memref<128x1024xf32, #tpu.memory_space<hbm>>) dst(%dma_wait3A_804 : memref<128x1024xf32, #tpu.memory_space<vmem>>)
      %add3A_807 = arith.constant 1 : i32
      %add3A_808 = arith.addi %while3A_794, %add3A_807 : i32
      %lt3A = arith.cmpi slt, %add3A_808, %add3A : i32
      %convert_element_type3A = arith.extui %lt3A : i1 to i32
      %cond3A = arith.constant 0 : i32
      %cond3A_809 = arith.cmpi ne, %convert_element_type3A, %cond3A : i32
      scf.if %cond3A_809 {
        %add3A_863 = arith.constant 1 : i32
        %add3A_864 = arith.addi %while3A_794, %add3A_863 : i32
        %sub3A_865 = arith.constant 1 : i32
        %sub3A_866 = arith.subi %sub3A_865, %and3A_796 : i32
        %mul3A_867 = arith.constant 128 : i32
        %mul3A_868 = arith.muli %add3A_864, %mul3A_867 : i32
        %dma_start3A_869 = tpu.memref_slice %arg13[%sub3A_866] : memref<2x!tpu.dma_semaphore, #tpu.memory_space<semaphore_mem>> -> memref<1x!tpu.dma_semaphore, #tpu.memory_space<semaphore_mem>>
        %dma_start3A_870 = tpu.memref_squeeze %dma_start3A_869 : memref<1x!tpu.dma_semaphore, #tpu.memory_space<semaphore_mem>> -> memref<!tpu.dma_semaphore, #tpu.memory_space<semaphore_mem>>
        %dma_start3A_871 = arith.constant 0 : i32
        %dma_start3A_872 = arith.constant 0 : i32
        %dma_start3A_873 = tpu.memref_slice %arg10[%sub3A_866, %dma_start3A_871, %dma_start3A_872] : memref<2x128x1024xf32, #tpu.memory_space<vmem>> -> memref<1x128x1024xf32, #tpu.memory_space<vmem>>
        %dma_start3A_874 = tpu.memref_squeeze %dma_start3A_873 : memref<1x128x1024xf32, #tpu.memory_space<vmem>> -> memref<128x1024xf32, #tpu.memory_space<vmem>>
        %dma_start3A_875 = arith.constant 0 : i32
        %dma_start3A_876 = tpu.memref_slice %arg2[%mul3A_868, %dma_start3A_875] : memref<4992x1024xf32, #tpu.memory_space<hbm>> -> memref<128x1024xf32, #tpu.memory_space<hbm>>
        tpu.enqueue_dma source(%dma_start3A_876 : memref<128x1024xf32, #tpu.memory_space<hbm>>) target(%dma_start3A_874 : memref<128x1024xf32, #tpu.memory_space<vmem>>) target_semaphore(%dma_start3A_870 : memref<!tpu.dma_semaphore, #tpu.memory_space<semaphore_mem>>)
      } else {
      }
      %ge3A = arith.constant 2 : i32
      %ge3A_810 = arith.cmpi sge, %while3A_794, %ge3A : i32
      %convert_element_type3A_811 = arith.extui %ge3A_810 : i1 to i32
      %cond3A_812 = arith.constant 0 : i32
      %cond3A_813 = arith.cmpi ne, %convert_element_type3A_811, %cond3A_812 : i32
      scf.if %cond3A_813 {
        %sub3A_863 = arith.constant 2 : i32
        %sub3A_864 = arith.subi %while3A_794, %sub3A_863 : i32
        %mul3A_865 = arith.constant 128 : i32
        %mul3A_866 = arith.muli %sub3A_864, %mul3A_865 : i32
        %dma_wait3A_867 = tpu.memref_slice %arg14[%and3A_796] : memref<2x!tpu.dma_semaphore, #tpu.memory_space<semaphore_mem>> -> memref<1x!tpu.dma_semaphore, #tpu.memory_space<semaphore_mem>>
        %dma_wait3A_868 = tpu.memref_squeeze %dma_wait3A_867 : memref<1x!tpu.dma_semaphore, #tpu.memory_space<semaphore_mem>> -> memref<!tpu.dma_semaphore, #tpu.memory_space<semaphore_mem>>
        %dma_wait3A_869 = arith.constant 0 : i32
        %dma_wait3A_870 = tpu.memref_slice %arg6[%mul3A_866, %dma_wait3A_869] : memref<4992x1024xf32, #tpu.memory_space<hbm>> -> memref<128x1024xf32, #tpu.memory_space<hbm>>
        %dma_wait3A_871 = arith.constant 0 : i32
        %dma_wait3A_872 = arith.constant 0 : i32
        %dma_wait3A_873 = tpu.memref_slice %arg11[%and3A_796, %dma_wait3A_871, %dma_wait3A_872] : memref<2x128x1024xf32, #tpu.memory_space<vmem>> -> memref<1x128x1024xf32, #tpu.memory_space<vmem>>
        %dma_wait3A_874 = tpu.memref_squeeze %dma_wait3A_873 : memref<1x128x1024xf32, #tpu.memory_space<vmem>> -> memref<128x1024xf32, #tpu.memory_space<vmem>>
        tpu.wait_dma2 semaphore(%dma_wait3A_868 : memref<!tpu.dma_semaphore, #tpu.memory_space<semaphore_mem>>) src(%dma_wait3A_874 : memref<128x1024xf32, #tpu.memory_space<vmem>>) dst(%dma_wait3A_870 : memref<128x1024xf32, #tpu.memory_space<hbm>>)
      } else {
      }
      %get3A_814 = arith.index_cast %and3A_796 : i32 to index
      %get3A_815 = arith.constant 0 : index
      %get3A_816 = arith.constant 0 : index
      %get3A_817 = vector.load %arg10[%get3A_814, %get3A_815, %get3A_816] : memref<2x128x1024xf32, #tpu.memory_space<vmem>>, vector<1x128x1024xf32>
      %get3A_818 = vector.shape_cast %get3A_817 : vector<1x128x1024xf32> to vector<128x1024xf32>
      %get3A_819 = arith.constant 0 : index
      %get3A_820 = arith.constant 0 : index
      %get3A_821 = arith.constant 0 : index
      %get3A_822 = vector.load %arg7[%get3A_819, %get3A_820, %get3A_821] : memref<2x1024x768xf32, #tpu.memory_space<vmem>>, vector<1x1024x768xf32>
      %get3A_823 = vector.shape_cast %get3A_822 : vector<1x1024x768xf32> to vector<1024x768xf32>
      %dot_general3A = arith.constant dense<0.000000e+00> : vector<128x768xf32>
      %dot_general3A_824 = tpu.matmul %get3A_818, %get3A_823, %dot_general3A {dimension_numbers = #tpu.dot_dimension_numbers<[1], [0], [0], [1], [0, 0, 1, 1], [], []>, transpose_lhs_hint = false} : vector<128x1024xf32>, vector<1024x768xf32>, vector<128x768xf32> -> vector<128x768xf32>
      %get3A_825 = arith.constant 0 : index
      %get3A_826 = arith.constant 0 : index
      %get3A_827 = arith.constant 0 : index
      %get3A_828 = vector.load %arg8[%get3A_825, %get3A_826, %get3A_827] : memref<2x1024x768xf32, #tpu.memory_space<vmem>>, vector<1x1024x768xf32>
      %get3A_829 = vector.shape_cast %get3A_828 : vector<1x1024x768xf32> to vector<1024x768xf32>
      %dot_general3A_830 = arith.constant dense<0.000000e+00> : vector<128x768xf32>
      %dot_general3A_831 = tpu.matmul %get3A_818, %get3A_829, %dot_general3A_830 {dimension_numbers = #tpu.dot_dimension_numbers<[1], [0], [0], [1], [0, 0, 1, 1], [], []>, transpose_lhs_hint = false} : vector<128x1024xf32>, vector<1024x768xf32>, vector<128x768xf32> -> vector<128x768xf32>
      %neg3A = arith.constant 0.000000e+00 : f32
      %neg3A_832 = vector.broadcast %neg3A : f32 to vector<128x768xf32>
      %neg3A_833 = arith.subf %neg3A_832, %dot_general3A_824 : vector<128x768xf32>
      %exp3A = math.exp %neg3A_833 : vector<128x768xf32>
      %add3A_834 = arith.constant 1.000000e+00 : f32
      %add3A_835 = vector.broadcast %add3A_834 : f32 to vector<128x768xf32>
      %add3A_836 = arith.addf %add3A_835, %exp3A : vector<128x768xf32>
      %div3A = arith.constant 1.000000e+00 : f32
      %div3A_837 = vector.broadcast %div3A : f32 to vector<128x768xf32>
      %div3A_838 = arith.divf %div3A_837, %add3A_836 : vector<128x768xf32>
      %mul3A_839 = arith.mulf %dot_general3A_824, %div3A_838 : vector<128x768xf32>
      %mul3A_840 = arith.mulf %mul3A_839, %dot_general3A_831 : vector<128x768xf32>
      %get3A_841 = arith.constant 0 : index
      %get3A_842 = arith.constant 0 : index
      %get3A_843 = arith.constant 0 : index
      %get3A_844 = vector.load %arg9[%get3A_841, %get3A_842, %get3A_843] : memref<2x768x1024xf32, #tpu.memory_space<vmem>>, vector<1x768x1024xf32>
      %get3A_845 = vector.shape_cast %get3A_844 : vector<1x768x1024xf32> to vector<768x1024xf32>
      %dot_general3A_846 = arith.constant dense<0.000000e+00> : vector<128x1024xf32>
      %dot_general3A_847 = tpu.matmul %mul3A_840, %get3A_845, %dot_general3A_846 {dimension_numbers = #tpu.dot_dimension_numbers<[1], [0], [0], [1], [0, 0, 1, 1], [], []>, transpose_lhs_hint = false} : vector<128x768xf32>, vector<768x1024xf32>, vector<128x1024xf32> -> vector<128x1024xf32>
      %swap3A = arith.index_cast %and3A_796 : i32 to index
      %swap3A_848 = arith.constant 0 : index
      %swap3A_849 = arith.constant 0 : index
      %swap3A_850 = vector.load %arg11[%swap3A, %swap3A_848, %swap3A_849] : memref<2x128x1024xf32, #tpu.memory_space<vmem>>, vector<1x128x1024xf32>
      %swap3A_851 = vector.shape_cast %swap3A_850 : vector<1x128x1024xf32> to vector<128x1024xf32>
      %swap3A_852 = vector.shape_cast %dot_general3A_847 : vector<128x1024xf32> to vector<1x128x1024xf32>
      tpu.vector_store %arg11[%swap3A, %swap3A_848, %swap3A_849], %swap3A_852 {strides = array<i32>} : memref<2x128x1024xf32, #tpu.memory_space<vmem>>, vector<1x128x1024xf32>,
      %mul3A_853 = arith.constant 128 : i32
      %mul3A_854 = arith.muli %while3A_794, %mul3A_853 : i32
      %dma_start3A_855 = tpu.memref_slice %arg14[%and3A_796] : memref<2x!tpu.dma_semaphore, #tpu.memory_space<semaphore_mem>> -> memref<1x!tpu.dma_semaphore, #tpu.memory_space<semaphore_mem>>
      %dma_start3A_856 = tpu.memref_squeeze %dma_start3A_855 : memref<1x!tpu.dma_semaphore, #tpu.memory_space<semaphore_mem>> -> memref<!tpu.dma_semaphore, #tpu.memory_space<semaphore_mem>>
      %dma_start3A_857 = arith.constant 0 : i32
      %dma_start3A_858 = tpu.memref_slice %arg6[%mul3A_854, %dma_start3A_857] : memref<4992x1024xf32, #tpu.memory_space<hbm>> -> memref<128x1024xf32, #tpu.memory_space<hbm>>
      %dma_start3A_859 = arith.constant 0 : i32
      %dma_start3A_860 = arith.constant 0 : i32
      %dma_start3A_861 = tpu.memref_slice %arg11[%and3A_796, %dma_start3A_859, %dma_start3A_860] : memref<2x128x1024xf32, #tpu.memory_space<vmem>> -> memref<1x128x1024xf32, #tpu.memory_space<vmem>>
      %dma_start3A_862 = tpu.memref_squeeze %dma_start3A_861 : memref<1x128x1024xf32, #tpu.memory_space<vmem>> -> memref<128x1024xf32, #tpu.memory_space<vmem>>
      tpu.enqueue_dma source(%dma_start3A_862 : memref<128x1024xf32, #tpu.memory_space<vmem>>) target(%dma_start3A_858 : memref<128x1024xf32, #tpu.memory_space<hbm>>) target_semaphore(%dma_start3A_856 : memref<!tpu.dma_semaphore, #tpu.memory_space<semaphore_mem>>)
    }
    %dma_wait3A_146 = arith.constant 1 : i32
    %dma_wait3A_147 = arith.constant 1 : i32
    %dma_wait3A_148 = arith.constant 1 : i32
    %dma_wait3A_149 = tpu.memref_slice %arg12[%dma_wait3A_148] : memref<2x!tpu.dma_semaphore, #tpu.memory_space<semaphore_mem>> -> memref<1x!tpu.dma_semaphore, #tpu.memory_space<semaphore_mem>>
    %dma_wait3A_150 = tpu.memref_squeeze %dma_wait3A_149 : memref<1x!tpu.dma_semaphore, #tpu.memory_space<semaphore_mem>> -> memref<!tpu.dma_semaphore, #tpu.memory_space<semaphore_mem>>
    %dma_wait3A_151 = arith.constant 0 : i32
    %dma_wait3A_152 = arith.constant 0 : i32
    %dma_wait3A_153 = tpu.memref_slice %arg7[%dma_wait3A_147, %dma_wait3A_151, %dma_wait3A_152] : memref<2x1024x768xf32, #tpu.memory_space<vmem>> -> memref<1x1024x768xf32, #tpu.memory_space<vmem>>
    %dma_wait3A_154 = tpu.memref_squeeze %dma_wait3A_153 : memref<1x1024x768xf32, #tpu.memory_space<vmem>> -> memref<1024x768xf32, #tpu.memory_space<vmem>>
    %dma_wait3A_155 = arith.constant 0 : i32
    %dma_wait3A_156 = arith.constant 0 : i32
    %dma_wait3A_157 = tpu.memref_slice %arg3[%dma_wait3A_146, %dma_wait3A_155, %dma_wait3A_156] : memref<8x1024x768xf32, #tpu.memory_space<hbm>> -> memref<1x1024x768xf32, #tpu.memory_space<hbm>>
    %dma_wait3A_158 = tpu.memref_squeeze %dma_wait3A_157 : memref<1x1024x768xf32, #tpu.memory_space<hbm>> -> memref<1024x768xf32, #tpu.memory_space<hbm>>
    tpu.wait_dma2 semaphore(%dma_wait3A_150 : memref<!tpu.dma_semaphore, #tpu.memory_space<semaphore_mem>>) src(%dma_wait3A_158 : memref<1024x768xf32, #tpu.memory_space<hbm>>) dst(%dma_wait3A_154 : memref<1024x768xf32, #tpu.memory_space<vmem>>)
    %dma_wait3A_159 = arith.constant 1 : i32
    %dma_wait3A_160 = arith.constant 1 : i32
    %dma_wait3A_161 = arith.constant 1 : i32
    %dma_wait3A_162 = tpu.memref_slice %arg12[%dma_wait3A_161] : memref<2x!tpu.dma_semaphore, #tpu.memory_space<semaphore_mem>> -> memref<1x!tpu.dma_semaphore, #tpu.memory_space<semaphore_mem>>
    %dma_wait3A_163 = tpu.memref_squeeze %dma_wait3A_162 : memref<1x!tpu.dma_semaphore, #tpu.memory_space<semaphore_mem>> -> memref<!tpu.dma_semaphore, #tpu.memory_space<semaphore_mem>>
    %dma_wait3A_164 = arith.constant 0 : i32
    %dma_wait3A_165 = arith.constant 0 : i32
    %dma_wait3A_166 = tpu.memref_slice %arg8[%dma_wait3A_160, %dma_wait3A_164, %dma_wait3A_165] : memref<2x1024x768xf32, #tpu.memory_space<vmem>> -> memref<1x1024x768xf32, #tpu.memory_space<vmem>>
    %dma_wait3A_167 = tpu.memref_squeeze %dma_wait3A_166 : memref<1x1024x768xf32, #tpu.memory_space<vmem>> -> memref<1024x768xf32, #tpu.memory_space<vmem>>
    %dma_wait3A_168 = arith.constant 0 : i32
    %dma_wait3A_169 = arith.constant 0 : i32
    %dma_wait3A_170 = tpu.memref_slice %arg4[%dma_wait3A_159, %dma_wait3A_168, %dma_wait3A_169] : memref<8x1024x768xf32, #tpu.memory_space<hbm>> -> memref<1x1024x768xf32, #tpu.memory_space<hbm>>
    %dma_wait3A_171 = tpu.memref_squeeze %dma_wait3A_170 : memref<1x1024x768xf32, #tpu.memory_space<hbm>> -> memref<1024x768xf32, #tpu.memory_space<hbm>>
    tpu.wait_dma2 semaphore(%dma_wait3A_163 : memref<!tpu.dma_semaphore, #tpu.memory_space<semaphore_mem>>) src(%dma_wait3A_171 : memref<1024x768xf32, #tpu.memory_space<hbm>>) dst(%dma_wait3A_167 : memref<1024x768xf32, #tpu.memory_space<vmem>>)
    %dma_wait3A_172 = arith.constant 1 : i32
    %dma_wait3A_173 = arith.constant 1 : i32
    %dma_wait3A_174 = arith.constant 1 : i32
    %dma_wait3A_175 = tpu.memref_slice %arg12[%dma_wait3A_174] : memref<2x!tpu.dma_semaphore, #tpu.memory_space<semaphore_mem>> -> memref<1x!tpu.dma_semaphore, #tpu.memory_space<semaphore_mem>>
    %dma_wait3A_176 = tpu.memref_squeeze %dma_wait3A_175 : memref<1x!tpu.dma_semaphore, #tpu.memory_space<semaphore_mem>> -> memref<!tpu.dma_semaphore, #tpu.memory_space<semaphore_mem>>
    %dma_wait3A_177 = arith.constant 0 : i32
    %dma_wait3A_178 = arith.constant 0 : i32
    %dma_wait3A_179 = tpu.memref_slice %arg9[%dma_wait3A_173, %dma_wait3A_177, %dma_wait3A_178] : memref<2x768x1024xf32, #tpu.memory_space<vmem>> -> memref<1x768x1024xf32, #tpu.memory_space<vmem>>
    %dma_wait3A_180 = tpu.memref_squeeze %dma_wait3A_179 : memref<1x768x1024xf32, #tpu.memory_space<vmem>> -> memref<768x1024xf32, #tpu.memory_space<vmem>>
    %dma_wait3A_181 = arith.constant 0 : i32
    %dma_wait3A_182 = arith.constant 0 : i32
    %dma_wait3A_183 = tpu.memref_slice %arg5[%dma_wait3A_172, %dma_wait3A_181, %dma_wait3A_182] : memref<8x768x1024xf32, #tpu.memory_space<hbm>> -> memref<1x768x1024xf32, #tpu.memory_space<hbm>>
    %dma_wait3A_184 = tpu.memref_squeeze %dma_wait3A_183 : memref<1x768x1024xf32, #tpu.memory_space<hbm>> -> memref<768x1024xf32, #tpu.memory_space<hbm>>
    tpu.wait_dma2 semaphore(%dma_wait3A_176 : memref<!tpu.dma_semaphore, #tpu.memory_space<semaphore_mem>>) src(%dma_wait3A_184 : memref<768x1024xf32, #tpu.memory_space<hbm>>) dst(%dma_wait3A_180 : memref<768x1024xf32, #tpu.memory_space<vmem>>)
    %dma_start3A_185 = arith.constant 2 : i32
    %dma_start3A_186 = arith.constant 0 : i32
    %dma_start3A_187 = arith.constant 0 : i32
    %dma_start3A_188 = tpu.memref_slice %arg12[%dma_start3A_187] : memref<2x!tpu.dma_semaphore, #tpu.memory_space<semaphore_mem>> -> memref<1x!tpu.dma_semaphore, #tpu.memory_space<semaphore_mem>>
    %dma_start3A_189 = tpu.memref_squeeze %dma_start3A_188 : memref<1x!tpu.dma_semaphore, #tpu.memory_space<semaphore_mem>> -> memref<!tpu.dma_semaphore, #tpu.memory_space<semaphore_mem>>
    %dma_start3A_190 = arith.constant 0 : i32
    %dma_start3A_191 = arith.constant 0 : i32
    %dma_start3A_192 = tpu.memref_slice %arg7[%dma_start3A_186, %dma_start3A_190, %dma_start3A_191] : memref<2x1024x768xf32, #tpu.memory_space<vmem>> -> memref<1x1024x768xf32, #tpu.memory_space<vmem>>
    %dma_start3A_193 = tpu.memref_squeeze %dma_start3A_192 : memref<1x1024x768xf32, #tpu.memory_space<vmem>> -> memref<1024x768xf32, #tpu.memory_space<vmem>>
    %dma_start3A_194 = arith.constant 0 : i32
    %dma_start3A_195 = arith.constant 0 : i32
    %dma_start3A_196 = tpu.memref_slice %arg3[%dma_start3A_185, %dma_start3A_194, %dma_start3A_195] : memref<8x1024x768xf32, #tpu.memory_space<hbm>> -> memref<1x1024x768xf32, #tpu.memory_space<hbm>>
    %dma_start3A_197 = tpu.memref_squeeze %dma_start3A_196 : memref<1x1024x768xf32, #tpu.memory_space<hbm>> -> memref<1024x768xf32, #tpu.memory_space<hbm>>
    tpu.enqueue_dma source(%dma_start3A_197 : memref<1024x768xf32, #tpu.memory_space<hbm>>) target(%dma_start3A_193 : memref<1024x768xf32, #tpu.memory_space<vmem>>) target_semaphore(%dma_start3A_189 : memref<!tpu.dma_semaphore, #tpu.memory_space<semaphore_mem>>)
    %dma_start3A_198 = arith.constant 2 : i32
    %dma_start3A_199 = arith.constant 0 : i32
    %dma_start3A_200 = arith.constant 0 : i32
    %dma_start3A_201 = tpu.memref_slice %arg12[%dma_start3A_200] : memref<2x!tpu.dma_semaphore, #tpu.memory_space<semaphore_mem>> -> memref<1x!tpu.dma_semaphore, #tpu.memory_space<semaphore_mem>>
    %dma_start3A_202 = tpu.memref_squeeze %dma_start3A_201 : memref<1x!tpu.dma_semaphore, #tpu.memory_space<semaphore_mem>> -> memref<!tpu.dma_semaphore, #tpu.memory_space<semaphore_mem>>
    %dma_start3A_203 = arith.constant 0 : i32
    %dma_start3A_204 = arith.constant 0 : i32
    %dma_start3A_205 = tpu.memref_slice %arg8[%dma_start3A_199, %dma_start3A_203, %dma_start3A_204] : memref<2x1024x768xf32, #tpu.memory_space<vmem>> -> memref<1x1024x768xf32, #tpu.memory_space<vmem>>
    %dma_start3A_206 = tpu.memref_squeeze %dma_start3A_205 : memref<1x1024x768xf32, #tpu.memory_space<vmem>> -> memref<1024x768xf32, #tpu.memory_space<vmem>>
    %dma_start3A_207 = arith.constant 0 : i32
    %dma_start3A_208 = arith.constant 0 : i32
    %dma_start3A_209 = tpu.memref_slice %arg4[%dma_start3A_198, %dma_start3A_207, %dma_start3A_208] : memref<8x1024x768xf32, #tpu.memory_space<hbm>> -> memref<1x1024x768xf32, #tpu.memory_space<hbm>>
    %dma_start3A_210 = tpu.memref_squeeze %dma_start3A_209 : memref<1x1024x768xf32, #tpu.memory_space<hbm>> -> memref<1024x768xf32, #tpu.memory_space<hbm>>
    tpu.enqueue_dma source(%dma_start3A_210 : memref<1024x768xf32, #tpu.memory_space<hbm>>) target(%dma_start3A_206 : memref<1024x768xf32, #tpu.memory_space<vmem>>) target_semaphore(%dma_start3A_202 : memref<!tpu.dma_semaphore, #tpu.memory_space<semaphore_mem>>)
    %dma_start3A_211 = arith.constant 2 : i32
    %dma_start3A_212 = arith.constant 0 : i32
    %dma_start3A_213 = arith.constant 0 : i32
    %dma_start3A_214 = tpu.memref_slice %arg12[%dma_start3A_213] : memref<2x!tpu.dma_semaphore, #tpu.memory_space<semaphore_mem>> -> memref<1x!tpu.dma_semaphore, #tpu.memory_space<semaphore_mem>>
    %dma_start3A_215 = tpu.memref_squeeze %dma_start3A_214 : memref<1x!tpu.dma_semaphore, #tpu.memory_space<semaphore_mem>> -> memref<!tpu.dma_semaphore, #tpu.memory_space<semaphore_mem>>
    %dma_start3A_216 = arith.constant 0 : i32
    %dma_start3A_217 = arith.constant 0 : i32
    %dma_start3A_218 = tpu.memref_slice %arg9[%dma_start3A_212, %dma_start3A_216, %dma_start3A_217] : memref<2x768x1024xf32, #tpu.memory_space<vmem>> -> memref<1x768x1024xf32, #tpu.memory_space<vmem>>
    %dma_start3A_219 = tpu.memref_squeeze %dma_start3A_218 : memref<1x768x1024xf32, #tpu.memory_space<vmem>> -> memref<768x1024xf32, #tpu.memory_space<vmem>>
    %dma_start3A_220 = arith.constant 0 : i32
    %dma_start3A_221 = arith.constant 0 : i32
    %dma_start3A_222 = tpu.memref_slice %arg5[%dma_start3A_211, %dma_start3A_220, %dma_start3A_221] : memref<8x768x1024xf32, #tpu.memory_space<hbm>> -> memref<1x768x1024xf32, #tpu.memory_space<hbm>>
    %dma_start3A_223 = tpu.memref_squeeze %dma_start3A_222 : memref<1x768x1024xf32, #tpu.memory_space<hbm>> -> memref<768x1024xf32, #tpu.memory_space<hbm>>
    tpu.enqueue_dma source(%dma_start3A_223 : memref<768x1024xf32, #tpu.memory_space<hbm>>) target(%dma_start3A_219 : memref<768x1024xf32, #tpu.memory_space<vmem>>) target_semaphore(%dma_start3A_215 : memref<!tpu.dma_semaphore, #tpu.memory_space<semaphore_mem>>)
    %get3A_224 = arith.constant 1 : index
    %get3A_225 = arith.constant 0 : index
    %get3A_226 = memref.load %arg0[%get3A_224, %get3A_225] : memref<8x1xi32, #tpu.memory_space<smem>>
    %get3A_227 = arith.constant 1 : index
    %get3A_228 = arith.constant 0 : index
    %get3A_229 = memref.load %arg1[%get3A_227, %get3A_228] : memref<8x1xi32, #tpu.memory_space<smem>>
    %add3A_230 = arith.addi %get3A_226, %get3A_229 : i32
    %while3A_231 = arith.constant 0 : i32
    %while3A_232 = arith.subi %add3A_230, %get3A_226 : i32
    %while3A_233 = arith.addi %get3A_226, %while3A_232 : i32
    %while3A_234 = arith.constant 1 : i32
    %while3A_235 = arith.divsi %while3A_232, %while3A_234 : i32
    %while3A_236 = arith.muli %while3A_235, %while3A_234 : i32
    %while3A_237 = arith.addi %get3A_226, %while3A_236 : i32
    %while3A_238 = arith.constant 1 : i32
    scf.for %while3A_794 = %get3A_226 to %while3A_237 step %while3A_238  : i32 {
      %and3A_795 = arith.constant 1 : i32
      %and3A_796 = arith.andi %while3A_794, %and3A_795 : i32
      %mul3A_797 = arith.constant 128 : i32
      %mul3A_798 = arith.muli %while3A_794, %mul3A_797 : i32
      %dma_wait3A_799 = tpu.memref_slice %arg13[%and3A_796] : memref<2x!tpu.dma_semaphore, #tpu.memory_space<semaphore_mem>> -> memref<1x!tpu.dma_semaphore, #tpu.memory_space<semaphore_mem>>
      %dma_wait3A_800 = tpu.memref_squeeze %dma_wait3A_799 : memref<1x!tpu.dma_semaphore, #tpu.memory_space<semaphore_mem>> -> memref<!tpu.dma_semaphore, #tpu.memory_space<semaphore_mem>>
      %dma_wait3A_801 = arith.constant 0 : i32
      %dma_wait3A_802 = arith.constant 0 : i32
      %dma_wait3A_803 = tpu.memref_slice %arg10[%and3A_796, %dma_wait3A_801, %dma_wait3A_802] : memref<2x128x1024xf32, #tpu.memory_space<vmem>> -> memref<1x128x1024xf32, #tpu.memory_space<vmem>>
      %dma_wait3A_804 = tpu.memref_squeeze %dma_wait3A_803 : memref<1x128x1024xf32, #tpu.memory_space<vmem>> -> memref<128x1024xf32, #tpu.memory_space<vmem>>
      %dma_wait3A_805 = arith.constant 0 : i32
      %dma_wait3A_806 = tpu.memref_slice %arg2[%mul3A_798, %dma_wait3A_805] : memref<4992x1024xf32, #tpu.memory_space<hbm>> -> memref<128x1024xf32, #tpu.memory_space<hbm>>
      tpu.wait_dma2 semaphore(%dma_wait3A_800 : memref<!tpu.dma_semaphore, #tpu.memory_space<semaphore_mem>>) src(%dma_wait3A_806 : memref<128x1024xf32, #tpu.memory_space<hbm>>) dst(%dma_wait3A_804 : memref<128x1024xf32, #tpu.memory_space<vmem>>)
      %add3A_807 = arith.constant 1 : i32
      %add3A_808 = arith.addi %while3A_794, %add3A_807 : i32
      %lt3A = arith.cmpi slt, %add3A_808, %add3A : i32
      %convert_element_type3A = arith.extui %lt3A : i1 to i32
      %cond3A = arith.constant 0 : i32
      %cond3A_809 = arith.cmpi ne, %convert_element_type3A, %cond3A : i32
      scf.if %cond3A_809 {
        %add3A_863 = arith.constant 1 : i32
        %add3A_864 = arith.addi %while3A_794, %add3A_863 : i32
        %sub3A_865 = arith.constant 1 : i32
        %sub3A_866 = arith.subi %sub3A_865, %and3A_796 : i32
        %mul3A_867 = arith.constant 128 : i32
        %mul3A_868 = arith.muli %add3A_864, %mul3A_867 : i32
        %dma_start3A_869 = tpu.memref_slice %arg13[%sub3A_866] : memref<2x!tpu.dma_semaphore, #tpu.memory_space<semaphore_mem>> -> memref<1x!tpu.dma_semaphore, #tpu.memory_space<semaphore_mem>>
        %dma_start3A_870 = tpu.memref_squeeze %dma_start3A_869 : memref<1x!tpu.dma_semaphore, #tpu.memory_space<semaphore_mem>> -> memref<!tpu.dma_semaphore, #tpu.memory_space<semaphore_mem>>
        %dma_start3A_871 = arith.constant 0 : i32
        %dma_start3A_872 = arith.constant 0 : i32
        %dma_start3A_873 = tpu.memref_slice %arg10[%sub3A_866, %dma_start3A_871, %dma_start3A_872] : memref<2x128x1024xf32, #tpu.memory_space<vmem>> -> memref<1x128x1024xf32, #tpu.memory_space<vmem>>
        %dma_start3A_874 = tpu.memref_squeeze %dma_start3A_873 : memref<1x128x1024xf32, #tpu.memory_space<vmem>> -> memref<128x1024xf32, #tpu.memory_space<vmem>>
        %dma_start3A_875 = arith.constant 0 : i32
        %dma_start3A_876 = tpu.memref_slice %arg2[%mul3A_868, %dma_start3A_875] : memref<4992x1024xf32, #tpu.memory_space<hbm>> -> memref<128x1024xf32, #tpu.memory_space<hbm>>
        tpu.enqueue_dma source(%dma_start3A_876 : memref<128x1024xf32, #tpu.memory_space<hbm>>) target(%dma_start3A_874 : memref<128x1024xf32, #tpu.memory_space<vmem>>) target_semaphore(%dma_start3A_870 : memref<!tpu.dma_semaphore, #tpu.memory_space<semaphore_mem>>)
      } else {
      }
      %ge3A = arith.constant 2 : i32
      %ge3A_810 = arith.cmpi sge, %while3A_794, %ge3A : i32
      %convert_element_type3A_811 = arith.extui %ge3A_810 : i1 to i32
      %cond3A_812 = arith.constant 0 : i32
      %cond3A_813 = arith.cmpi ne, %convert_element_type3A_811, %cond3A_812 : i32
      scf.if %cond3A_813 {
        %sub3A_863 = arith.constant 2 : i32
        %sub3A_864 = arith.subi %while3A_794, %sub3A_863 : i32
        %mul3A_865 = arith.constant 128 : i32
        %mul3A_866 = arith.muli %sub3A_864, %mul3A_865 : i32
        %dma_wait3A_867 = tpu.memref_slice %arg14[%and3A_796] : memref<2x!tpu.dma_semaphore, #tpu.memory_space<semaphore_mem>> -> memref<1x!tpu.dma_semaphore, #tpu.memory_space<semaphore_mem>>
        %dma_wait3A_868 = tpu.memref_squeeze %dma_wait3A_867 : memref<1x!tpu.dma_semaphore, #tpu.memory_space<semaphore_mem>> -> memref<!tpu.dma_semaphore, #tpu.memory_space<semaphore_mem>>
        %dma_wait3A_869 = arith.constant 0 : i32
        %dma_wait3A_870 = tpu.memref_slice %arg6[%mul3A_866, %dma_wait3A_869] : memref<4992x1024xf32, #tpu.memory_space<hbm>> -> memref<128x1024xf32, #tpu.memory_space<hbm>>
        %dma_wait3A_871 = arith.constant 0 : i32
        %dma_wait3A_872 = arith.constant 0 : i32
        %dma_wait3A_873 = tpu.memref_slice %arg11[%and3A_796, %dma_wait3A_871, %dma_wait3A_872] : memref<2x128x1024xf32, #tpu.memory_space<vmem>> -> memref<1x128x1024xf32, #tpu.memory_space<vmem>>
        %dma_wait3A_874 = tpu.memref_squeeze %dma_wait3A_873 : memref<1x128x1024xf32, #tpu.memory_space<vmem>> -> memref<128x1024xf32, #tpu.memory_space<vmem>>
        tpu.wait_dma2 semaphore(%dma_wait3A_868 : memref<!tpu.dma_semaphore, #tpu.memory_space<semaphore_mem>>) src(%dma_wait3A_874 : memref<128x1024xf32, #tpu.memory_space<vmem>>) dst(%dma_wait3A_870 : memref<128x1024xf32, #tpu.memory_space<hbm>>)
      } else {
      }
      %get3A_814 = arith.index_cast %and3A_796 : i32 to index
      %get3A_815 = arith.constant 0 : index
      %get3A_816 = arith.constant 0 : index
      %get3A_817 = vector.load %arg10[%get3A_814, %get3A_815, %get3A_816] : memref<2x128x1024xf32, #tpu.memory_space<vmem>>, vector<1x128x1024xf32>
      %get3A_818 = vector.shape_cast %get3A_817 : vector<1x128x1024xf32> to vector<128x1024xf32>
      %get3A_819 = arith.constant 1 : index
      %get3A_820 = arith.constant 0 : index
      %get3A_821 = arith.constant 0 : index
      %get3A_822 = vector.load %arg7[%get3A_819, %get3A_820, %get3A_821] : memref<2x1024x768xf32, #tpu.memory_space<vmem>>, vector<1x1024x768xf32>
      %get3A_823 = vector.shape_cast %get3A_822 : vector<1x1024x768xf32> to vector<1024x768xf32>
      %dot_general3A = arith.constant dense<0.000000e+00> : vector<128x768xf32>
      %dot_general3A_824 = tpu.matmul %get3A_818, %get3A_823, %dot_general3A {dimension_numbers = #tpu.dot_dimension_numbers<[1], [0], [0], [1], [0, 0, 1, 1], [], []>, transpose_lhs_hint = false} : vector<128x1024xf32>, vector<1024x768xf32>, vector<128x768xf32> -> vector<128x768xf32>
      %get3A_825 = arith.constant 1 : index
      %get3A_826 = arith.constant 0 : index
      %get3A_827 = arith.constant 0 : index
      %get3A_828 = vector.load %arg8[%get3A_825, %get3A_826, %get3A_827] : memref<2x1024x768xf32, #tpu.memory_space<vmem>>, vector<1x1024x768xf32>
      %get3A_829 = vector.shape_cast %get3A_828 : vector<1x1024x768xf32> to vector<1024x768xf32>
      %dot_general3A_830 = arith.constant dense<0.000000e+00> : vector<128x768xf32>
      %dot_general3A_831 = tpu.matmul %get3A_818, %get3A_829, %dot_general3A_830 {dimension_numbers = #tpu.dot_dimension_numbers<[1], [0], [0], [1], [0, 0, 1, 1], [], []>, transpose_lhs_hint = false} : vector<128x1024xf32>, vector<1024x768xf32>, vector<128x768xf32> -> vector<128x768xf32>
      %neg3A = arith.constant 0.000000e+00 : f32
      %neg3A_832 = vector.broadcast %neg3A : f32 to vector<128x768xf32>
      %neg3A_833 = arith.subf %neg3A_832, %dot_general3A_824 : vector<128x768xf32>
      %exp3A = math.exp %neg3A_833 : vector<128x768xf32>
      %add3A_834 = arith.constant 1.000000e+00 : f32
      %add3A_835 = vector.broadcast %add3A_834 : f32 to vector<128x768xf32>
      %add3A_836 = arith.addf %add3A_835, %exp3A : vector<128x768xf32>
      %div3A = arith.constant 1.000000e+00 : f32
      %div3A_837 = vector.broadcast %div3A : f32 to vector<128x768xf32>
      %div3A_838 = arith.divf %div3A_837, %add3A_836 : vector<128x768xf32>
      %mul3A_839 = arith.mulf %dot_general3A_824, %div3A_838 : vector<128x768xf32>
      %mul3A_840 = arith.mulf %mul3A_839, %dot_general3A_831 : vector<128x768xf32>
      %get3A_841 = arith.constant 1 : index
      %get3A_842 = arith.constant 0 : index
      %get3A_843 = arith.constant 0 : index
      %get3A_844 = vector.load %arg9[%get3A_841, %get3A_842, %get3A_843] : memref<2x768x1024xf32, #tpu.memory_space<vmem>>, vector<1x768x1024xf32>
      %get3A_845 = vector.shape_cast %get3A_844 : vector<1x768x1024xf32> to vector<768x1024xf32>
      %dot_general3A_846 = arith.constant dense<0.000000e+00> : vector<128x1024xf32>
      %dot_general3A_847 = tpu.matmul %mul3A_840, %get3A_845, %dot_general3A_846 {dimension_numbers = #tpu.dot_dimension_numbers<[1], [0], [0], [1], [0, 0, 1, 1], [], []>, transpose_lhs_hint = false} : vector<128x768xf32>, vector<768x1024xf32>, vector<128x1024xf32> -> vector<128x1024xf32>
      %swap3A = arith.index_cast %and3A_796 : i32 to index
      %swap3A_848 = arith.constant 0 : index
      %swap3A_849 = arith.constant 0 : index
      %swap3A_850 = vector.load %arg11[%swap3A, %swap3A_848, %swap3A_849] : memref<2x128x1024xf32, #tpu.memory_space<vmem>>, vector<1x128x1024xf32>
      %swap3A_851 = vector.shape_cast %swap3A_850 : vector<1x128x1024xf32> to vector<128x1024xf32>
      %swap3A_852 = vector.shape_cast %dot_general3A_847 : vector<128x1024xf32> to vector<1x128x1024xf32>
      tpu.vector_store %arg11[%swap3A, %swap3A_848, %swap3A_849], %swap3A_852 {strides = array<i32>} : memref<2x128x1024xf32, #tpu.memory_space<vmem>>, vector<1x128x1024xf32>,
      %mul3A_853 = arith.constant 128 : i32
      %mul3A_854 = arith.muli %while3A_794, %mul3A_853 : i32
      %dma_start3A_855 = tpu.memref_slice %arg14[%and3A_796] : memref<2x!tpu.dma_semaphore, #tpu.memory_space<semaphore_mem>> -> memref<1x!tpu.dma_semaphore, #tpu.memory_space<semaphore_mem>>
      %dma_start3A_856 = tpu.memref_squeeze %dma_start3A_855 : memref<1x!tpu.dma_semaphore, #tpu.memory_space<semaphore_mem>> -> memref<!tpu.dma_semaphore, #tpu.memory_space<semaphore_mem>>
      %dma_start3A_857 = arith.constant 0 : i32
      %dma_start3A_858 = tpu.memref_slice %arg6[%mul3A_854, %dma_start3A_857] : memref<4992x1024xf32, #tpu.memory_space<hbm>> -> memref<128x1024xf32, #tpu.memory_space<hbm>>
      %dma_start3A_859 = arith.constant 0 : i32
      %dma_start3A_860 = arith.constant 0 : i32
      %dma_start3A_861 = tpu.memref_slice %arg11[%and3A_796, %dma_start3A_859, %dma_start3A_860] : memref<2x128x1024xf32, #tpu.memory_space<vmem>> -> memref<1x128x1024xf32, #tpu.memory_space<vmem>>
      %dma_start3A_862 = tpu.memref_squeeze %dma_start3A_861 : memref<1x128x1024xf32, #tpu.memory_space<vmem>> -> memref<128x1024xf32, #tpu.memory_space<vmem>>
      tpu.enqueue_dma source(%dma_start3A_862 : memref<128x1024xf32, #tpu.memory_space<vmem>>) target(%dma_start3A_858 : memref<128x1024xf32, #tpu.memory_space<hbm>>) target_semaphore(%dma_start3A_856 : memref<!tpu.dma_semaphore, #tpu.memory_space<semaphore_mem>>)
    }
    %while3A_239 = arith.constant 1 : i32
    scf.for %while3A_794 = %while3A_237 to %while3A_233 step %while3A_239  : i32 {
      %and3A_795 = arith.constant 1 : i32
      %and3A_796 = arith.andi %while3A_794, %and3A_795 : i32
      %mul3A_797 = arith.constant 128 : i32
      %mul3A_798 = arith.muli %while3A_794, %mul3A_797 : i32
      %dma_wait3A_799 = tpu.memref_slice %arg13[%and3A_796] : memref<2x!tpu.dma_semaphore, #tpu.memory_space<semaphore_mem>> -> memref<1x!tpu.dma_semaphore, #tpu.memory_space<semaphore_mem>>
      %dma_wait3A_800 = tpu.memref_squeeze %dma_wait3A_799 : memref<1x!tpu.dma_semaphore, #tpu.memory_space<semaphore_mem>> -> memref<!tpu.dma_semaphore, #tpu.memory_space<semaphore_mem>>
      %dma_wait3A_801 = arith.constant 0 : i32
      %dma_wait3A_802 = arith.constant 0 : i32
      %dma_wait3A_803 = tpu.memref_slice %arg10[%and3A_796, %dma_wait3A_801, %dma_wait3A_802] : memref<2x128x1024xf32, #tpu.memory_space<vmem>> -> memref<1x128x1024xf32, #tpu.memory_space<vmem>>
      %dma_wait3A_804 = tpu.memref_squeeze %dma_wait3A_803 : memref<1x128x1024xf32, #tpu.memory_space<vmem>> -> memref<128x1024xf32, #tpu.memory_space<vmem>>
      %dma_wait3A_805 = arith.constant 0 : i32
      %dma_wait3A_806 = tpu.memref_slice %arg2[%mul3A_798, %dma_wait3A_805] : memref<4992x1024xf32, #tpu.memory_space<hbm>> -> memref<128x1024xf32, #tpu.memory_space<hbm>>
      tpu.wait_dma2 semaphore(%dma_wait3A_800 : memref<!tpu.dma_semaphore, #tpu.memory_space<semaphore_mem>>) src(%dma_wait3A_806 : memref<128x1024xf32, #tpu.memory_space<hbm>>) dst(%dma_wait3A_804 : memref<128x1024xf32, #tpu.memory_space<vmem>>)
      %add3A_807 = arith.constant 1 : i32
      %add3A_808 = arith.addi %while3A_794, %add3A_807 : i32
      %lt3A = arith.cmpi slt, %add3A_808, %add3A : i32
      %convert_element_type3A = arith.extui %lt3A : i1 to i32
      %cond3A = arith.constant 0 : i32
      %cond3A_809 = arith.cmpi ne, %convert_element_type3A, %cond3A : i32
      scf.if %cond3A_809 {
        %add3A_863 = arith.constant 1 : i32
        %add3A_864 = arith.addi %while3A_794, %add3A_863 : i32
        %sub3A_865 = arith.constant 1 : i32
        %sub3A_866 = arith.subi %sub3A_865, %and3A_796 : i32
        %mul3A_867 = arith.constant 128 : i32
        %mul3A_868 = arith.muli %add3A_864, %mul3A_867 : i32
        %dma_start3A_869 = tpu.memref_slice %arg13[%sub3A_866] : memref<2x!tpu.dma_semaphore, #tpu.memory_space<semaphore_mem>> -> memref<1x!tpu.dma_semaphore, #tpu.memory_space<semaphore_mem>>
        %dma_start3A_870 = tpu.memref_squeeze %dma_start3A_869 : memref<1x!tpu.dma_semaphore, #tpu.memory_space<semaphore_mem>> -> memref<!tpu.dma_semaphore, #tpu.memory_space<semaphore_mem>>
        %dma_start3A_871 = arith.constant 0 : i32
        %dma_start3A_872 = arith.constant 0 : i32
        %dma_start3A_873 = tpu.memref_slice %arg10[%sub3A_866, %dma_start3A_871, %dma_start3A_872] : memref<2x128x1024xf32, #tpu.memory_space<vmem>> -> memref<1x128x1024xf32, #tpu.memory_space<vmem>>
        %dma_start3A_874 = tpu.memref_squeeze %dma_start3A_873 : memref<1x128x1024xf32, #tpu.memory_space<vmem>> -> memref<128x1024xf32, #tpu.memory_space<vmem>>
        %dma_start3A_875 = arith.constant 0 : i32
        %dma_start3A_876 = tpu.memref_slice %arg2[%mul3A_868, %dma_start3A_875] : memref<4992x1024xf32, #tpu.memory_space<hbm>> -> memref<128x1024xf32, #tpu.memory_space<hbm>>
        tpu.enqueue_dma source(%dma_start3A_876 : memref<128x1024xf32, #tpu.memory_space<hbm>>) target(%dma_start3A_874 : memref<128x1024xf32, #tpu.memory_space<vmem>>) target_semaphore(%dma_start3A_870 : memref<!tpu.dma_semaphore, #tpu.memory_space<semaphore_mem>>)
      } else {
      }
      %ge3A = arith.constant 2 : i32
      %ge3A_810 = arith.cmpi sge, %while3A_794, %ge3A : i32
      %convert_element_type3A_811 = arith.extui %ge3A_810 : i1 to i32
      %cond3A_812 = arith.constant 0 : i32
      %cond3A_813 = arith.cmpi ne, %convert_element_type3A_811, %cond3A_812 : i32
      scf.if %cond3A_813 {
        %sub3A_863 = arith.constant 2 : i32
        %sub3A_864 = arith.subi %while3A_794, %sub3A_863 : i32
        %mul3A_865 = arith.constant 128 : i32
        %mul3A_866 = arith.muli %sub3A_864, %mul3A_865 : i32
        %dma_wait3A_867 = tpu.memref_slice %arg14[%and3A_796] : memref<2x!tpu.dma_semaphore, #tpu.memory_space<semaphore_mem>> -> memref<1x!tpu.dma_semaphore, #tpu.memory_space<semaphore_mem>>
        %dma_wait3A_868 = tpu.memref_squeeze %dma_wait3A_867 : memref<1x!tpu.dma_semaphore, #tpu.memory_space<semaphore_mem>> -> memref<!tpu.dma_semaphore, #tpu.memory_space<semaphore_mem>>
        %dma_wait3A_869 = arith.constant 0 : i32
        %dma_wait3A_870 = tpu.memref_slice %arg6[%mul3A_866, %dma_wait3A_869] : memref<4992x1024xf32, #tpu.memory_space<hbm>> -> memref<128x1024xf32, #tpu.memory_space<hbm>>
        %dma_wait3A_871 = arith.constant 0 : i32
        %dma_wait3A_872 = arith.constant 0 : i32
        %dma_wait3A_873 = tpu.memref_slice %arg11[%and3A_796, %dma_wait3A_871, %dma_wait3A_872] : memref<2x128x1024xf32, #tpu.memory_space<vmem>> -> memref<1x128x1024xf32, #tpu.memory_space<vmem>>
        %dma_wait3A_874 = tpu.memref_squeeze %dma_wait3A_873 : memref<1x128x1024xf32, #tpu.memory_space<vmem>> -> memref<128x1024xf32, #tpu.memory_space<vmem>>
        tpu.wait_dma2 semaphore(%dma_wait3A_868 : memref<!tpu.dma_semaphore, #tpu.memory_space<semaphore_mem>>) src(%dma_wait3A_874 : memref<128x1024xf32, #tpu.memory_space<vmem>>) dst(%dma_wait3A_870 : memref<128x1024xf32, #tpu.memory_space<hbm>>)
      } else {
      }
      %get3A_814 = arith.index_cast %and3A_796 : i32 to index
      %get3A_815 = arith.constant 0 : index
      %get3A_816 = arith.constant 0 : index
      %get3A_817 = vector.load %arg10[%get3A_814, %get3A_815, %get3A_816] : memref<2x128x1024xf32, #tpu.memory_space<vmem>>, vector<1x128x1024xf32>
      %get3A_818 = vector.shape_cast %get3A_817 : vector<1x128x1024xf32> to vector<128x1024xf32>
      %get3A_819 = arith.constant 1 : index
      %get3A_820 = arith.constant 0 : index
      %get3A_821 = arith.constant 0 : index
      %get3A_822 = vector.load %arg7[%get3A_819, %get3A_820, %get3A_821] : memref<2x1024x768xf32, #tpu.memory_space<vmem>>, vector<1x1024x768xf32>
      %get3A_823 = vector.shape_cast %get3A_822 : vector<1x1024x768xf32> to vector<1024x768xf32>
      %dot_general3A = arith.constant dense<0.000000e+00> : vector<128x768xf32>
      %dot_general3A_824 = tpu.matmul %get3A_818, %get3A_823, %dot_general3A {dimension_numbers = #tpu.dot_dimension_numbers<[1], [0], [0], [1], [0, 0, 1, 1], [], []>, transpose_lhs_hint = false} : vector<128x1024xf32>, vector<1024x768xf32>, vector<128x768xf32> -> vector<128x768xf32>
      %get3A_825 = arith.constant 1 : index
      %get3A_826 = arith.constant 0 : index
      %get3A_827 = arith.constant 0 : index
      %get3A_828 = vector.load %arg8[%get3A_825, %get3A_826, %get3A_827] : memref<2x1024x768xf32, #tpu.memory_space<vmem>>, vector<1x1024x768xf32>
      %get3A_829 = vector.shape_cast %get3A_828 : vector<1x1024x768xf32> to vector<1024x768xf32>
      %dot_general3A_830 = arith.constant dense<0.000000e+00> : vector<128x768xf32>
      %dot_general3A_831 = tpu.matmul %get3A_818, %get3A_829, %dot_general3A_830 {dimension_numbers = #tpu.dot_dimension_numbers<[1], [0], [0], [1], [0, 0, 1, 1], [], []>, transpose_lhs_hint = false} : vector<128x1024xf32>, vector<1024x768xf32>, vector<128x768xf32> -> vector<128x768xf32>
      %neg3A = arith.constant 0.000000e+00 : f32
      %neg3A_832 = vector.broadcast %neg3A : f32 to vector<128x768xf32>
      %neg3A_833 = arith.subf %neg3A_832, %dot_general3A_824 : vector<128x768xf32>
      %exp3A = math.exp %neg3A_833 : vector<128x768xf32>
      %add3A_834 = arith.constant 1.000000e+00 : f32
      %add3A_835 = vector.broadcast %add3A_834 : f32 to vector<128x768xf32>
      %add3A_836 = arith.addf %add3A_835, %exp3A : vector<128x768xf32>
      %div3A = arith.constant 1.000000e+00 : f32
      %div3A_837 = vector.broadcast %div3A : f32 to vector<128x768xf32>
      %div3A_838 = arith.divf %div3A_837, %add3A_836 : vector<128x768xf32>
      %mul3A_839 = arith.mulf %dot_general3A_824, %div3A_838 : vector<128x768xf32>
      %mul3A_840 = arith.mulf %mul3A_839, %dot_general3A_831 : vector<128x768xf32>
      %get3A_841 = arith.constant 1 : index
      %get3A_842 = arith.constant 0 : index
      %get3A_843 = arith.constant 0 : index
      %get3A_844 = vector.load %arg9[%get3A_841, %get3A_842, %get3A_843] : memref<2x768x1024xf32, #tpu.memory_space<vmem>>, vector<1x768x1024xf32>
      %get3A_845 = vector.shape_cast %get3A_844 : vector<1x768x1024xf32> to vector<768x1024xf32>
      %dot_general3A_846 = arith.constant dense<0.000000e+00> : vector<128x1024xf32>
      %dot_general3A_847 = tpu.matmul %mul3A_840, %get3A_845, %dot_general3A_846 {dimension_numbers = #tpu.dot_dimension_numbers<[1], [0], [0], [1], [0, 0, 1, 1], [], []>, transpose_lhs_hint = false} : vector<128x768xf32>, vector<768x1024xf32>, vector<128x1024xf32> -> vector<128x1024xf32>
      %swap3A = arith.index_cast %and3A_796 : i32 to index
      %swap3A_848 = arith.constant 0 : index
      %swap3A_849 = arith.constant 0 : index
      %swap3A_850 = vector.load %arg11[%swap3A, %swap3A_848, %swap3A_849] : memref<2x128x1024xf32, #tpu.memory_space<vmem>>, vector<1x128x1024xf32>
      %swap3A_851 = vector.shape_cast %swap3A_850 : vector<1x128x1024xf32> to vector<128x1024xf32>
      %swap3A_852 = vector.shape_cast %dot_general3A_847 : vector<128x1024xf32> to vector<1x128x1024xf32>
      tpu.vector_store %arg11[%swap3A, %swap3A_848, %swap3A_849], %swap3A_852 {strides = array<i32>} : memref<2x128x1024xf32, #tpu.memory_space<vmem>>, vector<1x128x1024xf32>,
      %mul3A_853 = arith.constant 128 : i32
      %mul3A_854 = arith.muli %while3A_794, %mul3A_853 : i32
      %dma_start3A_855 = tpu.memref_slice %arg14[%and3A_796] : memref<2x!tpu.dma_semaphore, #tpu.memory_space<semaphore_mem>> -> memref<1x!tpu.dma_semaphore, #tpu.memory_space<semaphore_mem>>
      %dma_start3A_856 = tpu.memref_squeeze %dma_start3A_855 : memref<1x!tpu.dma_semaphore, #tpu.memory_space<semaphore_mem>> -> memref<!tpu.dma_semaphore, #tpu.memory_space<semaphore_mem>>
      %dma_start3A_857 = arith.constant 0 : i32
      %dma_start3A_858 = tpu.memref_slice %arg6[%mul3A_854, %dma_start3A_857] : memref<4992x1024xf32, #tpu.memory_space<hbm>> -> memref<128x1024xf32, #tpu.memory_space<hbm>>
      %dma_start3A_859 = arith.constant 0 : i32
      %dma_start3A_860 = arith.constant 0 : i32
      %dma_start3A_861 = tpu.memref_slice %arg11[%and3A_796, %dma_start3A_859, %dma_start3A_860] : memref<2x128x1024xf32, #tpu.memory_space<vmem>> -> memref<1x128x1024xf32, #tpu.memory_space<vmem>>
      %dma_start3A_862 = tpu.memref_squeeze %dma_start3A_861 : memref<1x128x1024xf32, #tpu.memory_space<vmem>> -> memref<128x1024xf32, #tpu.memory_space<vmem>>
      tpu.enqueue_dma source(%dma_start3A_862 : memref<128x1024xf32, #tpu.memory_space<vmem>>) target(%dma_start3A_858 : memref<128x1024xf32, #tpu.memory_space<hbm>>) target_semaphore(%dma_start3A_856 : memref<!tpu.dma_semaphore, #tpu.memory_space<semaphore_mem>>)
    }
    %dma_wait3A_240 = arith.constant 2 : i32
    %dma_wait3A_241 = arith.constant 0 : i32
    %dma_wait3A_242 = arith.constant 0 : i32
    %dma_wait3A_243 = tpu.memref_slice %arg12[%dma_wait3A_242] : memref<2x!tpu.dma_semaphore, #tpu.memory_space<semaphore_mem>> -> memref<1x!tpu.dma_semaphore, #tpu.memory_space<semaphore_mem>>
    %dma_wait3A_244 = tpu.memref_squeeze %dma_wait3A_243 : memref<1x!tpu.dma_semaphore, #tpu.memory_space<semaphore_mem>> -> memref<!tpu.dma_semaphore, #tpu.memory_space<semaphore_mem>>
    %dma_wait3A_245 = arith.constant 0 : i32
    %dma_wait3A_246 = arith.constant 0 : i32
    %dma_wait3A_247 = tpu.memref_slice %arg7[%dma_wait3A_241, %dma_wait3A_245, %dma_wait3A_246] : memref<2x1024x768xf32, #tpu.memory_space<vmem>> -> memref<1x1024x768xf32, #tpu.memory_space<vmem>>
    %dma_wait3A_248 = tpu.memref_squeeze %dma_wait3A_247 : memref<1x1024x768xf32, #tpu.memory_space<vmem>> -> memref<1024x768xf32, #tpu.memory_space<vmem>>
    %dma_wait3A_249 = arith.constant 0 : i32
    %dma_wait3A_250 = arith.constant 0 : i32
    %dma_wait3A_251 = tpu.memref_slice %arg3[%dma_wait3A_240, %dma_wait3A_249, %dma_wait3A_250] : memref<8x1024x768xf32, #tpu.memory_space<hbm>> -> memref<1x1024x768xf32, #tpu.memory_space<hbm>>
    %dma_wait3A_252 = tpu.memref_squeeze %dma_wait3A_251 : memref<1x1024x768xf32, #tpu.memory_space<hbm>> -> memref<1024x768xf32, #tpu.memory_space<hbm>>
    tpu.wait_dma2 semaphore(%dma_wait3A_244 : memref<!tpu.dma_semaphore, #tpu.memory_space<semaphore_mem>>) src(%dma_wait3A_252 : memref<1024x768xf32, #tpu.memory_space<hbm>>) dst(%dma_wait3A_248 : memref<1024x768xf32, #tpu.memory_space<vmem>>)
    %dma_wait3A_253 = arith.constant 2 : i32
    %dma_wait3A_254 = arith.constant 0 : i32
    %dma_wait3A_255 = arith.constant 0 : i32
    %dma_wait3A_256 = tpu.memref_slice %arg12[%dma_wait3A_255] : memref<2x!tpu.dma_semaphore, #tpu.memory_space<semaphore_mem>> -> memref<1x!tpu.dma_semaphore, #tpu.memory_space<semaphore_mem>>
    %dma_wait3A_257 = tpu.memref_squeeze %dma_wait3A_256 : memref<1x!tpu.dma_semaphore, #tpu.memory_space<semaphore_mem>> -> memref<!tpu.dma_semaphore, #tpu.memory_space<semaphore_mem>>
    %dma_wait3A_258 = arith.constant 0 : i32
    %dma_wait3A_259 = arith.constant 0 : i32
    %dma_wait3A_260 = tpu.memref_slice %arg8[%dma_wait3A_254, %dma_wait3A_258, %dma_wait3A_259] : memref<2x1024x768xf32, #tpu.memory_space<vmem>> -> memref<1x1024x768xf32, #tpu.memory_space<vmem>>
    %dma_wait3A_261 = tpu.memref_squeeze %dma_wait3A_260 : memref<1x1024x768xf32, #tpu.memory_space<vmem>> -> memref<1024x768xf32, #tpu.memory_space<vmem>>
    %dma_wait3A_262 = arith.constant 0 : i32
    %dma_wait3A_263 = arith.constant 0 : i32
    %dma_wait3A_264 = tpu.memref_slice %arg4[%dma_wait3A_253, %dma_wait3A_262, %dma_wait3A_263] : memref<8x1024x768xf32, #tpu.memory_space<hbm>> -> memref<1x1024x768xf32, #tpu.memory_space<hbm>>
    %dma_wait3A_265 = tpu.memref_squeeze %dma_wait3A_264 : memref<1x1024x768xf32, #tpu.memory_space<hbm>> -> memref<1024x768xf32, #tpu.memory_space<hbm>>
    tpu.wait_dma2 semaphore(%dma_wait3A_257 : memref<!tpu.dma_semaphore, #tpu.memory_space<semaphore_mem>>) src(%dma_wait3A_265 : memref<1024x768xf32, #tpu.memory_space<hbm>>) dst(%dma_wait3A_261 : memref<1024x768xf32, #tpu.memory_space<vmem>>)
    %dma_wait3A_266 = arith.constant 2 : i32
    %dma_wait3A_267 = arith.constant 0 : i32
    %dma_wait3A_268 = arith.constant 0 : i32
    %dma_wait3A_269 = tpu.memref_slice %arg12[%dma_wait3A_268] : memref<2x!tpu.dma_semaphore, #tpu.memory_space<semaphore_mem>> -> memref<1x!tpu.dma_semaphore, #tpu.memory_space<semaphore_mem>>
    %dma_wait3A_270 = tpu.memref_squeeze %dma_wait3A_269 : memref<1x!tpu.dma_semaphore, #tpu.memory_space<semaphore_mem>> -> memref<!tpu.dma_semaphore, #tpu.memory_space<semaphore_mem>>
    %dma_wait3A_271 = arith.constant 0 : i32
    %dma_wait3A_272 = arith.constant 0 : i32
    %dma_wait3A_273 = tpu.memref_slice %arg9[%dma_wait3A_267, %dma_wait3A_271, %dma_wait3A_272] : memref<2x768x1024xf32, #tpu.memory_space<vmem>> -> memref<1x768x1024xf32, #tpu.memory_space<vmem>>
    %dma_wait3A_274 = tpu.memref_squeeze %dma_wait3A_273 : memref<1x768x1024xf32, #tpu.memory_space<vmem>> -> memref<768x1024xf32, #tpu.memory_space<vmem>>
    %dma_wait3A_275 = arith.constant 0 : i32
    %dma_wait3A_276 = arith.constant 0 : i32
    %dma_wait3A_277 = tpu.memref_slice %arg5[%dma_wait3A_266, %dma_wait3A_275, %dma_wait3A_276] : memref<8x768x1024xf32, #tpu.memory_space<hbm>> -> memref<1x768x1024xf32, #tpu.memory_space<hbm>>
    %dma_wait3A_278 = tpu.memref_squeeze %dma_wait3A_277 : memref<1x768x1024xf32, #tpu.memory_space<hbm>> -> memref<768x1024xf32, #tpu.memory_space<hbm>>
    tpu.wait_dma2 semaphore(%dma_wait3A_270 : memref<!tpu.dma_semaphore, #tpu.memory_space<semaphore_mem>>) src(%dma_wait3A_278 : memref<768x1024xf32, #tpu.memory_space<hbm>>) dst(%dma_wait3A_274 : memref<768x1024xf32, #tpu.memory_space<vmem>>)
    %dma_start3A_279 = arith.constant 3 : i32
    %dma_start3A_280 = arith.constant 1 : i32
    %dma_start3A_281 = arith.constant 1 : i32
    %dma_start3A_282 = tpu.memref_slice %arg12[%dma_start3A_281] : memref<2x!tpu.dma_semaphore, #tpu.memory_space<semaphore_mem>> -> memref<1x!tpu.dma_semaphore, #tpu.memory_space<semaphore_mem>>
    %dma_start3A_283 = tpu.memref_squeeze %dma_start3A_282 : memref<1x!tpu.dma_semaphore, #tpu.memory_space<semaphore_mem>> -> memref<!tpu.dma_semaphore, #tpu.memory_space<semaphore_mem>>
    %dma_start3A_284 = arith.constant 0 : i32
    %dma_start3A_285 = arith.constant 0 : i32
    %dma_start3A_286 = tpu.memref_slice %arg7[%dma_start3A_280, %dma_start3A_284, %dma_start3A_285] : memref<2x1024x768xf32, #tpu.memory_space<vmem>> -> memref<1x1024x768xf32, #tpu.memory_space<vmem>>
    %dma_start3A_287 = tpu.memref_squeeze %dma_start3A_286 : memref<1x1024x768xf32, #tpu.memory_space<vmem>> -> memref<1024x768xf32, #tpu.memory_space<vmem>>
    %dma_start3A_288 = arith.constant 0 : i32
    %dma_start3A_289 = arith.constant 0 : i32
    %dma_start3A_290 = tpu.memref_slice %arg3[%dma_start3A_279, %dma_start3A_288, %dma_start3A_289] : memref<8x1024x768xf32, #tpu.memory_space<hbm>> -> memref<1x1024x768xf32, #tpu.memory_space<hbm>>
    %dma_start3A_291 = tpu.memref_squeeze %dma_start3A_290 : memref<1x1024x768xf32, #tpu.memory_space<hbm>> -> memref<1024x768xf32, #tpu.memory_space<hbm>>
    tpu.enqueue_dma source(%dma_start3A_291 : memref<1024x768xf32, #tpu.memory_space<hbm>>) target(%dma_start3A_287 : memref<1024x768xf32, #tpu.memory_space<vmem>>) target_semaphore(%dma_start3A_283 : memref<!tpu.dma_semaphore, #tpu.memory_space<semaphore_mem>>)
    %dma_start3A_292 = arith.constant 3 : i32
    %dma_start3A_293 = arith.constant 1 : i32
    %dma_start3A_294 = arith.constant 1 : i32
    %dma_start3A_295 = tpu.memref_slice %arg12[%dma_start3A_294] : memref<2x!tpu.dma_semaphore, #tpu.memory_space<semaphore_mem>> -> memref<1x!tpu.dma_semaphore, #tpu.memory_space<semaphore_mem>>
    %dma_start3A_296 = tpu.memref_squeeze %dma_start3A_295 : memref<1x!tpu.dma_semaphore, #tpu.memory_space<semaphore_mem>> -> memref<!tpu.dma_semaphore, #tpu.memory_space<semaphore_mem>>
    %dma_start3A_297 = arith.constant 0 : i32
    %dma_start3A_298 = arith.constant 0 : i32
    %dma_start3A_299 = tpu.memref_slice %arg8[%dma_start3A_293, %dma_start3A_297, %dma_start3A_298] : memref<2x1024x768xf32, #tpu.memory_space<vmem>> -> memref<1x1024x768xf32, #tpu.memory_space<vmem>>
    %dma_start3A_300 = tpu.memref_squeeze %dma_start3A_299 : memref<1x1024x768xf32, #tpu.memory_space<vmem>> -> memref<1024x768xf32, #tpu.memory_space<vmem>>
    %dma_start3A_301 = arith.constant 0 : i32
    %dma_start3A_302 = arith.constant 0 : i32
    %dma_start3A_303 = tpu.memref_slice %arg4[%dma_start3A_292, %dma_start3A_301, %dma_start3A_302] : memref<8x1024x768xf32, #tpu.memory_space<hbm>> -> memref<1x1024x768xf32, #tpu.memory_space<hbm>>
    %dma_start3A_304 = tpu.memref_squeeze %dma_start3A_303 : memref<1x1024x768xf32, #tpu.memory_space<hbm>> -> memref<1024x768xf32, #tpu.memory_space<hbm>>
    tpu.enqueue_dma source(%dma_start3A_304 : memref<1024x768xf32, #tpu.memory_space<hbm>>) target(%dma_start3A_300 : memref<1024x768xf32, #tpu.memory_space<vmem>>) target_semaphore(%dma_start3A_296 : memref<!tpu.dma_semaphore, #tpu.memory_space<semaphore_mem>>)
    %dma_start3A_305 = arith.constant 3 : i32
    %dma_start3A_306 = arith.constant 1 : i32
    %dma_start3A_307 = arith.constant 1 : i32
    %dma_start3A_308 = tpu.memref_slice %arg12[%dma_start3A_307] : memref<2x!tpu.dma_semaphore, #tpu.memory_space<semaphore_mem>> -> memref<1x!tpu.dma_semaphore, #tpu.memory_space<semaphore_mem>>
    %dma_start3A_309 = tpu.memref_squeeze %dma_start3A_308 : memref<1x!tpu.dma_semaphore, #tpu.memory_space<semaphore_mem>> -> memref<!tpu.dma_semaphore, #tpu.memory_space<semaphore_mem>>
    %dma_start3A_310 = arith.constant 0 : i32
    %dma_start3A_311 = arith.constant 0 : i32
    %dma_start3A_312 = tpu.memref_slice %arg9[%dma_start3A_306, %dma_start3A_310, %dma_start3A_311] : memref<2x768x1024xf32, #tpu.memory_space<vmem>> -> memref<1x768x1024xf32, #tpu.memory_space<vmem>>
    %dma_start3A_313 = tpu.memref_squeeze %dma_start3A_312 : memref<1x768x1024xf32, #tpu.memory_space<vmem>> -> memref<768x1024xf32, #tpu.memory_space<vmem>>
    %dma_start3A_314 = arith.constant 0 : i32
    %dma_start3A_315 = arith.constant 0 : i32
    %dma_start3A_316 = tpu.memref_slice %arg5[%dma_start3A_305, %dma_start3A_314, %dma_start3A_315] : memref<8x768x1024xf32, #tpu.memory_space<hbm>> -> memref<1x768x1024xf32, #tpu.memory_space<hbm>>
    %dma_start3A_317 = tpu.memref_squeeze %dma_start3A_316 : memref<1x768x1024xf32, #tpu.memory_space<hbm>> -> memref<768x1024xf32, #tpu.memory_space<hbm>>
    tpu.enqueue_dma source(%dma_start3A_317 : memref<768x1024xf32, #tpu.memory_space<hbm>>) target(%dma_start3A_313 : memref<768x1024xf32, #tpu.memory_space<vmem>>) target_semaphore(%dma_start3A_309 : memref<!tpu.dma_semaphore, #tpu.memory_space<semaphore_mem>>)
    %get3A_318 = arith.constant 2 : index
    %get3A_319 = arith.constant 0 : index
    %get3A_320 = memref.load %arg0[%get3A_318, %get3A_319] : memref<8x1xi32, #tpu.memory_space<smem>>
    %get3A_321 = arith.constant 2 : index
    %get3A_322 = arith.constant 0 : index
    %get3A_323 = memref.load %arg1[%get3A_321, %get3A_322] : memref<8x1xi32, #tpu.memory_space<smem>>
    %add3A_324 = arith.addi %get3A_320, %get3A_323 : i32
    %while3A_325 = arith.constant 0 : i32
    %while3A_326 = arith.subi %add3A_324, %get3A_320 : i32
    %while3A_327 = arith.addi %get3A_320, %while3A_326 : i32
    %while3A_328 = arith.constant 1 : i32
    %while3A_329 = arith.divsi %while3A_326, %while3A_328 : i32
    %while3A_330 = arith.muli %while3A_329, %while3A_328 : i32
    %while3A_331 = arith.addi %get3A_320, %while3A_330 : i32
    %while3A_332 = arith.constant 1 : i32
    scf.for %while3A_794 = %get3A_320 to %while3A_331 step %while3A_332  : i32 {
      %and3A_795 = arith.constant 1 : i32
      %and3A_796 = arith.andi %while3A_794, %and3A_795 : i32
      %mul3A_797 = arith.constant 128 : i32
      %mul3A_798 = arith.muli %while3A_794, %mul3A_797 : i32
      %dma_wait3A_799 = tpu.memref_slice %arg13[%and3A_796] : memref<2x!tpu.dma_semaphore, #tpu.memory_space<semaphore_mem>> -> memref<1x!tpu.dma_semaphore, #tpu.memory_space<semaphore_mem>>
      %dma_wait3A_800 = tpu.memref_squeeze %dma_wait3A_799 : memref<1x!tpu.dma_semaphore, #tpu.memory_space<semaphore_mem>> -> memref<!tpu.dma_semaphore, #tpu.memory_space<semaphore_mem>>
      %dma_wait3A_801 = arith.constant 0 : i32
      %dma_wait3A_802 = arith.constant 0 : i32
      %dma_wait3A_803 = tpu.memref_slice %arg10[%and3A_796, %dma_wait3A_801, %dma_wait3A_802] : memref<2x128x1024xf32, #tpu.memory_space<vmem>> -> memref<1x128x1024xf32, #tpu.memory_space<vmem>>
      %dma_wait3A_804 = tpu.memref_squeeze %dma_wait3A_803 : memref<1x128x1024xf32, #tpu.memory_space<vmem>> -> memref<128x1024xf32, #tpu.memory_space<vmem>>
      %dma_wait3A_805 = arith.constant 0 : i32
      %dma_wait3A_806 = tpu.memref_slice %arg2[%mul3A_798, %dma_wait3A_805] : memref<4992x1024xf32, #tpu.memory_space<hbm>> -> memref<128x1024xf32, #tpu.memory_space<hbm>>
      tpu.wait_dma2 semaphore(%dma_wait3A_800 : memref<!tpu.dma_semaphore, #tpu.memory_space<semaphore_mem>>) src(%dma_wait3A_806 : memref<128x1024xf32, #tpu.memory_space<hbm>>) dst(%dma_wait3A_804 : memref<128x1024xf32, #tpu.memory_space<vmem>>)
      %add3A_807 = arith.constant 1 : i32
      %add3A_808 = arith.addi %while3A_794, %add3A_807 : i32
      %lt3A = arith.cmpi slt, %add3A_808, %add3A : i32
      %convert_element_type3A = arith.extui %lt3A : i1 to i32
      %cond3A = arith.constant 0 : i32
      %cond3A_809 = arith.cmpi ne, %convert_element_type3A, %cond3A : i32
      scf.if %cond3A_809 {
        %add3A_863 = arith.constant 1 : i32
        %add3A_864 = arith.addi %while3A_794, %add3A_863 : i32
        %sub3A_865 = arith.constant 1 : i32
        %sub3A_866 = arith.subi %sub3A_865, %and3A_796 : i32
        %mul3A_867 = arith.constant 128 : i32
        %mul3A_868 = arith.muli %add3A_864, %mul3A_867 : i32
        %dma_start3A_869 = tpu.memref_slice %arg13[%sub3A_866] : memref<2x!tpu.dma_semaphore, #tpu.memory_space<semaphore_mem>> -> memref<1x!tpu.dma_semaphore, #tpu.memory_space<semaphore_mem>>
        %dma_start3A_870 = tpu.memref_squeeze %dma_start3A_869 : memref<1x!tpu.dma_semaphore, #tpu.memory_space<semaphore_mem>> -> memref<!tpu.dma_semaphore, #tpu.memory_space<semaphore_mem>>
        %dma_start3A_871 = arith.constant 0 : i32
        %dma_start3A_872 = arith.constant 0 : i32
        %dma_start3A_873 = tpu.memref_slice %arg10[%sub3A_866, %dma_start3A_871, %dma_start3A_872] : memref<2x128x1024xf32, #tpu.memory_space<vmem>> -> memref<1x128x1024xf32, #tpu.memory_space<vmem>>
        %dma_start3A_874 = tpu.memref_squeeze %dma_start3A_873 : memref<1x128x1024xf32, #tpu.memory_space<vmem>> -> memref<128x1024xf32, #tpu.memory_space<vmem>>
        %dma_start3A_875 = arith.constant 0 : i32
        %dma_start3A_876 = tpu.memref_slice %arg2[%mul3A_868, %dma_start3A_875] : memref<4992x1024xf32, #tpu.memory_space<hbm>> -> memref<128x1024xf32, #tpu.memory_space<hbm>>
        tpu.enqueue_dma source(%dma_start3A_876 : memref<128x1024xf32, #tpu.memory_space<hbm>>) target(%dma_start3A_874 : memref<128x1024xf32, #tpu.memory_space<vmem>>) target_semaphore(%dma_start3A_870 : memref<!tpu.dma_semaphore, #tpu.memory_space<semaphore_mem>>)
      } else {
      }
      %ge3A = arith.constant 2 : i32
      %ge3A_810 = arith.cmpi sge, %while3A_794, %ge3A : i32
      %convert_element_type3A_811 = arith.extui %ge3A_810 : i1 to i32
      %cond3A_812 = arith.constant 0 : i32
      %cond3A_813 = arith.cmpi ne, %convert_element_type3A_811, %cond3A_812 : i32
      scf.if %cond3A_813 {
        %sub3A_863 = arith.constant 2 : i32
        %sub3A_864 = arith.subi %while3A_794, %sub3A_863 : i32
        %mul3A_865 = arith.constant 128 : i32
        %mul3A_866 = arith.muli %sub3A_864, %mul3A_865 : i32
        %dma_wait3A_867 = tpu.memref_slice %arg14[%and3A_796] : memref<2x!tpu.dma_semaphore, #tpu.memory_space<semaphore_mem>> -> memref<1x!tpu.dma_semaphore, #tpu.memory_space<semaphore_mem>>
        %dma_wait3A_868 = tpu.memref_squeeze %dma_wait3A_867 : memref<1x!tpu.dma_semaphore, #tpu.memory_space<semaphore_mem>> -> memref<!tpu.dma_semaphore, #tpu.memory_space<semaphore_mem>>
        %dma_wait3A_869 = arith.constant 0 : i32
        %dma_wait3A_870 = tpu.memref_slice %arg6[%mul3A_866, %dma_wait3A_869] : memref<4992x1024xf32, #tpu.memory_space<hbm>> -> memref<128x1024xf32, #tpu.memory_space<hbm>>
        %dma_wait3A_871 = arith.constant 0 : i32
        %dma_wait3A_872 = arith.constant 0 : i32
        %dma_wait3A_873 = tpu.memref_slice %arg11[%and3A_796, %dma_wait3A_871, %dma_wait3A_872] : memref<2x128x1024xf32, #tpu.memory_space<vmem>> -> memref<1x128x1024xf32, #tpu.memory_space<vmem>>
        %dma_wait3A_874 = tpu.memref_squeeze %dma_wait3A_873 : memref<1x128x1024xf32, #tpu.memory_space<vmem>> -> memref<128x1024xf32, #tpu.memory_space<vmem>>
        tpu.wait_dma2 semaphore(%dma_wait3A_868 : memref<!tpu.dma_semaphore, #tpu.memory_space<semaphore_mem>>) src(%dma_wait3A_874 : memref<128x1024xf32, #tpu.memory_space<vmem>>) dst(%dma_wait3A_870 : memref<128x1024xf32, #tpu.memory_space<hbm>>)
      } else {
      }
      %get3A_814 = arith.index_cast %and3A_796 : i32 to index
      %get3A_815 = arith.constant 0 : index
      %get3A_816 = arith.constant 0 : index
      %get3A_817 = vector.load %arg10[%get3A_814, %get3A_815, %get3A_816] : memref<2x128x1024xf32, #tpu.memory_space<vmem>>, vector<1x128x1024xf32>
      %get3A_818 = vector.shape_cast %get3A_817 : vector<1x128x1024xf32> to vector<128x1024xf32>
      %get3A_819 = arith.constant 0 : index
      %get3A_820 = arith.constant 0 : index
      %get3A_821 = arith.constant 0 : index
      %get3A_822 = vector.load %arg7[%get3A_819, %get3A_820, %get3A_821] : memref<2x1024x768xf32, #tpu.memory_space<vmem>>, vector<1x1024x768xf32>
      %get3A_823 = vector.shape_cast %get3A_822 : vector<1x1024x768xf32> to vector<1024x768xf32>
      %dot_general3A = arith.constant dense<0.000000e+00> : vector<128x768xf32>
      %dot_general3A_824 = tpu.matmul %get3A_818, %get3A_823, %dot_general3A {dimension_numbers = #tpu.dot_dimension_numbers<[1], [0], [0], [1], [0, 0, 1, 1], [], []>, transpose_lhs_hint = false} : vector<128x1024xf32>, vector<1024x768xf32>, vector<128x768xf32> -> vector<128x768xf32>
      %get3A_825 = arith.constant 0 : index
      %get3A_826 = arith.constant 0 : index
      %get3A_827 = arith.constant 0 : index
      %get3A_828 = vector.load %arg8[%get3A_825, %get3A_826, %get3A_827] : memref<2x1024x768xf32, #tpu.memory_space<vmem>>, vector<1x1024x768xf32>
      %get3A_829 = vector.shape_cast %get3A_828 : vector<1x1024x768xf32> to vector<1024x768xf32>
      %dot_general3A_830 = arith.constant dense<0.000000e+00> : vector<128x768xf32>
      %dot_general3A_831 = tpu.matmul %get3A_818, %get3A_829, %dot_general3A_830 {dimension_numbers = #tpu.dot_dimension_numbers<[1], [0], [0], [1], [0, 0, 1, 1], [], []>, transpose_lhs_hint = false} : vector<128x1024xf32>, vector<1024x768xf32>, vector<128x768xf32> -> vector<128x768xf32>
      %neg3A = arith.constant 0.000000e+00 : f32
      %neg3A_832 = vector.broadcast %neg3A : f32 to vector<128x768xf32>
      %neg3A_833 = arith.subf %neg3A_832, %dot_general3A_824 : vector<128x768xf32>
      %exp3A = math.exp %neg3A_833 : vector<128x768xf32>
      %add3A_834 = arith.constant 1.000000e+00 : f32
      %add3A_835 = vector.broadcast %add3A_834 : f32 to vector<128x768xf32>
      %add3A_836 = arith.addf %add3A_835, %exp3A : vector<128x768xf32>
      %div3A = arith.constant 1.000000e+00 : f32
      %div3A_837 = vector.broadcast %div3A : f32 to vector<128x768xf32>
      %div3A_838 = arith.divf %div3A_837, %add3A_836 : vector<128x768xf32>
      %mul3A_839 = arith.mulf %dot_general3A_824, %div3A_838 : vector<128x768xf32>
      %mul3A_840 = arith.mulf %mul3A_839, %dot_general3A_831 : vector<128x768xf32>
      %get3A_841 = arith.constant 0 : index
      %get3A_842 = arith.constant 0 : index
      %get3A_843 = arith.constant 0 : index
      %get3A_844 = vector.load %arg9[%get3A_841, %get3A_842, %get3A_843] : memref<2x768x1024xf32, #tpu.memory_space<vmem>>, vector<1x768x1024xf32>
      %get3A_845 = vector.shape_cast %get3A_844 : vector<1x768x1024xf32> to vector<768x1024xf32>
      %dot_general3A_846 = arith.constant dense<0.000000e+00> : vector<128x1024xf32>
      %dot_general3A_847 = tpu.matmul %mul3A_840, %get3A_845, %dot_general3A_846 {dimension_numbers = #tpu.dot_dimension_numbers<[1], [0], [0], [1], [0, 0, 1, 1], [], []>, transpose_lhs_hint = false} : vector<128x768xf32>, vector<768x1024xf32>, vector<128x1024xf32> -> vector<128x1024xf32>
      %swap3A = arith.index_cast %and3A_796 : i32 to index
      %swap3A_848 = arith.constant 0 : index
      %swap3A_849 = arith.constant 0 : index
      %swap3A_850 = vector.load %arg11[%swap3A, %swap3A_848, %swap3A_849] : memref<2x128x1024xf32, #tpu.memory_space<vmem>>, vector<1x128x1024xf32>
      %swap3A_851 = vector.shape_cast %swap3A_850 : vector<1x128x1024xf32> to vector<128x1024xf32>
      %swap3A_852 = vector.shape_cast %dot_general3A_847 : vector<128x1024xf32> to vector<1x128x1024xf32>
      tpu.vector_store %arg11[%swap3A, %swap3A_848, %swap3A_849], %swap3A_852 {strides = array<i32>} : memref<2x128x1024xf32, #tpu.memory_space<vmem>>, vector<1x128x1024xf32>,
      %mul3A_853 = arith.constant 128 : i32
      %mul3A_854 = arith.muli %while3A_794, %mul3A_853 : i32
      %dma_start3A_855 = tpu.memref_slice %arg14[%and3A_796] : memref<2x!tpu.dma_semaphore, #tpu.memory_space<semaphore_mem>> -> memref<1x!tpu.dma_semaphore, #tpu.memory_space<semaphore_mem>>
      %dma_start3A_856 = tpu.memref_squeeze %dma_start3A_855 : memref<1x!tpu.dma_semaphore, #tpu.memory_space<semaphore_mem>> -> memref<!tpu.dma_semaphore, #tpu.memory_space<semaphore_mem>>
      %dma_start3A_857 = arith.constant 0 : i32
      %dma_start3A_858 = tpu.memref_slice %arg6[%mul3A_854, %dma_start3A_857] : memref<4992x1024xf32, #tpu.memory_space<hbm>> -> memref<128x1024xf32, #tpu.memory_space<hbm>>
      %dma_start3A_859 = arith.constant 0 : i32
      %dma_start3A_860 = arith.constant 0 : i32
      %dma_start3A_861 = tpu.memref_slice %arg11[%and3A_796, %dma_start3A_859, %dma_start3A_860] : memref<2x128x1024xf32, #tpu.memory_space<vmem>> -> memref<1x128x1024xf32, #tpu.memory_space<vmem>>
      %dma_start3A_862 = tpu.memref_squeeze %dma_start3A_861 : memref<1x128x1024xf32, #tpu.memory_space<vmem>> -> memref<128x1024xf32, #tpu.memory_space<vmem>>
      tpu.enqueue_dma source(%dma_start3A_862 : memref<128x1024xf32, #tpu.memory_space<vmem>>) target(%dma_start3A_858 : memref<128x1024xf32, #tpu.memory_space<hbm>>) target_semaphore(%dma_start3A_856 : memref<!tpu.dma_semaphore, #tpu.memory_space<semaphore_mem>>)
    }
    %while3A_333 = arith.constant 1 : i32
    scf.for %while3A_794 = %while3A_331 to %while3A_327 step %while3A_333  : i32 {
      %and3A_795 = arith.constant 1 : i32
      %and3A_796 = arith.andi %while3A_794, %and3A_795 : i32
      %mul3A_797 = arith.constant 128 : i32
      %mul3A_798 = arith.muli %while3A_794, %mul3A_797 : i32
      %dma_wait3A_799 = tpu.memref_slice %arg13[%and3A_796] : memref<2x!tpu.dma_semaphore, #tpu.memory_space<semaphore_mem>> -> memref<1x!tpu.dma_semaphore, #tpu.memory_space<semaphore_mem>>
      %dma_wait3A_800 = tpu.memref_squeeze %dma_wait3A_799 : memref<1x!tpu.dma_semaphore, #tpu.memory_space<semaphore_mem>> -> memref<!tpu.dma_semaphore, #tpu.memory_space<semaphore_mem>>
      %dma_wait3A_801 = arith.constant 0 : i32
      %dma_wait3A_802 = arith.constant 0 : i32
      %dma_wait3A_803 = tpu.memref_slice %arg10[%and3A_796, %dma_wait3A_801, %dma_wait3A_802] : memref<2x128x1024xf32, #tpu.memory_space<vmem>> -> memref<1x128x1024xf32, #tpu.memory_space<vmem>>
      %dma_wait3A_804 = tpu.memref_squeeze %dma_wait3A_803 : memref<1x128x1024xf32, #tpu.memory_space<vmem>> -> memref<128x1024xf32, #tpu.memory_space<vmem>>
      %dma_wait3A_805 = arith.constant 0 : i32
      %dma_wait3A_806 = tpu.memref_slice %arg2[%mul3A_798, %dma_wait3A_805] : memref<4992x1024xf32, #tpu.memory_space<hbm>> -> memref<128x1024xf32, #tpu.memory_space<hbm>>
      tpu.wait_dma2 semaphore(%dma_wait3A_800 : memref<!tpu.dma_semaphore, #tpu.memory_space<semaphore_mem>>) src(%dma_wait3A_806 : memref<128x1024xf32, #tpu.memory_space<hbm>>) dst(%dma_wait3A_804 : memref<128x1024xf32, #tpu.memory_space<vmem>>)
      %add3A_807 = arith.constant 1 : i32
      %add3A_808 = arith.addi %while3A_794, %add3A_807 : i32
      %lt3A = arith.cmpi slt, %add3A_808, %add3A : i32
      %convert_element_type3A = arith.extui %lt3A : i1 to i32
      %cond3A = arith.constant 0 : i32
      %cond3A_809 = arith.cmpi ne, %convert_element_type3A, %cond3A : i32
      scf.if %cond3A_809 {
        %add3A_863 = arith.constant 1 : i32
        %add3A_864 = arith.addi %while3A_794, %add3A_863 : i32
        %sub3A_865 = arith.constant 1 : i32
        %sub3A_866 = arith.subi %sub3A_865, %and3A_796 : i32
        %mul3A_867 = arith.constant 128 : i32
        %mul3A_868 = arith.muli %add3A_864, %mul3A_867 : i32
        %dma_start3A_869 = tpu.memref_slice %arg13[%sub3A_866] : memref<2x!tpu.dma_semaphore, #tpu.memory_space<semaphore_mem>> -> memref<1x!tpu.dma_semaphore, #tpu.memory_space<semaphore_mem>>
        %dma_start3A_870 = tpu.memref_squeeze %dma_start3A_869 : memref<1x!tpu.dma_semaphore, #tpu.memory_space<semaphore_mem>> -> memref<!tpu.dma_semaphore, #tpu.memory_space<semaphore_mem>>
        %dma_start3A_871 = arith.constant 0 : i32
        %dma_start3A_872 = arith.constant 0 : i32
        %dma_start3A_873 = tpu.memref_slice %arg10[%sub3A_866, %dma_start3A_871, %dma_start3A_872] : memref<2x128x1024xf32, #tpu.memory_space<vmem>> -> memref<1x128x1024xf32, #tpu.memory_space<vmem>>
        %dma_start3A_874 = tpu.memref_squeeze %dma_start3A_873 : memref<1x128x1024xf32, #tpu.memory_space<vmem>> -> memref<128x1024xf32, #tpu.memory_space<vmem>>
        %dma_start3A_875 = arith.constant 0 : i32
        %dma_start3A_876 = tpu.memref_slice %arg2[%mul3A_868, %dma_start3A_875] : memref<4992x1024xf32, #tpu.memory_space<hbm>> -> memref<128x1024xf32, #tpu.memory_space<hbm>>
        tpu.enqueue_dma source(%dma_start3A_876 : memref<128x1024xf32, #tpu.memory_space<hbm>>) target(%dma_start3A_874 : memref<128x1024xf32, #tpu.memory_space<vmem>>) target_semaphore(%dma_start3A_870 : memref<!tpu.dma_semaphore, #tpu.memory_space<semaphore_mem>>)
      } else {
      }
      %ge3A = arith.constant 2 : i32
      %ge3A_810 = arith.cmpi sge, %while3A_794, %ge3A : i32
      %convert_element_type3A_811 = arith.extui %ge3A_810 : i1 to i32
      %cond3A_812 = arith.constant 0 : i32
      %cond3A_813 = arith.cmpi ne, %convert_element_type3A_811, %cond3A_812 : i32
      scf.if %cond3A_813 {
        %sub3A_863 = arith.constant 2 : i32
        %sub3A_864 = arith.subi %while3A_794, %sub3A_863 : i32
        %mul3A_865 = arith.constant 128 : i32
        %mul3A_866 = arith.muli %sub3A_864, %mul3A_865 : i32
        %dma_wait3A_867 = tpu.memref_slice %arg14[%and3A_796] : memref<2x!tpu.dma_semaphore, #tpu.memory_space<semaphore_mem>> -> memref<1x!tpu.dma_semaphore, #tpu.memory_space<semaphore_mem>>
        %dma_wait3A_868 = tpu.memref_squeeze %dma_wait3A_867 : memref<1x!tpu.dma_semaphore, #tpu.memory_space<semaphore_mem>> -> memref<!tpu.dma_semaphore, #tpu.memory_space<semaphore_mem>>
        %dma_wait3A_869 = arith.constant 0 : i32
        %dma_wait3A_870 = tpu.memref_slice %arg6[%mul3A_866, %dma_wait3A_869] : memref<4992x1024xf32, #tpu.memory_space<hbm>> -> memref<128x1024xf32, #tpu.memory_space<hbm>>
        %dma_wait3A_871 = arith.constant 0 : i32
        %dma_wait3A_872 = arith.constant 0 : i32
        %dma_wait3A_873 = tpu.memref_slice %arg11[%and3A_796, %dma_wait3A_871, %dma_wait3A_872] : memref<2x128x1024xf32, #tpu.memory_space<vmem>> -> memref<1x128x1024xf32, #tpu.memory_space<vmem>>
        %dma_wait3A_874 = tpu.memref_squeeze %dma_wait3A_873 : memref<1x128x1024xf32, #tpu.memory_space<vmem>> -> memref<128x1024xf32, #tpu.memory_space<vmem>>
        tpu.wait_dma2 semaphore(%dma_wait3A_868 : memref<!tpu.dma_semaphore, #tpu.memory_space<semaphore_mem>>) src(%dma_wait3A_874 : memref<128x1024xf32, #tpu.memory_space<vmem>>) dst(%dma_wait3A_870 : memref<128x1024xf32, #tpu.memory_space<hbm>>)
      } else {
      }
      %get3A_814 = arith.index_cast %and3A_796 : i32 to index
      %get3A_815 = arith.constant 0 : index
      %get3A_816 = arith.constant 0 : index
      %get3A_817 = vector.load %arg10[%get3A_814, %get3A_815, %get3A_816] : memref<2x128x1024xf32, #tpu.memory_space<vmem>>, vector<1x128x1024xf32>
      %get3A_818 = vector.shape_cast %get3A_817 : vector<1x128x1024xf32> to vector<128x1024xf32>
      %get3A_819 = arith.constant 0 : index
      %get3A_820 = arith.constant 0 : index
      %get3A_821 = arith.constant 0 : index
      %get3A_822 = vector.load %arg7[%get3A_819, %get3A_820, %get3A_821] : memref<2x1024x768xf32, #tpu.memory_space<vmem>>, vector<1x1024x768xf32>
      %get3A_823 = vector.shape_cast %get3A_822 : vector<1x1024x768xf32> to vector<1024x768xf32>
      %dot_general3A = arith.constant dense<0.000000e+00> : vector<128x768xf32>
      %dot_general3A_824 = tpu.matmul %get3A_818, %get3A_823, %dot_general3A {dimension_numbers = #tpu.dot_dimension_numbers<[1], [0], [0], [1], [0, 0, 1, 1], [], []>, transpose_lhs_hint = false} : vector<128x1024xf32>, vector<1024x768xf32>, vector<128x768xf32> -> vector<128x768xf32>
      %get3A_825 = arith.constant 0 : index
      %get3A_826 = arith.constant 0 : index
      %get3A_827 = arith.constant 0 : index
      %get3A_828 = vector.load %arg8[%get3A_825, %get3A_826, %get3A_827] : memref<2x1024x768xf32, #tpu.memory_space<vmem>>, vector<1x1024x768xf32>
      %get3A_829 = vector.shape_cast %get3A_828 : vector<1x1024x768xf32> to vector<1024x768xf32>
      %dot_general3A_830 = arith.constant dense<0.000000e+00> : vector<128x768xf32>
      %dot_general3A_831 = tpu.matmul %get3A_818, %get3A_829, %dot_general3A_830 {dimension_numbers = #tpu.dot_dimension_numbers<[1], [0], [0], [1], [0, 0, 1, 1], [], []>, transpose_lhs_hint = false} : vector<128x1024xf32>, vector<1024x768xf32>, vector<128x768xf32> -> vector<128x768xf32>
      %neg3A = arith.constant 0.000000e+00 : f32
      %neg3A_832 = vector.broadcast %neg3A : f32 to vector<128x768xf32>
      %neg3A_833 = arith.subf %neg3A_832, %dot_general3A_824 : vector<128x768xf32>
      %exp3A = math.exp %neg3A_833 : vector<128x768xf32>
      %add3A_834 = arith.constant 1.000000e+00 : f32
      %add3A_835 = vector.broadcast %add3A_834 : f32 to vector<128x768xf32>
      %add3A_836 = arith.addf %add3A_835, %exp3A : vector<128x768xf32>
      %div3A = arith.constant 1.000000e+00 : f32
      %div3A_837 = vector.broadcast %div3A : f32 to vector<128x768xf32>
      %div3A_838 = arith.divf %div3A_837, %add3A_836 : vector<128x768xf32>
      %mul3A_839 = arith.mulf %dot_general3A_824, %div3A_838 : vector<128x768xf32>
      %mul3A_840 = arith.mulf %mul3A_839, %dot_general3A_831 : vector<128x768xf32>
      %get3A_841 = arith.constant 0 : index
      %get3A_842 = arith.constant 0 : index
      %get3A_843 = arith.constant 0 : index
      %get3A_844 = vector.load %arg9[%get3A_841, %get3A_842, %get3A_843] : memref<2x768x1024xf32, #tpu.memory_space<vmem>>, vector<1x768x1024xf32>
      %get3A_845 = vector.shape_cast %get3A_844 : vector<1x768x1024xf32> to vector<768x1024xf32>
      %dot_general3A_846 = arith.constant dense<0.000000e+00> : vector<128x1024xf32>
      %dot_general3A_847 = tpu.matmul %mul3A_840, %get3A_845, %dot_general3A_846 {dimension_numbers = #tpu.dot_dimension_numbers<[1], [0], [0], [1], [0, 0, 1, 1], [], []>, transpose_lhs_hint = false} : vector<128x768xf32>, vector<768x1024xf32>, vector<128x1024xf32> -> vector<128x1024xf32>
      %swap3A = arith.index_cast %and3A_796 : i32 to index
      %swap3A_848 = arith.constant 0 : index
      %swap3A_849 = arith.constant 0 : index
      %swap3A_850 = vector.load %arg11[%swap3A, %swap3A_848, %swap3A_849] : memref<2x128x1024xf32, #tpu.memory_space<vmem>>, vector<1x128x1024xf32>
      %swap3A_851 = vector.shape_cast %swap3A_850 : vector<1x128x1024xf32> to vector<128x1024xf32>
      %swap3A_852 = vector.shape_cast %dot_general3A_847 : vector<128x1024xf32> to vector<1x128x1024xf32>
      tpu.vector_store %arg11[%swap3A, %swap3A_848, %swap3A_849], %swap3A_852 {strides = array<i32>} : memref<2x128x1024xf32, #tpu.memory_space<vmem>>, vector<1x128x1024xf32>,
      %mul3A_853 = arith.constant 128 : i32
      %mul3A_854 = arith.muli %while3A_794, %mul3A_853 : i32
      %dma_start3A_855 = tpu.memref_slice %arg14[%and3A_796] : memref<2x!tpu.dma_semaphore, #tpu.memory_space<semaphore_mem>> -> memref<1x!tpu.dma_semaphore, #tpu.memory_space<semaphore_mem>>
      %dma_start3A_856 = tpu.memref_squeeze %dma_start3A_855 : memref<1x!tpu.dma_semaphore, #tpu.memory_space<semaphore_mem>> -> memref<!tpu.dma_semaphore, #tpu.memory_space<semaphore_mem>>
      %dma_start3A_857 = arith.constant 0 : i32
      %dma_start3A_858 = tpu.memref_slice %arg6[%mul3A_854, %dma_start3A_857] : memref<4992x1024xf32, #tpu.memory_space<hbm>> -> memref<128x1024xf32, #tpu.memory_space<hbm>>
      %dma_start3A_859 = arith.constant 0 : i32
      %dma_start3A_860 = arith.constant 0 : i32
      %dma_start3A_861 = tpu.memref_slice %arg11[%and3A_796, %dma_start3A_859, %dma_start3A_860] : memref<2x128x1024xf32, #tpu.memory_space<vmem>> -> memref<1x128x1024xf32, #tpu.memory_space<vmem>>
      %dma_start3A_862 = tpu.memref_squeeze %dma_start3A_861 : memref<1x128x1024xf32, #tpu.memory_space<vmem>> -> memref<128x1024xf32, #tpu.memory_space<vmem>>
      tpu.enqueue_dma source(%dma_start3A_862 : memref<128x1024xf32, #tpu.memory_space<vmem>>) target(%dma_start3A_858 : memref<128x1024xf32, #tpu.memory_space<hbm>>) target_semaphore(%dma_start3A_856 : memref<!tpu.dma_semaphore, #tpu.memory_space<semaphore_mem>>)
    }
    %dma_wait3A_334 = arith.constant 3 : i32
    %dma_wait3A_335 = arith.constant 1 : i32
    %dma_wait3A_336 = arith.constant 1 : i32
    %dma_wait3A_337 = tpu.memref_slice %arg12[%dma_wait3A_336] : memref<2x!tpu.dma_semaphore, #tpu.memory_space<semaphore_mem>> -> memref<1x!tpu.dma_semaphore, #tpu.memory_space<semaphore_mem>>
    %dma_wait3A_338 = tpu.memref_squeeze %dma_wait3A_337 : memref<1x!tpu.dma_semaphore, #tpu.memory_space<semaphore_mem>> -> memref<!tpu.dma_semaphore, #tpu.memory_space<semaphore_mem>>
    %dma_wait3A_339 = arith.constant 0 : i32
    %dma_wait3A_340 = arith.constant 0 : i32
    %dma_wait3A_341 = tpu.memref_slice %arg7[%dma_wait3A_335, %dma_wait3A_339, %dma_wait3A_340] : memref<2x1024x768xf32, #tpu.memory_space<vmem>> -> memref<1x1024x768xf32, #tpu.memory_space<vmem>>
    %dma_wait3A_342 = tpu.memref_squeeze %dma_wait3A_341 : memref<1x1024x768xf32, #tpu.memory_space<vmem>> -> memref<1024x768xf32, #tpu.memory_space<vmem>>
    %dma_wait3A_343 = arith.constant 0 : i32
    %dma_wait3A_344 = arith.constant 0 : i32
    %dma_wait3A_345 = tpu.memref_slice %arg3[%dma_wait3A_334, %dma_wait3A_343, %dma_wait3A_344] : memref<8x1024x768xf32, #tpu.memory_space<hbm>> -> memref<1x1024x768xf32, #tpu.memory_space<hbm>>
    %dma_wait3A_346 = tpu.memref_squeeze %dma_wait3A_345 : memref<1x1024x768xf32, #tpu.memory_space<hbm>> -> memref<1024x768xf32, #tpu.memory_space<hbm>>
    tpu.wait_dma2 semaphore(%dma_wait3A_338 : memref<!tpu.dma_semaphore, #tpu.memory_space<semaphore_mem>>) src(%dma_wait3A_346 : memref<1024x768xf32, #tpu.memory_space<hbm>>) dst(%dma_wait3A_342 : memref<1024x768xf32, #tpu.memory_space<vmem>>)
    %dma_wait3A_347 = arith.constant 3 : i32
    %dma_wait3A_348 = arith.constant 1 : i32
    %dma_wait3A_349 = arith.constant 1 : i32
    %dma_wait3A_350 = tpu.memref_slice %arg12[%dma_wait3A_349] : memref<2x!tpu.dma_semaphore, #tpu.memory_space<semaphore_mem>> -> memref<1x!tpu.dma_semaphore, #tpu.memory_space<semaphore_mem>>
    %dma_wait3A_351 = tpu.memref_squeeze %dma_wait3A_350 : memref<1x!tpu.dma_semaphore, #tpu.memory_space<semaphore_mem>> -> memref<!tpu.dma_semaphore, #tpu.memory_space<semaphore_mem>>
    %dma_wait3A_352 = arith.constant 0 : i32
    %dma_wait3A_353 = arith.constant 0 : i32
    %dma_wait3A_354 = tpu.memref_slice %arg8[%dma_wait3A_348, %dma_wait3A_352, %dma_wait3A_353] : memref<2x1024x768xf32, #tpu.memory_space<vmem>> -> memref<1x1024x768xf32, #tpu.memory_space<vmem>>
    %dma_wait3A_355 = tpu.memref_squeeze %dma_wait3A_354 : memref<1x1024x768xf32, #tpu.memory_space<vmem>> -> memref<1024x768xf32, #tpu.memory_space<vmem>>
    %dma_wait3A_356 = arith.constant 0 : i32
    %dma_wait3A_357 = arith.constant 0 : i32
    %dma_wait3A_358 = tpu.memref_slice %arg4[%dma_wait3A_347, %dma_wait3A_356, %dma_wait3A_357] : memref<8x1024x768xf32, #tpu.memory_space<hbm>> -> memref<1x1024x768xf32, #tpu.memory_space<hbm>>
    %dma_wait3A_359 = tpu.memref_squeeze %dma_wait3A_358 : memref<1x1024x768xf32, #tpu.memory_space<hbm>> -> memref<1024x768xf32, #tpu.memory_space<hbm>>
    tpu.wait_dma2 semaphore(%dma_wait3A_351 : memref<!tpu.dma_semaphore, #tpu.memory_space<semaphore_mem>>) src(%dma_wait3A_359 : memref<1024x768xf32, #tpu.memory_space<hbm>>) dst(%dma_wait3A_355 : memref<1024x768xf32, #tpu.memory_space<vmem>>)
    %dma_wait3A_360 = arith.constant 3 : i32
    %dma_wait3A_361 = arith.constant 1 : i32
    %dma_wait3A_362 = arith.constant 1 : i32
    %dma_wait3A_363 = tpu.memref_slice %arg12[%dma_wait3A_362] : memref<2x!tpu.dma_semaphore, #tpu.memory_space<semaphore_mem>> -> memref<1x!tpu.dma_semaphore, #tpu.memory_space<semaphore_mem>>
    %dma_wait3A_364 = tpu.memref_squeeze %dma_wait3A_363 : memref<1x!tpu.dma_semaphore, #tpu.memory_space<semaphore_mem>> -> memref<!tpu.dma_semaphore, #tpu.memory_space<semaphore_mem>>
    %dma_wait3A_365 = arith.constant 0 : i32
    %dma_wait3A_366 = arith.constant 0 : i32
    %dma_wait3A_367 = tpu.memref_slice %arg9[%dma_wait3A_361, %dma_wait3A_365, %dma_wait3A_366] : memref<2x768x1024xf32, #tpu.memory_space<vmem>> -> memref<1x768x1024xf32, #tpu.memory_space<vmem>>
    %dma_wait3A_368 = tpu.memref_squeeze %dma_wait3A_367 : memref<1x768x1024xf32, #tpu.memory_space<vmem>> -> memref<768x1024xf32, #tpu.memory_space<vmem>>
    %dma_wait3A_369 = arith.constant 0 : i32
    %dma_wait3A_370 = arith.constant 0 : i32
    %dma_wait3A_371 = tpu.memref_slice %arg5[%dma_wait3A_360, %dma_wait3A_369, %dma_wait3A_370] : memref<8x768x1024xf32, #tpu.memory_space<hbm>> -> memref<1x768x1024xf32, #tpu.memory_space<hbm>>
    %dma_wait3A_372 = tpu.memref_squeeze %dma_wait3A_371 : memref<1x768x1024xf32, #tpu.memory_space<hbm>> -> memref<768x1024xf32, #tpu.memory_space<hbm>>
    tpu.wait_dma2 semaphore(%dma_wait3A_364 : memref<!tpu.dma_semaphore, #tpu.memory_space<semaphore_mem>>) src(%dma_wait3A_372 : memref<768x1024xf32, #tpu.memory_space<hbm>>) dst(%dma_wait3A_368 : memref<768x1024xf32, #tpu.memory_space<vmem>>)
    %dma_start3A_373 = arith.constant 4 : i32
    %dma_start3A_374 = arith.constant 0 : i32
    %dma_start3A_375 = arith.constant 0 : i32
    %dma_start3A_376 = tpu.memref_slice %arg12[%dma_start3A_375] : memref<2x!tpu.dma_semaphore, #tpu.memory_space<semaphore_mem>> -> memref<1x!tpu.dma_semaphore, #tpu.memory_space<semaphore_mem>>
    %dma_start3A_377 = tpu.memref_squeeze %dma_start3A_376 : memref<1x!tpu.dma_semaphore, #tpu.memory_space<semaphore_mem>> -> memref<!tpu.dma_semaphore, #tpu.memory_space<semaphore_mem>>
    %dma_start3A_378 = arith.constant 0 : i32
    %dma_start3A_379 = arith.constant 0 : i32
    %dma_start3A_380 = tpu.memref_slice %arg7[%dma_start3A_374, %dma_start3A_378, %dma_start3A_379] : memref<2x1024x768xf32, #tpu.memory_space<vmem>> -> memref<1x1024x768xf32, #tpu.memory_space<vmem>>
    %dma_start3A_381 = tpu.memref_squeeze %dma_start3A_380 : memref<1x1024x768xf32, #tpu.memory_space<vmem>> -> memref<1024x768xf32, #tpu.memory_space<vmem>>
    %dma_start3A_382 = arith.constant 0 : i32
    %dma_start3A_383 = arith.constant 0 : i32
    %dma_start3A_384 = tpu.memref_slice %arg3[%dma_start3A_373, %dma_start3A_382, %dma_start3A_383] : memref<8x1024x768xf32, #tpu.memory_space<hbm>> -> memref<1x1024x768xf32, #tpu.memory_space<hbm>>
    %dma_start3A_385 = tpu.memref_squeeze %dma_start3A_384 : memref<1x1024x768xf32, #tpu.memory_space<hbm>> -> memref<1024x768xf32, #tpu.memory_space<hbm>>
    tpu.enqueue_dma source(%dma_start3A_385 : memref<1024x768xf32, #tpu.memory_space<hbm>>) target(%dma_start3A_381 : memref<1024x768xf32, #tpu.memory_space<vmem>>) target_semaphore(%dma_start3A_377 : memref<!tpu.dma_semaphore, #tpu.memory_space<semaphore_mem>>)
    %dma_start3A_386 = arith.constant 4 : i32
    %dma_start3A_387 = arith.constant 0 : i32
    %dma_start3A_388 = arith.constant 0 : i32
    %dma_start3A_389 = tpu.memref_slice %arg12[%dma_start3A_388] : memref<2x!tpu.dma_semaphore, #tpu.memory_space<semaphore_mem>> -> memref<1x!tpu.dma_semaphore, #tpu.memory_space<semaphore_mem>>
    %dma_start3A_390 = tpu.memref_squeeze %dma_start3A_389 : memref<1x!tpu.dma_semaphore, #tpu.memory_space<semaphore_mem>> -> memref<!tpu.dma_semaphore, #tpu.memory_space<semaphore_mem>>
    %dma_start3A_391 = arith.constant 0 : i32
    %dma_start3A_392 = arith.constant 0 : i32
    %dma_start3A_393 = tpu.memref_slice %arg8[%dma_start3A_387, %dma_start3A_391, %dma_start3A_392] : memref<2x1024x768xf32, #tpu.memory_space<vmem>> -> memref<1x1024x768xf32, #tpu.memory_space<vmem>>
    %dma_start3A_394 = tpu.memref_squeeze %dma_start3A_393 : memref<1x1024x768xf32, #tpu.memory_space<vmem>> -> memref<1024x768xf32, #tpu.memory_space<vmem>>
    %dma_start3A_395 = arith.constant 0 : i32
    %dma_start3A_396 = arith.constant 0 : i32
    %dma_start3A_397 = tpu.memref_slice %arg4[%dma_start3A_386, %dma_start3A_395, %dma_start3A_396] : memref<8x1024x768xf32, #tpu.memory_space<hbm>> -> memref<1x1024x768xf32, #tpu.memory_space<hbm>>
    %dma_start3A_398 = tpu.memref_squeeze %dma_start3A_397 : memref<1x1024x768xf32, #tpu.memory_space<hbm>> -> memref<1024x768xf32, #tpu.memory_space<hbm>>
    tpu.enqueue_dma source(%dma_start3A_398 : memref<1024x768xf32, #tpu.memory_space<hbm>>) target(%dma_start3A_394 : memref<1024x768xf32, #tpu.memory_space<vmem>>) target_semaphore(%dma_start3A_390 : memref<!tpu.dma_semaphore, #tpu.memory_space<semaphore_mem>>)
    %dma_start3A_399 = arith.constant 4 : i32
    %dma_start3A_400 = arith.constant 0 : i32
    %dma_start3A_401 = arith.constant 0 : i32
    %dma_start3A_402 = tpu.memref_slice %arg12[%dma_start3A_401] : memref<2x!tpu.dma_semaphore, #tpu.memory_space<semaphore_mem>> -> memref<1x!tpu.dma_semaphore, #tpu.memory_space<semaphore_mem>>
    %dma_start3A_403 = tpu.memref_squeeze %dma_start3A_402 : memref<1x!tpu.dma_semaphore, #tpu.memory_space<semaphore_mem>> -> memref<!tpu.dma_semaphore, #tpu.memory_space<semaphore_mem>>
    %dma_start3A_404 = arith.constant 0 : i32
    %dma_start3A_405 = arith.constant 0 : i32
    %dma_start3A_406 = tpu.memref_slice %arg9[%dma_start3A_400, %dma_start3A_404, %dma_start3A_405] : memref<2x768x1024xf32, #tpu.memory_space<vmem>> -> memref<1x768x1024xf32, #tpu.memory_space<vmem>>
    %dma_start3A_407 = tpu.memref_squeeze %dma_start3A_406 : memref<1x768x1024xf32, #tpu.memory_space<vmem>> -> memref<768x1024xf32, #tpu.memory_space<vmem>>
    %dma_start3A_408 = arith.constant 0 : i32
    %dma_start3A_409 = arith.constant 0 : i32
    %dma_start3A_410 = tpu.memref_slice %arg5[%dma_start3A_399, %dma_start3A_408, %dma_start3A_409] : memref<8x768x1024xf32, #tpu.memory_space<hbm>> -> memref<1x768x1024xf32, #tpu.memory_space<hbm>>
    %dma_start3A_411 = tpu.memref_squeeze %dma_start3A_410 : memref<1x768x1024xf32, #tpu.memory_space<hbm>> -> memref<768x1024xf32, #tpu.memory_space<hbm>>
    tpu.enqueue_dma source(%dma_start3A_411 : memref<768x1024xf32, #tpu.memory_space<hbm>>) target(%dma_start3A_407 : memref<768x1024xf32, #tpu.memory_space<vmem>>) target_semaphore(%dma_start3A_403 : memref<!tpu.dma_semaphore, #tpu.memory_space<semaphore_mem>>)
    %get3A_412 = arith.constant 3 : index
    %get3A_413 = arith.constant 0 : index
    %get3A_414 = memref.load %arg0[%get3A_412, %get3A_413] : memref<8x1xi32, #tpu.memory_space<smem>>
    %get3A_415 = arith.constant 3 : index
    %get3A_416 = arith.constant 0 : index
    %get3A_417 = memref.load %arg1[%get3A_415, %get3A_416] : memref<8x1xi32, #tpu.memory_space<smem>>
    %add3A_418 = arith.addi %get3A_414, %get3A_417 : i32
    %while3A_419 = arith.constant 0 : i32
    %while3A_420 = arith.subi %add3A_418, %get3A_414 : i32
    %while3A_421 = arith.addi %get3A_414, %while3A_420 : i32
    %while3A_422 = arith.constant 1 : i32
    %while3A_423 = arith.divsi %while3A_420, %while3A_422 : i32
    %while3A_424 = arith.muli %while3A_423, %while3A_422 : i32
    %while3A_425 = arith.addi %get3A_414, %while3A_424 : i32
    %while3A_426 = arith.constant 1 : i32
    scf.for %while3A_794 = %get3A_414 to %while3A_425 step %while3A_426  : i32 {
      %and3A_795 = arith.constant 1 : i32
      %and3A_796 = arith.andi %while3A_794, %and3A_795 : i32
      %mul3A_797 = arith.constant 128 : i32
      %mul3A_798 = arith.muli %while3A_794, %mul3A_797 : i32
      %dma_wait3A_799 = tpu.memref_slice %arg13[%and3A_796] : memref<2x!tpu.dma_semaphore, #tpu.memory_space<semaphore_mem>> -> memref<1x!tpu.dma_semaphore, #tpu.memory_space<semaphore_mem>>
      %dma_wait3A_800 = tpu.memref_squeeze %dma_wait3A_799 : memref<1x!tpu.dma_semaphore, #tpu.memory_space<semaphore_mem>> -> memref<!tpu.dma_semaphore, #tpu.memory_space<semaphore_mem>>
      %dma_wait3A_801 = arith.constant 0 : i32
      %dma_wait3A_802 = arith.constant 0 : i32
      %dma_wait3A_803 = tpu.memref_slice %arg10[%and3A_796, %dma_wait3A_801, %dma_wait3A_802] : memref<2x128x1024xf32, #tpu.memory_space<vmem>> -> memref<1x128x1024xf32, #tpu.memory_space<vmem>>
      %dma_wait3A_804 = tpu.memref_squeeze %dma_wait3A_803 : memref<1x128x1024xf32, #tpu.memory_space<vmem>> -> memref<128x1024xf32, #tpu.memory_space<vmem>>
      %dma_wait3A_805 = arith.constant 0 : i32
      %dma_wait3A_806 = tpu.memref_slice %arg2[%mul3A_798, %dma_wait3A_805] : memref<4992x1024xf32, #tpu.memory_space<hbm>> -> memref<128x1024xf32, #tpu.memory_space<hbm>>
      tpu.wait_dma2 semaphore(%dma_wait3A_800 : memref<!tpu.dma_semaphore, #tpu.memory_space<semaphore_mem>>) src(%dma_wait3A_806 : memref<128x1024xf32, #tpu.memory_space<hbm>>) dst(%dma_wait3A_804 : memref<128x1024xf32, #tpu.memory_space<vmem>>)
      %add3A_807 = arith.constant 1 : i32
      %add3A_808 = arith.addi %while3A_794, %add3A_807 : i32
      %lt3A = arith.cmpi slt, %add3A_808, %add3A : i32
      %convert_element_type3A = arith.extui %lt3A : i1 to i32
      %cond3A = arith.constant 0 : i32
      %cond3A_809 = arith.cmpi ne, %convert_element_type3A, %cond3A : i32
      scf.if %cond3A_809 {
        %add3A_863 = arith.constant 1 : i32
        %add3A_864 = arith.addi %while3A_794, %add3A_863 : i32
        %sub3A_865 = arith.constant 1 : i32
        %sub3A_866 = arith.subi %sub3A_865, %and3A_796 : i32
        %mul3A_867 = arith.constant 128 : i32
        %mul3A_868 = arith.muli %add3A_864, %mul3A_867 : i32
        %dma_start3A_869 = tpu.memref_slice %arg13[%sub3A_866] : memref<2x!tpu.dma_semaphore, #tpu.memory_space<semaphore_mem>> -> memref<1x!tpu.dma_semaphore, #tpu.memory_space<semaphore_mem>>
        %dma_start3A_870 = tpu.memref_squeeze %dma_start3A_869 : memref<1x!tpu.dma_semaphore, #tpu.memory_space<semaphore_mem>> -> memref<!tpu.dma_semaphore, #tpu.memory_space<semaphore_mem>>
        %dma_start3A_871 = arith.constant 0 : i32
        %dma_start3A_872 = arith.constant 0 : i32
        %dma_start3A_873 = tpu.memref_slice %arg10[%sub3A_866, %dma_start3A_871, %dma_start3A_872] : memref<2x128x1024xf32, #tpu.memory_space<vmem>> -> memref<1x128x1024xf32, #tpu.memory_space<vmem>>
        %dma_start3A_874 = tpu.memref_squeeze %dma_start3A_873 : memref<1x128x1024xf32, #tpu.memory_space<vmem>> -> memref<128x1024xf32, #tpu.memory_space<vmem>>
        %dma_start3A_875 = arith.constant 0 : i32
        %dma_start3A_876 = tpu.memref_slice %arg2[%mul3A_868, %dma_start3A_875] : memref<4992x1024xf32, #tpu.memory_space<hbm>> -> memref<128x1024xf32, #tpu.memory_space<hbm>>
        tpu.enqueue_dma source(%dma_start3A_876 : memref<128x1024xf32, #tpu.memory_space<hbm>>) target(%dma_start3A_874 : memref<128x1024xf32, #tpu.memory_space<vmem>>) target_semaphore(%dma_start3A_870 : memref<!tpu.dma_semaphore, #tpu.memory_space<semaphore_mem>>)
      } else {
      }
      %ge3A = arith.constant 2 : i32
      %ge3A_810 = arith.cmpi sge, %while3A_794, %ge3A : i32
      %convert_element_type3A_811 = arith.extui %ge3A_810 : i1 to i32
      %cond3A_812 = arith.constant 0 : i32
      %cond3A_813 = arith.cmpi ne, %convert_element_type3A_811, %cond3A_812 : i32
      scf.if %cond3A_813 {
        %sub3A_863 = arith.constant 2 : i32
        %sub3A_864 = arith.subi %while3A_794, %sub3A_863 : i32
        %mul3A_865 = arith.constant 128 : i32
        %mul3A_866 = arith.muli %sub3A_864, %mul3A_865 : i32
        %dma_wait3A_867 = tpu.memref_slice %arg14[%and3A_796] : memref<2x!tpu.dma_semaphore, #tpu.memory_space<semaphore_mem>> -> memref<1x!tpu.dma_semaphore, #tpu.memory_space<semaphore_mem>>
        %dma_wait3A_868 = tpu.memref_squeeze %dma_wait3A_867 : memref<1x!tpu.dma_semaphore, #tpu.memory_space<semaphore_mem>> -> memref<!tpu.dma_semaphore, #tpu.memory_space<semaphore_mem>>
        %dma_wait3A_869 = arith.constant 0 : i32
        %dma_wait3A_870 = tpu.memref_slice %arg6[%mul3A_866, %dma_wait3A_869] : memref<4992x1024xf32, #tpu.memory_space<hbm>> -> memref<128x1024xf32, #tpu.memory_space<hbm>>
        %dma_wait3A_871 = arith.constant 0 : i32
        %dma_wait3A_872 = arith.constant 0 : i32
        %dma_wait3A_873 = tpu.memref_slice %arg11[%and3A_796, %dma_wait3A_871, %dma_wait3A_872] : memref<2x128x1024xf32, #tpu.memory_space<vmem>> -> memref<1x128x1024xf32, #tpu.memory_space<vmem>>
        %dma_wait3A_874 = tpu.memref_squeeze %dma_wait3A_873 : memref<1x128x1024xf32, #tpu.memory_space<vmem>> -> memref<128x1024xf32, #tpu.memory_space<vmem>>
        tpu.wait_dma2 semaphore(%dma_wait3A_868 : memref<!tpu.dma_semaphore, #tpu.memory_space<semaphore_mem>>) src(%dma_wait3A_874 : memref<128x1024xf32, #tpu.memory_space<vmem>>) dst(%dma_wait3A_870 : memref<128x1024xf32, #tpu.memory_space<hbm>>)
      } else {
      }
      %get3A_814 = arith.index_cast %and3A_796 : i32 to index
      %get3A_815 = arith.constant 0 : index
      %get3A_816 = arith.constant 0 : index
      %get3A_817 = vector.load %arg10[%get3A_814, %get3A_815, %get3A_816] : memref<2x128x1024xf32, #tpu.memory_space<vmem>>, vector<1x128x1024xf32>
      %get3A_818 = vector.shape_cast %get3A_817 : vector<1x128x1024xf32> to vector<128x1024xf32>
      %get3A_819 = arith.constant 1 : index
      %get3A_820 = arith.constant 0 : index
      %get3A_821 = arith.constant 0 : index
      %get3A_822 = vector.load %arg7[%get3A_819, %get3A_820, %get3A_821] : memref<2x1024x768xf32, #tpu.memory_space<vmem>>, vector<1x1024x768xf32>
      %get3A_823 = vector.shape_cast %get3A_822 : vector<1x1024x768xf32> to vector<1024x768xf32>
      %dot_general3A = arith.constant dense<0.000000e+00> : vector<128x768xf32>
      %dot_general3A_824 = tpu.matmul %get3A_818, %get3A_823, %dot_general3A {dimension_numbers = #tpu.dot_dimension_numbers<[1], [0], [0], [1], [0, 0, 1, 1], [], []>, transpose_lhs_hint = false} : vector<128x1024xf32>, vector<1024x768xf32>, vector<128x768xf32> -> vector<128x768xf32>
      %get3A_825 = arith.constant 1 : index
      %get3A_826 = arith.constant 0 : index
      %get3A_827 = arith.constant 0 : index
      %get3A_828 = vector.load %arg8[%get3A_825, %get3A_826, %get3A_827] : memref<2x1024x768xf32, #tpu.memory_space<vmem>>, vector<1x1024x768xf32>
      %get3A_829 = vector.shape_cast %get3A_828 : vector<1x1024x768xf32> to vector<1024x768xf32>
      %dot_general3A_830 = arith.constant dense<0.000000e+00> : vector<128x768xf32>
      %dot_general3A_831 = tpu.matmul %get3A_818, %get3A_829, %dot_general3A_830 {dimension_numbers = #tpu.dot_dimension_numbers<[1], [0], [0], [1], [0, 0, 1, 1], [], []>, transpose_lhs_hint = false} : vector<128x1024xf32>, vector<1024x768xf32>, vector<128x768xf32> -> vector<128x768xf32>
      %neg3A = arith.constant 0.000000e+00 : f32
      %neg3A_832 = vector.broadcast %neg3A : f32 to vector<128x768xf32>
      %neg3A_833 = arith.subf %neg3A_832, %dot_general3A_824 : vector<128x768xf32>
      %exp3A = math.exp %neg3A_833 : vector<128x768xf32>
      %add3A_834 = arith.constant 1.000000e+00 : f32
      %add3A_835 = vector.broadcast %add3A_834 : f32 to vector<128x768xf32>
      %add3A_836 = arith.addf %add3A_835, %exp3A : vector<128x768xf32>
      %div3A = arith.constant 1.000000e+00 : f32
      %div3A_837 = vector.broadcast %div3A : f32 to vector<128x768xf32>
      %div3A_838 = arith.divf %div3A_837, %add3A_836 : vector<128x768xf32>
      %mul3A_839 = arith.mulf %dot_general3A_824, %div3A_838 : vector<128x768xf32>
      %mul3A_840 = arith.mulf %mul3A_839, %dot_general3A_831 : vector<128x768xf32>
      %get3A_841 = arith.constant 1 : index
      %get3A_842 = arith.constant 0 : index
      %get3A_843 = arith.constant 0 : index
      %get3A_844 = vector.load %arg9[%get3A_841, %get3A_842, %get3A_843] : memref<2x768x1024xf32, #tpu.memory_space<vmem>>, vector<1x768x1024xf32>
      %get3A_845 = vector.shape_cast %get3A_844 : vector<1x768x1024xf32> to vector<768x1024xf32>
      %dot_general3A_846 = arith.constant dense<0.000000e+00> : vector<128x1024xf32>
      %dot_general3A_847 = tpu.matmul %mul3A_840, %get3A_845, %dot_general3A_846 {dimension_numbers = #tpu.dot_dimension_numbers<[1], [0], [0], [1], [0, 0, 1, 1], [], []>, transpose_lhs_hint = false} : vector<128x768xf32>, vector<768x1024xf32>, vector<128x1024xf32> -> vector<128x1024xf32>
      %swap3A = arith.index_cast %and3A_796 : i32 to index
      %swap3A_848 = arith.constant 0 : index
      %swap3A_849 = arith.constant 0 : index
      %swap3A_850 = vector.load %arg11[%swap3A, %swap3A_848, %swap3A_849] : memref<2x128x1024xf32, #tpu.memory_space<vmem>>, vector<1x128x1024xf32>
      %swap3A_851 = vector.shape_cast %swap3A_850 : vector<1x128x1024xf32> to vector<128x1024xf32>
      %swap3A_852 = vector.shape_cast %dot_general3A_847 : vector<128x1024xf32> to vector<1x128x1024xf32>
      tpu.vector_store %arg11[%swap3A, %swap3A_848, %swap3A_849], %swap3A_852 {strides = array<i32>} : memref<2x128x1024xf32, #tpu.memory_space<vmem>>, vector<1x128x1024xf32>,
      %mul3A_853 = arith.constant 128 : i32
      %mul3A_854 = arith.muli %while3A_794, %mul3A_853 : i32
      %dma_start3A_855 = tpu.memref_slice %arg14[%and3A_796] : memref<2x!tpu.dma_semaphore, #tpu.memory_space<semaphore_mem>> -> memref<1x!tpu.dma_semaphore, #tpu.memory_space<semaphore_mem>>
      %dma_start3A_856 = tpu.memref_squeeze %dma_start3A_855 : memref<1x!tpu.dma_semaphore, #tpu.memory_space<semaphore_mem>> -> memref<!tpu.dma_semaphore, #tpu.memory_space<semaphore_mem>>
      %dma_start3A_857 = arith.constant 0 : i32
      %dma_start3A_858 = tpu.memref_slice %arg6[%mul3A_854, %dma_start3A_857] : memref<4992x1024xf32, #tpu.memory_space<hbm>> -> memref<128x1024xf32, #tpu.memory_space<hbm>>
      %dma_start3A_859 = arith.constant 0 : i32
      %dma_start3A_860 = arith.constant 0 : i32
      %dma_start3A_861 = tpu.memref_slice %arg11[%and3A_796, %dma_start3A_859, %dma_start3A_860] : memref<2x128x1024xf32, #tpu.memory_space<vmem>> -> memref<1x128x1024xf32, #tpu.memory_space<vmem>>
      %dma_start3A_862 = tpu.memref_squeeze %dma_start3A_861 : memref<1x128x1024xf32, #tpu.memory_space<vmem>> -> memref<128x1024xf32, #tpu.memory_space<vmem>>
      tpu.enqueue_dma source(%dma_start3A_862 : memref<128x1024xf32, #tpu.memory_space<vmem>>) target(%dma_start3A_858 : memref<128x1024xf32, #tpu.memory_space<hbm>>) target_semaphore(%dma_start3A_856 : memref<!tpu.dma_semaphore, #tpu.memory_space<semaphore_mem>>)
    }
    %while3A_427 = arith.constant 1 : i32
    scf.for %while3A_794 = %while3A_425 to %while3A_421 step %while3A_427  : i32 {
      %and3A_795 = arith.constant 1 : i32
      %and3A_796 = arith.andi %while3A_794, %and3A_795 : i32
      %mul3A_797 = arith.constant 128 : i32
      %mul3A_798 = arith.muli %while3A_794, %mul3A_797 : i32
      %dma_wait3A_799 = tpu.memref_slice %arg13[%and3A_796] : memref<2x!tpu.dma_semaphore, #tpu.memory_space<semaphore_mem>> -> memref<1x!tpu.dma_semaphore, #tpu.memory_space<semaphore_mem>>
      %dma_wait3A_800 = tpu.memref_squeeze %dma_wait3A_799 : memref<1x!tpu.dma_semaphore, #tpu.memory_space<semaphore_mem>> -> memref<!tpu.dma_semaphore, #tpu.memory_space<semaphore_mem>>
      %dma_wait3A_801 = arith.constant 0 : i32
      %dma_wait3A_802 = arith.constant 0 : i32
      %dma_wait3A_803 = tpu.memref_slice %arg10[%and3A_796, %dma_wait3A_801, %dma_wait3A_802] : memref<2x128x1024xf32, #tpu.memory_space<vmem>> -> memref<1x128x1024xf32, #tpu.memory_space<vmem>>
      %dma_wait3A_804 = tpu.memref_squeeze %dma_wait3A_803 : memref<1x128x1024xf32, #tpu.memory_space<vmem>> -> memref<128x1024xf32, #tpu.memory_space<vmem>>
      %dma_wait3A_805 = arith.constant 0 : i32
      %dma_wait3A_806 = tpu.memref_slice %arg2[%mul3A_798, %dma_wait3A_805] : memref<4992x1024xf32, #tpu.memory_space<hbm>> -> memref<128x1024xf32, #tpu.memory_space<hbm>>
      tpu.wait_dma2 semaphore(%dma_wait3A_800 : memref<!tpu.dma_semaphore, #tpu.memory_space<semaphore_mem>>) src(%dma_wait3A_806 : memref<128x1024xf32, #tpu.memory_space<hbm>>) dst(%dma_wait3A_804 : memref<128x1024xf32, #tpu.memory_space<vmem>>)
      %add3A_807 = arith.constant 1 : i32
      %add3A_808 = arith.addi %while3A_794, %add3A_807 : i32
      %lt3A = arith.cmpi slt, %add3A_808, %add3A : i32
      %convert_element_type3A = arith.extui %lt3A : i1 to i32
      %cond3A = arith.constant 0 : i32
      %cond3A_809 = arith.cmpi ne, %convert_element_type3A, %cond3A : i32
      scf.if %cond3A_809 {
        %add3A_863 = arith.constant 1 : i32
        %add3A_864 = arith.addi %while3A_794, %add3A_863 : i32
        %sub3A_865 = arith.constant 1 : i32
        %sub3A_866 = arith.subi %sub3A_865, %and3A_796 : i32
        %mul3A_867 = arith.constant 128 : i32
        %mul3A_868 = arith.muli %add3A_864, %mul3A_867 : i32
        %dma_start3A_869 = tpu.memref_slice %arg13[%sub3A_866] : memref<2x!tpu.dma_semaphore, #tpu.memory_space<semaphore_mem>> -> memref<1x!tpu.dma_semaphore, #tpu.memory_space<semaphore_mem>>
        %dma_start3A_870 = tpu.memref_squeeze %dma_start3A_869 : memref<1x!tpu.dma_semaphore, #tpu.memory_space<semaphore_mem>> -> memref<!tpu.dma_semaphore, #tpu.memory_space<semaphore_mem>>
        %dma_start3A_871 = arith.constant 0 : i32
        %dma_start3A_872 = arith.constant 0 : i32
        %dma_start3A_873 = tpu.memref_slice %arg10[%sub3A_866, %dma_start3A_871, %dma_start3A_872] : memref<2x128x1024xf32, #tpu.memory_space<vmem>> -> memref<1x128x1024xf32, #tpu.memory_space<vmem>>
        %dma_start3A_874 = tpu.memref_squeeze %dma_start3A_873 : memref<1x128x1024xf32, #tpu.memory_space<vmem>> -> memref<128x1024xf32, #tpu.memory_space<vmem>>
        %dma_start3A_875 = arith.constant 0 : i32
        %dma_start3A_876 = tpu.memref_slice %arg2[%mul3A_868, %dma_start3A_875] : memref<4992x1024xf32, #tpu.memory_space<hbm>> -> memref<128x1024xf32, #tpu.memory_space<hbm>>
        tpu.enqueue_dma source(%dma_start3A_876 : memref<128x1024xf32, #tpu.memory_space<hbm>>) target(%dma_start3A_874 : memref<128x1024xf32, #tpu.memory_space<vmem>>) target_semaphore(%dma_start3A_870 : memref<!tpu.dma_semaphore, #tpu.memory_space<semaphore_mem>>)
      } else {
      }
      %ge3A = arith.constant 2 : i32
      %ge3A_810 = arith.cmpi sge, %while3A_794, %ge3A : i32
      %convert_element_type3A_811 = arith.extui %ge3A_810 : i1 to i32
      %cond3A_812 = arith.constant 0 : i32
      %cond3A_813 = arith.cmpi ne, %convert_element_type3A_811, %cond3A_812 : i32
      scf.if %cond3A_813 {
        %sub3A_863 = arith.constant 2 : i32
        %sub3A_864 = arith.subi %while3A_794, %sub3A_863 : i32
        %mul3A_865 = arith.constant 128 : i32
        %mul3A_866 = arith.muli %sub3A_864, %mul3A_865 : i32
        %dma_wait3A_867 = tpu.memref_slice %arg14[%and3A_796] : memref<2x!tpu.dma_semaphore, #tpu.memory_space<semaphore_mem>> -> memref<1x!tpu.dma_semaphore, #tpu.memory_space<semaphore_mem>>
        %dma_wait3A_868 = tpu.memref_squeeze %dma_wait3A_867 : memref<1x!tpu.dma_semaphore, #tpu.memory_space<semaphore_mem>> -> memref<!tpu.dma_semaphore, #tpu.memory_space<semaphore_mem>>
        %dma_wait3A_869 = arith.constant 0 : i32
        %dma_wait3A_870 = tpu.memref_slice %arg6[%mul3A_866, %dma_wait3A_869] : memref<4992x1024xf32, #tpu.memory_space<hbm>> -> memref<128x1024xf32, #tpu.memory_space<hbm>>
        %dma_wait3A_871 = arith.constant 0 : i32
        %dma_wait3A_872 = arith.constant 0 : i32
        %dma_wait3A_873 = tpu.memref_slice %arg11[%and3A_796, %dma_wait3A_871, %dma_wait3A_872] : memref<2x128x1024xf32, #tpu.memory_space<vmem>> -> memref<1x128x1024xf32, #tpu.memory_space<vmem>>
        %dma_wait3A_874 = tpu.memref_squeeze %dma_wait3A_873 : memref<1x128x1024xf32, #tpu.memory_space<vmem>> -> memref<128x1024xf32, #tpu.memory_space<vmem>>
        tpu.wait_dma2 semaphore(%dma_wait3A_868 : memref<!tpu.dma_semaphore, #tpu.memory_space<semaphore_mem>>) src(%dma_wait3A_874 : memref<128x1024xf32, #tpu.memory_space<vmem>>) dst(%dma_wait3A_870 : memref<128x1024xf32, #tpu.memory_space<hbm>>)
      } else {
      }
      %get3A_814 = arith.index_cast %and3A_796 : i32 to index
      %get3A_815 = arith.constant 0 : index
      %get3A_816 = arith.constant 0 : index
      %get3A_817 = vector.load %arg10[%get3A_814, %get3A_815, %get3A_816] : memref<2x128x1024xf32, #tpu.memory_space<vmem>>, vector<1x128x1024xf32>
      %get3A_818 = vector.shape_cast %get3A_817 : vector<1x128x1024xf32> to vector<128x1024xf32>
      %get3A_819 = arith.constant 1 : index
      %get3A_820 = arith.constant 0 : index
      %get3A_821 = arith.constant 0 : index
      %get3A_822 = vector.load %arg7[%get3A_819, %get3A_820, %get3A_821] : memref<2x1024x768xf32, #tpu.memory_space<vmem>>, vector<1x1024x768xf32>
      %get3A_823 = vector.shape_cast %get3A_822 : vector<1x1024x768xf32> to vector<1024x768xf32>
      %dot_general3A = arith.constant dense<0.000000e+00> : vector<128x768xf32>
      %dot_general3A_824 = tpu.matmul %get3A_818, %get3A_823, %dot_general3A {dimension_numbers = #tpu.dot_dimension_numbers<[1], [0], [0], [1], [0, 0, 1, 1], [], []>, transpose_lhs_hint = false} : vector<128x1024xf32>, vector<1024x768xf32>, vector<128x768xf32> -> vector<128x768xf32>
      %get3A_825 = arith.constant 1 : index
      %get3A_826 = arith.constant 0 : index
      %get3A_827 = arith.constant 0 : index
      %get3A_828 = vector.load %arg8[%get3A_825, %get3A_826, %get3A_827] : memref<2x1024x768xf32, #tpu.memory_space<vmem>>, vector<1x1024x768xf32>
      %get3A_829 = vector.shape_cast %get3A_828 : vector<1x1024x768xf32> to vector<1024x768xf32>
      %dot_general3A_830 = arith.constant dense<0.000000e+00> : vector<128x768xf32>
      %dot_general3A_831 = tpu.matmul %get3A_818, %get3A_829, %dot_general3A_830 {dimension_numbers = #tpu.dot_dimension_numbers<[1], [0], [0], [1], [0, 0, 1, 1], [], []>, transpose_lhs_hint = false} : vector<128x1024xf32>, vector<1024x768xf32>, vector<128x768xf32> -> vector<128x768xf32>
      %neg3A = arith.constant 0.000000e+00 : f32
      %neg3A_832 = vector.broadcast %neg3A : f32 to vector<128x768xf32>
      %neg3A_833 = arith.subf %neg3A_832, %dot_general3A_824 : vector<128x768xf32>
      %exp3A = math.exp %neg3A_833 : vector<128x768xf32>
      %add3A_834 = arith.constant 1.000000e+00 : f32
      %add3A_835 = vector.broadcast %add3A_834 : f32 to vector<128x768xf32>
      %add3A_836 = arith.addf %add3A_835, %exp3A : vector<128x768xf32>
      %div3A = arith.constant 1.000000e+00 : f32
      %div3A_837 = vector.broadcast %div3A : f32 to vector<128x768xf32>
      %div3A_838 = arith.divf %div3A_837, %add3A_836 : vector<128x768xf32>
      %mul3A_839 = arith.mulf %dot_general3A_824, %div3A_838 : vector<128x768xf32>
      %mul3A_840 = arith.mulf %mul3A_839, %dot_general3A_831 : vector<128x768xf32>
      %get3A_841 = arith.constant 1 : index
      %get3A_842 = arith.constant 0 : index
      %get3A_843 = arith.constant 0 : index
      %get3A_844 = vector.load %arg9[%get3A_841, %get3A_842, %get3A_843] : memref<2x768x1024xf32, #tpu.memory_space<vmem>>, vector<1x768x1024xf32>
      %get3A_845 = vector.shape_cast %get3A_844 : vector<1x768x1024xf32> to vector<768x1024xf32>
      %dot_general3A_846 = arith.constant dense<0.000000e+00> : vector<128x1024xf32>
      %dot_general3A_847 = tpu.matmul %mul3A_840, %get3A_845, %dot_general3A_846 {dimension_numbers = #tpu.dot_dimension_numbers<[1], [0], [0], [1], [0, 0, 1, 1], [], []>, transpose_lhs_hint = false} : vector<128x768xf32>, vector<768x1024xf32>, vector<128x1024xf32> -> vector<128x1024xf32>
      %swap3A = arith.index_cast %and3A_796 : i32 to index
      %swap3A_848 = arith.constant 0 : index
      %swap3A_849 = arith.constant 0 : index
      %swap3A_850 = vector.load %arg11[%swap3A, %swap3A_848, %swap3A_849] : memref<2x128x1024xf32, #tpu.memory_space<vmem>>, vector<1x128x1024xf32>
      %swap3A_851 = vector.shape_cast %swap3A_850 : vector<1x128x1024xf32> to vector<128x1024xf32>
      %swap3A_852 = vector.shape_cast %dot_general3A_847 : vector<128x1024xf32> to vector<1x128x1024xf32>
      tpu.vector_store %arg11[%swap3A, %swap3A_848, %swap3A_849], %swap3A_852 {strides = array<i32>} : memref<2x128x1024xf32, #tpu.memory_space<vmem>>, vector<1x128x1024xf32>,
      %mul3A_853 = arith.constant 128 : i32
      %mul3A_854 = arith.muli %while3A_794, %mul3A_853 : i32
      %dma_start3A_855 = tpu.memref_slice %arg14[%and3A_796] : memref<2x!tpu.dma_semaphore, #tpu.memory_space<semaphore_mem>> -> memref<1x!tpu.dma_semaphore, #tpu.memory_space<semaphore_mem>>
      %dma_start3A_856 = tpu.memref_squeeze %dma_start3A_855 : memref<1x!tpu.dma_semaphore, #tpu.memory_space<semaphore_mem>> -> memref<!tpu.dma_semaphore, #tpu.memory_space<semaphore_mem>>
      %dma_start3A_857 = arith.constant 0 : i32
      %dma_start3A_858 = tpu.memref_slice %arg6[%mul3A_854, %dma_start3A_857] : memref<4992x1024xf32, #tpu.memory_space<hbm>> -> memref<128x1024xf32, #tpu.memory_space<hbm>>
      %dma_start3A_859 = arith.constant 0 : i32
      %dma_start3A_860 = arith.constant 0 : i32
      %dma_start3A_861 = tpu.memref_slice %arg11[%and3A_796, %dma_start3A_859, %dma_start3A_860] : memref<2x128x1024xf32, #tpu.memory_space<vmem>> -> memref<1x128x1024xf32, #tpu.memory_space<vmem>>
      %dma_start3A_862 = tpu.memref_squeeze %dma_start3A_861 : memref<1x128x1024xf32, #tpu.memory_space<vmem>> -> memref<128x1024xf32, #tpu.memory_space<vmem>>
      tpu.enqueue_dma source(%dma_start3A_862 : memref<128x1024xf32, #tpu.memory_space<vmem>>) target(%dma_start3A_858 : memref<128x1024xf32, #tpu.memory_space<hbm>>) target_semaphore(%dma_start3A_856 : memref<!tpu.dma_semaphore, #tpu.memory_space<semaphore_mem>>)
    }
    %dma_wait3A_428 = arith.constant 4 : i32
    %dma_wait3A_429 = arith.constant 0 : i32
    %dma_wait3A_430 = arith.constant 0 : i32
    %dma_wait3A_431 = tpu.memref_slice %arg12[%dma_wait3A_430] : memref<2x!tpu.dma_semaphore, #tpu.memory_space<semaphore_mem>> -> memref<1x!tpu.dma_semaphore, #tpu.memory_space<semaphore_mem>>
    %dma_wait3A_432 = tpu.memref_squeeze %dma_wait3A_431 : memref<1x!tpu.dma_semaphore, #tpu.memory_space<semaphore_mem>> -> memref<!tpu.dma_semaphore, #tpu.memory_space<semaphore_mem>>
    %dma_wait3A_433 = arith.constant 0 : i32
    %dma_wait3A_434 = arith.constant 0 : i32
    %dma_wait3A_435 = tpu.memref_slice %arg7[%dma_wait3A_429, %dma_wait3A_433, %dma_wait3A_434] : memref<2x1024x768xf32, #tpu.memory_space<vmem>> -> memref<1x1024x768xf32, #tpu.memory_space<vmem>>
    %dma_wait3A_436 = tpu.memref_squeeze %dma_wait3A_435 : memref<1x1024x768xf32, #tpu.memory_space<vmem>> -> memref<1024x768xf32, #tpu.memory_space<vmem>>
    %dma_wait3A_437 = arith.constant 0 : i32
    %dma_wait3A_438 = arith.constant 0 : i32
    %dma_wait3A_439 = tpu.memref_slice %arg3[%dma_wait3A_428, %dma_wait3A_437, %dma_wait3A_438] : memref<8x1024x768xf32, #tpu.memory_space<hbm>> -> memref<1x1024x768xf32, #tpu.memory_space<hbm>>
    %dma_wait3A_440 = tpu.memref_squeeze %dma_wait3A_439 : memref<1x1024x768xf32, #tpu.memory_space<hbm>> -> memref<1024x768xf32, #tpu.memory_space<hbm>>
    tpu.wait_dma2 semaphore(%dma_wait3A_432 : memref<!tpu.dma_semaphore, #tpu.memory_space<semaphore_mem>>) src(%dma_wait3A_440 : memref<1024x768xf32, #tpu.memory_space<hbm>>) dst(%dma_wait3A_436 : memref<1024x768xf32, #tpu.memory_space<vmem>>)
    %dma_wait3A_441 = arith.constant 4 : i32
    %dma_wait3A_442 = arith.constant 0 : i32
    %dma_wait3A_443 = arith.constant 0 : i32
    %dma_wait3A_444 = tpu.memref_slice %arg12[%dma_wait3A_443] : memref<2x!tpu.dma_semaphore, #tpu.memory_space<semaphore_mem>> -> memref<1x!tpu.dma_semaphore, #tpu.memory_space<semaphore_mem>>
    %dma_wait3A_445 = tpu.memref_squeeze %dma_wait3A_444 : memref<1x!tpu.dma_semaphore, #tpu.memory_space<semaphore_mem>> -> memref<!tpu.dma_semaphore, #tpu.memory_space<semaphore_mem>>
    %dma_wait3A_446 = arith.constant 0 : i32
    %dma_wait3A_447 = arith.constant 0 : i32
    %dma_wait3A_448 = tpu.memref_slice %arg8[%dma_wait3A_442, %dma_wait3A_446, %dma_wait3A_447] : memref<2x1024x768xf32, #tpu.memory_space<vmem>> -> memref<1x1024x768xf32, #tpu.memory_space<vmem>>
    %dma_wait3A_449 = tpu.memref_squeeze %dma_wait3A_448 : memref<1x1024x768xf32, #tpu.memory_space<vmem>> -> memref<1024x768xf32, #tpu.memory_space<vmem>>
    %dma_wait3A_450 = arith.constant 0 : i32
    %dma_wait3A_451 = arith.constant 0 : i32
    %dma_wait3A_452 = tpu.memref_slice %arg4[%dma_wait3A_441, %dma_wait3A_450, %dma_wait3A_451] : memref<8x1024x768xf32, #tpu.memory_space<hbm>> -> memref<1x1024x768xf32, #tpu.memory_space<hbm>>
    %dma_wait3A_453 = tpu.memref_squeeze %dma_wait3A_452 : memref<1x1024x768xf32, #tpu.memory_space<hbm>> -> memref<1024x768xf32, #tpu.memory_space<hbm>>
    tpu.wait_dma2 semaphore(%dma_wait3A_445 : memref<!tpu.dma_semaphore, #tpu.memory_space<semaphore_mem>>) src(%dma_wait3A_453 : memref<1024x768xf32, #tpu.memory_space<hbm>>) dst(%dma_wait3A_449 : memref<1024x768xf32, #tpu.memory_space<vmem>>)
    %dma_wait3A_454 = arith.constant 4 : i32
    %dma_wait3A_455 = arith.constant 0 : i32
    %dma_wait3A_456 = arith.constant 0 : i32
    %dma_wait3A_457 = tpu.memref_slice %arg12[%dma_wait3A_456] : memref<2x!tpu.dma_semaphore, #tpu.memory_space<semaphore_mem>> -> memref<1x!tpu.dma_semaphore, #tpu.memory_space<semaphore_mem>>
    %dma_wait3A_458 = tpu.memref_squeeze %dma_wait3A_457 : memref<1x!tpu.dma_semaphore, #tpu.memory_space<semaphore_mem>> -> memref<!tpu.dma_semaphore, #tpu.memory_space<semaphore_mem>>
    %dma_wait3A_459 = arith.constant 0 : i32
    %dma_wait3A_460 = arith.constant 0 : i32
    %dma_wait3A_461 = tpu.memref_slice %arg9[%dma_wait3A_455, %dma_wait3A_459, %dma_wait3A_460] : memref<2x768x1024xf32, #tpu.memory_space<vmem>> -> memref<1x768x1024xf32, #tpu.memory_space<vmem>>
    %dma_wait3A_462 = tpu.memref_squeeze %dma_wait3A_461 : memref<1x768x1024xf32, #tpu.memory_space<vmem>> -> memref<768x1024xf32, #tpu.memory_space<vmem>>
    %dma_wait3A_463 = arith.constant 0 : i32
    %dma_wait3A_464 = arith.constant 0 : i32
    %dma_wait3A_465 = tpu.memref_slice %arg5[%dma_wait3A_454, %dma_wait3A_463, %dma_wait3A_464] : memref<8x768x1024xf32, #tpu.memory_space<hbm>> -> memref<1x768x1024xf32, #tpu.memory_space<hbm>>
    %dma_wait3A_466 = tpu.memref_squeeze %dma_wait3A_465 : memref<1x768x1024xf32, #tpu.memory_space<hbm>> -> memref<768x1024xf32, #tpu.memory_space<hbm>>
    tpu.wait_dma2 semaphore(%dma_wait3A_458 : memref<!tpu.dma_semaphore, #tpu.memory_space<semaphore_mem>>) src(%dma_wait3A_466 : memref<768x1024xf32, #tpu.memory_space<hbm>>) dst(%dma_wait3A_462 : memref<768x1024xf32, #tpu.memory_space<vmem>>)
    %dma_start3A_467 = arith.constant 5 : i32
    %dma_start3A_468 = arith.constant 1 : i32
    %dma_start3A_469 = arith.constant 1 : i32
    %dma_start3A_470 = tpu.memref_slice %arg12[%dma_start3A_469] : memref<2x!tpu.dma_semaphore, #tpu.memory_space<semaphore_mem>> -> memref<1x!tpu.dma_semaphore, #tpu.memory_space<semaphore_mem>>
    %dma_start3A_471 = tpu.memref_squeeze %dma_start3A_470 : memref<1x!tpu.dma_semaphore, #tpu.memory_space<semaphore_mem>> -> memref<!tpu.dma_semaphore, #tpu.memory_space<semaphore_mem>>
    %dma_start3A_472 = arith.constant 0 : i32
    %dma_start3A_473 = arith.constant 0 : i32
    %dma_start3A_474 = tpu.memref_slice %arg7[%dma_start3A_468, %dma_start3A_472, %dma_start3A_473] : memref<2x1024x768xf32, #tpu.memory_space<vmem>> -> memref<1x1024x768xf32, #tpu.memory_space<vmem>>
    %dma_start3A_475 = tpu.memref_squeeze %dma_start3A_474 : memref<1x1024x768xf32, #tpu.memory_space<vmem>> -> memref<1024x768xf32, #tpu.memory_space<vmem>>
    %dma_start3A_476 = arith.constant 0 : i32
    %dma_start3A_477 = arith.constant 0 : i32
    %dma_start3A_478 = tpu.memref_slice %arg3[%dma_start3A_467, %dma_start3A_476, %dma_start3A_477] : memref<8x1024x768xf32, #tpu.memory_space<hbm>> -> memref<1x1024x768xf32, #tpu.memory_space<hbm>>
    %dma_start3A_479 = tpu.memref_squeeze %dma_start3A_478 : memref<1x1024x768xf32, #tpu.memory_space<hbm>> -> memref<1024x768xf32, #tpu.memory_space<hbm>>
    tpu.enqueue_dma source(%dma_start3A_479 : memref<1024x768xf32, #tpu.memory_space<hbm>>) target(%dma_start3A_475 : memref<1024x768xf32, #tpu.memory_space<vmem>>) target_semaphore(%dma_start3A_471 : memref<!tpu.dma_semaphore, #tpu.memory_space<semaphore_mem>>)
    %dma_start3A_480 = arith.constant 5 : i32
    %dma_start3A_481 = arith.constant 1 : i32
    %dma_start3A_482 = arith.constant 1 : i32
    %dma_start3A_483 = tpu.memref_slice %arg12[%dma_start3A_482] : memref<2x!tpu.dma_semaphore, #tpu.memory_space<semaphore_mem>> -> memref<1x!tpu.dma_semaphore, #tpu.memory_space<semaphore_mem>>
    %dma_start3A_484 = tpu.memref_squeeze %dma_start3A_483 : memref<1x!tpu.dma_semaphore, #tpu.memory_space<semaphore_mem>> -> memref<!tpu.dma_semaphore, #tpu.memory_space<semaphore_mem>>
    %dma_start3A_485 = arith.constant 0 : i32
    %dma_start3A_486 = arith.constant 0 : i32
    %dma_start3A_487 = tpu.memref_slice %arg8[%dma_start3A_481, %dma_start3A_485, %dma_start3A_486] : memref<2x1024x768xf32, #tpu.memory_space<vmem>> -> memref<1x1024x768xf32, #tpu.memory_space<vmem>>
    %dma_start3A_488 = tpu.memref_squeeze %dma_start3A_487 : memref<1x1024x768xf32, #tpu.memory_space<vmem>> -> memref<1024x768xf32, #tpu.memory_space<vmem>>
    %dma_start3A_489 = arith.constant 0 : i32
    %dma_start3A_490 = arith.constant 0 : i32
    %dma_start3A_491 = tpu.memref_slice %arg4[%dma_start3A_480, %dma_start3A_489, %dma_start3A_490] : memref<8x1024x768xf32, #tpu.memory_space<hbm>> -> memref<1x1024x768xf32, #tpu.memory_space<hbm>>
    %dma_start3A_492 = tpu.memref_squeeze %dma_start3A_491 : memref<1x1024x768xf32, #tpu.memory_space<hbm>> -> memref<1024x768xf32, #tpu.memory_space<hbm>>
    tpu.enqueue_dma source(%dma_start3A_492 : memref<1024x768xf32, #tpu.memory_space<hbm>>) target(%dma_start3A_488 : memref<1024x768xf32, #tpu.memory_space<vmem>>) target_semaphore(%dma_start3A_484 : memref<!tpu.dma_semaphore, #tpu.memory_space<semaphore_mem>>)
    %dma_start3A_493 = arith.constant 5 : i32
    %dma_start3A_494 = arith.constant 1 : i32
    %dma_start3A_495 = arith.constant 1 : i32
    %dma_start3A_496 = tpu.memref_slice %arg12[%dma_start3A_495] : memref<2x!tpu.dma_semaphore, #tpu.memory_space<semaphore_mem>> -> memref<1x!tpu.dma_semaphore, #tpu.memory_space<semaphore_mem>>
    %dma_start3A_497 = tpu.memref_squeeze %dma_start3A_496 : memref<1x!tpu.dma_semaphore, #tpu.memory_space<semaphore_mem>> -> memref<!tpu.dma_semaphore, #tpu.memory_space<semaphore_mem>>
    %dma_start3A_498 = arith.constant 0 : i32
    %dma_start3A_499 = arith.constant 0 : i32
    %dma_start3A_500 = tpu.memref_slice %arg9[%dma_start3A_494, %dma_start3A_498, %dma_start3A_499] : memref<2x768x1024xf32, #tpu.memory_space<vmem>> -> memref<1x768x1024xf32, #tpu.memory_space<vmem>>
    %dma_start3A_501 = tpu.memref_squeeze %dma_start3A_500 : memref<1x768x1024xf32, #tpu.memory_space<vmem>> -> memref<768x1024xf32, #tpu.memory_space<vmem>>
    %dma_start3A_502 = arith.constant 0 : i32
    %dma_start3A_503 = arith.constant 0 : i32
    %dma_start3A_504 = tpu.memref_slice %arg5[%dma_start3A_493, %dma_start3A_502, %dma_start3A_503] : memref<8x768x1024xf32, #tpu.memory_space<hbm>> -> memref<1x768x1024xf32, #tpu.memory_space<hbm>>
    %dma_start3A_505 = tpu.memref_squeeze %dma_start3A_504 : memref<1x768x1024xf32, #tpu.memory_space<hbm>> -> memref<768x1024xf32, #tpu.memory_space<hbm>>
    tpu.enqueue_dma source(%dma_start3A_505 : memref<768x1024xf32, #tpu.memory_space<hbm>>) target(%dma_start3A_501 : memref<768x1024xf32, #tpu.memory_space<vmem>>) target_semaphore(%dma_start3A_497 : memref<!tpu.dma_semaphore, #tpu.memory_space<semaphore_mem>>)
    %get3A_506 = arith.constant 4 : index
    %get3A_507 = arith.constant 0 : index
    %get3A_508 = memref.load %arg0[%get3A_506, %get3A_507] : memref<8x1xi32, #tpu.memory_space<smem>>
    %get3A_509 = arith.constant 4 : index
    %get3A_510 = arith.constant 0 : index
    %get3A_511 = memref.load %arg1[%get3A_509, %get3A_510] : memref<8x1xi32, #tpu.memory_space<smem>>
    %add3A_512 = arith.addi %get3A_508, %get3A_511 : i32
    %while3A_513 = arith.constant 0 : i32
    %while3A_514 = arith.subi %add3A_512, %get3A_508 : i32
    %while3A_515 = arith.addi %get3A_508, %while3A_514 : i32
    %while3A_516 = arith.constant 1 : i32
    %while3A_517 = arith.divsi %while3A_514, %while3A_516 : i32
    %while3A_518 = arith.muli %while3A_517, %while3A_516 : i32
    %while3A_519 = arith.addi %get3A_508, %while3A_518 : i32
    %while3A_520 = arith.constant 1 : i32
    scf.for %while3A_794 = %get3A_508 to %while3A_519 step %while3A_520  : i32 {
      %and3A_795 = arith.constant 1 : i32
      %and3A_796 = arith.andi %while3A_794, %and3A_795 : i32
      %mul3A_797 = arith.constant 128 : i32
      %mul3A_798 = arith.muli %while3A_794, %mul3A_797 : i32
      %dma_wait3A_799 = tpu.memref_slice %arg13[%and3A_796] : memref<2x!tpu.dma_semaphore, #tpu.memory_space<semaphore_mem>> -> memref<1x!tpu.dma_semaphore, #tpu.memory_space<semaphore_mem>>
      %dma_wait3A_800 = tpu.memref_squeeze %dma_wait3A_799 : memref<1x!tpu.dma_semaphore, #tpu.memory_space<semaphore_mem>> -> memref<!tpu.dma_semaphore, #tpu.memory_space<semaphore_mem>>
      %dma_wait3A_801 = arith.constant 0 : i32
      %dma_wait3A_802 = arith.constant 0 : i32
      %dma_wait3A_803 = tpu.memref_slice %arg10[%and3A_796, %dma_wait3A_801, %dma_wait3A_802] : memref<2x128x1024xf32, #tpu.memory_space<vmem>> -> memref<1x128x1024xf32, #tpu.memory_space<vmem>>
      %dma_wait3A_804 = tpu.memref_squeeze %dma_wait3A_803 : memref<1x128x1024xf32, #tpu.memory_space<vmem>> -> memref<128x1024xf32, #tpu.memory_space<vmem>>
      %dma_wait3A_805 = arith.constant 0 : i32
      %dma_wait3A_806 = tpu.memref_slice %arg2[%mul3A_798, %dma_wait3A_805] : memref<4992x1024xf32, #tpu.memory_space<hbm>> -> memref<128x1024xf32, #tpu.memory_space<hbm>>
      tpu.wait_dma2 semaphore(%dma_wait3A_800 : memref<!tpu.dma_semaphore, #tpu.memory_space<semaphore_mem>>) src(%dma_wait3A_806 : memref<128x1024xf32, #tpu.memory_space<hbm>>) dst(%dma_wait3A_804 : memref<128x1024xf32, #tpu.memory_space<vmem>>)
      %add3A_807 = arith.constant 1 : i32
      %add3A_808 = arith.addi %while3A_794, %add3A_807 : i32
      %lt3A = arith.cmpi slt, %add3A_808, %add3A : i32
      %convert_element_type3A = arith.extui %lt3A : i1 to i32
      %cond3A = arith.constant 0 : i32
      %cond3A_809 = arith.cmpi ne, %convert_element_type3A, %cond3A : i32
      scf.if %cond3A_809 {
        %add3A_863 = arith.constant 1 : i32
        %add3A_864 = arith.addi %while3A_794, %add3A_863 : i32
        %sub3A_865 = arith.constant 1 : i32
        %sub3A_866 = arith.subi %sub3A_865, %and3A_796 : i32
        %mul3A_867 = arith.constant 128 : i32
        %mul3A_868 = arith.muli %add3A_864, %mul3A_867 : i32
        %dma_start3A_869 = tpu.memref_slice %arg13[%sub3A_866] : memref<2x!tpu.dma_semaphore, #tpu.memory_space<semaphore_mem>> -> memref<1x!tpu.dma_semaphore, #tpu.memory_space<semaphore_mem>>
        %dma_start3A_870 = tpu.memref_squeeze %dma_start3A_869 : memref<1x!tpu.dma_semaphore, #tpu.memory_space<semaphore_mem>> -> memref<!tpu.dma_semaphore, #tpu.memory_space<semaphore_mem>>
        %dma_start3A_871 = arith.constant 0 : i32
        %dma_start3A_872 = arith.constant 0 : i32
        %dma_start3A_873 = tpu.memref_slice %arg10[%sub3A_866, %dma_start3A_871, %dma_start3A_872] : memref<2x128x1024xf32, #tpu.memory_space<vmem>> -> memref<1x128x1024xf32, #tpu.memory_space<vmem>>
        %dma_start3A_874 = tpu.memref_squeeze %dma_start3A_873 : memref<1x128x1024xf32, #tpu.memory_space<vmem>> -> memref<128x1024xf32, #tpu.memory_space<vmem>>
        %dma_start3A_875 = arith.constant 0 : i32
        %dma_start3A_876 = tpu.memref_slice %arg2[%mul3A_868, %dma_start3A_875] : memref<4992x1024xf32, #tpu.memory_space<hbm>> -> memref<128x1024xf32, #tpu.memory_space<hbm>>
        tpu.enqueue_dma source(%dma_start3A_876 : memref<128x1024xf32, #tpu.memory_space<hbm>>) target(%dma_start3A_874 : memref<128x1024xf32, #tpu.memory_space<vmem>>) target_semaphore(%dma_start3A_870 : memref<!tpu.dma_semaphore, #tpu.memory_space<semaphore_mem>>)
      } else {
      }
      %ge3A = arith.constant 2 : i32
      %ge3A_810 = arith.cmpi sge, %while3A_794, %ge3A : i32
      %convert_element_type3A_811 = arith.extui %ge3A_810 : i1 to i32
      %cond3A_812 = arith.constant 0 : i32
      %cond3A_813 = arith.cmpi ne, %convert_element_type3A_811, %cond3A_812 : i32
      scf.if %cond3A_813 {
        %sub3A_863 = arith.constant 2 : i32
        %sub3A_864 = arith.subi %while3A_794, %sub3A_863 : i32
        %mul3A_865 = arith.constant 128 : i32
        %mul3A_866 = arith.muli %sub3A_864, %mul3A_865 : i32
        %dma_wait3A_867 = tpu.memref_slice %arg14[%and3A_796] : memref<2x!tpu.dma_semaphore, #tpu.memory_space<semaphore_mem>> -> memref<1x!tpu.dma_semaphore, #tpu.memory_space<semaphore_mem>>
        %dma_wait3A_868 = tpu.memref_squeeze %dma_wait3A_867 : memref<1x!tpu.dma_semaphore, #tpu.memory_space<semaphore_mem>> -> memref<!tpu.dma_semaphore, #tpu.memory_space<semaphore_mem>>
        %dma_wait3A_869 = arith.constant 0 : i32
        %dma_wait3A_870 = tpu.memref_slice %arg6[%mul3A_866, %dma_wait3A_869] : memref<4992x1024xf32, #tpu.memory_space<hbm>> -> memref<128x1024xf32, #tpu.memory_space<hbm>>
        %dma_wait3A_871 = arith.constant 0 : i32
        %dma_wait3A_872 = arith.constant 0 : i32
        %dma_wait3A_873 = tpu.memref_slice %arg11[%and3A_796, %dma_wait3A_871, %dma_wait3A_872] : memref<2x128x1024xf32, #tpu.memory_space<vmem>> -> memref<1x128x1024xf32, #tpu.memory_space<vmem>>
        %dma_wait3A_874 = tpu.memref_squeeze %dma_wait3A_873 : memref<1x128x1024xf32, #tpu.memory_space<vmem>> -> memref<128x1024xf32, #tpu.memory_space<vmem>>
        tpu.wait_dma2 semaphore(%dma_wait3A_868 : memref<!tpu.dma_semaphore, #tpu.memory_space<semaphore_mem>>) src(%dma_wait3A_874 : memref<128x1024xf32, #tpu.memory_space<vmem>>) dst(%dma_wait3A_870 : memref<128x1024xf32, #tpu.memory_space<hbm>>)
      } else {
      }
      %get3A_814 = arith.index_cast %and3A_796 : i32 to index
      %get3A_815 = arith.constant 0 : index
      %get3A_816 = arith.constant 0 : index
      %get3A_817 = vector.load %arg10[%get3A_814, %get3A_815, %get3A_816] : memref<2x128x1024xf32, #tpu.memory_space<vmem>>, vector<1x128x1024xf32>
      %get3A_818 = vector.shape_cast %get3A_817 : vector<1x128x1024xf32> to vector<128x1024xf32>
      %get3A_819 = arith.constant 0 : index
      %get3A_820 = arith.constant 0 : index
      %get3A_821 = arith.constant 0 : index
      %get3A_822 = vector.load %arg7[%get3A_819, %get3A_820, %get3A_821] : memref<2x1024x768xf32, #tpu.memory_space<vmem>>, vector<1x1024x768xf32>
      %get3A_823 = vector.shape_cast %get3A_822 : vector<1x1024x768xf32> to vector<1024x768xf32>
      %dot_general3A = arith.constant dense<0.000000e+00> : vector<128x768xf32>
      %dot_general3A_824 = tpu.matmul %get3A_818, %get3A_823, %dot_general3A {dimension_numbers = #tpu.dot_dimension_numbers<[1], [0], [0], [1], [0, 0, 1, 1], [], []>, transpose_lhs_hint = false} : vector<128x1024xf32>, vector<1024x768xf32>, vector<128x768xf32> -> vector<128x768xf32>
      %get3A_825 = arith.constant 0 : index
      %get3A_826 = arith.constant 0 : index
      %get3A_827 = arith.constant 0 : index
      %get3A_828 = vector.load %arg8[%get3A_825, %get3A_826, %get3A_827] : memref<2x1024x768xf32, #tpu.memory_space<vmem>>, vector<1x1024x768xf32>
      %get3A_829 = vector.shape_cast %get3A_828 : vector<1x1024x768xf32> to vector<1024x768xf32>
      %dot_general3A_830 = arith.constant dense<0.000000e+00> : vector<128x768xf32>
      %dot_general3A_831 = tpu.matmul %get3A_818, %get3A_829, %dot_general3A_830 {dimension_numbers = #tpu.dot_dimension_numbers<[1], [0], [0], [1], [0, 0, 1, 1], [], []>, transpose_lhs_hint = false} : vector<128x1024xf32>, vector<1024x768xf32>, vector<128x768xf32> -> vector<128x768xf32>
      %neg3A = arith.constant 0.000000e+00 : f32
      %neg3A_832 = vector.broadcast %neg3A : f32 to vector<128x768xf32>
      %neg3A_833 = arith.subf %neg3A_832, %dot_general3A_824 : vector<128x768xf32>
      %exp3A = math.exp %neg3A_833 : vector<128x768xf32>
      %add3A_834 = arith.constant 1.000000e+00 : f32
      %add3A_835 = vector.broadcast %add3A_834 : f32 to vector<128x768xf32>
      %add3A_836 = arith.addf %add3A_835, %exp3A : vector<128x768xf32>
      %div3A = arith.constant 1.000000e+00 : f32
      %div3A_837 = vector.broadcast %div3A : f32 to vector<128x768xf32>
      %div3A_838 = arith.divf %div3A_837, %add3A_836 : vector<128x768xf32>
      %mul3A_839 = arith.mulf %dot_general3A_824, %div3A_838 : vector<128x768xf32>
      %mul3A_840 = arith.mulf %mul3A_839, %dot_general3A_831 : vector<128x768xf32>
      %get3A_841 = arith.constant 0 : index
      %get3A_842 = arith.constant 0 : index
      %get3A_843 = arith.constant 0 : index
      %get3A_844 = vector.load %arg9[%get3A_841, %get3A_842, %get3A_843] : memref<2x768x1024xf32, #tpu.memory_space<vmem>>, vector<1x768x1024xf32>
      %get3A_845 = vector.shape_cast %get3A_844 : vector<1x768x1024xf32> to vector<768x1024xf32>
      %dot_general3A_846 = arith.constant dense<0.000000e+00> : vector<128x1024xf32>
      %dot_general3A_847 = tpu.matmul %mul3A_840, %get3A_845, %dot_general3A_846 {dimension_numbers = #tpu.dot_dimension_numbers<[1], [0], [0], [1], [0, 0, 1, 1], [], []>, transpose_lhs_hint = false} : vector<128x768xf32>, vector<768x1024xf32>, vector<128x1024xf32> -> vector<128x1024xf32>
      %swap3A = arith.index_cast %and3A_796 : i32 to index
      %swap3A_848 = arith.constant 0 : index
      %swap3A_849 = arith.constant 0 : index
      %swap3A_850 = vector.load %arg11[%swap3A, %swap3A_848, %swap3A_849] : memref<2x128x1024xf32, #tpu.memory_space<vmem>>, vector<1x128x1024xf32>
      %swap3A_851 = vector.shape_cast %swap3A_850 : vector<1x128x1024xf32> to vector<128x1024xf32>
      %swap3A_852 = vector.shape_cast %dot_general3A_847 : vector<128x1024xf32> to vector<1x128x1024xf32>
      tpu.vector_store %arg11[%swap3A, %swap3A_848, %swap3A_849], %swap3A_852 {strides = array<i32>} : memref<2x128x1024xf32, #tpu.memory_space<vmem>>, vector<1x128x1024xf32>,
      %mul3A_853 = arith.constant 128 : i32
      %mul3A_854 = arith.muli %while3A_794, %mul3A_853 : i32
      %dma_start3A_855 = tpu.memref_slice %arg14[%and3A_796] : memref<2x!tpu.dma_semaphore, #tpu.memory_space<semaphore_mem>> -> memref<1x!tpu.dma_semaphore, #tpu.memory_space<semaphore_mem>>
      %dma_start3A_856 = tpu.memref_squeeze %dma_start3A_855 : memref<1x!tpu.dma_semaphore, #tpu.memory_space<semaphore_mem>> -> memref<!tpu.dma_semaphore, #tpu.memory_space<semaphore_mem>>
      %dma_start3A_857 = arith.constant 0 : i32
      %dma_start3A_858 = tpu.memref_slice %arg6[%mul3A_854, %dma_start3A_857] : memref<4992x1024xf32, #tpu.memory_space<hbm>> -> memref<128x1024xf32, #tpu.memory_space<hbm>>
      %dma_start3A_859 = arith.constant 0 : i32
      %dma_start3A_860 = arith.constant 0 : i32
      %dma_start3A_861 = tpu.memref_slice %arg11[%and3A_796, %dma_start3A_859, %dma_start3A_860] : memref<2x128x1024xf32, #tpu.memory_space<vmem>> -> memref<1x128x1024xf32, #tpu.memory_space<vmem>>
      %dma_start3A_862 = tpu.memref_squeeze %dma_start3A_861 : memref<1x128x1024xf32, #tpu.memory_space<vmem>> -> memref<128x1024xf32, #tpu.memory_space<vmem>>
      tpu.enqueue_dma source(%dma_start3A_862 : memref<128x1024xf32, #tpu.memory_space<vmem>>) target(%dma_start3A_858 : memref<128x1024xf32, #tpu.memory_space<hbm>>) target_semaphore(%dma_start3A_856 : memref<!tpu.dma_semaphore, #tpu.memory_space<semaphore_mem>>)
    }
    %while3A_521 = arith.constant 1 : i32
    scf.for %while3A_794 = %while3A_519 to %while3A_515 step %while3A_521  : i32 {
      %and3A_795 = arith.constant 1 : i32
      %and3A_796 = arith.andi %while3A_794, %and3A_795 : i32
      %mul3A_797 = arith.constant 128 : i32
      %mul3A_798 = arith.muli %while3A_794, %mul3A_797 : i32
      %dma_wait3A_799 = tpu.memref_slice %arg13[%and3A_796] : memref<2x!tpu.dma_semaphore, #tpu.memory_space<semaphore_mem>> -> memref<1x!tpu.dma_semaphore, #tpu.memory_space<semaphore_mem>>
      %dma_wait3A_800 = tpu.memref_squeeze %dma_wait3A_799 : memref<1x!tpu.dma_semaphore, #tpu.memory_space<semaphore_mem>> -> memref<!tpu.dma_semaphore, #tpu.memory_space<semaphore_mem>>
      %dma_wait3A_801 = arith.constant 0 : i32
      %dma_wait3A_802 = arith.constant 0 : i32
      %dma_wait3A_803 = tpu.memref_slice %arg10[%and3A_796, %dma_wait3A_801, %dma_wait3A_802] : memref<2x128x1024xf32, #tpu.memory_space<vmem>> -> memref<1x128x1024xf32, #tpu.memory_space<vmem>>
      %dma_wait3A_804 = tpu.memref_squeeze %dma_wait3A_803 : memref<1x128x1024xf32, #tpu.memory_space<vmem>> -> memref<128x1024xf32, #tpu.memory_space<vmem>>
      %dma_wait3A_805 = arith.constant 0 : i32
      %dma_wait3A_806 = tpu.memref_slice %arg2[%mul3A_798, %dma_wait3A_805] : memref<4992x1024xf32, #tpu.memory_space<hbm>> -> memref<128x1024xf32, #tpu.memory_space<hbm>>
      tpu.wait_dma2 semaphore(%dma_wait3A_800 : memref<!tpu.dma_semaphore, #tpu.memory_space<semaphore_mem>>) src(%dma_wait3A_806 : memref<128x1024xf32, #tpu.memory_space<hbm>>) dst(%dma_wait3A_804 : memref<128x1024xf32, #tpu.memory_space<vmem>>)
      %add3A_807 = arith.constant 1 : i32
      %add3A_808 = arith.addi %while3A_794, %add3A_807 : i32
      %lt3A = arith.cmpi slt, %add3A_808, %add3A : i32
      %convert_element_type3A = arith.extui %lt3A : i1 to i32
      %cond3A = arith.constant 0 : i32
      %cond3A_809 = arith.cmpi ne, %convert_element_type3A, %cond3A : i32
      scf.if %cond3A_809 {
        %add3A_863 = arith.constant 1 : i32
        %add3A_864 = arith.addi %while3A_794, %add3A_863 : i32
        %sub3A_865 = arith.constant 1 : i32
        %sub3A_866 = arith.subi %sub3A_865, %and3A_796 : i32
        %mul3A_867 = arith.constant 128 : i32
        %mul3A_868 = arith.muli %add3A_864, %mul3A_867 : i32
        %dma_start3A_869 = tpu.memref_slice %arg13[%sub3A_866] : memref<2x!tpu.dma_semaphore, #tpu.memory_space<semaphore_mem>> -> memref<1x!tpu.dma_semaphore, #tpu.memory_space<semaphore_mem>>
        %dma_start3A_870 = tpu.memref_squeeze %dma_start3A_869 : memref<1x!tpu.dma_semaphore, #tpu.memory_space<semaphore_mem>> -> memref<!tpu.dma_semaphore, #tpu.memory_space<semaphore_mem>>
        %dma_start3A_871 = arith.constant 0 : i32
        %dma_start3A_872 = arith.constant 0 : i32
        %dma_start3A_873 = tpu.memref_slice %arg10[%sub3A_866, %dma_start3A_871, %dma_start3A_872] : memref<2x128x1024xf32, #tpu.memory_space<vmem>> -> memref<1x128x1024xf32, #tpu.memory_space<vmem>>
        %dma_start3A_874 = tpu.memref_squeeze %dma_start3A_873 : memref<1x128x1024xf32, #tpu.memory_space<vmem>> -> memref<128x1024xf32, #tpu.memory_space<vmem>>
        %dma_start3A_875 = arith.constant 0 : i32
        %dma_start3A_876 = tpu.memref_slice %arg2[%mul3A_868, %dma_start3A_875] : memref<4992x1024xf32, #tpu.memory_space<hbm>> -> memref<128x1024xf32, #tpu.memory_space<hbm>>
        tpu.enqueue_dma source(%dma_start3A_876 : memref<128x1024xf32, #tpu.memory_space<hbm>>) target(%dma_start3A_874 : memref<128x1024xf32, #tpu.memory_space<vmem>>) target_semaphore(%dma_start3A_870 : memref<!tpu.dma_semaphore, #tpu.memory_space<semaphore_mem>>)
      } else {
      }
      %ge3A = arith.constant 2 : i32
      %ge3A_810 = arith.cmpi sge, %while3A_794, %ge3A : i32
      %convert_element_type3A_811 = arith.extui %ge3A_810 : i1 to i32
      %cond3A_812 = arith.constant 0 : i32
      %cond3A_813 = arith.cmpi ne, %convert_element_type3A_811, %cond3A_812 : i32
      scf.if %cond3A_813 {
        %sub3A_863 = arith.constant 2 : i32
        %sub3A_864 = arith.subi %while3A_794, %sub3A_863 : i32
        %mul3A_865 = arith.constant 128 : i32
        %mul3A_866 = arith.muli %sub3A_864, %mul3A_865 : i32
        %dma_wait3A_867 = tpu.memref_slice %arg14[%and3A_796] : memref<2x!tpu.dma_semaphore, #tpu.memory_space<semaphore_mem>> -> memref<1x!tpu.dma_semaphore, #tpu.memory_space<semaphore_mem>>
        %dma_wait3A_868 = tpu.memref_squeeze %dma_wait3A_867 : memref<1x!tpu.dma_semaphore, #tpu.memory_space<semaphore_mem>> -> memref<!tpu.dma_semaphore, #tpu.memory_space<semaphore_mem>>
        %dma_wait3A_869 = arith.constant 0 : i32
        %dma_wait3A_870 = tpu.memref_slice %arg6[%mul3A_866, %dma_wait3A_869] : memref<4992x1024xf32, #tpu.memory_space<hbm>> -> memref<128x1024xf32, #tpu.memory_space<hbm>>
        %dma_wait3A_871 = arith.constant 0 : i32
        %dma_wait3A_872 = arith.constant 0 : i32
        %dma_wait3A_873 = tpu.memref_slice %arg11[%and3A_796, %dma_wait3A_871, %dma_wait3A_872] : memref<2x128x1024xf32, #tpu.memory_space<vmem>> -> memref<1x128x1024xf32, #tpu.memory_space<vmem>>
        %dma_wait3A_874 = tpu.memref_squeeze %dma_wait3A_873 : memref<1x128x1024xf32, #tpu.memory_space<vmem>> -> memref<128x1024xf32, #tpu.memory_space<vmem>>
        tpu.wait_dma2 semaphore(%dma_wait3A_868 : memref<!tpu.dma_semaphore, #tpu.memory_space<semaphore_mem>>) src(%dma_wait3A_874 : memref<128x1024xf32, #tpu.memory_space<vmem>>) dst(%dma_wait3A_870 : memref<128x1024xf32, #tpu.memory_space<hbm>>)
      } else {
      }
      %get3A_814 = arith.index_cast %and3A_796 : i32 to index
      %get3A_815 = arith.constant 0 : index
      %get3A_816 = arith.constant 0 : index
      %get3A_817 = vector.load %arg10[%get3A_814, %get3A_815, %get3A_816] : memref<2x128x1024xf32, #tpu.memory_space<vmem>>, vector<1x128x1024xf32>
      %get3A_818 = vector.shape_cast %get3A_817 : vector<1x128x1024xf32> to vector<128x1024xf32>
      %get3A_819 = arith.constant 0 : index
      %get3A_820 = arith.constant 0 : index
      %get3A_821 = arith.constant 0 : index
      %get3A_822 = vector.load %arg7[%get3A_819, %get3A_820, %get3A_821] : memref<2x1024x768xf32, #tpu.memory_space<vmem>>, vector<1x1024x768xf32>
      %get3A_823 = vector.shape_cast %get3A_822 : vector<1x1024x768xf32> to vector<1024x768xf32>
      %dot_general3A = arith.constant dense<0.000000e+00> : vector<128x768xf32>
      %dot_general3A_824 = tpu.matmul %get3A_818, %get3A_823, %dot_general3A {dimension_numbers = #tpu.dot_dimension_numbers<[1], [0], [0], [1], [0, 0, 1, 1], [], []>, transpose_lhs_hint = false} : vector<128x1024xf32>, vector<1024x768xf32>, vector<128x768xf32> -> vector<128x768xf32>
      %get3A_825 = arith.constant 0 : index
      %get3A_826 = arith.constant 0 : index
      %get3A_827 = arith.constant 0 : index
      %get3A_828 = vector.load %arg8[%get3A_825, %get3A_826, %get3A_827] : memref<2x1024x768xf32, #tpu.memory_space<vmem>>, vector<1x1024x768xf32>
      %get3A_829 = vector.shape_cast %get3A_828 : vector<1x1024x768xf32> to vector<1024x768xf32>
      %dot_general3A_830 = arith.constant dense<0.000000e+00> : vector<128x768xf32>
      %dot_general3A_831 = tpu.matmul %get3A_818, %get3A_829, %dot_general3A_830 {dimension_numbers = #tpu.dot_dimension_numbers<[1], [0], [0], [1], [0, 0, 1, 1], [], []>, transpose_lhs_hint = false} : vector<128x1024xf32>, vector<1024x768xf32>, vector<128x768xf32> -> vector<128x768xf32>
      %neg3A = arith.constant 0.000000e+00 : f32
      %neg3A_832 = vector.broadcast %neg3A : f32 to vector<128x768xf32>
      %neg3A_833 = arith.subf %neg3A_832, %dot_general3A_824 : vector<128x768xf32>
      %exp3A = math.exp %neg3A_833 : vector<128x768xf32>
      %add3A_834 = arith.constant 1.000000e+00 : f32
      %add3A_835 = vector.broadcast %add3A_834 : f32 to vector<128x768xf32>
      %add3A_836 = arith.addf %add3A_835, %exp3A : vector<128x768xf32>
      %div3A = arith.constant 1.000000e+00 : f32
      %div3A_837 = vector.broadcast %div3A : f32 to vector<128x768xf32>
      %div3A_838 = arith.divf %div3A_837, %add3A_836 : vector<128x768xf32>
      %mul3A_839 = arith.mulf %dot_general3A_824, %div3A_838 : vector<128x768xf32>
      %mul3A_840 = arith.mulf %mul3A_839, %dot_general3A_831 : vector<128x768xf32>
      %get3A_841 = arith.constant 0 : index
      %get3A_842 = arith.constant 0 : index
      %get3A_843 = arith.constant 0 : index
      %get3A_844 = vector.load %arg9[%get3A_841, %get3A_842, %get3A_843] : memref<2x768x1024xf32, #tpu.memory_space<vmem>>, vector<1x768x1024xf32>
      %get3A_845 = vector.shape_cast %get3A_844 : vector<1x768x1024xf32> to vector<768x1024xf32>
      %dot_general3A_846 = arith.constant dense<0.000000e+00> : vector<128x1024xf32>
      %dot_general3A_847 = tpu.matmul %mul3A_840, %get3A_845, %dot_general3A_846 {dimension_numbers = #tpu.dot_dimension_numbers<[1], [0], [0], [1], [0, 0, 1, 1], [], []>, transpose_lhs_hint = false} : vector<128x768xf32>, vector<768x1024xf32>, vector<128x1024xf32> -> vector<128x1024xf32>
      %swap3A = arith.index_cast %and3A_796 : i32 to index
      %swap3A_848 = arith.constant 0 : index
      %swap3A_849 = arith.constant 0 : index
      %swap3A_850 = vector.load %arg11[%swap3A, %swap3A_848, %swap3A_849] : memref<2x128x1024xf32, #tpu.memory_space<vmem>>, vector<1x128x1024xf32>
      %swap3A_851 = vector.shape_cast %swap3A_850 : vector<1x128x1024xf32> to vector<128x1024xf32>
      %swap3A_852 = vector.shape_cast %dot_general3A_847 : vector<128x1024xf32> to vector<1x128x1024xf32>
      tpu.vector_store %arg11[%swap3A, %swap3A_848, %swap3A_849], %swap3A_852 {strides = array<i32>} : memref<2x128x1024xf32, #tpu.memory_space<vmem>>, vector<1x128x1024xf32>,
      %mul3A_853 = arith.constant 128 : i32
      %mul3A_854 = arith.muli %while3A_794, %mul3A_853 : i32
      %dma_start3A_855 = tpu.memref_slice %arg14[%and3A_796] : memref<2x!tpu.dma_semaphore, #tpu.memory_space<semaphore_mem>> -> memref<1x!tpu.dma_semaphore, #tpu.memory_space<semaphore_mem>>
      %dma_start3A_856 = tpu.memref_squeeze %dma_start3A_855 : memref<1x!tpu.dma_semaphore, #tpu.memory_space<semaphore_mem>> -> memref<!tpu.dma_semaphore, #tpu.memory_space<semaphore_mem>>
      %dma_start3A_857 = arith.constant 0 : i32
      %dma_start3A_858 = tpu.memref_slice %arg6[%mul3A_854, %dma_start3A_857] : memref<4992x1024xf32, #tpu.memory_space<hbm>> -> memref<128x1024xf32, #tpu.memory_space<hbm>>
      %dma_start3A_859 = arith.constant 0 : i32
      %dma_start3A_860 = arith.constant 0 : i32
      %dma_start3A_861 = tpu.memref_slice %arg11[%and3A_796, %dma_start3A_859, %dma_start3A_860] : memref<2x128x1024xf32, #tpu.memory_space<vmem>> -> memref<1x128x1024xf32, #tpu.memory_space<vmem>>
      %dma_start3A_862 = tpu.memref_squeeze %dma_start3A_861 : memref<1x128x1024xf32, #tpu.memory_space<vmem>> -> memref<128x1024xf32, #tpu.memory_space<vmem>>
      tpu.enqueue_dma source(%dma_start3A_862 : memref<128x1024xf32, #tpu.memory_space<vmem>>) target(%dma_start3A_858 : memref<128x1024xf32, #tpu.memory_space<hbm>>) target_semaphore(%dma_start3A_856 : memref<!tpu.dma_semaphore, #tpu.memory_space<semaphore_mem>>)
    }
    %dma_wait3A_522 = arith.constant 5 : i32
    %dma_wait3A_523 = arith.constant 1 : i32
    %dma_wait3A_524 = arith.constant 1 : i32
    %dma_wait3A_525 = tpu.memref_slice %arg12[%dma_wait3A_524] : memref<2x!tpu.dma_semaphore, #tpu.memory_space<semaphore_mem>> -> memref<1x!tpu.dma_semaphore, #tpu.memory_space<semaphore_mem>>
    %dma_wait3A_526 = tpu.memref_squeeze %dma_wait3A_525 : memref<1x!tpu.dma_semaphore, #tpu.memory_space<semaphore_mem>> -> memref<!tpu.dma_semaphore, #tpu.memory_space<semaphore_mem>>
    %dma_wait3A_527 = arith.constant 0 : i32
    %dma_wait3A_528 = arith.constant 0 : i32
    %dma_wait3A_529 = tpu.memref_slice %arg7[%dma_wait3A_523, %dma_wait3A_527, %dma_wait3A_528] : memref<2x1024x768xf32, #tpu.memory_space<vmem>> -> memref<1x1024x768xf32, #tpu.memory_space<vmem>>
    %dma_wait3A_530 = tpu.memref_squeeze %dma_wait3A_529 : memref<1x1024x768xf32, #tpu.memory_space<vmem>> -> memref<1024x768xf32, #tpu.memory_space<vmem>>
    %dma_wait3A_531 = arith.constant 0 : i32
    %dma_wait3A_532 = arith.constant 0 : i32
    %dma_wait3A_533 = tpu.memref_slice %arg3[%dma_wait3A_522, %dma_wait3A_531, %dma_wait3A_532] : memref<8x1024x768xf32, #tpu.memory_space<hbm>> -> memref<1x1024x768xf32, #tpu.memory_space<hbm>>
    %dma_wait3A_534 = tpu.memref_squeeze %dma_wait3A_533 : memref<1x1024x768xf32, #tpu.memory_space<hbm>> -> memref<1024x768xf32, #tpu.memory_space<hbm>>
    tpu.wait_dma2 semaphore(%dma_wait3A_526 : memref<!tpu.dma_semaphore, #tpu.memory_space<semaphore_mem>>) src(%dma_wait3A_534 : memref<1024x768xf32, #tpu.memory_space<hbm>>) dst(%dma_wait3A_530 : memref<1024x768xf32, #tpu.memory_space<vmem>>)
    %dma_wait3A_535 = arith.constant 5 : i32
    %dma_wait3A_536 = arith.constant 1 : i32
    %dma_wait3A_537 = arith.constant 1 : i32
    %dma_wait3A_538 = tpu.memref_slice %arg12[%dma_wait3A_537] : memref<2x!tpu.dma_semaphore, #tpu.memory_space<semaphore_mem>> -> memref<1x!tpu.dma_semaphore, #tpu.memory_space<semaphore_mem>>
    %dma_wait3A_539 = tpu.memref_squeeze %dma_wait3A_538 : memref<1x!tpu.dma_semaphore, #tpu.memory_space<semaphore_mem>> -> memref<!tpu.dma_semaphore, #tpu.memory_space<semaphore_mem>>
    %dma_wait3A_540 = arith.constant 0 : i32
    %dma_wait3A_541 = arith.constant 0 : i32
    %dma_wait3A_542 = tpu.memref_slice %arg8[%dma_wait3A_536, %dma_wait3A_540, %dma_wait3A_541] : memref<2x1024x768xf32, #tpu.memory_space<vmem>> -> memref<1x1024x768xf32, #tpu.memory_space<vmem>>
    %dma_wait3A_543 = tpu.memref_squeeze %dma_wait3A_542 : memref<1x1024x768xf32, #tpu.memory_space<vmem>> -> memref<1024x768xf32, #tpu.memory_space<vmem>>
    %dma_wait3A_544 = arith.constant 0 : i32
    %dma_wait3A_545 = arith.constant 0 : i32
    %dma_wait3A_546 = tpu.memref_slice %arg4[%dma_wait3A_535, %dma_wait3A_544, %dma_wait3A_545] : memref<8x1024x768xf32, #tpu.memory_space<hbm>> -> memref<1x1024x768xf32, #tpu.memory_space<hbm>>
    %dma_wait3A_547 = tpu.memref_squeeze %dma_wait3A_546 : memref<1x1024x768xf32, #tpu.memory_space<hbm>> -> memref<1024x768xf32, #tpu.memory_space<hbm>>
    tpu.wait_dma2 semaphore(%dma_wait3A_539 : memref<!tpu.dma_semaphore, #tpu.memory_space<semaphore_mem>>) src(%dma_wait3A_547 : memref<1024x768xf32, #tpu.memory_space<hbm>>) dst(%dma_wait3A_543 : memref<1024x768xf32, #tpu.memory_space<vmem>>)
    %dma_wait3A_548 = arith.constant 5 : i32
    %dma_wait3A_549 = arith.constant 1 : i32
    %dma_wait3A_550 = arith.constant 1 : i32
    %dma_wait3A_551 = tpu.memref_slice %arg12[%dma_wait3A_550] : memref<2x!tpu.dma_semaphore, #tpu.memory_space<semaphore_mem>> -> memref<1x!tpu.dma_semaphore, #tpu.memory_space<semaphore_mem>>
    %dma_wait3A_552 = tpu.memref_squeeze %dma_wait3A_551 : memref<1x!tpu.dma_semaphore, #tpu.memory_space<semaphore_mem>> -> memref<!tpu.dma_semaphore, #tpu.memory_space<semaphore_mem>>
    %dma_wait3A_553 = arith.constant 0 : i32
    %dma_wait3A_554 = arith.constant 0 : i32
    %dma_wait3A_555 = tpu.memref_slice %arg9[%dma_wait3A_549, %dma_wait3A_553, %dma_wait3A_554] : memref<2x768x1024xf32, #tpu.memory_space<vmem>> -> memref<1x768x1024xf32, #tpu.memory_space<vmem>>
    %dma_wait3A_556 = tpu.memref_squeeze %dma_wait3A_555 : memref<1x768x1024xf32, #tpu.memory_space<vmem>> -> memref<768x1024xf32, #tpu.memory_space<vmem>>
    %dma_wait3A_557 = arith.constant 0 : i32
    %dma_wait3A_558 = arith.constant 0 : i32
    %dma_wait3A_559 = tpu.memref_slice %arg5[%dma_wait3A_548, %dma_wait3A_557, %dma_wait3A_558] : memref<8x768x1024xf32, #tpu.memory_space<hbm>> -> memref<1x768x1024xf32, #tpu.memory_space<hbm>>
    %dma_wait3A_560 = tpu.memref_squeeze %dma_wait3A_559 : memref<1x768x1024xf32, #tpu.memory_space<hbm>> -> memref<768x1024xf32, #tpu.memory_space<hbm>>
    tpu.wait_dma2 semaphore(%dma_wait3A_552 : memref<!tpu.dma_semaphore, #tpu.memory_space<semaphore_mem>>) src(%dma_wait3A_560 : memref<768x1024xf32, #tpu.memory_space<hbm>>) dst(%dma_wait3A_556 : memref<768x1024xf32, #tpu.memory_space<vmem>>)
    %dma_start3A_561 = arith.constant 6 : i32
    %dma_start3A_562 = arith.constant 0 : i32
    %dma_start3A_563 = arith.constant 0 : i32
    %dma_start3A_564 = tpu.memref_slice %arg12[%dma_start3A_563] : memref<2x!tpu.dma_semaphore, #tpu.memory_space<semaphore_mem>> -> memref<1x!tpu.dma_semaphore, #tpu.memory_space<semaphore_mem>>
    %dma_start3A_565 = tpu.memref_squeeze %dma_start3A_564 : memref<1x!tpu.dma_semaphore, #tpu.memory_space<semaphore_mem>> -> memref<!tpu.dma_semaphore, #tpu.memory_space<semaphore_mem>>
    %dma_start3A_566 = arith.constant 0 : i32
    %dma_start3A_567 = arith.constant 0 : i32
    %dma_start3A_568 = tpu.memref_slice %arg7[%dma_start3A_562, %dma_start3A_566, %dma_start3A_567] : memref<2x1024x768xf32, #tpu.memory_space<vmem>> -> memref<1x1024x768xf32, #tpu.memory_space<vmem>>
    %dma_start3A_569 = tpu.memref_squeeze %dma_start3A_568 : memref<1x1024x768xf32, #tpu.memory_space<vmem>> -> memref<1024x768xf32, #tpu.memory_space<vmem>>
    %dma_start3A_570 = arith.constant 0 : i32
    %dma_start3A_571 = arith.constant 0 : i32
    %dma_start3A_572 = tpu.memref_slice %arg3[%dma_start3A_561, %dma_start3A_570, %dma_start3A_571] : memref<8x1024x768xf32, #tpu.memory_space<hbm>> -> memref<1x1024x768xf32, #tpu.memory_space<hbm>>
    %dma_start3A_573 = tpu.memref_squeeze %dma_start3A_572 : memref<1x1024x768xf32, #tpu.memory_space<hbm>> -> memref<1024x768xf32, #tpu.memory_space<hbm>>
    tpu.enqueue_dma source(%dma_start3A_573 : memref<1024x768xf32, #tpu.memory_space<hbm>>) target(%dma_start3A_569 : memref<1024x768xf32, #tpu.memory_space<vmem>>) target_semaphore(%dma_start3A_565 : memref<!tpu.dma_semaphore, #tpu.memory_space<semaphore_mem>>)
    %dma_start3A_574 = arith.constant 6 : i32
    %dma_start3A_575 = arith.constant 0 : i32
    %dma_start3A_576 = arith.constant 0 : i32
    %dma_start3A_577 = tpu.memref_slice %arg12[%dma_start3A_576] : memref<2x!tpu.dma_semaphore, #tpu.memory_space<semaphore_mem>> -> memref<1x!tpu.dma_semaphore, #tpu.memory_space<semaphore_mem>>
    %dma_start3A_578 = tpu.memref_squeeze %dma_start3A_577 : memref<1x!tpu.dma_semaphore, #tpu.memory_space<semaphore_mem>> -> memref<!tpu.dma_semaphore, #tpu.memory_space<semaphore_mem>>
    %dma_start3A_579 = arith.constant 0 : i32
    %dma_start3A_580 = arith.constant 0 : i32
    %dma_start3A_581 = tpu.memref_slice %arg8[%dma_start3A_575, %dma_start3A_579, %dma_start3A_580] : memref<2x1024x768xf32, #tpu.memory_space<vmem>> -> memref<1x1024x768xf32, #tpu.memory_space<vmem>>
    %dma_start3A_582 = tpu.memref_squeeze %dma_start3A_581 : memref<1x1024x768xf32, #tpu.memory_space<vmem>> -> memref<1024x768xf32, #tpu.memory_space<vmem>>
    %dma_start3A_583 = arith.constant 0 : i32
    %dma_start3A_584 = arith.constant 0 : i32
    %dma_start3A_585 = tpu.memref_slice %arg4[%dma_start3A_574, %dma_start3A_583, %dma_start3A_584] : memref<8x1024x768xf32, #tpu.memory_space<hbm>> -> memref<1x1024x768xf32, #tpu.memory_space<hbm>>
    %dma_start3A_586 = tpu.memref_squeeze %dma_start3A_585 : memref<1x1024x768xf32, #tpu.memory_space<hbm>> -> memref<1024x768xf32, #tpu.memory_space<hbm>>
    tpu.enqueue_dma source(%dma_start3A_586 : memref<1024x768xf32, #tpu.memory_space<hbm>>) target(%dma_start3A_582 : memref<1024x768xf32, #tpu.memory_space<vmem>>) target_semaphore(%dma_start3A_578 : memref<!tpu.dma_semaphore, #tpu.memory_space<semaphore_mem>>)
    %dma_start3A_587 = arith.constant 6 : i32
    %dma_start3A_588 = arith.constant 0 : i32
    %dma_start3A_589 = arith.constant 0 : i32
    %dma_start3A_590 = tpu.memref_slice %arg12[%dma_start3A_589] : memref<2x!tpu.dma_semaphore, #tpu.memory_space<semaphore_mem>> -> memref<1x!tpu.dma_semaphore, #tpu.memory_space<semaphore_mem>>
    %dma_start3A_591 = tpu.memref_squeeze %dma_start3A_590 : memref<1x!tpu.dma_semaphore, #tpu.memory_space<semaphore_mem>> -> memref<!tpu.dma_semaphore, #tpu.memory_space<semaphore_mem>>
    %dma_start3A_592 = arith.constant 0 : i32
    %dma_start3A_593 = arith.constant 0 : i32
    %dma_start3A_594 = tpu.memref_slice %arg9[%dma_start3A_588, %dma_start3A_592, %dma_start3A_593] : memref<2x768x1024xf32, #tpu.memory_space<vmem>> -> memref<1x768x1024xf32, #tpu.memory_space<vmem>>
    %dma_start3A_595 = tpu.memref_squeeze %dma_start3A_594 : memref<1x768x1024xf32, #tpu.memory_space<vmem>> -> memref<768x1024xf32, #tpu.memory_space<vmem>>
    %dma_start3A_596 = arith.constant 0 : i32
    %dma_start3A_597 = arith.constant 0 : i32
    %dma_start3A_598 = tpu.memref_slice %arg5[%dma_start3A_587, %dma_start3A_596, %dma_start3A_597] : memref<8x768x1024xf32, #tpu.memory_space<hbm>> -> memref<1x768x1024xf32, #tpu.memory_space<hbm>>
    %dma_start3A_599 = tpu.memref_squeeze %dma_start3A_598 : memref<1x768x1024xf32, #tpu.memory_space<hbm>> -> memref<768x1024xf32, #tpu.memory_space<hbm>>
    tpu.enqueue_dma source(%dma_start3A_599 : memref<768x1024xf32, #tpu.memory_space<hbm>>) target(%dma_start3A_595 : memref<768x1024xf32, #tpu.memory_space<vmem>>) target_semaphore(%dma_start3A_591 : memref<!tpu.dma_semaphore, #tpu.memory_space<semaphore_mem>>)
    %get3A_600 = arith.constant 5 : index
    %get3A_601 = arith.constant 0 : index
    %get3A_602 = memref.load %arg0[%get3A_600, %get3A_601] : memref<8x1xi32, #tpu.memory_space<smem>>
    %get3A_603 = arith.constant 5 : index
    %get3A_604 = arith.constant 0 : index
    %get3A_605 = memref.load %arg1[%get3A_603, %get3A_604] : memref<8x1xi32, #tpu.memory_space<smem>>
    %add3A_606 = arith.addi %get3A_602, %get3A_605 : i32
    %while3A_607 = arith.constant 0 : i32
    %while3A_608 = arith.subi %add3A_606, %get3A_602 : i32
    %while3A_609 = arith.addi %get3A_602, %while3A_608 : i32
    %while3A_610 = arith.constant 1 : i32
    %while3A_611 = arith.divsi %while3A_608, %while3A_610 : i32
    %while3A_612 = arith.muli %while3A_611, %while3A_610 : i32
    %while3A_613 = arith.addi %get3A_602, %while3A_612 : i32
    %while3A_614 = arith.constant 1 : i32
    scf.for %while3A_794 = %get3A_602 to %while3A_613 step %while3A_614  : i32 {
      %and3A_795 = arith.constant 1 : i32
      %and3A_796 = arith.andi %while3A_794, %and3A_795 : i32
      %mul3A_797 = arith.constant 128 : i32
      %mul3A_798 = arith.muli %while3A_794, %mul3A_797 : i32
      %dma_wait3A_799 = tpu.memref_slice %arg13[%and3A_796] : memref<2x!tpu.dma_semaphore, #tpu.memory_space<semaphore_mem>> -> memref<1x!tpu.dma_semaphore, #tpu.memory_space<semaphore_mem>>
      %dma_wait3A_800 = tpu.memref_squeeze %dma_wait3A_799 : memref<1x!tpu.dma_semaphore, #tpu.memory_space<semaphore_mem>> -> memref<!tpu.dma_semaphore, #tpu.memory_space<semaphore_mem>>
      %dma_wait3A_801 = arith.constant 0 : i32
      %dma_wait3A_802 = arith.constant 0 : i32
      %dma_wait3A_803 = tpu.memref_slice %arg10[%and3A_796, %dma_wait3A_801, %dma_wait3A_802] : memref<2x128x1024xf32, #tpu.memory_space<vmem>> -> memref<1x128x1024xf32, #tpu.memory_space<vmem>>
      %dma_wait3A_804 = tpu.memref_squeeze %dma_wait3A_803 : memref<1x128x1024xf32, #tpu.memory_space<vmem>> -> memref<128x1024xf32, #tpu.memory_space<vmem>>
      %dma_wait3A_805 = arith.constant 0 : i32
      %dma_wait3A_806 = tpu.memref_slice %arg2[%mul3A_798, %dma_wait3A_805] : memref<4992x1024xf32, #tpu.memory_space<hbm>> -> memref<128x1024xf32, #tpu.memory_space<hbm>>
      tpu.wait_dma2 semaphore(%dma_wait3A_800 : memref<!tpu.dma_semaphore, #tpu.memory_space<semaphore_mem>>) src(%dma_wait3A_806 : memref<128x1024xf32, #tpu.memory_space<hbm>>) dst(%dma_wait3A_804 : memref<128x1024xf32, #tpu.memory_space<vmem>>)
      %add3A_807 = arith.constant 1 : i32
      %add3A_808 = arith.addi %while3A_794, %add3A_807 : i32
      %lt3A = arith.cmpi slt, %add3A_808, %add3A : i32
      %convert_element_type3A = arith.extui %lt3A : i1 to i32
      %cond3A = arith.constant 0 : i32
      %cond3A_809 = arith.cmpi ne, %convert_element_type3A, %cond3A : i32
      scf.if %cond3A_809 {
        %add3A_863 = arith.constant 1 : i32
        %add3A_864 = arith.addi %while3A_794, %add3A_863 : i32
        %sub3A_865 = arith.constant 1 : i32
        %sub3A_866 = arith.subi %sub3A_865, %and3A_796 : i32
        %mul3A_867 = arith.constant 128 : i32
        %mul3A_868 = arith.muli %add3A_864, %mul3A_867 : i32
        %dma_start3A_869 = tpu.memref_slice %arg13[%sub3A_866] : memref<2x!tpu.dma_semaphore, #tpu.memory_space<semaphore_mem>> -> memref<1x!tpu.dma_semaphore, #tpu.memory_space<semaphore_mem>>
        %dma_start3A_870 = tpu.memref_squeeze %dma_start3A_869 : memref<1x!tpu.dma_semaphore, #tpu.memory_space<semaphore_mem>> -> memref<!tpu.dma_semaphore, #tpu.memory_space<semaphore_mem>>
        %dma_start3A_871 = arith.constant 0 : i32
        %dma_start3A_872 = arith.constant 0 : i32
        %dma_start3A_873 = tpu.memref_slice %arg10[%sub3A_866, %dma_start3A_871, %dma_start3A_872] : memref<2x128x1024xf32, #tpu.memory_space<vmem>> -> memref<1x128x1024xf32, #tpu.memory_space<vmem>>
        %dma_start3A_874 = tpu.memref_squeeze %dma_start3A_873 : memref<1x128x1024xf32, #tpu.memory_space<vmem>> -> memref<128x1024xf32, #tpu.memory_space<vmem>>
        %dma_start3A_875 = arith.constant 0 : i32
        %dma_start3A_876 = tpu.memref_slice %arg2[%mul3A_868, %dma_start3A_875] : memref<4992x1024xf32, #tpu.memory_space<hbm>> -> memref<128x1024xf32, #tpu.memory_space<hbm>>
        tpu.enqueue_dma source(%dma_start3A_876 : memref<128x1024xf32, #tpu.memory_space<hbm>>) target(%dma_start3A_874 : memref<128x1024xf32, #tpu.memory_space<vmem>>) target_semaphore(%dma_start3A_870 : memref<!tpu.dma_semaphore, #tpu.memory_space<semaphore_mem>>)
      } else {
      }
      %ge3A = arith.constant 2 : i32
      %ge3A_810 = arith.cmpi sge, %while3A_794, %ge3A : i32
      %convert_element_type3A_811 = arith.extui %ge3A_810 : i1 to i32
      %cond3A_812 = arith.constant 0 : i32
      %cond3A_813 = arith.cmpi ne, %convert_element_type3A_811, %cond3A_812 : i32
      scf.if %cond3A_813 {
        %sub3A_863 = arith.constant 2 : i32
        %sub3A_864 = arith.subi %while3A_794, %sub3A_863 : i32
        %mul3A_865 = arith.constant 128 : i32
        %mul3A_866 = arith.muli %sub3A_864, %mul3A_865 : i32
        %dma_wait3A_867 = tpu.memref_slice %arg14[%and3A_796] : memref<2x!tpu.dma_semaphore, #tpu.memory_space<semaphore_mem>> -> memref<1x!tpu.dma_semaphore, #tpu.memory_space<semaphore_mem>>
        %dma_wait3A_868 = tpu.memref_squeeze %dma_wait3A_867 : memref<1x!tpu.dma_semaphore, #tpu.memory_space<semaphore_mem>> -> memref<!tpu.dma_semaphore, #tpu.memory_space<semaphore_mem>>
        %dma_wait3A_869 = arith.constant 0 : i32
        %dma_wait3A_870 = tpu.memref_slice %arg6[%mul3A_866, %dma_wait3A_869] : memref<4992x1024xf32, #tpu.memory_space<hbm>> -> memref<128x1024xf32, #tpu.memory_space<hbm>>
        %dma_wait3A_871 = arith.constant 0 : i32
        %dma_wait3A_872 = arith.constant 0 : i32
        %dma_wait3A_873 = tpu.memref_slice %arg11[%and3A_796, %dma_wait3A_871, %dma_wait3A_872] : memref<2x128x1024xf32, #tpu.memory_space<vmem>> -> memref<1x128x1024xf32, #tpu.memory_space<vmem>>
        %dma_wait3A_874 = tpu.memref_squeeze %dma_wait3A_873 : memref<1x128x1024xf32, #tpu.memory_space<vmem>> -> memref<128x1024xf32, #tpu.memory_space<vmem>>
        tpu.wait_dma2 semaphore(%dma_wait3A_868 : memref<!tpu.dma_semaphore, #tpu.memory_space<semaphore_mem>>) src(%dma_wait3A_874 : memref<128x1024xf32, #tpu.memory_space<vmem>>) dst(%dma_wait3A_870 : memref<128x1024xf32, #tpu.memory_space<hbm>>)
      } else {
      }
      %get3A_814 = arith.index_cast %and3A_796 : i32 to index
      %get3A_815 = arith.constant 0 : index
      %get3A_816 = arith.constant 0 : index
      %get3A_817 = vector.load %arg10[%get3A_814, %get3A_815, %get3A_816] : memref<2x128x1024xf32, #tpu.memory_space<vmem>>, vector<1x128x1024xf32>
      %get3A_818 = vector.shape_cast %get3A_817 : vector<1x128x1024xf32> to vector<128x1024xf32>
      %get3A_819 = arith.constant 1 : index
      %get3A_820 = arith.constant 0 : index
      %get3A_821 = arith.constant 0 : index
      %get3A_822 = vector.load %arg7[%get3A_819, %get3A_820, %get3A_821] : memref<2x1024x768xf32, #tpu.memory_space<vmem>>, vector<1x1024x768xf32>
      %get3A_823 = vector.shape_cast %get3A_822 : vector<1x1024x768xf32> to vector<1024x768xf32>
      %dot_general3A = arith.constant dense<0.000000e+00> : vector<128x768xf32>
      %dot_general3A_824 = tpu.matmul %get3A_818, %get3A_823, %dot_general3A {dimension_numbers = #tpu.dot_dimension_numbers<[1], [0], [0], [1], [0, 0, 1, 1], [], []>, transpose_lhs_hint = false} : vector<128x1024xf32>, vector<1024x768xf32>, vector<128x768xf32> -> vector<128x768xf32>
      %get3A_825 = arith.constant 1 : index
      %get3A_826 = arith.constant 0 : index
      %get3A_827 = arith.constant 0 : index
      %get3A_828 = vector.load %arg8[%get3A_825, %get3A_826, %get3A_827] : memref<2x1024x768xf32, #tpu.memory_space<vmem>>, vector<1x1024x768xf32>
      %get3A_829 = vector.shape_cast %get3A_828 : vector<1x1024x768xf32> to vector<1024x768xf32>
      %dot_general3A_830 = arith.constant dense<0.000000e+00> : vector<128x768xf32>
      %dot_general3A_831 = tpu.matmul %get3A_818, %get3A_829, %dot_general3A_830 {dimension_numbers = #tpu.dot_dimension_numbers<[1], [0], [0], [1], [0, 0, 1, 1], [], []>, transpose_lhs_hint = false} : vector<128x1024xf32>, vector<1024x768xf32>, vector<128x768xf32> -> vector<128x768xf32>
      %neg3A = arith.constant 0.000000e+00 : f32
      %neg3A_832 = vector.broadcast %neg3A : f32 to vector<128x768xf32>
      %neg3A_833 = arith.subf %neg3A_832, %dot_general3A_824 : vector<128x768xf32>
      %exp3A = math.exp %neg3A_833 : vector<128x768xf32>
      %add3A_834 = arith.constant 1.000000e+00 : f32
      %add3A_835 = vector.broadcast %add3A_834 : f32 to vector<128x768xf32>
      %add3A_836 = arith.addf %add3A_835, %exp3A : vector<128x768xf32>
      %div3A = arith.constant 1.000000e+00 : f32
      %div3A_837 = vector.broadcast %div3A : f32 to vector<128x768xf32>
      %div3A_838 = arith.divf %div3A_837, %add3A_836 : vector<128x768xf32>
      %mul3A_839 = arith.mulf %dot_general3A_824, %div3A_838 : vector<128x768xf32>
      %mul3A_840 = arith.mulf %mul3A_839, %dot_general3A_831 : vector<128x768xf32>
      %get3A_841 = arith.constant 1 : index
      %get3A_842 = arith.constant 0 : index
      %get3A_843 = arith.constant 0 : index
      %get3A_844 = vector.load %arg9[%get3A_841, %get3A_842, %get3A_843] : memref<2x768x1024xf32, #tpu.memory_space<vmem>>, vector<1x768x1024xf32>
      %get3A_845 = vector.shape_cast %get3A_844 : vector<1x768x1024xf32> to vector<768x1024xf32>
      %dot_general3A_846 = arith.constant dense<0.000000e+00> : vector<128x1024xf32>
      %dot_general3A_847 = tpu.matmul %mul3A_840, %get3A_845, %dot_general3A_846 {dimension_numbers = #tpu.dot_dimension_numbers<[1], [0], [0], [1], [0, 0, 1, 1], [], []>, transpose_lhs_hint = false} : vector<128x768xf32>, vector<768x1024xf32>, vector<128x1024xf32> -> vector<128x1024xf32>
      %swap3A = arith.index_cast %and3A_796 : i32 to index
      %swap3A_848 = arith.constant 0 : index
      %swap3A_849 = arith.constant 0 : index
      %swap3A_850 = vector.load %arg11[%swap3A, %swap3A_848, %swap3A_849] : memref<2x128x1024xf32, #tpu.memory_space<vmem>>, vector<1x128x1024xf32>
      %swap3A_851 = vector.shape_cast %swap3A_850 : vector<1x128x1024xf32> to vector<128x1024xf32>
      %swap3A_852 = vector.shape_cast %dot_general3A_847 : vector<128x1024xf32> to vector<1x128x1024xf32>
      tpu.vector_store %arg11[%swap3A, %swap3A_848, %swap3A_849], %swap3A_852 {strides = array<i32>} : memref<2x128x1024xf32, #tpu.memory_space<vmem>>, vector<1x128x1024xf32>,
      %mul3A_853 = arith.constant 128 : i32
      %mul3A_854 = arith.muli %while3A_794, %mul3A_853 : i32
      %dma_start3A_855 = tpu.memref_slice %arg14[%and3A_796] : memref<2x!tpu.dma_semaphore, #tpu.memory_space<semaphore_mem>> -> memref<1x!tpu.dma_semaphore, #tpu.memory_space<semaphore_mem>>
      %dma_start3A_856 = tpu.memref_squeeze %dma_start3A_855 : memref<1x!tpu.dma_semaphore, #tpu.memory_space<semaphore_mem>> -> memref<!tpu.dma_semaphore, #tpu.memory_space<semaphore_mem>>
      %dma_start3A_857 = arith.constant 0 : i32
      %dma_start3A_858 = tpu.memref_slice %arg6[%mul3A_854, %dma_start3A_857] : memref<4992x1024xf32, #tpu.memory_space<hbm>> -> memref<128x1024xf32, #tpu.memory_space<hbm>>
      %dma_start3A_859 = arith.constant 0 : i32
      %dma_start3A_860 = arith.constant 0 : i32
      %dma_start3A_861 = tpu.memref_slice %arg11[%and3A_796, %dma_start3A_859, %dma_start3A_860] : memref<2x128x1024xf32, #tpu.memory_space<vmem>> -> memref<1x128x1024xf32, #tpu.memory_space<vmem>>
      %dma_start3A_862 = tpu.memref_squeeze %dma_start3A_861 : memref<1x128x1024xf32, #tpu.memory_space<vmem>> -> memref<128x1024xf32, #tpu.memory_space<vmem>>
      tpu.enqueue_dma source(%dma_start3A_862 : memref<128x1024xf32, #tpu.memory_space<vmem>>) target(%dma_start3A_858 : memref<128x1024xf32, #tpu.memory_space<hbm>>) target_semaphore(%dma_start3A_856 : memref<!tpu.dma_semaphore, #tpu.memory_space<semaphore_mem>>)
    }
    %while3A_615 = arith.constant 1 : i32
    scf.for %while3A_794 = %while3A_613 to %while3A_609 step %while3A_615  : i32 {
      %and3A_795 = arith.constant 1 : i32
      %and3A_796 = arith.andi %while3A_794, %and3A_795 : i32
      %mul3A_797 = arith.constant 128 : i32
      %mul3A_798 = arith.muli %while3A_794, %mul3A_797 : i32
      %dma_wait3A_799 = tpu.memref_slice %arg13[%and3A_796] : memref<2x!tpu.dma_semaphore, #tpu.memory_space<semaphore_mem>> -> memref<1x!tpu.dma_semaphore, #tpu.memory_space<semaphore_mem>>
      %dma_wait3A_800 = tpu.memref_squeeze %dma_wait3A_799 : memref<1x!tpu.dma_semaphore, #tpu.memory_space<semaphore_mem>> -> memref<!tpu.dma_semaphore, #tpu.memory_space<semaphore_mem>>
      %dma_wait3A_801 = arith.constant 0 : i32
      %dma_wait3A_802 = arith.constant 0 : i32
      %dma_wait3A_803 = tpu.memref_slice %arg10[%and3A_796, %dma_wait3A_801, %dma_wait3A_802] : memref<2x128x1024xf32, #tpu.memory_space<vmem>> -> memref<1x128x1024xf32, #tpu.memory_space<vmem>>
      %dma_wait3A_804 = tpu.memref_squeeze %dma_wait3A_803 : memref<1x128x1024xf32, #tpu.memory_space<vmem>> -> memref<128x1024xf32, #tpu.memory_space<vmem>>
      %dma_wait3A_805 = arith.constant 0 : i32
      %dma_wait3A_806 = tpu.memref_slice %arg2[%mul3A_798, %dma_wait3A_805] : memref<4992x1024xf32, #tpu.memory_space<hbm>> -> memref<128x1024xf32, #tpu.memory_space<hbm>>
      tpu.wait_dma2 semaphore(%dma_wait3A_800 : memref<!tpu.dma_semaphore, #tpu.memory_space<semaphore_mem>>) src(%dma_wait3A_806 : memref<128x1024xf32, #tpu.memory_space<hbm>>) dst(%dma_wait3A_804 : memref<128x1024xf32, #tpu.memory_space<vmem>>)
      %add3A_807 = arith.constant 1 : i32
      %add3A_808 = arith.addi %while3A_794, %add3A_807 : i32
      %lt3A = arith.cmpi slt, %add3A_808, %add3A : i32
      %convert_element_type3A = arith.extui %lt3A : i1 to i32
      %cond3A = arith.constant 0 : i32
      %cond3A_809 = arith.cmpi ne, %convert_element_type3A, %cond3A : i32
      scf.if %cond3A_809 {
        %add3A_863 = arith.constant 1 : i32
        %add3A_864 = arith.addi %while3A_794, %add3A_863 : i32
        %sub3A_865 = arith.constant 1 : i32
        %sub3A_866 = arith.subi %sub3A_865, %and3A_796 : i32
        %mul3A_867 = arith.constant 128 : i32
        %mul3A_868 = arith.muli %add3A_864, %mul3A_867 : i32
        %dma_start3A_869 = tpu.memref_slice %arg13[%sub3A_866] : memref<2x!tpu.dma_semaphore, #tpu.memory_space<semaphore_mem>> -> memref<1x!tpu.dma_semaphore, #tpu.memory_space<semaphore_mem>>
        %dma_start3A_870 = tpu.memref_squeeze %dma_start3A_869 : memref<1x!tpu.dma_semaphore, #tpu.memory_space<semaphore_mem>> -> memref<!tpu.dma_semaphore, #tpu.memory_space<semaphore_mem>>
        %dma_start3A_871 = arith.constant 0 : i32
        %dma_start3A_872 = arith.constant 0 : i32
        %dma_start3A_873 = tpu.memref_slice %arg10[%sub3A_866, %dma_start3A_871, %dma_start3A_872] : memref<2x128x1024xf32, #tpu.memory_space<vmem>> -> memref<1x128x1024xf32, #tpu.memory_space<vmem>>
        %dma_start3A_874 = tpu.memref_squeeze %dma_start3A_873 : memref<1x128x1024xf32, #tpu.memory_space<vmem>> -> memref<128x1024xf32, #tpu.memory_space<vmem>>
        %dma_start3A_875 = arith.constant 0 : i32
        %dma_start3A_876 = tpu.memref_slice %arg2[%mul3A_868, %dma_start3A_875] : memref<4992x1024xf32, #tpu.memory_space<hbm>> -> memref<128x1024xf32, #tpu.memory_space<hbm>>
        tpu.enqueue_dma source(%dma_start3A_876 : memref<128x1024xf32, #tpu.memory_space<hbm>>) target(%dma_start3A_874 : memref<128x1024xf32, #tpu.memory_space<vmem>>) target_semaphore(%dma_start3A_870 : memref<!tpu.dma_semaphore, #tpu.memory_space<semaphore_mem>>)
      } else {
      }
      %ge3A = arith.constant 2 : i32
      %ge3A_810 = arith.cmpi sge, %while3A_794, %ge3A : i32
      %convert_element_type3A_811 = arith.extui %ge3A_810 : i1 to i32
      %cond3A_812 = arith.constant 0 : i32
      %cond3A_813 = arith.cmpi ne, %convert_element_type3A_811, %cond3A_812 : i32
      scf.if %cond3A_813 {
        %sub3A_863 = arith.constant 2 : i32
        %sub3A_864 = arith.subi %while3A_794, %sub3A_863 : i32
        %mul3A_865 = arith.constant 128 : i32
        %mul3A_866 = arith.muli %sub3A_864, %mul3A_865 : i32
        %dma_wait3A_867 = tpu.memref_slice %arg14[%and3A_796] : memref<2x!tpu.dma_semaphore, #tpu.memory_space<semaphore_mem>> -> memref<1x!tpu.dma_semaphore, #tpu.memory_space<semaphore_mem>>
        %dma_wait3A_868 = tpu.memref_squeeze %dma_wait3A_867 : memref<1x!tpu.dma_semaphore, #tpu.memory_space<semaphore_mem>> -> memref<!tpu.dma_semaphore, #tpu.memory_space<semaphore_mem>>
        %dma_wait3A_869 = arith.constant 0 : i32
        %dma_wait3A_870 = tpu.memref_slice %arg6[%mul3A_866, %dma_wait3A_869] : memref<4992x1024xf32, #tpu.memory_space<hbm>> -> memref<128x1024xf32, #tpu.memory_space<hbm>>
        %dma_wait3A_871 = arith.constant 0 : i32
        %dma_wait3A_872 = arith.constant 0 : i32
        %dma_wait3A_873 = tpu.memref_slice %arg11[%and3A_796, %dma_wait3A_871, %dma_wait3A_872] : memref<2x128x1024xf32, #tpu.memory_space<vmem>> -> memref<1x128x1024xf32, #tpu.memory_space<vmem>>
        %dma_wait3A_874 = tpu.memref_squeeze %dma_wait3A_873 : memref<1x128x1024xf32, #tpu.memory_space<vmem>> -> memref<128x1024xf32, #tpu.memory_space<vmem>>
        tpu.wait_dma2 semaphore(%dma_wait3A_868 : memref<!tpu.dma_semaphore, #tpu.memory_space<semaphore_mem>>) src(%dma_wait3A_874 : memref<128x1024xf32, #tpu.memory_space<vmem>>) dst(%dma_wait3A_870 : memref<128x1024xf32, #tpu.memory_space<hbm>>)
      } else {
      }
      %get3A_814 = arith.index_cast %and3A_796 : i32 to index
      %get3A_815 = arith.constant 0 : index
      %get3A_816 = arith.constant 0 : index
      %get3A_817 = vector.load %arg10[%get3A_814, %get3A_815, %get3A_816] : memref<2x128x1024xf32, #tpu.memory_space<vmem>>, vector<1x128x1024xf32>
      %get3A_818 = vector.shape_cast %get3A_817 : vector<1x128x1024xf32> to vector<128x1024xf32>
      %get3A_819 = arith.constant 1 : index
      %get3A_820 = arith.constant 0 : index
      %get3A_821 = arith.constant 0 : index
      %get3A_822 = vector.load %arg7[%get3A_819, %get3A_820, %get3A_821] : memref<2x1024x768xf32, #tpu.memory_space<vmem>>, vector<1x1024x768xf32>
      %get3A_823 = vector.shape_cast %get3A_822 : vector<1x1024x768xf32> to vector<1024x768xf32>
      %dot_general3A = arith.constant dense<0.000000e+00> : vector<128x768xf32>
      %dot_general3A_824 = tpu.matmul %get3A_818, %get3A_823, %dot_general3A {dimension_numbers = #tpu.dot_dimension_numbers<[1], [0], [0], [1], [0, 0, 1, 1], [], []>, transpose_lhs_hint = false} : vector<128x1024xf32>, vector<1024x768xf32>, vector<128x768xf32> -> vector<128x768xf32>
      %get3A_825 = arith.constant 1 : index
      %get3A_826 = arith.constant 0 : index
      %get3A_827 = arith.constant 0 : index
      %get3A_828 = vector.load %arg8[%get3A_825, %get3A_826, %get3A_827] : memref<2x1024x768xf32, #tpu.memory_space<vmem>>, vector<1x1024x768xf32>
      %get3A_829 = vector.shape_cast %get3A_828 : vector<1x1024x768xf32> to vector<1024x768xf32>
      %dot_general3A_830 = arith.constant dense<0.000000e+00> : vector<128x768xf32>
      %dot_general3A_831 = tpu.matmul %get3A_818, %get3A_829, %dot_general3A_830 {dimension_numbers = #tpu.dot_dimension_numbers<[1], [0], [0], [1], [0, 0, 1, 1], [], []>, transpose_lhs_hint = false} : vector<128x1024xf32>, vector<1024x768xf32>, vector<128x768xf32> -> vector<128x768xf32>
      %neg3A = arith.constant 0.000000e+00 : f32
      %neg3A_832 = vector.broadcast %neg3A : f32 to vector<128x768xf32>
      %neg3A_833 = arith.subf %neg3A_832, %dot_general3A_824 : vector<128x768xf32>
      %exp3A = math.exp %neg3A_833 : vector<128x768xf32>
      %add3A_834 = arith.constant 1.000000e+00 : f32
      %add3A_835 = vector.broadcast %add3A_834 : f32 to vector<128x768xf32>
      %add3A_836 = arith.addf %add3A_835, %exp3A : vector<128x768xf32>
      %div3A = arith.constant 1.000000e+00 : f32
      %div3A_837 = vector.broadcast %div3A : f32 to vector<128x768xf32>
      %div3A_838 = arith.divf %div3A_837, %add3A_836 : vector<128x768xf32>
      %mul3A_839 = arith.mulf %dot_general3A_824, %div3A_838 : vector<128x768xf32>
      %mul3A_840 = arith.mulf %mul3A_839, %dot_general3A_831 : vector<128x768xf32>
      %get3A_841 = arith.constant 1 : index
      %get3A_842 = arith.constant 0 : index
      %get3A_843 = arith.constant 0 : index
      %get3A_844 = vector.load %arg9[%get3A_841, %get3A_842, %get3A_843] : memref<2x768x1024xf32, #tpu.memory_space<vmem>>, vector<1x768x1024xf32>
      %get3A_845 = vector.shape_cast %get3A_844 : vector<1x768x1024xf32> to vector<768x1024xf32>
      %dot_general3A_846 = arith.constant dense<0.000000e+00> : vector<128x1024xf32>
      %dot_general3A_847 = tpu.matmul %mul3A_840, %get3A_845, %dot_general3A_846 {dimension_numbers = #tpu.dot_dimension_numbers<[1], [0], [0], [1], [0, 0, 1, 1], [], []>, transpose_lhs_hint = false} : vector<128x768xf32>, vector<768x1024xf32>, vector<128x1024xf32> -> vector<128x1024xf32>
      %swap3A = arith.index_cast %and3A_796 : i32 to index
      %swap3A_848 = arith.constant 0 : index
      %swap3A_849 = arith.constant 0 : index
      %swap3A_850 = vector.load %arg11[%swap3A, %swap3A_848, %swap3A_849] : memref<2x128x1024xf32, #tpu.memory_space<vmem>>, vector<1x128x1024xf32>
      %swap3A_851 = vector.shape_cast %swap3A_850 : vector<1x128x1024xf32> to vector<128x1024xf32>
      %swap3A_852 = vector.shape_cast %dot_general3A_847 : vector<128x1024xf32> to vector<1x128x1024xf32>
      tpu.vector_store %arg11[%swap3A, %swap3A_848, %swap3A_849], %swap3A_852 {strides = array<i32>} : memref<2x128x1024xf32, #tpu.memory_space<vmem>>, vector<1x128x1024xf32>,
      %mul3A_853 = arith.constant 128 : i32
      %mul3A_854 = arith.muli %while3A_794, %mul3A_853 : i32
      %dma_start3A_855 = tpu.memref_slice %arg14[%and3A_796] : memref<2x!tpu.dma_semaphore, #tpu.memory_space<semaphore_mem>> -> memref<1x!tpu.dma_semaphore, #tpu.memory_space<semaphore_mem>>
      %dma_start3A_856 = tpu.memref_squeeze %dma_start3A_855 : memref<1x!tpu.dma_semaphore, #tpu.memory_space<semaphore_mem>> -> memref<!tpu.dma_semaphore, #tpu.memory_space<semaphore_mem>>
      %dma_start3A_857 = arith.constant 0 : i32
      %dma_start3A_858 = tpu.memref_slice %arg6[%mul3A_854, %dma_start3A_857] : memref<4992x1024xf32, #tpu.memory_space<hbm>> -> memref<128x1024xf32, #tpu.memory_space<hbm>>
      %dma_start3A_859 = arith.constant 0 : i32
      %dma_start3A_860 = arith.constant 0 : i32
      %dma_start3A_861 = tpu.memref_slice %arg11[%and3A_796, %dma_start3A_859, %dma_start3A_860] : memref<2x128x1024xf32, #tpu.memory_space<vmem>> -> memref<1x128x1024xf32, #tpu.memory_space<vmem>>
      %dma_start3A_862 = tpu.memref_squeeze %dma_start3A_861 : memref<1x128x1024xf32, #tpu.memory_space<vmem>> -> memref<128x1024xf32, #tpu.memory_space<vmem>>
      tpu.enqueue_dma source(%dma_start3A_862 : memref<128x1024xf32, #tpu.memory_space<vmem>>) target(%dma_start3A_858 : memref<128x1024xf32, #tpu.memory_space<hbm>>) target_semaphore(%dma_start3A_856 : memref<!tpu.dma_semaphore, #tpu.memory_space<semaphore_mem>>)
    }
    %dma_wait3A_616 = arith.constant 6 : i32
    %dma_wait3A_617 = arith.constant 0 : i32
    %dma_wait3A_618 = arith.constant 0 : i32
    %dma_wait3A_619 = tpu.memref_slice %arg12[%dma_wait3A_618] : memref<2x!tpu.dma_semaphore, #tpu.memory_space<semaphore_mem>> -> memref<1x!tpu.dma_semaphore, #tpu.memory_space<semaphore_mem>>
    %dma_wait3A_620 = tpu.memref_squeeze %dma_wait3A_619 : memref<1x!tpu.dma_semaphore, #tpu.memory_space<semaphore_mem>> -> memref<!tpu.dma_semaphore, #tpu.memory_space<semaphore_mem>>
    %dma_wait3A_621 = arith.constant 0 : i32
    %dma_wait3A_622 = arith.constant 0 : i32
    %dma_wait3A_623 = tpu.memref_slice %arg7[%dma_wait3A_617, %dma_wait3A_621, %dma_wait3A_622] : memref<2x1024x768xf32, #tpu.memory_space<vmem>> -> memref<1x1024x768xf32, #tpu.memory_space<vmem>>
    %dma_wait3A_624 = tpu.memref_squeeze %dma_wait3A_623 : memref<1x1024x768xf32, #tpu.memory_space<vmem>> -> memref<1024x768xf32, #tpu.memory_space<vmem>>
    %dma_wait3A_625 = arith.constant 0 : i32
    %dma_wait3A_626 = arith.constant 0 : i32
    %dma_wait3A_627 = tpu.memref_slice %arg3[%dma_wait3A_616, %dma_wait3A_625, %dma_wait3A_626] : memref<8x1024x768xf32, #tpu.memory_space<hbm>> -> memref<1x1024x768xf32, #tpu.memory_space<hbm>>
    %dma_wait3A_628 = tpu.memref_squeeze %dma_wait3A_627 : memref<1x1024x768xf32, #tpu.memory_space<hbm>> -> memref<1024x768xf32, #tpu.memory_space<hbm>>
    tpu.wait_dma2 semaphore(%dma_wait3A_620 : memref<!tpu.dma_semaphore, #tpu.memory_space<semaphore_mem>>) src(%dma_wait3A_628 : memref<1024x768xf32, #tpu.memory_space<hbm>>) dst(%dma_wait3A_624 : memref<1024x768xf32, #tpu.memory_space<vmem>>)
    %dma_wait3A_629 = arith.constant 6 : i32
    %dma_wait3A_630 = arith.constant 0 : i32
    %dma_wait3A_631 = arith.constant 0 : i32
    %dma_wait3A_632 = tpu.memref_slice %arg12[%dma_wait3A_631] : memref<2x!tpu.dma_semaphore, #tpu.memory_space<semaphore_mem>> -> memref<1x!tpu.dma_semaphore, #tpu.memory_space<semaphore_mem>>
    %dma_wait3A_633 = tpu.memref_squeeze %dma_wait3A_632 : memref<1x!tpu.dma_semaphore, #tpu.memory_space<semaphore_mem>> -> memref<!tpu.dma_semaphore, #tpu.memory_space<semaphore_mem>>
    %dma_wait3A_634 = arith.constant 0 : i32
    %dma_wait3A_635 = arith.constant 0 : i32
    %dma_wait3A_636 = tpu.memref_slice %arg8[%dma_wait3A_630, %dma_wait3A_634, %dma_wait3A_635] : memref<2x1024x768xf32, #tpu.memory_space<vmem>> -> memref<1x1024x768xf32, #tpu.memory_space<vmem>>
    %dma_wait3A_637 = tpu.memref_squeeze %dma_wait3A_636 : memref<1x1024x768xf32, #tpu.memory_space<vmem>> -> memref<1024x768xf32, #tpu.memory_space<vmem>>
    %dma_wait3A_638 = arith.constant 0 : i32
    %dma_wait3A_639 = arith.constant 0 : i32
    %dma_wait3A_640 = tpu.memref_slice %arg4[%dma_wait3A_629, %dma_wait3A_638, %dma_wait3A_639] : memref<8x1024x768xf32, #tpu.memory_space<hbm>> -> memref<1x1024x768xf32, #tpu.memory_space<hbm>>
    %dma_wait3A_641 = tpu.memref_squeeze %dma_wait3A_640 : memref<1x1024x768xf32, #tpu.memory_space<hbm>> -> memref<1024x768xf32, #tpu.memory_space<hbm>>
    tpu.wait_dma2 semaphore(%dma_wait3A_633 : memref<!tpu.dma_semaphore, #tpu.memory_space<semaphore_mem>>) src(%dma_wait3A_641 : memref<1024x768xf32, #tpu.memory_space<hbm>>) dst(%dma_wait3A_637 : memref<1024x768xf32, #tpu.memory_space<vmem>>)
    %dma_wait3A_642 = arith.constant 6 : i32
    %dma_wait3A_643 = arith.constant 0 : i32
    %dma_wait3A_644 = arith.constant 0 : i32
    %dma_wait3A_645 = tpu.memref_slice %arg12[%dma_wait3A_644] : memref<2x!tpu.dma_semaphore, #tpu.memory_space<semaphore_mem>> -> memref<1x!tpu.dma_semaphore, #tpu.memory_space<semaphore_mem>>
    %dma_wait3A_646 = tpu.memref_squeeze %dma_wait3A_645 : memref<1x!tpu.dma_semaphore, #tpu.memory_space<semaphore_mem>> -> memref<!tpu.dma_semaphore, #tpu.memory_space<semaphore_mem>>
    %dma_wait3A_647 = arith.constant 0 : i32
    %dma_wait3A_648 = arith.constant 0 : i32
    %dma_wait3A_649 = tpu.memref_slice %arg9[%dma_wait3A_643, %dma_wait3A_647, %dma_wait3A_648] : memref<2x768x1024xf32, #tpu.memory_space<vmem>> -> memref<1x768x1024xf32, #tpu.memory_space<vmem>>
    %dma_wait3A_650 = tpu.memref_squeeze %dma_wait3A_649 : memref<1x768x1024xf32, #tpu.memory_space<vmem>> -> memref<768x1024xf32, #tpu.memory_space<vmem>>
    %dma_wait3A_651 = arith.constant 0 : i32
    %dma_wait3A_652 = arith.constant 0 : i32
    %dma_wait3A_653 = tpu.memref_slice %arg5[%dma_wait3A_642, %dma_wait3A_651, %dma_wait3A_652] : memref<8x768x1024xf32, #tpu.memory_space<hbm>> -> memref<1x768x1024xf32, #tpu.memory_space<hbm>>
    %dma_wait3A_654 = tpu.memref_squeeze %dma_wait3A_653 : memref<1x768x1024xf32, #tpu.memory_space<hbm>> -> memref<768x1024xf32, #tpu.memory_space<hbm>>
    tpu.wait_dma2 semaphore(%dma_wait3A_646 : memref<!tpu.dma_semaphore, #tpu.memory_space<semaphore_mem>>) src(%dma_wait3A_654 : memref<768x1024xf32, #tpu.memory_space<hbm>>) dst(%dma_wait3A_650 : memref<768x1024xf32, #tpu.memory_space<vmem>>)
    %dma_start3A_655 = arith.constant 7 : i32
    %dma_start3A_656 = arith.constant 1 : i32
    %dma_start3A_657 = arith.constant 1 : i32
    %dma_start3A_658 = tpu.memref_slice %arg12[%dma_start3A_657] : memref<2x!tpu.dma_semaphore, #tpu.memory_space<semaphore_mem>> -> memref<1x!tpu.dma_semaphore, #tpu.memory_space<semaphore_mem>>
    %dma_start3A_659 = tpu.memref_squeeze %dma_start3A_658 : memref<1x!tpu.dma_semaphore, #tpu.memory_space<semaphore_mem>> -> memref<!tpu.dma_semaphore, #tpu.memory_space<semaphore_mem>>
    %dma_start3A_660 = arith.constant 0 : i32
    %dma_start3A_661 = arith.constant 0 : i32
    %dma_start3A_662 = tpu.memref_slice %arg7[%dma_start3A_656, %dma_start3A_660, %dma_start3A_661] : memref<2x1024x768xf32, #tpu.memory_space<vmem>> -> memref<1x1024x768xf32, #tpu.memory_space<vmem>>
    %dma_start3A_663 = tpu.memref_squeeze %dma_start3A_662 : memref<1x1024x768xf32, #tpu.memory_space<vmem>> -> memref<1024x768xf32, #tpu.memory_space<vmem>>
    %dma_start3A_664 = arith.constant 0 : i32
    %dma_start3A_665 = arith.constant 0 : i32
    %dma_start3A_666 = tpu.memref_slice %arg3[%dma_start3A_655, %dma_start3A_664, %dma_start3A_665] : memref<8x1024x768xf32, #tpu.memory_space<hbm>> -> memref<1x1024x768xf32, #tpu.memory_space<hbm>>
    %dma_start3A_667 = tpu.memref_squeeze %dma_start3A_666 : memref<1x1024x768xf32, #tpu.memory_space<hbm>> -> memref<1024x768xf32, #tpu.memory_space<hbm>>
    tpu.enqueue_dma source(%dma_start3A_667 : memref<1024x768xf32, #tpu.memory_space<hbm>>) target(%dma_start3A_663 : memref<1024x768xf32, #tpu.memory_space<vmem>>) target_semaphore(%dma_start3A_659 : memref<!tpu.dma_semaphore, #tpu.memory_space<semaphore_mem>>)
    %dma_start3A_668 = arith.constant 7 : i32
    %dma_start3A_669 = arith.constant 1 : i32
    %dma_start3A_670 = arith.constant 1 : i32
    %dma_start3A_671 = tpu.memref_slice %arg12[%dma_start3A_670] : memref<2x!tpu.dma_semaphore, #tpu.memory_space<semaphore_mem>> -> memref<1x!tpu.dma_semaphore, #tpu.memory_space<semaphore_mem>>
    %dma_start3A_672 = tpu.memref_squeeze %dma_start3A_671 : memref<1x!tpu.dma_semaphore, #tpu.memory_space<semaphore_mem>> -> memref<!tpu.dma_semaphore, #tpu.memory_space<semaphore_mem>>
    %dma_start3A_673 = arith.constant 0 : i32
    %dma_start3A_674 = arith.constant 0 : i32
    %dma_start3A_675 = tpu.memref_slice %arg8[%dma_start3A_669, %dma_start3A_673, %dma_start3A_674] : memref<2x1024x768xf32, #tpu.memory_space<vmem>> -> memref<1x1024x768xf32, #tpu.memory_space<vmem>>
    %dma_start3A_676 = tpu.memref_squeeze %dma_start3A_675 : memref<1x1024x768xf32, #tpu.memory_space<vmem>> -> memref<1024x768xf32, #tpu.memory_space<vmem>>
    %dma_start3A_677 = arith.constant 0 : i32
    %dma_start3A_678 = arith.constant 0 : i32
    %dma_start3A_679 = tpu.memref_slice %arg4[%dma_start3A_668, %dma_start3A_677, %dma_start3A_678] : memref<8x1024x768xf32, #tpu.memory_space<hbm>> -> memref<1x1024x768xf32, #tpu.memory_space<hbm>>
    %dma_start3A_680 = tpu.memref_squeeze %dma_start3A_679 : memref<1x1024x768xf32, #tpu.memory_space<hbm>> -> memref<1024x768xf32, #tpu.memory_space<hbm>>
    tpu.enqueue_dma source(%dma_start3A_680 : memref<1024x768xf32, #tpu.memory_space<hbm>>) target(%dma_start3A_676 : memref<1024x768xf32, #tpu.memory_space<vmem>>) target_semaphore(%dma_start3A_672 : memref<!tpu.dma_semaphore, #tpu.memory_space<semaphore_mem>>)
    %dma_start3A_681 = arith.constant 7 : i32
    %dma_start3A_682 = arith.constant 1 : i32
    %dma_start3A_683 = arith.constant 1 : i32
    %dma_start3A_684 = tpu.memref_slice %arg12[%dma_start3A_683] : memref<2x!tpu.dma_semaphore, #tpu.memory_space<semaphore_mem>> -> memref<1x!tpu.dma_semaphore, #tpu.memory_space<semaphore_mem>>
    %dma_start3A_685 = tpu.memref_squeeze %dma_start3A_684 : memref<1x!tpu.dma_semaphore, #tpu.memory_space<semaphore_mem>> -> memref<!tpu.dma_semaphore, #tpu.memory_space<semaphore_mem>>
    %dma_start3A_686 = arith.constant 0 : i32
    %dma_start3A_687 = arith.constant 0 : i32
    %dma_start3A_688 = tpu.memref_slice %arg9[%dma_start3A_682, %dma_start3A_686, %dma_start3A_687] : memref<2x768x1024xf32, #tpu.memory_space<vmem>> -> memref<1x768x1024xf32, #tpu.memory_space<vmem>>
    %dma_start3A_689 = tpu.memref_squeeze %dma_start3A_688 : memref<1x768x1024xf32, #tpu.memory_space<vmem>> -> memref<768x1024xf32, #tpu.memory_space<vmem>>
    %dma_start3A_690 = arith.constant 0 : i32
    %dma_start3A_691 = arith.constant 0 : i32
    %dma_start3A_692 = tpu.memref_slice %arg5[%dma_start3A_681, %dma_start3A_690, %dma_start3A_691] : memref<8x768x1024xf32, #tpu.memory_space<hbm>> -> memref<1x768x1024xf32, #tpu.memory_space<hbm>>
    %dma_start3A_693 = tpu.memref_squeeze %dma_start3A_692 : memref<1x768x1024xf32, #tpu.memory_space<hbm>> -> memref<768x1024xf32, #tpu.memory_space<hbm>>
    tpu.enqueue_dma source(%dma_start3A_693 : memref<768x1024xf32, #tpu.memory_space<hbm>>) target(%dma_start3A_689 : memref<768x1024xf32, #tpu.memory_space<vmem>>) target_semaphore(%dma_start3A_685 : memref<!tpu.dma_semaphore, #tpu.memory_space<semaphore_mem>>)
    %get3A_694 = arith.constant 6 : index
    %get3A_695 = arith.constant 0 : index
    %get3A_696 = memref.load %arg0[%get3A_694, %get3A_695] : memref<8x1xi32, #tpu.memory_space<smem>>
    %get3A_697 = arith.constant 6 : index
    %get3A_698 = arith.constant 0 : index
    %get3A_699 = memref.load %arg1[%get3A_697, %get3A_698] : memref<8x1xi32, #tpu.memory_space<smem>>
    %add3A_700 = arith.addi %get3A_696, %get3A_699 : i32
    %while3A_701 = arith.constant 0 : i32
    %while3A_702 = arith.subi %add3A_700, %get3A_696 : i32
    %while3A_703 = arith.addi %get3A_696, %while3A_702 : i32
    %while3A_704 = arith.constant 1 : i32
    %while3A_705 = arith.divsi %while3A_702, %while3A_704 : i32
    %while3A_706 = arith.muli %while3A_705, %while3A_704 : i32
    %while3A_707 = arith.addi %get3A_696, %while3A_706 : i32
    %while3A_708 = arith.constant 1 : i32
    scf.for %while3A_794 = %get3A_696 to %while3A_707 step %while3A_708  : i32 {
      %and3A_795 = arith.constant 1 : i32
      %and3A_796 = arith.andi %while3A_794, %and3A_795 : i32
      %mul3A_797 = arith.constant 128 : i32
      %mul3A_798 = arith.muli %while3A_794, %mul3A_797 : i32
      %dma_wait3A_799 = tpu.memref_slice %arg13[%and3A_796] : memref<2x!tpu.dma_semaphore, #tpu.memory_space<semaphore_mem>> -> memref<1x!tpu.dma_semaphore, #tpu.memory_space<semaphore_mem>>
      %dma_wait3A_800 = tpu.memref_squeeze %dma_wait3A_799 : memref<1x!tpu.dma_semaphore, #tpu.memory_space<semaphore_mem>> -> memref<!tpu.dma_semaphore, #tpu.memory_space<semaphore_mem>>
      %dma_wait3A_801 = arith.constant 0 : i32
      %dma_wait3A_802 = arith.constant 0 : i32
      %dma_wait3A_803 = tpu.memref_slice %arg10[%and3A_796, %dma_wait3A_801, %dma_wait3A_802] : memref<2x128x1024xf32, #tpu.memory_space<vmem>> -> memref<1x128x1024xf32, #tpu.memory_space<vmem>>
      %dma_wait3A_804 = tpu.memref_squeeze %dma_wait3A_803 : memref<1x128x1024xf32, #tpu.memory_space<vmem>> -> memref<128x1024xf32, #tpu.memory_space<vmem>>
      %dma_wait3A_805 = arith.constant 0 : i32
      %dma_wait3A_806 = tpu.memref_slice %arg2[%mul3A_798, %dma_wait3A_805] : memref<4992x1024xf32, #tpu.memory_space<hbm>> -> memref<128x1024xf32, #tpu.memory_space<hbm>>
      tpu.wait_dma2 semaphore(%dma_wait3A_800 : memref<!tpu.dma_semaphore, #tpu.memory_space<semaphore_mem>>) src(%dma_wait3A_806 : memref<128x1024xf32, #tpu.memory_space<hbm>>) dst(%dma_wait3A_804 : memref<128x1024xf32, #tpu.memory_space<vmem>>)
      %add3A_807 = arith.constant 1 : i32
      %add3A_808 = arith.addi %while3A_794, %add3A_807 : i32
      %lt3A = arith.cmpi slt, %add3A_808, %add3A : i32
      %convert_element_type3A = arith.extui %lt3A : i1 to i32
      %cond3A = arith.constant 0 : i32
      %cond3A_809 = arith.cmpi ne, %convert_element_type3A, %cond3A : i32
      scf.if %cond3A_809 {
        %add3A_863 = arith.constant 1 : i32
        %add3A_864 = arith.addi %while3A_794, %add3A_863 : i32
        %sub3A_865 = arith.constant 1 : i32
        %sub3A_866 = arith.subi %sub3A_865, %and3A_796 : i32
        %mul3A_867 = arith.constant 128 : i32
        %mul3A_868 = arith.muli %add3A_864, %mul3A_867 : i32
        %dma_start3A_869 = tpu.memref_slice %arg13[%sub3A_866] : memref<2x!tpu.dma_semaphore, #tpu.memory_space<semaphore_mem>> -> memref<1x!tpu.dma_semaphore, #tpu.memory_space<semaphore_mem>>
        %dma_start3A_870 = tpu.memref_squeeze %dma_start3A_869 : memref<1x!tpu.dma_semaphore, #tpu.memory_space<semaphore_mem>> -> memref<!tpu.dma_semaphore, #tpu.memory_space<semaphore_mem>>
        %dma_start3A_871 = arith.constant 0 : i32
        %dma_start3A_872 = arith.constant 0 : i32
        %dma_start3A_873 = tpu.memref_slice %arg10[%sub3A_866, %dma_start3A_871, %dma_start3A_872] : memref<2x128x1024xf32, #tpu.memory_space<vmem>> -> memref<1x128x1024xf32, #tpu.memory_space<vmem>>
        %dma_start3A_874 = tpu.memref_squeeze %dma_start3A_873 : memref<1x128x1024xf32, #tpu.memory_space<vmem>> -> memref<128x1024xf32, #tpu.memory_space<vmem>>
        %dma_start3A_875 = arith.constant 0 : i32
        %dma_start3A_876 = tpu.memref_slice %arg2[%mul3A_868, %dma_start3A_875] : memref<4992x1024xf32, #tpu.memory_space<hbm>> -> memref<128x1024xf32, #tpu.memory_space<hbm>>
        tpu.enqueue_dma source(%dma_start3A_876 : memref<128x1024xf32, #tpu.memory_space<hbm>>) target(%dma_start3A_874 : memref<128x1024xf32, #tpu.memory_space<vmem>>) target_semaphore(%dma_start3A_870 : memref<!tpu.dma_semaphore, #tpu.memory_space<semaphore_mem>>)
      } else {
      }
      %ge3A = arith.constant 2 : i32
      %ge3A_810 = arith.cmpi sge, %while3A_794, %ge3A : i32
      %convert_element_type3A_811 = arith.extui %ge3A_810 : i1 to i32
      %cond3A_812 = arith.constant 0 : i32
      %cond3A_813 = arith.cmpi ne, %convert_element_type3A_811, %cond3A_812 : i32
      scf.if %cond3A_813 {
        %sub3A_863 = arith.constant 2 : i32
        %sub3A_864 = arith.subi %while3A_794, %sub3A_863 : i32
        %mul3A_865 = arith.constant 128 : i32
        %mul3A_866 = arith.muli %sub3A_864, %mul3A_865 : i32
        %dma_wait3A_867 = tpu.memref_slice %arg14[%and3A_796] : memref<2x!tpu.dma_semaphore, #tpu.memory_space<semaphore_mem>> -> memref<1x!tpu.dma_semaphore, #tpu.memory_space<semaphore_mem>>
        %dma_wait3A_868 = tpu.memref_squeeze %dma_wait3A_867 : memref<1x!tpu.dma_semaphore, #tpu.memory_space<semaphore_mem>> -> memref<!tpu.dma_semaphore, #tpu.memory_space<semaphore_mem>>
        %dma_wait3A_869 = arith.constant 0 : i32
        %dma_wait3A_870 = tpu.memref_slice %arg6[%mul3A_866, %dma_wait3A_869] : memref<4992x1024xf32, #tpu.memory_space<hbm>> -> memref<128x1024xf32, #tpu.memory_space<hbm>>
        %dma_wait3A_871 = arith.constant 0 : i32
        %dma_wait3A_872 = arith.constant 0 : i32
        %dma_wait3A_873 = tpu.memref_slice %arg11[%and3A_796, %dma_wait3A_871, %dma_wait3A_872] : memref<2x128x1024xf32, #tpu.memory_space<vmem>> -> memref<1x128x1024xf32, #tpu.memory_space<vmem>>
        %dma_wait3A_874 = tpu.memref_squeeze %dma_wait3A_873 : memref<1x128x1024xf32, #tpu.memory_space<vmem>> -> memref<128x1024xf32, #tpu.memory_space<vmem>>
        tpu.wait_dma2 semaphore(%dma_wait3A_868 : memref<!tpu.dma_semaphore, #tpu.memory_space<semaphore_mem>>) src(%dma_wait3A_874 : memref<128x1024xf32, #tpu.memory_space<vmem>>) dst(%dma_wait3A_870 : memref<128x1024xf32, #tpu.memory_space<hbm>>)
      } else {
      }
      %get3A_814 = arith.index_cast %and3A_796 : i32 to index
      %get3A_815 = arith.constant 0 : index
      %get3A_816 = arith.constant 0 : index
      %get3A_817 = vector.load %arg10[%get3A_814, %get3A_815, %get3A_816] : memref<2x128x1024xf32, #tpu.memory_space<vmem>>, vector<1x128x1024xf32>
      %get3A_818 = vector.shape_cast %get3A_817 : vector<1x128x1024xf32> to vector<128x1024xf32>
      %get3A_819 = arith.constant 0 : index
      %get3A_820 = arith.constant 0 : index
      %get3A_821 = arith.constant 0 : index
      %get3A_822 = vector.load %arg7[%get3A_819, %get3A_820, %get3A_821] : memref<2x1024x768xf32, #tpu.memory_space<vmem>>, vector<1x1024x768xf32>
      %get3A_823 = vector.shape_cast %get3A_822 : vector<1x1024x768xf32> to vector<1024x768xf32>
      %dot_general3A = arith.constant dense<0.000000e+00> : vector<128x768xf32>
      %dot_general3A_824 = tpu.matmul %get3A_818, %get3A_823, %dot_general3A {dimension_numbers = #tpu.dot_dimension_numbers<[1], [0], [0], [1], [0, 0, 1, 1], [], []>, transpose_lhs_hint = false} : vector<128x1024xf32>, vector<1024x768xf32>, vector<128x768xf32> -> vector<128x768xf32>
      %get3A_825 = arith.constant 0 : index
      %get3A_826 = arith.constant 0 : index
      %get3A_827 = arith.constant 0 : index
      %get3A_828 = vector.load %arg8[%get3A_825, %get3A_826, %get3A_827] : memref<2x1024x768xf32, #tpu.memory_space<vmem>>, vector<1x1024x768xf32>
      %get3A_829 = vector.shape_cast %get3A_828 : vector<1x1024x768xf32> to vector<1024x768xf32>
      %dot_general3A_830 = arith.constant dense<0.000000e+00> : vector<128x768xf32>
      %dot_general3A_831 = tpu.matmul %get3A_818, %get3A_829, %dot_general3A_830 {dimension_numbers = #tpu.dot_dimension_numbers<[1], [0], [0], [1], [0, 0, 1, 1], [], []>, transpose_lhs_hint = false} : vector<128x1024xf32>, vector<1024x768xf32>, vector<128x768xf32> -> vector<128x768xf32>
      %neg3A = arith.constant 0.000000e+00 : f32
      %neg3A_832 = vector.broadcast %neg3A : f32 to vector<128x768xf32>
      %neg3A_833 = arith.subf %neg3A_832, %dot_general3A_824 : vector<128x768xf32>
      %exp3A = math.exp %neg3A_833 : vector<128x768xf32>
      %add3A_834 = arith.constant 1.000000e+00 : f32
      %add3A_835 = vector.broadcast %add3A_834 : f32 to vector<128x768xf32>
      %add3A_836 = arith.addf %add3A_835, %exp3A : vector<128x768xf32>
      %div3A = arith.constant 1.000000e+00 : f32
      %div3A_837 = vector.broadcast %div3A : f32 to vector<128x768xf32>
      %div3A_838 = arith.divf %div3A_837, %add3A_836 : vector<128x768xf32>
      %mul3A_839 = arith.mulf %dot_general3A_824, %div3A_838 : vector<128x768xf32>
      %mul3A_840 = arith.mulf %mul3A_839, %dot_general3A_831 : vector<128x768xf32>
      %get3A_841 = arith.constant 0 : index
      %get3A_842 = arith.constant 0 : index
      %get3A_843 = arith.constant 0 : index
      %get3A_844 = vector.load %arg9[%get3A_841, %get3A_842, %get3A_843] : memref<2x768x1024xf32, #tpu.memory_space<vmem>>, vector<1x768x1024xf32>
      %get3A_845 = vector.shape_cast %get3A_844 : vector<1x768x1024xf32> to vector<768x1024xf32>
      %dot_general3A_846 = arith.constant dense<0.000000e+00> : vector<128x1024xf32>
      %dot_general3A_847 = tpu.matmul %mul3A_840, %get3A_845, %dot_general3A_846 {dimension_numbers = #tpu.dot_dimension_numbers<[1], [0], [0], [1], [0, 0, 1, 1], [], []>, transpose_lhs_hint = false} : vector<128x768xf32>, vector<768x1024xf32>, vector<128x1024xf32> -> vector<128x1024xf32>
      %swap3A = arith.index_cast %and3A_796 : i32 to index
      %swap3A_848 = arith.constant 0 : index
      %swap3A_849 = arith.constant 0 : index
      %swap3A_850 = vector.load %arg11[%swap3A, %swap3A_848, %swap3A_849] : memref<2x128x1024xf32, #tpu.memory_space<vmem>>, vector<1x128x1024xf32>
      %swap3A_851 = vector.shape_cast %swap3A_850 : vector<1x128x1024xf32> to vector<128x1024xf32>
      %swap3A_852 = vector.shape_cast %dot_general3A_847 : vector<128x1024xf32> to vector<1x128x1024xf32>
      tpu.vector_store %arg11[%swap3A, %swap3A_848, %swap3A_849], %swap3A_852 {strides = array<i32>} : memref<2x128x1024xf32, #tpu.memory_space<vmem>>, vector<1x128x1024xf32>,
      %mul3A_853 = arith.constant 128 : i32
      %mul3A_854 = arith.muli %while3A_794, %mul3A_853 : i32
      %dma_start3A_855 = tpu.memref_slice %arg14[%and3A_796] : memref<2x!tpu.dma_semaphore, #tpu.memory_space<semaphore_mem>> -> memref<1x!tpu.dma_semaphore, #tpu.memory_space<semaphore_mem>>
      %dma_start3A_856 = tpu.memref_squeeze %dma_start3A_855 : memref<1x!tpu.dma_semaphore, #tpu.memory_space<semaphore_mem>> -> memref<!tpu.dma_semaphore, #tpu.memory_space<semaphore_mem>>
      %dma_start3A_857 = arith.constant 0 : i32
      %dma_start3A_858 = tpu.memref_slice %arg6[%mul3A_854, %dma_start3A_857] : memref<4992x1024xf32, #tpu.memory_space<hbm>> -> memref<128x1024xf32, #tpu.memory_space<hbm>>
      %dma_start3A_859 = arith.constant 0 : i32
      %dma_start3A_860 = arith.constant 0 : i32
      %dma_start3A_861 = tpu.memref_slice %arg11[%and3A_796, %dma_start3A_859, %dma_start3A_860] : memref<2x128x1024xf32, #tpu.memory_space<vmem>> -> memref<1x128x1024xf32, #tpu.memory_space<vmem>>
      %dma_start3A_862 = tpu.memref_squeeze %dma_start3A_861 : memref<1x128x1024xf32, #tpu.memory_space<vmem>> -> memref<128x1024xf32, #tpu.memory_space<vmem>>
      tpu.enqueue_dma source(%dma_start3A_862 : memref<128x1024xf32, #tpu.memory_space<vmem>>) target(%dma_start3A_858 : memref<128x1024xf32, #tpu.memory_space<hbm>>) target_semaphore(%dma_start3A_856 : memref<!tpu.dma_semaphore, #tpu.memory_space<semaphore_mem>>)
    }
    %while3A_709 = arith.constant 1 : i32
    scf.for %while3A_794 = %while3A_707 to %while3A_703 step %while3A_709  : i32 {
      %and3A_795 = arith.constant 1 : i32
      %and3A_796 = arith.andi %while3A_794, %and3A_795 : i32
      %mul3A_797 = arith.constant 128 : i32
      %mul3A_798 = arith.muli %while3A_794, %mul3A_797 : i32
      %dma_wait3A_799 = tpu.memref_slice %arg13[%and3A_796] : memref<2x!tpu.dma_semaphore, #tpu.memory_space<semaphore_mem>> -> memref<1x!tpu.dma_semaphore, #tpu.memory_space<semaphore_mem>>
      %dma_wait3A_800 = tpu.memref_squeeze %dma_wait3A_799 : memref<1x!tpu.dma_semaphore, #tpu.memory_space<semaphore_mem>> -> memref<!tpu.dma_semaphore, #tpu.memory_space<semaphore_mem>>
      %dma_wait3A_801 = arith.constant 0 : i32
      %dma_wait3A_802 = arith.constant 0 : i32
      %dma_wait3A_803 = tpu.memref_slice %arg10[%and3A_796, %dma_wait3A_801, %dma_wait3A_802] : memref<2x128x1024xf32, #tpu.memory_space<vmem>> -> memref<1x128x1024xf32, #tpu.memory_space<vmem>>
      %dma_wait3A_804 = tpu.memref_squeeze %dma_wait3A_803 : memref<1x128x1024xf32, #tpu.memory_space<vmem>> -> memref<128x1024xf32, #tpu.memory_space<vmem>>
      %dma_wait3A_805 = arith.constant 0 : i32
      %dma_wait3A_806 = tpu.memref_slice %arg2[%mul3A_798, %dma_wait3A_805] : memref<4992x1024xf32, #tpu.memory_space<hbm>> -> memref<128x1024xf32, #tpu.memory_space<hbm>>
      tpu.wait_dma2 semaphore(%dma_wait3A_800 : memref<!tpu.dma_semaphore, #tpu.memory_space<semaphore_mem>>) src(%dma_wait3A_806 : memref<128x1024xf32, #tpu.memory_space<hbm>>) dst(%dma_wait3A_804 : memref<128x1024xf32, #tpu.memory_space<vmem>>)
      %add3A_807 = arith.constant 1 : i32
      %add3A_808 = arith.addi %while3A_794, %add3A_807 : i32
      %lt3A = arith.cmpi slt, %add3A_808, %add3A : i32
      %convert_element_type3A = arith.extui %lt3A : i1 to i32
      %cond3A = arith.constant 0 : i32
      %cond3A_809 = arith.cmpi ne, %convert_element_type3A, %cond3A : i32
      scf.if %cond3A_809 {
        %add3A_863 = arith.constant 1 : i32
        %add3A_864 = arith.addi %while3A_794, %add3A_863 : i32
        %sub3A_865 = arith.constant 1 : i32
        %sub3A_866 = arith.subi %sub3A_865, %and3A_796 : i32
        %mul3A_867 = arith.constant 128 : i32
        %mul3A_868 = arith.muli %add3A_864, %mul3A_867 : i32
        %dma_start3A_869 = tpu.memref_slice %arg13[%sub3A_866] : memref<2x!tpu.dma_semaphore, #tpu.memory_space<semaphore_mem>> -> memref<1x!tpu.dma_semaphore, #tpu.memory_space<semaphore_mem>>
        %dma_start3A_870 = tpu.memref_squeeze %dma_start3A_869 : memref<1x!tpu.dma_semaphore, #tpu.memory_space<semaphore_mem>> -> memref<!tpu.dma_semaphore, #tpu.memory_space<semaphore_mem>>
        %dma_start3A_871 = arith.constant 0 : i32
        %dma_start3A_872 = arith.constant 0 : i32
        %dma_start3A_873 = tpu.memref_slice %arg10[%sub3A_866, %dma_start3A_871, %dma_start3A_872] : memref<2x128x1024xf32, #tpu.memory_space<vmem>> -> memref<1x128x1024xf32, #tpu.memory_space<vmem>>
        %dma_start3A_874 = tpu.memref_squeeze %dma_start3A_873 : memref<1x128x1024xf32, #tpu.memory_space<vmem>> -> memref<128x1024xf32, #tpu.memory_space<vmem>>
        %dma_start3A_875 = arith.constant 0 : i32
        %dma_start3A_876 = tpu.memref_slice %arg2[%mul3A_868, %dma_start3A_875] : memref<4992x1024xf32, #tpu.memory_space<hbm>> -> memref<128x1024xf32, #tpu.memory_space<hbm>>
        tpu.enqueue_dma source(%dma_start3A_876 : memref<128x1024xf32, #tpu.memory_space<hbm>>) target(%dma_start3A_874 : memref<128x1024xf32, #tpu.memory_space<vmem>>) target_semaphore(%dma_start3A_870 : memref<!tpu.dma_semaphore, #tpu.memory_space<semaphore_mem>>)
      } else {
      }
      %ge3A = arith.constant 2 : i32
      %ge3A_810 = arith.cmpi sge, %while3A_794, %ge3A : i32
      %convert_element_type3A_811 = arith.extui %ge3A_810 : i1 to i32
      %cond3A_812 = arith.constant 0 : i32
      %cond3A_813 = arith.cmpi ne, %convert_element_type3A_811, %cond3A_812 : i32
      scf.if %cond3A_813 {
        %sub3A_863 = arith.constant 2 : i32
        %sub3A_864 = arith.subi %while3A_794, %sub3A_863 : i32
        %mul3A_865 = arith.constant 128 : i32
        %mul3A_866 = arith.muli %sub3A_864, %mul3A_865 : i32
        %dma_wait3A_867 = tpu.memref_slice %arg14[%and3A_796] : memref<2x!tpu.dma_semaphore, #tpu.memory_space<semaphore_mem>> -> memref<1x!tpu.dma_semaphore, #tpu.memory_space<semaphore_mem>>
        %dma_wait3A_868 = tpu.memref_squeeze %dma_wait3A_867 : memref<1x!tpu.dma_semaphore, #tpu.memory_space<semaphore_mem>> -> memref<!tpu.dma_semaphore, #tpu.memory_space<semaphore_mem>>
        %dma_wait3A_869 = arith.constant 0 : i32
        %dma_wait3A_870 = tpu.memref_slice %arg6[%mul3A_866, %dma_wait3A_869] : memref<4992x1024xf32, #tpu.memory_space<hbm>> -> memref<128x1024xf32, #tpu.memory_space<hbm>>
        %dma_wait3A_871 = arith.constant 0 : i32
        %dma_wait3A_872 = arith.constant 0 : i32
        %dma_wait3A_873 = tpu.memref_slice %arg11[%and3A_796, %dma_wait3A_871, %dma_wait3A_872] : memref<2x128x1024xf32, #tpu.memory_space<vmem>> -> memref<1x128x1024xf32, #tpu.memory_space<vmem>>
        %dma_wait3A_874 = tpu.memref_squeeze %dma_wait3A_873 : memref<1x128x1024xf32, #tpu.memory_space<vmem>> -> memref<128x1024xf32, #tpu.memory_space<vmem>>
        tpu.wait_dma2 semaphore(%dma_wait3A_868 : memref<!tpu.dma_semaphore, #tpu.memory_space<semaphore_mem>>) src(%dma_wait3A_874 : memref<128x1024xf32, #tpu.memory_space<vmem>>) dst(%dma_wait3A_870 : memref<128x1024xf32, #tpu.memory_space<hbm>>)
      } else {
      }
      %get3A_814 = arith.index_cast %and3A_796 : i32 to index
      %get3A_815 = arith.constant 0 : index
      %get3A_816 = arith.constant 0 : index
      %get3A_817 = vector.load %arg10[%get3A_814, %get3A_815, %get3A_816] : memref<2x128x1024xf32, #tpu.memory_space<vmem>>, vector<1x128x1024xf32>
      %get3A_818 = vector.shape_cast %get3A_817 : vector<1x128x1024xf32> to vector<128x1024xf32>
      %get3A_819 = arith.constant 0 : index
      %get3A_820 = arith.constant 0 : index
      %get3A_821 = arith.constant 0 : index
      %get3A_822 = vector.load %arg7[%get3A_819, %get3A_820, %get3A_821] : memref<2x1024x768xf32, #tpu.memory_space<vmem>>, vector<1x1024x768xf32>
      %get3A_823 = vector.shape_cast %get3A_822 : vector<1x1024x768xf32> to vector<1024x768xf32>
      %dot_general3A = arith.constant dense<0.000000e+00> : vector<128x768xf32>
      %dot_general3A_824 = tpu.matmul %get3A_818, %get3A_823, %dot_general3A {dimension_numbers = #tpu.dot_dimension_numbers<[1], [0], [0], [1], [0, 0, 1, 1], [], []>, transpose_lhs_hint = false} : vector<128x1024xf32>, vector<1024x768xf32>, vector<128x768xf32> -> vector<128x768xf32>
      %get3A_825 = arith.constant 0 : index
      %get3A_826 = arith.constant 0 : index
      %get3A_827 = arith.constant 0 : index
      %get3A_828 = vector.load %arg8[%get3A_825, %get3A_826, %get3A_827] : memref<2x1024x768xf32, #tpu.memory_space<vmem>>, vector<1x1024x768xf32>
      %get3A_829 = vector.shape_cast %get3A_828 : vector<1x1024x768xf32> to vector<1024x768xf32>
      %dot_general3A_830 = arith.constant dense<0.000000e+00> : vector<128x768xf32>
      %dot_general3A_831 = tpu.matmul %get3A_818, %get3A_829, %dot_general3A_830 {dimension_numbers = #tpu.dot_dimension_numbers<[1], [0], [0], [1], [0, 0, 1, 1], [], []>, transpose_lhs_hint = false} : vector<128x1024xf32>, vector<1024x768xf32>, vector<128x768xf32> -> vector<128x768xf32>
      %neg3A = arith.constant 0.000000e+00 : f32
      %neg3A_832 = vector.broadcast %neg3A : f32 to vector<128x768xf32>
      %neg3A_833 = arith.subf %neg3A_832, %dot_general3A_824 : vector<128x768xf32>
      %exp3A = math.exp %neg3A_833 : vector<128x768xf32>
      %add3A_834 = arith.constant 1.000000e+00 : f32
      %add3A_835 = vector.broadcast %add3A_834 : f32 to vector<128x768xf32>
      %add3A_836 = arith.addf %add3A_835, %exp3A : vector<128x768xf32>
      %div3A = arith.constant 1.000000e+00 : f32
      %div3A_837 = vector.broadcast %div3A : f32 to vector<128x768xf32>
      %div3A_838 = arith.divf %div3A_837, %add3A_836 : vector<128x768xf32>
      %mul3A_839 = arith.mulf %dot_general3A_824, %div3A_838 : vector<128x768xf32>
      %mul3A_840 = arith.mulf %mul3A_839, %dot_general3A_831 : vector<128x768xf32>
      %get3A_841 = arith.constant 0 : index
      %get3A_842 = arith.constant 0 : index
      %get3A_843 = arith.constant 0 : index
      %get3A_844 = vector.load %arg9[%get3A_841, %get3A_842, %get3A_843] : memref<2x768x1024xf32, #tpu.memory_space<vmem>>, vector<1x768x1024xf32>
      %get3A_845 = vector.shape_cast %get3A_844 : vector<1x768x1024xf32> to vector<768x1024xf32>
      %dot_general3A_846 = arith.constant dense<0.000000e+00> : vector<128x1024xf32>
      %dot_general3A_847 = tpu.matmul %mul3A_840, %get3A_845, %dot_general3A_846 {dimension_numbers = #tpu.dot_dimension_numbers<[1], [0], [0], [1], [0, 0, 1, 1], [], []>, transpose_lhs_hint = false} : vector<128x768xf32>, vector<768x1024xf32>, vector<128x1024xf32> -> vector<128x1024xf32>
      %swap3A = arith.index_cast %and3A_796 : i32 to index
      %swap3A_848 = arith.constant 0 : index
      %swap3A_849 = arith.constant 0 : index
      %swap3A_850 = vector.load %arg11[%swap3A, %swap3A_848, %swap3A_849] : memref<2x128x1024xf32, #tpu.memory_space<vmem>>, vector<1x128x1024xf32>
      %swap3A_851 = vector.shape_cast %swap3A_850 : vector<1x128x1024xf32> to vector<128x1024xf32>
      %swap3A_852 = vector.shape_cast %dot_general3A_847 : vector<128x1024xf32> to vector<1x128x1024xf32>
      tpu.vector_store %arg11[%swap3A, %swap3A_848, %swap3A_849], %swap3A_852 {strides = array<i32>} : memref<2x128x1024xf32, #tpu.memory_space<vmem>>, vector<1x128x1024xf32>,
      %mul3A_853 = arith.constant 128 : i32
      %mul3A_854 = arith.muli %while3A_794, %mul3A_853 : i32
      %dma_start3A_855 = tpu.memref_slice %arg14[%and3A_796] : memref<2x!tpu.dma_semaphore, #tpu.memory_space<semaphore_mem>> -> memref<1x!tpu.dma_semaphore, #tpu.memory_space<semaphore_mem>>
      %dma_start3A_856 = tpu.memref_squeeze %dma_start3A_855 : memref<1x!tpu.dma_semaphore, #tpu.memory_space<semaphore_mem>> -> memref<!tpu.dma_semaphore, #tpu.memory_space<semaphore_mem>>
      %dma_start3A_857 = arith.constant 0 : i32
      %dma_start3A_858 = tpu.memref_slice %arg6[%mul3A_854, %dma_start3A_857] : memref<4992x1024xf32, #tpu.memory_space<hbm>> -> memref<128x1024xf32, #tpu.memory_space<hbm>>
      %dma_start3A_859 = arith.constant 0 : i32
      %dma_start3A_860 = arith.constant 0 : i32
      %dma_start3A_861 = tpu.memref_slice %arg11[%and3A_796, %dma_start3A_859, %dma_start3A_860] : memref<2x128x1024xf32, #tpu.memory_space<vmem>> -> memref<1x128x1024xf32, #tpu.memory_space<vmem>>
      %dma_start3A_862 = tpu.memref_squeeze %dma_start3A_861 : memref<1x128x1024xf32, #tpu.memory_space<vmem>> -> memref<128x1024xf32, #tpu.memory_space<vmem>>
      tpu.enqueue_dma source(%dma_start3A_862 : memref<128x1024xf32, #tpu.memory_space<vmem>>) target(%dma_start3A_858 : memref<128x1024xf32, #tpu.memory_space<hbm>>) target_semaphore(%dma_start3A_856 : memref<!tpu.dma_semaphore, #tpu.memory_space<semaphore_mem>>)
    }
    %dma_wait3A_710 = arith.constant 7 : i32
    %dma_wait3A_711 = arith.constant 1 : i32
    %dma_wait3A_712 = arith.constant 1 : i32
    %dma_wait3A_713 = tpu.memref_slice %arg12[%dma_wait3A_712] : memref<2x!tpu.dma_semaphore, #tpu.memory_space<semaphore_mem>> -> memref<1x!tpu.dma_semaphore, #tpu.memory_space<semaphore_mem>>
    %dma_wait3A_714 = tpu.memref_squeeze %dma_wait3A_713 : memref<1x!tpu.dma_semaphore, #tpu.memory_space<semaphore_mem>> -> memref<!tpu.dma_semaphore, #tpu.memory_space<semaphore_mem>>
    %dma_wait3A_715 = arith.constant 0 : i32
    %dma_wait3A_716 = arith.constant 0 : i32
    %dma_wait3A_717 = tpu.memref_slice %arg7[%dma_wait3A_711, %dma_wait3A_715, %dma_wait3A_716] : memref<2x1024x768xf32, #tpu.memory_space<vmem>> -> memref<1x1024x768xf32, #tpu.memory_space<vmem>>
    %dma_wait3A_718 = tpu.memref_squeeze %dma_wait3A_717 : memref<1x1024x768xf32, #tpu.memory_space<vmem>> -> memref<1024x768xf32, #tpu.memory_space<vmem>>
    %dma_wait3A_719 = arith.constant 0 : i32
    %dma_wait3A_720 = arith.constant 0 : i32
    %dma_wait3A_721 = tpu.memref_slice %arg3[%dma_wait3A_710, %dma_wait3A_719, %dma_wait3A_720] : memref<8x1024x768xf32, #tpu.memory_space<hbm>> -> memref<1x1024x768xf32, #tpu.memory_space<hbm>>
    %dma_wait3A_722 = tpu.memref_squeeze %dma_wait3A_721 : memref<1x1024x768xf32, #tpu.memory_space<hbm>> -> memref<1024x768xf32, #tpu.memory_space<hbm>>
    tpu.wait_dma2 semaphore(%dma_wait3A_714 : memref<!tpu.dma_semaphore, #tpu.memory_space<semaphore_mem>>) src(%dma_wait3A_722 : memref<1024x768xf32, #tpu.memory_space<hbm>>) dst(%dma_wait3A_718 : memref<1024x768xf32, #tpu.memory_space<vmem>>)
    %dma_wait3A_723 = arith.constant 7 : i32
    %dma_wait3A_724 = arith.constant 1 : i32
    %dma_wait3A_725 = arith.constant 1 : i32
    %dma_wait3A_726 = tpu.memref_slice %arg12[%dma_wait3A_725] : memref<2x!tpu.dma_semaphore, #tpu.memory_space<semaphore_mem>> -> memref<1x!tpu.dma_semaphore, #tpu.memory_space<semaphore_mem>>
    %dma_wait3A_727 = tpu.memref_squeeze %dma_wait3A_726 : memref<1x!tpu.dma_semaphore, #tpu.memory_space<semaphore_mem>> -> memref<!tpu.dma_semaphore, #tpu.memory_space<semaphore_mem>>
    %dma_wait3A_728 = arith.constant 0 : i32
    %dma_wait3A_729 = arith.constant 0 : i32
    %dma_wait3A_730 = tpu.memref_slice %arg8[%dma_wait3A_724, %dma_wait3A_728, %dma_wait3A_729] : memref<2x1024x768xf32, #tpu.memory_space<vmem>> -> memref<1x1024x768xf32, #tpu.memory_space<vmem>>
    %dma_wait3A_731 = tpu.memref_squeeze %dma_wait3A_730 : memref<1x1024x768xf32, #tpu.memory_space<vmem>> -> memref<1024x768xf32, #tpu.memory_space<vmem>>
    %dma_wait3A_732 = arith.constant 0 : i32
    %dma_wait3A_733 = arith.constant 0 : i32
    %dma_wait3A_734 = tpu.memref_slice %arg4[%dma_wait3A_723, %dma_wait3A_732, %dma_wait3A_733] : memref<8x1024x768xf32, #tpu.memory_space<hbm>> -> memref<1x1024x768xf32, #tpu.memory_space<hbm>>
    %dma_wait3A_735 = tpu.memref_squeeze %dma_wait3A_734 : memref<1x1024x768xf32, #tpu.memory_space<hbm>> -> memref<1024x768xf32, #tpu.memory_space<hbm>>
    tpu.wait_dma2 semaphore(%dma_wait3A_727 : memref<!tpu.dma_semaphore, #tpu.memory_space<semaphore_mem>>) src(%dma_wait3A_735 : memref<1024x768xf32, #tpu.memory_space<hbm>>) dst(%dma_wait3A_731 : memref<1024x768xf32, #tpu.memory_space<vmem>>)
    %dma_wait3A_736 = arith.constant 7 : i32
    %dma_wait3A_737 = arith.constant 1 : i32
    %dma_wait3A_738 = arith.constant 1 : i32
    %dma_wait3A_739 = tpu.memref_slice %arg12[%dma_wait3A_738] : memref<2x!tpu.dma_semaphore, #tpu.memory_space<semaphore_mem>> -> memref<1x!tpu.dma_semaphore, #tpu.memory_space<semaphore_mem>>
    %dma_wait3A_740 = tpu.memref_squeeze %dma_wait3A_739 : memref<1x!tpu.dma_semaphore, #tpu.memory_space<semaphore_mem>> -> memref<!tpu.dma_semaphore, #tpu.memory_space<semaphore_mem>>
    %dma_wait3A_741 = arith.constant 0 : i32
    %dma_wait3A_742 = arith.constant 0 : i32
    %dma_wait3A_743 = tpu.memref_slice %arg9[%dma_wait3A_737, %dma_wait3A_741, %dma_wait3A_742] : memref<2x768x1024xf32, #tpu.memory_space<vmem>> -> memref<1x768x1024xf32, #tpu.memory_space<vmem>>
    %dma_wait3A_744 = tpu.memref_squeeze %dma_wait3A_743 : memref<1x768x1024xf32, #tpu.memory_space<vmem>> -> memref<768x1024xf32, #tpu.memory_space<vmem>>
    %dma_wait3A_745 = arith.constant 0 : i32
    %dma_wait3A_746 = arith.constant 0 : i32
    %dma_wait3A_747 = tpu.memref_slice %arg5[%dma_wait3A_736, %dma_wait3A_745, %dma_wait3A_746] : memref<8x768x1024xf32, #tpu.memory_space<hbm>> -> memref<1x768x1024xf32, #tpu.memory_space<hbm>>
    %dma_wait3A_748 = tpu.memref_squeeze %dma_wait3A_747 : memref<1x768x1024xf32, #tpu.memory_space<hbm>> -> memref<768x1024xf32, #tpu.memory_space<hbm>>
    tpu.wait_dma2 semaphore(%dma_wait3A_740 : memref<!tpu.dma_semaphore, #tpu.memory_space<semaphore_mem>>) src(%dma_wait3A_748 : memref<768x1024xf32, #tpu.memory_space<hbm>>) dst(%dma_wait3A_744 : memref<768x1024xf32, #tpu.memory_space<vmem>>)
    %get3A_749 = arith.constant 7 : index
    %get3A_750 = arith.constant 0 : index
    %get3A_751 = memref.load %arg0[%get3A_749, %get3A_750] : memref<8x1xi32, #tpu.memory_space<smem>>
    %get3A_752 = arith.constant 7 : index
    %get3A_753 = arith.constant 0 : index
    %get3A_754 = memref.load %arg1[%get3A_752, %get3A_753] : memref<8x1xi32, #tpu.memory_space<smem>>
    %add3A_755 = arith.addi %get3A_751, %get3A_754 : i32
    %while3A_756 = arith.constant 0 : i32
    %while3A_757 = arith.subi %add3A_755, %get3A_751 : i32
    %while3A_758 = arith.addi %get3A_751, %while3A_757 : i32
    %while3A_759 = arith.constant 1 : i32
    %while3A_760 = arith.divsi %while3A_757, %while3A_759 : i32
    %while3A_761 = arith.muli %while3A_760, %while3A_759 : i32
    %while3A_762 = arith.addi %get3A_751, %while3A_761 : i32
    %while3A_763 = arith.constant 1 : i32
    scf.for %while3A_794 = %get3A_751 to %while3A_762 step %while3A_763  : i32 {
      %and3A_795 = arith.constant 1 : i32
      %and3A_796 = arith.andi %while3A_794, %and3A_795 : i32
      %mul3A_797 = arith.constant 128 : i32
      %mul3A_798 = arith.muli %while3A_794, %mul3A_797 : i32
      %dma_wait3A_799 = tpu.memref_slice %arg13[%and3A_796] : memref<2x!tpu.dma_semaphore, #tpu.memory_space<semaphore_mem>> -> memref<1x!tpu.dma_semaphore, #tpu.memory_space<semaphore_mem>>
      %dma_wait3A_800 = tpu.memref_squeeze %dma_wait3A_799 : memref<1x!tpu.dma_semaphore, #tpu.memory_space<semaphore_mem>> -> memref<!tpu.dma_semaphore, #tpu.memory_space<semaphore_mem>>
      %dma_wait3A_801 = arith.constant 0 : i32
      %dma_wait3A_802 = arith.constant 0 : i32
      %dma_wait3A_803 = tpu.memref_slice %arg10[%and3A_796, %dma_wait3A_801, %dma_wait3A_802] : memref<2x128x1024xf32, #tpu.memory_space<vmem>> -> memref<1x128x1024xf32, #tpu.memory_space<vmem>>
      %dma_wait3A_804 = tpu.memref_squeeze %dma_wait3A_803 : memref<1x128x1024xf32, #tpu.memory_space<vmem>> -> memref<128x1024xf32, #tpu.memory_space<vmem>>
      %dma_wait3A_805 = arith.constant 0 : i32
      %dma_wait3A_806 = tpu.memref_slice %arg2[%mul3A_798, %dma_wait3A_805] : memref<4992x1024xf32, #tpu.memory_space<hbm>> -> memref<128x1024xf32, #tpu.memory_space<hbm>>
      tpu.wait_dma2 semaphore(%dma_wait3A_800 : memref<!tpu.dma_semaphore, #tpu.memory_space<semaphore_mem>>) src(%dma_wait3A_806 : memref<128x1024xf32, #tpu.memory_space<hbm>>) dst(%dma_wait3A_804 : memref<128x1024xf32, #tpu.memory_space<vmem>>)
      %add3A_807 = arith.constant 1 : i32
      %add3A_808 = arith.addi %while3A_794, %add3A_807 : i32
      %lt3A = arith.cmpi slt, %add3A_808, %add3A : i32
      %convert_element_type3A = arith.extui %lt3A : i1 to i32
      %cond3A = arith.constant 0 : i32
      %cond3A_809 = arith.cmpi ne, %convert_element_type3A, %cond3A : i32
      scf.if %cond3A_809 {
        %add3A_863 = arith.constant 1 : i32
        %add3A_864 = arith.addi %while3A_794, %add3A_863 : i32
        %sub3A_865 = arith.constant 1 : i32
        %sub3A_866 = arith.subi %sub3A_865, %and3A_796 : i32
        %mul3A_867 = arith.constant 128 : i32
        %mul3A_868 = arith.muli %add3A_864, %mul3A_867 : i32
        %dma_start3A_869 = tpu.memref_slice %arg13[%sub3A_866] : memref<2x!tpu.dma_semaphore, #tpu.memory_space<semaphore_mem>> -> memref<1x!tpu.dma_semaphore, #tpu.memory_space<semaphore_mem>>
        %dma_start3A_870 = tpu.memref_squeeze %dma_start3A_869 : memref<1x!tpu.dma_semaphore, #tpu.memory_space<semaphore_mem>> -> memref<!tpu.dma_semaphore, #tpu.memory_space<semaphore_mem>>
        %dma_start3A_871 = arith.constant 0 : i32
        %dma_start3A_872 = arith.constant 0 : i32
        %dma_start3A_873 = tpu.memref_slice %arg10[%sub3A_866, %dma_start3A_871, %dma_start3A_872] : memref<2x128x1024xf32, #tpu.memory_space<vmem>> -> memref<1x128x1024xf32, #tpu.memory_space<vmem>>
        %dma_start3A_874 = tpu.memref_squeeze %dma_start3A_873 : memref<1x128x1024xf32, #tpu.memory_space<vmem>> -> memref<128x1024xf32, #tpu.memory_space<vmem>>
        %dma_start3A_875 = arith.constant 0 : i32
        %dma_start3A_876 = tpu.memref_slice %arg2[%mul3A_868, %dma_start3A_875] : memref<4992x1024xf32, #tpu.memory_space<hbm>> -> memref<128x1024xf32, #tpu.memory_space<hbm>>
        tpu.enqueue_dma source(%dma_start3A_876 : memref<128x1024xf32, #tpu.memory_space<hbm>>) target(%dma_start3A_874 : memref<128x1024xf32, #tpu.memory_space<vmem>>) target_semaphore(%dma_start3A_870 : memref<!tpu.dma_semaphore, #tpu.memory_space<semaphore_mem>>)
      } else {
      }
      %ge3A = arith.constant 2 : i32
      %ge3A_810 = arith.cmpi sge, %while3A_794, %ge3A : i32
      %convert_element_type3A_811 = arith.extui %ge3A_810 : i1 to i32
      %cond3A_812 = arith.constant 0 : i32
      %cond3A_813 = arith.cmpi ne, %convert_element_type3A_811, %cond3A_812 : i32
      scf.if %cond3A_813 {
        %sub3A_863 = arith.constant 2 : i32
        %sub3A_864 = arith.subi %while3A_794, %sub3A_863 : i32
        %mul3A_865 = arith.constant 128 : i32
        %mul3A_866 = arith.muli %sub3A_864, %mul3A_865 : i32
        %dma_wait3A_867 = tpu.memref_slice %arg14[%and3A_796] : memref<2x!tpu.dma_semaphore, #tpu.memory_space<semaphore_mem>> -> memref<1x!tpu.dma_semaphore, #tpu.memory_space<semaphore_mem>>
        %dma_wait3A_868 = tpu.memref_squeeze %dma_wait3A_867 : memref<1x!tpu.dma_semaphore, #tpu.memory_space<semaphore_mem>> -> memref<!tpu.dma_semaphore, #tpu.memory_space<semaphore_mem>>
        %dma_wait3A_869 = arith.constant 0 : i32
        %dma_wait3A_870 = tpu.memref_slice %arg6[%mul3A_866, %dma_wait3A_869] : memref<4992x1024xf32, #tpu.memory_space<hbm>> -> memref<128x1024xf32, #tpu.memory_space<hbm>>
        %dma_wait3A_871 = arith.constant 0 : i32
        %dma_wait3A_872 = arith.constant 0 : i32
        %dma_wait3A_873 = tpu.memref_slice %arg11[%and3A_796, %dma_wait3A_871, %dma_wait3A_872] : memref<2x128x1024xf32, #tpu.memory_space<vmem>> -> memref<1x128x1024xf32, #tpu.memory_space<vmem>>
        %dma_wait3A_874 = tpu.memref_squeeze %dma_wait3A_873 : memref<1x128x1024xf32, #tpu.memory_space<vmem>> -> memref<128x1024xf32, #tpu.memory_space<vmem>>
        tpu.wait_dma2 semaphore(%dma_wait3A_868 : memref<!tpu.dma_semaphore, #tpu.memory_space<semaphore_mem>>) src(%dma_wait3A_874 : memref<128x1024xf32, #tpu.memory_space<vmem>>) dst(%dma_wait3A_870 : memref<128x1024xf32, #tpu.memory_space<hbm>>)
      } else {
      }
      %get3A_814 = arith.index_cast %and3A_796 : i32 to index
      %get3A_815 = arith.constant 0 : index
      %get3A_816 = arith.constant 0 : index
      %get3A_817 = vector.load %arg10[%get3A_814, %get3A_815, %get3A_816] : memref<2x128x1024xf32, #tpu.memory_space<vmem>>, vector<1x128x1024xf32>
      %get3A_818 = vector.shape_cast %get3A_817 : vector<1x128x1024xf32> to vector<128x1024xf32>
      %get3A_819 = arith.constant 1 : index
      %get3A_820 = arith.constant 0 : index
      %get3A_821 = arith.constant 0 : index
      %get3A_822 = vector.load %arg7[%get3A_819, %get3A_820, %get3A_821] : memref<2x1024x768xf32, #tpu.memory_space<vmem>>, vector<1x1024x768xf32>
      %get3A_823 = vector.shape_cast %get3A_822 : vector<1x1024x768xf32> to vector<1024x768xf32>
      %dot_general3A = arith.constant dense<0.000000e+00> : vector<128x768xf32>
      %dot_general3A_824 = tpu.matmul %get3A_818, %get3A_823, %dot_general3A {dimension_numbers = #tpu.dot_dimension_numbers<[1], [0], [0], [1], [0, 0, 1, 1], [], []>, transpose_lhs_hint = false} : vector<128x1024xf32>, vector<1024x768xf32>, vector<128x768xf32> -> vector<128x768xf32>
      %get3A_825 = arith.constant 1 : index
      %get3A_826 = arith.constant 0 : index
      %get3A_827 = arith.constant 0 : index
      %get3A_828 = vector.load %arg8[%get3A_825, %get3A_826, %get3A_827] : memref<2x1024x768xf32, #tpu.memory_space<vmem>>, vector<1x1024x768xf32>
      %get3A_829 = vector.shape_cast %get3A_828 : vector<1x1024x768xf32> to vector<1024x768xf32>
      %dot_general3A_830 = arith.constant dense<0.000000e+00> : vector<128x768xf32>
      %dot_general3A_831 = tpu.matmul %get3A_818, %get3A_829, %dot_general3A_830 {dimension_numbers = #tpu.dot_dimension_numbers<[1], [0], [0], [1], [0, 0, 1, 1], [], []>, transpose_lhs_hint = false} : vector<128x1024xf32>, vector<1024x768xf32>, vector<128x768xf32> -> vector<128x768xf32>
      %neg3A = arith.constant 0.000000e+00 : f32
      %neg3A_832 = vector.broadcast %neg3A : f32 to vector<128x768xf32>
      %neg3A_833 = arith.subf %neg3A_832, %dot_general3A_824 : vector<128x768xf32>
      %exp3A = math.exp %neg3A_833 : vector<128x768xf32>
      %add3A_834 = arith.constant 1.000000e+00 : f32
      %add3A_835 = vector.broadcast %add3A_834 : f32 to vector<128x768xf32>
      %add3A_836 = arith.addf %add3A_835, %exp3A : vector<128x768xf32>
      %div3A = arith.constant 1.000000e+00 : f32
      %div3A_837 = vector.broadcast %div3A : f32 to vector<128x768xf32>
      %div3A_838 = arith.divf %div3A_837, %add3A_836 : vector<128x768xf32>
      %mul3A_839 = arith.mulf %dot_general3A_824, %div3A_838 : vector<128x768xf32>
      %mul3A_840 = arith.mulf %mul3A_839, %dot_general3A_831 : vector<128x768xf32>
      %get3A_841 = arith.constant 1 : index
      %get3A_842 = arith.constant 0 : index
      %get3A_843 = arith.constant 0 : index
      %get3A_844 = vector.load %arg9[%get3A_841, %get3A_842, %get3A_843] : memref<2x768x1024xf32, #tpu.memory_space<vmem>>, vector<1x768x1024xf32>
      %get3A_845 = vector.shape_cast %get3A_844 : vector<1x768x1024xf32> to vector<768x1024xf32>
      %dot_general3A_846 = arith.constant dense<0.000000e+00> : vector<128x1024xf32>
      %dot_general3A_847 = tpu.matmul %mul3A_840, %get3A_845, %dot_general3A_846 {dimension_numbers = #tpu.dot_dimension_numbers<[1], [0], [0], [1], [0, 0, 1, 1], [], []>, transpose_lhs_hint = false} : vector<128x768xf32>, vector<768x1024xf32>, vector<128x1024xf32> -> vector<128x1024xf32>
      %swap3A = arith.index_cast %and3A_796 : i32 to index
      %swap3A_848 = arith.constant 0 : index
      %swap3A_849 = arith.constant 0 : index
      %swap3A_850 = vector.load %arg11[%swap3A, %swap3A_848, %swap3A_849] : memref<2x128x1024xf32, #tpu.memory_space<vmem>>, vector<1x128x1024xf32>
      %swap3A_851 = vector.shape_cast %swap3A_850 : vector<1x128x1024xf32> to vector<128x1024xf32>
      %swap3A_852 = vector.shape_cast %dot_general3A_847 : vector<128x1024xf32> to vector<1x128x1024xf32>
      tpu.vector_store %arg11[%swap3A, %swap3A_848, %swap3A_849], %swap3A_852 {strides = array<i32>} : memref<2x128x1024xf32, #tpu.memory_space<vmem>>, vector<1x128x1024xf32>,
      %mul3A_853 = arith.constant 128 : i32
      %mul3A_854 = arith.muli %while3A_794, %mul3A_853 : i32
      %dma_start3A_855 = tpu.memref_slice %arg14[%and3A_796] : memref<2x!tpu.dma_semaphore, #tpu.memory_space<semaphore_mem>> -> memref<1x!tpu.dma_semaphore, #tpu.memory_space<semaphore_mem>>
      %dma_start3A_856 = tpu.memref_squeeze %dma_start3A_855 : memref<1x!tpu.dma_semaphore, #tpu.memory_space<semaphore_mem>> -> memref<!tpu.dma_semaphore, #tpu.memory_space<semaphore_mem>>
      %dma_start3A_857 = arith.constant 0 : i32
      %dma_start3A_858 = tpu.memref_slice %arg6[%mul3A_854, %dma_start3A_857] : memref<4992x1024xf32, #tpu.memory_space<hbm>> -> memref<128x1024xf32, #tpu.memory_space<hbm>>
      %dma_start3A_859 = arith.constant 0 : i32
      %dma_start3A_860 = arith.constant 0 : i32
      %dma_start3A_861 = tpu.memref_slice %arg11[%and3A_796, %dma_start3A_859, %dma_start3A_860] : memref<2x128x1024xf32, #tpu.memory_space<vmem>> -> memref<1x128x1024xf32, #tpu.memory_space<vmem>>
      %dma_start3A_862 = tpu.memref_squeeze %dma_start3A_861 : memref<1x128x1024xf32, #tpu.memory_space<vmem>> -> memref<128x1024xf32, #tpu.memory_space<vmem>>
      tpu.enqueue_dma source(%dma_start3A_862 : memref<128x1024xf32, #tpu.memory_space<vmem>>) target(%dma_start3A_858 : memref<128x1024xf32, #tpu.memory_space<hbm>>) target_semaphore(%dma_start3A_856 : memref<!tpu.dma_semaphore, #tpu.memory_space<semaphore_mem>>)
    }
    %while3A_764 = arith.constant 1 : i32
    scf.for %while3A_794 = %while3A_762 to %while3A_758 step %while3A_764  : i32 {
      %and3A_795 = arith.constant 1 : i32
      %and3A_796 = arith.andi %while3A_794, %and3A_795 : i32
      %mul3A_797 = arith.constant 128 : i32
      %mul3A_798 = arith.muli %while3A_794, %mul3A_797 : i32
      %dma_wait3A_799 = tpu.memref_slice %arg13[%and3A_796] : memref<2x!tpu.dma_semaphore, #tpu.memory_space<semaphore_mem>> -> memref<1x!tpu.dma_semaphore, #tpu.memory_space<semaphore_mem>>
      %dma_wait3A_800 = tpu.memref_squeeze %dma_wait3A_799 : memref<1x!tpu.dma_semaphore, #tpu.memory_space<semaphore_mem>> -> memref<!tpu.dma_semaphore, #tpu.memory_space<semaphore_mem>>
      %dma_wait3A_801 = arith.constant 0 : i32
      %dma_wait3A_802 = arith.constant 0 : i32
      %dma_wait3A_803 = tpu.memref_slice %arg10[%and3A_796, %dma_wait3A_801, %dma_wait3A_802] : memref<2x128x1024xf32, #tpu.memory_space<vmem>> -> memref<1x128x1024xf32, #tpu.memory_space<vmem>>
      %dma_wait3A_804 = tpu.memref_squeeze %dma_wait3A_803 : memref<1x128x1024xf32, #tpu.memory_space<vmem>> -> memref<128x1024xf32, #tpu.memory_space<vmem>>
      %dma_wait3A_805 = arith.constant 0 : i32
      %dma_wait3A_806 = tpu.memref_slice %arg2[%mul3A_798, %dma_wait3A_805] : memref<4992x1024xf32, #tpu.memory_space<hbm>> -> memref<128x1024xf32, #tpu.memory_space<hbm>>
      tpu.wait_dma2 semaphore(%dma_wait3A_800 : memref<!tpu.dma_semaphore, #tpu.memory_space<semaphore_mem>>) src(%dma_wait3A_806 : memref<128x1024xf32, #tpu.memory_space<hbm>>) dst(%dma_wait3A_804 : memref<128x1024xf32, #tpu.memory_space<vmem>>)
      %add3A_807 = arith.constant 1 : i32
      %add3A_808 = arith.addi %while3A_794, %add3A_807 : i32
      %lt3A = arith.cmpi slt, %add3A_808, %add3A : i32
      %convert_element_type3A = arith.extui %lt3A : i1 to i32
      %cond3A = arith.constant 0 : i32
      %cond3A_809 = arith.cmpi ne, %convert_element_type3A, %cond3A : i32
      scf.if %cond3A_809 {
        %add3A_863 = arith.constant 1 : i32
        %add3A_864 = arith.addi %while3A_794, %add3A_863 : i32
        %sub3A_865 = arith.constant 1 : i32
        %sub3A_866 = arith.subi %sub3A_865, %and3A_796 : i32
        %mul3A_867 = arith.constant 128 : i32
        %mul3A_868 = arith.muli %add3A_864, %mul3A_867 : i32
        %dma_start3A_869 = tpu.memref_slice %arg13[%sub3A_866] : memref<2x!tpu.dma_semaphore, #tpu.memory_space<semaphore_mem>> -> memref<1x!tpu.dma_semaphore, #tpu.memory_space<semaphore_mem>>
        %dma_start3A_870 = tpu.memref_squeeze %dma_start3A_869 : memref<1x!tpu.dma_semaphore, #tpu.memory_space<semaphore_mem>> -> memref<!tpu.dma_semaphore, #tpu.memory_space<semaphore_mem>>
        %dma_start3A_871 = arith.constant 0 : i32
        %dma_start3A_872 = arith.constant 0 : i32
        %dma_start3A_873 = tpu.memref_slice %arg10[%sub3A_866, %dma_start3A_871, %dma_start3A_872] : memref<2x128x1024xf32, #tpu.memory_space<vmem>> -> memref<1x128x1024xf32, #tpu.memory_space<vmem>>
        %dma_start3A_874 = tpu.memref_squeeze %dma_start3A_873 : memref<1x128x1024xf32, #tpu.memory_space<vmem>> -> memref<128x1024xf32, #tpu.memory_space<vmem>>
        %dma_start3A_875 = arith.constant 0 : i32
        %dma_start3A_876 = tpu.memref_slice %arg2[%mul3A_868, %dma_start3A_875] : memref<4992x1024xf32, #tpu.memory_space<hbm>> -> memref<128x1024xf32, #tpu.memory_space<hbm>>
        tpu.enqueue_dma source(%dma_start3A_876 : memref<128x1024xf32, #tpu.memory_space<hbm>>) target(%dma_start3A_874 : memref<128x1024xf32, #tpu.memory_space<vmem>>) target_semaphore(%dma_start3A_870 : memref<!tpu.dma_semaphore, #tpu.memory_space<semaphore_mem>>)
      } else {
      }
      %ge3A = arith.constant 2 : i32
      %ge3A_810 = arith.cmpi sge, %while3A_794, %ge3A : i32
      %convert_element_type3A_811 = arith.extui %ge3A_810 : i1 to i32
      %cond3A_812 = arith.constant 0 : i32
      %cond3A_813 = arith.cmpi ne, %convert_element_type3A_811, %cond3A_812 : i32
      scf.if %cond3A_813 {
        %sub3A_863 = arith.constant 2 : i32
        %sub3A_864 = arith.subi %while3A_794, %sub3A_863 : i32
        %mul3A_865 = arith.constant 128 : i32
        %mul3A_866 = arith.muli %sub3A_864, %mul3A_865 : i32
        %dma_wait3A_867 = tpu.memref_slice %arg14[%and3A_796] : memref<2x!tpu.dma_semaphore, #tpu.memory_space<semaphore_mem>> -> memref<1x!tpu.dma_semaphore, #tpu.memory_space<semaphore_mem>>
        %dma_wait3A_868 = tpu.memref_squeeze %dma_wait3A_867 : memref<1x!tpu.dma_semaphore, #tpu.memory_space<semaphore_mem>> -> memref<!tpu.dma_semaphore, #tpu.memory_space<semaphore_mem>>
        %dma_wait3A_869 = arith.constant 0 : i32
        %dma_wait3A_870 = tpu.memref_slice %arg6[%mul3A_866, %dma_wait3A_869] : memref<4992x1024xf32, #tpu.memory_space<hbm>> -> memref<128x1024xf32, #tpu.memory_space<hbm>>
        %dma_wait3A_871 = arith.constant 0 : i32
        %dma_wait3A_872 = arith.constant 0 : i32
        %dma_wait3A_873 = tpu.memref_slice %arg11[%and3A_796, %dma_wait3A_871, %dma_wait3A_872] : memref<2x128x1024xf32, #tpu.memory_space<vmem>> -> memref<1x128x1024xf32, #tpu.memory_space<vmem>>
        %dma_wait3A_874 = tpu.memref_squeeze %dma_wait3A_873 : memref<1x128x1024xf32, #tpu.memory_space<vmem>> -> memref<128x1024xf32, #tpu.memory_space<vmem>>
        tpu.wait_dma2 semaphore(%dma_wait3A_868 : memref<!tpu.dma_semaphore, #tpu.memory_space<semaphore_mem>>) src(%dma_wait3A_874 : memref<128x1024xf32, #tpu.memory_space<vmem>>) dst(%dma_wait3A_870 : memref<128x1024xf32, #tpu.memory_space<hbm>>)
      } else {
      }
      %get3A_814 = arith.index_cast %and3A_796 : i32 to index
      %get3A_815 = arith.constant 0 : index
      %get3A_816 = arith.constant 0 : index
      %get3A_817 = vector.load %arg10[%get3A_814, %get3A_815, %get3A_816] : memref<2x128x1024xf32, #tpu.memory_space<vmem>>, vector<1x128x1024xf32>
      %get3A_818 = vector.shape_cast %get3A_817 : vector<1x128x1024xf32> to vector<128x1024xf32>
      %get3A_819 = arith.constant 1 : index
      %get3A_820 = arith.constant 0 : index
      %get3A_821 = arith.constant 0 : index
      %get3A_822 = vector.load %arg7[%get3A_819, %get3A_820, %get3A_821] : memref<2x1024x768xf32, #tpu.memory_space<vmem>>, vector<1x1024x768xf32>
      %get3A_823 = vector.shape_cast %get3A_822 : vector<1x1024x768xf32> to vector<1024x768xf32>
      %dot_general3A = arith.constant dense<0.000000e+00> : vector<128x768xf32>
      %dot_general3A_824 = tpu.matmul %get3A_818, %get3A_823, %dot_general3A {dimension_numbers = #tpu.dot_dimension_numbers<[1], [0], [0], [1], [0, 0, 1, 1], [], []>, transpose_lhs_hint = false} : vector<128x1024xf32>, vector<1024x768xf32>, vector<128x768xf32> -> vector<128x768xf32>
      %get3A_825 = arith.constant 1 : index
      %get3A_826 = arith.constant 0 : index
      %get3A_827 = arith.constant 0 : index
      %get3A_828 = vector.load %arg8[%get3A_825, %get3A_826, %get3A_827] : memref<2x1024x768xf32, #tpu.memory_space<vmem>>, vector<1x1024x768xf32>
      %get3A_829 = vector.shape_cast %get3A_828 : vector<1x1024x768xf32> to vector<1024x768xf32>
      %dot_general3A_830 = arith.constant dense<0.000000e+00> : vector<128x768xf32>
      %dot_general3A_831 = tpu.matmul %get3A_818, %get3A_829, %dot_general3A_830 {dimension_numbers = #tpu.dot_dimension_numbers<[1], [0], [0], [1], [0, 0, 1, 1], [], []>, transpose_lhs_hint = false} : vector<128x1024xf32>, vector<1024x768xf32>, vector<128x768xf32> -> vector<128x768xf32>
      %neg3A = arith.constant 0.000000e+00 : f32
      %neg3A_832 = vector.broadcast %neg3A : f32 to vector<128x768xf32>
      %neg3A_833 = arith.subf %neg3A_832, %dot_general3A_824 : vector<128x768xf32>
      %exp3A = math.exp %neg3A_833 : vector<128x768xf32>
      %add3A_834 = arith.constant 1.000000e+00 : f32
      %add3A_835 = vector.broadcast %add3A_834 : f32 to vector<128x768xf32>
      %add3A_836 = arith.addf %add3A_835, %exp3A : vector<128x768xf32>
      %div3A = arith.constant 1.000000e+00 : f32
      %div3A_837 = vector.broadcast %div3A : f32 to vector<128x768xf32>
      %div3A_838 = arith.divf %div3A_837, %add3A_836 : vector<128x768xf32>
      %mul3A_839 = arith.mulf %dot_general3A_824, %div3A_838 : vector<128x768xf32>
      %mul3A_840 = arith.mulf %mul3A_839, %dot_general3A_831 : vector<128x768xf32>
      %get3A_841 = arith.constant 1 : index
      %get3A_842 = arith.constant 0 : index
      %get3A_843 = arith.constant 0 : index
      %get3A_844 = vector.load %arg9[%get3A_841, %get3A_842, %get3A_843] : memref<2x768x1024xf32, #tpu.memory_space<vmem>>, vector<1x768x1024xf32>
      %get3A_845 = vector.shape_cast %get3A_844 : vector<1x768x1024xf32> to vector<768x1024xf32>
      %dot_general3A_846 = arith.constant dense<0.000000e+00> : vector<128x1024xf32>
      %dot_general3A_847 = tpu.matmul %mul3A_840, %get3A_845, %dot_general3A_846 {dimension_numbers = #tpu.dot_dimension_numbers<[1], [0], [0], [1], [0, 0, 1, 1], [], []>, transpose_lhs_hint = false} : vector<128x768xf32>, vector<768x1024xf32>, vector<128x1024xf32> -> vector<128x1024xf32>
      %swap3A = arith.index_cast %and3A_796 : i32 to index
      %swap3A_848 = arith.constant 0 : index
      %swap3A_849 = arith.constant 0 : index
      %swap3A_850 = vector.load %arg11[%swap3A, %swap3A_848, %swap3A_849] : memref<2x128x1024xf32, #tpu.memory_space<vmem>>, vector<1x128x1024xf32>
      %swap3A_851 = vector.shape_cast %swap3A_850 : vector<1x128x1024xf32> to vector<128x1024xf32>
      %swap3A_852 = vector.shape_cast %dot_general3A_847 : vector<128x1024xf32> to vector<1x128x1024xf32>
      tpu.vector_store %arg11[%swap3A, %swap3A_848, %swap3A_849], %swap3A_852 {strides = array<i32>} : memref<2x128x1024xf32, #tpu.memory_space<vmem>>, vector<1x128x1024xf32>,
      %mul3A_853 = arith.constant 128 : i32
      %mul3A_854 = arith.muli %while3A_794, %mul3A_853 : i32
      %dma_start3A_855 = tpu.memref_slice %arg14[%and3A_796] : memref<2x!tpu.dma_semaphore, #tpu.memory_space<semaphore_mem>> -> memref<1x!tpu.dma_semaphore, #tpu.memory_space<semaphore_mem>>
      %dma_start3A_856 = tpu.memref_squeeze %dma_start3A_855 : memref<1x!tpu.dma_semaphore, #tpu.memory_space<semaphore_mem>> -> memref<!tpu.dma_semaphore, #tpu.memory_space<semaphore_mem>>
      %dma_start3A_857 = arith.constant 0 : i32
      %dma_start3A_858 = tpu.memref_slice %arg6[%mul3A_854, %dma_start3A_857] : memref<4992x1024xf32, #tpu.memory_space<hbm>> -> memref<128x1024xf32, #tpu.memory_space<hbm>>
      %dma_start3A_859 = arith.constant 0 : i32
      %dma_start3A_860 = arith.constant 0 : i32
      %dma_start3A_861 = tpu.memref_slice %arg11[%and3A_796, %dma_start3A_859, %dma_start3A_860] : memref<2x128x1024xf32, #tpu.memory_space<vmem>> -> memref<1x128x1024xf32, #tpu.memory_space<vmem>>
      %dma_start3A_862 = tpu.memref_squeeze %dma_start3A_861 : memref<1x128x1024xf32, #tpu.memory_space<vmem>> -> memref<128x1024xf32, #tpu.memory_space<vmem>>
      tpu.enqueue_dma source(%dma_start3A_862 : memref<128x1024xf32, #tpu.memory_space<vmem>>) target(%dma_start3A_858 : memref<128x1024xf32, #tpu.memory_space<hbm>>) target_semaphore(%dma_start3A_856 : memref<!tpu.dma_semaphore, #tpu.memory_space<semaphore_mem>>)
    }
    %sub3A = arith.constant 2 : i32
    %sub3A_765 = arith.subi %add3A, %sub3A : i32
    %sub3A_766 = arith.constant 2 : i32
    %sub3A_767 = arith.subi %add3A, %sub3A_766 : i32
    %and3A = arith.constant 1 : i32
    %and3A_768 = arith.andi %sub3A_767, %and3A : i32
    %mul3A = arith.constant 128 : i32
    %mul3A_769 = arith.muli %sub3A_765, %mul3A : i32
    %dma_wait3A_770 = tpu.memref_slice %arg14[%and3A_768] : memref<2x!tpu.dma_semaphore, #tpu.memory_space<semaphore_mem>> -> memref<1x!tpu.dma_semaphore, #tpu.memory_space<semaphore_mem>>
    %dma_wait3A_771 = tpu.memref_squeeze %dma_wait3A_770 : memref<1x!tpu.dma_semaphore, #tpu.memory_space<semaphore_mem>> -> memref<!tpu.dma_semaphore, #tpu.memory_space<semaphore_mem>>
    %dma_wait3A_772 = arith.constant 0 : i32
    %dma_wait3A_773 = tpu.memref_slice %arg6[%mul3A_769, %dma_wait3A_772] : memref<4992x1024xf32, #tpu.memory_space<hbm>> -> memref<128x1024xf32, #tpu.memory_space<hbm>>
    %dma_wait3A_774 = arith.constant 0 : i32
    %dma_wait3A_775 = arith.constant 0 : i32
    %dma_wait3A_776 = tpu.memref_slice %arg11[%and3A_768, %dma_wait3A_774, %dma_wait3A_775] : memref<2x128x1024xf32, #tpu.memory_space<vmem>> -> memref<1x128x1024xf32, #tpu.memory_space<vmem>>
    %dma_wait3A_777 = tpu.memref_squeeze %dma_wait3A_776 : memref<1x128x1024xf32, #tpu.memory_space<vmem>> -> memref<128x1024xf32, #tpu.memory_space<vmem>>
    tpu.wait_dma2 semaphore(%dma_wait3A_771 : memref<!tpu.dma_semaphore, #tpu.memory_space<semaphore_mem>>) src(%dma_wait3A_777 : memref<128x1024xf32, #tpu.memory_space<vmem>>) dst(%dma_wait3A_773 : memref<128x1024xf32, #tpu.memory_space<hbm>>)
    %sub3A_778 = arith.constant 1 : i32
    %sub3A_779 = arith.subi %add3A, %sub3A_778 : i32
    %sub3A_780 = arith.constant 1 : i32
    %sub3A_781 = arith.subi %add3A, %sub3A_780 : i32
    %and3A_782 = arith.constant 1 : i32
    %and3A_783 = arith.andi %sub3A_781, %and3A_782 : i32
    %mul3A_784 = arith.constant 128 : i32
    %mul3A_785 = arith.muli %sub3A_779, %mul3A_784 : i32
    %dma_wait3A_786 = tpu.memref_slice %arg14[%and3A_783] : memref<2x!tpu.dma_semaphore, #tpu.memory_space<semaphore_mem>> -> memref<1x!tpu.dma_semaphore, #tpu.memory_space<semaphore_mem>>
    %dma_wait3A_787 = tpu.memref_squeeze %dma_wait3A_786 : memref<1x!tpu.dma_semaphore, #tpu.memory_space<semaphore_mem>> -> memref<!tpu.dma_semaphore, #tpu.memory_space<semaphore_mem>>
    %dma_wait3A_788 = arith.constant 0 : i32
    %dma_wait3A_789 = tpu.memref_slice %arg6[%mul3A_785, %dma_wait3A_788] : memref<4992x1024xf32, #tpu.memory_space<hbm>> -> memref<128x1024xf32, #tpu.memory_space<hbm>>
    %dma_wait3A_790 = arith.constant 0 : i32
    %dma_wait3A_791 = arith.constant 0 : i32
    %dma_wait3A_792 = tpu.memref_slice %arg11[%and3A_783, %dma_wait3A_790, %dma_wait3A_791] : memref<2x128x1024xf32, #tpu.memory_space<vmem>> -> memref<1x128x1024xf32, #tpu.memory_space<vmem>>
    %dma_wait3A_793 = tpu.memref_squeeze %dma_wait3A_792 : memref<1x128x1024xf32, #tpu.memory_space<vmem>> -> memref<128x1024xf32, #tpu.memory_space<vmem>>
    tpu.wait_dma2 semaphore(%dma_wait3A_787 : memref<!tpu.dma_semaphore, #tpu.memory_space<semaphore_mem>>) src(%dma_wait3A_793 : memref<128x1024xf32, #tpu.memory_space<vmem>>) dst(%dma_wait3A_789 : memref<128x1024xf32, #tpu.memory_space<hbm>>)
    return
  }
}

</mosaic_0001>

<sc_bundles>
// kernel: kernel.10.cloned.1.call-start
scs
__scs_entry_jumppad:
0x0: {  	(pc) =	sbr.rel $0x88, $3  }
0x1: {  	(tag) =	ssettag $0x0;
	lr =	simm.s32 $0x1  }
0x2: {  	[smem:$0x3F9C] =	sst lr;
	_ =	strace $0xD0000000  }
0x3: {  	_ = 	snop  }
0x4: {  	_ = 	snop  }
0x5: {  	_ = 	snop  }
0x6: {  	_ = 	snop  }
0x7: {  	_ = 	snop  }
__scs_overlays_trampoline_lowered:
0x8: {  	[smem:$0x3FAB] =	sst s0  }
0x9: {  	[smem:$0x3FAC] =	sst s1  }
0xa: {  	[smem:$0x3FAD] =	sst s2  }
0xb: {  	[smem:$0x3FAE] =	sst s3  }
0xc: {  	[smem:$0x3FAF] =	sst s4  }
0xd: {  	[smem:$0x3FB0] =	sst s5  }
0xe: {  	[smem:$0x3FB1] =	sst s6  }
0xf: {  	[smem:$0x3FB2] =	sst s7  }
0x10: {  	[smem:$0x3FB3] =	sst s8  }
0x11: {  	[smem:$0x3FB4] =	sst s9;
	s0 =	simm.s32 @!p0 $0x0  }
0x12: {  	s1 =	sld [smem:$0x3F9A];
	s0 =	simm.s32 @p0 $0x1  }
0x13: {  	[smem:$0x3FB5] =	sst s0;
	s0 =	simm.s32 @!p1 $0x0  }
0x14: {  	s2 =	sld [smem:$0x3F99];
	s0 =	simm.s32 @p1 $0x1  }
0x15: {  	[smem:$0x3FB6] =	sst s0;
	s0 =	simm.s32 @!p2 $0x0  }
0x16: {  	s3 =	sld [smem:$0x3FDB];
	s0 =	simm.s32 @p2 $0x1  }
0x17: {  	s4 =	simm.s32 $0x1BF5;
	[smem:$0x3FB8] =	sst s0  }
0x18: {  	s0 =	sld [smem:$0x3F9B];
	_ =	swait.ge [sflag:s4], $0x0  }
0x19: {  	s7 =	sld [smem:$0x3F9C]  }
0x1a: {  	s8 =	sadd.s32 $0xFFFFE003, lr  }
0x1b: {  	s9 =	sadd.s32 $0xFFFFFEF7, lr;
	s5 =	simm.s32 $0xFFFFFFFF;
	p2 =	slt.u32 s8, $0xFFFFF086  }
0x1c: {  	p1 =	slt.u32 s9, $0xF7A;
	s5 =	simm.s32 @!p2 $0x0  }
0x1d: {  	s5 =	simm.s32 @p1 $0x1;
	p0 =	seq.s32 s7, s2  }
0x1e: {  	s7 =	smul.u32 @!p0 $0xF7A, s2;
	p2 =	seq.s32 @!p0 s5, $0x0  }
0x1f: {  	s9 =	smul.u32 $0xF7A, s1;
	s8 =	simm.s32 @!p0 $0x1BF5;
	p2 =	por !p2, p0  }
0x20: {  	[sflag:s8] =	ssyncset.s32 @!p0 $0xFFFFF086;
	s6 =	sadd.s32 @!p0 s3, s7;
	s7 =	simm.s32 @!p0 $0x108  }
0x21: {  	s3 =	sadd.s32 s3, s9;
	s6 =	sadd.s32 @!p0 $0x88, s6;
	s7 =	simm.s32 @p2 $0x1082  }
0x22: {  	[simem:s7], [sflag:s8] =	dma.local @!p0 [hbm:s6], $0xF7A  }
0x23: {  	s9 =	sor.u32 $0xD0000000, s2;
	s6 =	simm.s32 $0x108;
	_ =	swait.ge @!p0 [sflag:s8], $0x0  }
0x24: {  	s3 =	sadd.s32 $0x88, s3;
	s6 =	simm.s32 @!p1 $0x1082;
	[sflag:s4] =	ssyncset.s32 $0xFFFFF086  }
0x25: {  	[simem:s6], [sflag:s4] =	dma.local [hbm:s3], $0xF7A  }
0x26: {  	[smem:$0x3F9C] =	sst s1;
	(tag) =	ssettag s2;
	_ =	strace s9  }
0x27: {  	s1 =	sld [smem:$0x3FAC]  }
0x28: {  	s2 =	sld [smem:$0x3FAD]  }
0x29: {  	s4 =	sld [smem:$0x3FAF]  }
0x2a: {  	p0 =	seq.s32 s5, $0x0;
	s5 =	sld [smem:$0x3FB0]  }
0x2b: {  	s6 =	sld [smem:$0x3FB1]  }
0x2c: {  	s7 =	sld [smem:$0x3FB2]  }
0x2d: {  	s3 =	simm.s32 $0x108;
	s8 =	sld [smem:$0x3FB3]  }
0x2e: {  	s3 =	simm.s32 @!p0 $0x1082;
	s9 =	sld [smem:$0x3FB4]  }
0x2f: {  	lr =	sadd.s32 s0, s3;
	s0 =	sld [smem:$0x3FAB]  }
0x30: {  	s3 =	sld [smem:$0x3FAE]  }
0x31: {  	[smem:$0x3FB7] =	sst s10  }
0x32: {  	s10 =	sld [smem:$0x3FB5];
	_ =	sdelay $0x3  }
0x33: {  	p0 =	seq.s32 s10, $0x1;
	s10 =	sld [smem:$0x3FB7];
	_ =	sdelay $0x3  }
0x34: {  	[smem:$0x3FB7] =	sst s10  }
0x35: {  	s10 =	sld [smem:$0x3FB6];
	_ =	sdelay $0x3  }
0x36: {  	p1 =	seq.s32 s10, $0x1;
	s10 =	sld [smem:$0x3FB7];
	_ =	sdelay $0x3  }
0x37: {  	[smem:$0x3FB7] =	sst s10  }
0x38: {  	s10 =	sld [smem:$0x3FB8]  }
0x39: {  	_ = 	snop;
	(pc) =	sbr.ind lr, $3  }
0x3a: {  	_ = 	snop  }
0x3b: {  	_ = 	snop  }
0x3c: {  	p2 =	seq.s32 s10, $0x1;
	s10 =	sld [smem:$0x3FB7]  }
0x3d: {  	_ =	shalt  }
0x3e: {  	_ =	shalt  }
0x3f: {  	_ =	shalt  }
0x40: {  	_ =	shalt  }
0x41: {  	_ =	shalt  }
0x42: {  	_ =	shalt  }
0x43: {  	_ =	shalt  }
0x44: {  	_ =	shalt  }
0x45: {  	_ =	shalt  }
0x46: {  	_ =	shalt  }
0x47: {  	_ =	shalt  }
0x48: {  	_ =	shalt  }
0x49: {  	_ =	shalt  }
0x4a: {  	_ =	shalt  }
0x4b: {  	_ =	shalt  }
0x4c: {  	_ =	shalt  }
0x4d: {  	_ =	shalt  }
0x4e: {  	_ =	shalt  }
0x4f: {  	_ =	shalt  }
0x50: {  	_ =	shalt  }
0x51: {  	_ =	shalt  }
0x52: {  	_ =	shalt  }
0x53: {  	_ =	shalt  }
0x54: {  	_ =	shalt  }
0x55: {  	_ =	shalt  }
0x56: {  	_ =	shalt  }
0x57: {  	_ =	shalt  }
0x58: {  	_ =	shalt  }
0x59: {  	_ =	shalt  }
0x5a: {  	_ =	shalt  }
0x5b: {  	_ =	shalt  }
0x5c: {  	_ =	shalt  }
0x5d: {  	_ =	shalt  }
0x5e: {  	_ =	shalt  }
0x5f: {  	_ =	shalt  }
0x60: {  	_ =	shalt  }
0x61: {  	_ =	shalt  }
0x62: {  	_ =	shalt  }
0x63: {  	_ =	shalt  }
0x64: {  	_ =	shalt  }
0x65: {  	_ =	shalt  }
0x66: {  	_ =	shalt  }
0x67: {  	_ =	shalt  }
0x68: {  	_ =	shalt  }
0x69: {  	_ =	shalt  }
0x6a: {  	_ =	shalt  }
0x6b: {  	_ =	shalt  }
0x6c: {  	_ =	shalt  }
0x6d: {  	_ =	shalt  }
0x6e: {  	_ =	shalt  }
0x6f: {  	_ =	shalt  }
0x70: {  	_ =	shalt  }
0x71: {  	_ =	shalt  }
0x72: {  	_ =	shalt  }
0x73: {  	_ =	shalt  }
0x74: {  	_ =	shalt  }
0x75: {  	_ =	shalt  }
0x76: {  	_ =	shalt  }
0x77: {  	_ =	shalt  }
0x78: {  	_ =	shalt  }
0x79: {  	_ =	shalt  }
0x7a: {  	_ =	shalt  }
0x7b: {  	_ =	shalt  }
0x7c: {  	_ =	shalt  }
0x7d: {  	_ =	shalt  }
0x7e: {  	_ =	shalt  }
0x7f: {  	_ =	shalt  }
0x80: {  	_ =	shalt  }
0x81: {  	_ =	shalt  }
0x82: {  	_ =	shalt  }
0x83: {  	_ =	shalt  }
0x84: {  	_ =	shalt  }
0x85: {  	_ =	shalt  }
0x86: {  	_ =	shalt  }
0x87: {  	_ =	shalt  }
.Lfunc_end0:
.L_simem_size_0:
called_computation.1_lowered:
.L_overlay_start_0:
0x88: {  	s2 =	sld [smem:$0x3FD9]  }
0x89: {  	s3 =	sld [smem:$0x3FFE];
	_ =	sdelay $0x1  }
0x8a: {  	s1 =	srdreg.scid  }
0x8b: {  	s0 =	sand.u32 $0x1, s1  }
0x8c: {  	s17 =	sshll.u32 s0, $0xA;
	s2 =	sadd.s32 s3, s2  }
0x8d: {  	s2 =	sadd.s32 s2, s17  }
0x8e: {  	[smem:$0x3FC3] =	sst s2  }
0x8f: {  	_ = 	snop  }
0x90: {  	s2 =	sld [smem:$0x3FD0];
	(tm) =	ssettm $0x1  }
0x91: {  	s18 =	sld [smem:$0x3FFB];
	_ =	sdelay $0x3  }
0x92: {  	_ =	strace s18  }
0x93: {  	s3 =	sld [smem:$0x3FFC];
	_ =	sdelay $0x3  }
0x94: {  	_ =	strace s3  }
0x95: {  	s3 =	sld [smem:$0x3FFD];
	_ =	sdelay $0x3  }
0x96: {  	_ =	strace s3  }
0x97: {  	_ =	strace $0x8FFFFFFF  }
0x98: {  	s19 =	sld [smem:$0x3FDB];
	_ =	sdelay $0x1  }
0x99: {  	s4 =	simm.s32 $_scs_section_size  }
0x9a: {  	s5 =	simm.s32 $_size__tile_overlayer_lowered;
	s6 =	simm.s32 $_tile_overlayer_lowered  }
0x9b: {  	s22 =	simm.s32 $0x1BFF;
	s21 =	sshll.u32 s6, $0x1;
	s3 =	sadd.s32 s4, s19  }
0x9c: {  	s7 =	simm.s32 $0x0;
	s20 =	sshll.u32 s5, $0x1;
	s5 =	sadd.s32 s21, s3  }
0x9d: {  	[timem:s7], [sflag:s22] =	dma.local [hbm:s5], s20  }
0x9e: {  	_ =	swait.ge [sflag:s22], s20  }
0x9f: {  	s4 =	ssub.s32 $0x0, s20;
	[sflag:s22] =	ssyncset.done $0x0  }
0xa0: {  	[sflag:s22] =	ssyncadd.s32 s4;
	_ =	sdelay $0x1  }
0xa1: {  	s23 =	simm.s32 $0x1B8B  }
0xa2: {  	_ =	swait.ge [sflag:s23], $0x1  }
0xa3: {  	[sflag:s23] =	ssyncset.done $0x0  }
0xa4: {  	s25 =	simm.s32 $0x1B8E;
	s24 =	sld [smem:$0x3FFE];
	[sflag:s23] =	ssyncadd.s32 $0xFFFFFFFF  }
0xa5: {  	s26 =	simm.s32 $execute0_lowered;
	[smem:$0x3FD2] =	sst s25  }
0xa6: {  	s5 =	sshll.u32 s26, $0x1;
	_ =	strace $0x80000049;
	[dreg:$0x1] =	wrdreg $0xFFFFFFFF  }
0xa7: {  	s28 =	simm.s32 $_size_execute0_lowered;
	s3 =	sadd.s32 s3, s5;
	[dreg:$0x0] =	wrdreg $0x0  }
0xa8: {  	s5 =	sshll.u32 s28, $0x1;
	[dreg:$0x2] =	wrdreg s3  }
0xa9: {  	[dreg:$0x3] =	wrdreg s5  }
0xaa: {  	[dreg:$0x4] =	wrdreg $0xC0  }
0xab: {  	_ =	task [dreg:s7], $0x5FFFF  }
0xac: {  	[dreg:$0x1] =	wrdreg $0xFFFFFFFF  }
0xad: {  	[dreg:$0x0] =	wrdreg $0x60  }
0xae: {  	[dreg:$0x2] =	wrdreg s24  }
0xaf: {  	[dreg:$0x3] =	wrdreg s2  }
0xb0: {  	[dreg:$0x4] =	wrdreg $0x9  }
0xb1: {  	_ =	task.clear_ibuf [dreg:s7], $0x5FFFF;
	_ =	strace $0x90000049  }
0xb2: {  	s29 =	simm.s32 $0x9;
	_ =	strace $0x8000004B  }
0xb3: {  	_ =	swait.ge [sflag:s29], $0x1  }
0xb4: {  	[sflag:s29] =	ssyncadd.s32 $0xFFFFFFFF  }
0xb5: {  	_ =	strace $0x9000004B  }
0xb6: {  	_ =	sfence  }
0xb7: {  	s30 =	sld [smem:$0x0];
	_ =	sdelay $0x2  }
0xb8: {  	s31 =	sshll.u32 s1, $0xD;
	s1 =	sshrl.u32 s1, $0x2  }
0xb9: {  	s3 =	sand.u32 $0x4000, s31;
	s1 =	sadd.s32 s1, s30  }
0xba: {  	s0 =	sor.u32 s3, s0;
	s1 =	sshll.u32 s1, $0x11  }
0xbb: {  	s0 =	sor.u32 s1, s0  }
0xbc: {  	s0 =	sadd.s32 $0x8F2B, s0  }
0xbd: {  	[sflag:s0] =	ssyncadd.remote.s32 $0x1  }
0xbe: {  	_ =	sfence.sel $0xFFFF  }
0xbf: {  	[dreg:$0x0] =	wrdreg $0xFFFFFFFF;
	(pc) =	sbr.abs _section_cstart, $3  }
0xc0: {  	[dreg:$0x1] =	wrdreg $0xFFFFFFFF  }
0xc1: {  	_ =	task.clear_ibuf [dreg:s7], $0x2FFFF;
	_ =	strace $0x9FFFFFFF  }
0xc2: {  	(tm) =	ssettm $0x7FFFFFFF  }
0xc3: {  	_ =	shalt  }
tec
execute0_lowered:
.L_overlay_start_1:
0x0: {  	(tag) =	ssettag $0x1  }
0x1: {  	s0 =	rddreg [dreg:$0x0]  }
0x2: {  	s1 =	rddreg [dreg:$0x1];
	s2 =	srdreg.scid  }
0x3: {  	s3 =	stileid.u32;
	s26 =	simm.s32 $0x80;
	s18 =	simm.s32 $0x1  }
0x4: {  	s19 =	simm.s32 $0x2;
	s20 =	simm.s32 $0x3;
	s21 =	simm.s32 $0x4  }
0x5: {  	s28 =	simm.s32 $0x2100;
	s29 =	simm.s32 $0x2900;
	s30 =	simm.s32 $0x3100  }
0x6: {  	s31 =	simm.s32 $0x3900;
	s10 =	simm.s32 $0x5100;
	s11 =	simm.s32 $0x5900  }
0x7: {  	s12 =	simm.s32 $0x6100;
	s13 =	simm.s32 $0x6900;
	s14 =	simm.s32 $0x7100  }
0x8: {  	s15 =	simm.s32 $0x7900;
	s16 =	simm.s32 $0x8900;
	s17 =	simm.s32 $0x9100  }
0x9: {  	s4 =	sand.u32 $0x1, s2;
	s2 =	simm.s32 $0x0;
	s3 =	sshll.u32 s3, $0x7  }
0xa: {  	s7 =	sadd.s32 $0x2200, s0;
	s5 =	sshll.u32 s4, $0x6;
	[smem:$0x7FF] =	sst s2  }
0xb: {  	s4 =	ssub.s32 $0x2, s4;
	s5 =	sor.u32 s5, s3;
	_ =	strace $0x8000004A  }
0xc: {  	s3 =	sadd.s32 $0x9E200, s0;
	s8 =	sshrl.u32 s4, $0x1;
	[dreg:$0x9] =	wrdreg s26  }
0xd: {  	s26 =	simm.s32 $0x1900;
	s6 =	sshrl.u32 s5, $0x3;
	s5 =	sshll.u32 s5, $0x7  }
0xe: {  	s8 =	ssub.s32 s4, s8;
	s4 =	sadd.s32 $0x9E300, s0;
	s22 =	sadd.s32 s1, s5  }
0xf: {  	s6 =	sadd.s32 s6, s0;
	s24 =	sadd.s32 s7, s5;
	[dreg:$0x5] =	wrdreg s22  }
0x10: {  	s23 =	sor.u32 $0x1000, s5;
	s9 =	sadd.s32 $0x1A00, s6;
	[dreg:$0x7] =	wrdreg s24  }
0x11: {  	s5 =	sadd.s32 $0x9E400, s0;
	s6 =	sadd.s32 $0x1C00, s6;
	[dreg:$0x3] =	wrdreg s9  }
0x12: {  	s1 =	sadd.s32 s1, s23;
	s25 =	sadd.s32 s7, s23;
	[dreg:$0x4] =	wrdreg s6  }
0x13: {  	v2 =	vlaneseq.u32;
	s7 =	smax.u32 s8, $0x1;
	s24 =	simm.s32 $0x1100;
	[dreg:$0x6] =	wrdreg s1  }
0x14: {  	vm0 =	vmmov $0xffff;
	v1 =	vshrl.u32 v2, $0x3;
	s8 =	simm.s32 $0x8100;
	s6 =	sadd.s32 $0x9E500, s0;
	[dreg:$0x8] =	wrdreg s25  }
0x15: {  	v0 =	vand.u32 $0x7, v2;
	v2 =	vor.u32 $0x8, v2;
	v1 =	vmul.u32 $0x8, v1;
	s25 =	simm.s32 $0x100;
	s1 =	simm.s32 $0x4900;
	s9 =	simm.s32 $0x9900  }
.LBB2_1:
0x16: {  	s22 =	rddreg [dreg:$0x3];
	s0 =	simm.s32 $0x5  }
0x17: {  	[tilespmem:s2], [sflag:$0x5] =	stream.linear.gather [hbm4b:s22+s2], $0x40, $0x38;
	[tilespmem:$0x10100] =	vst v63  }
0x18: {  	_ =	swait.ge [sflag:s0], $0x40  }
0x19: {  	s22 =	rddreg [dreg:$0x4];
	[sflag:s0] =	ssyncset.done $0x0  }
0x1a: {  	s23 =	rddreg [dreg:$0x9];
	[sflag:s0] =	ssyncadd.s32 $0xFFFFFFC0  }
0x1b: {  	[tilespmem:s23], [sflag:$0x5] =	stream.linear.gather [hbm4b:s22+s2], $0x40, $0x38;
	[tilespmem:$0x10100] =	vst v63  }
0x1c: {  	_ =	swait.ge [sflag:s0], $0x40  }
0x1d: {  	[sflag:s0] =	ssyncset.done $0x0  }
0x1e: {  	[sflag:s0] =	ssyncadd.s32 $0xFFFFFFC0  }
0x1f: {  	v3 =	vld [tilespmem:$0x0];
	_ =	sdelay $0x4  }
0x20: {  	v4 =	vshll.u32 v3, $0x3  }
0x21: {  	v3 =	vand.u32 $0x7, v3;
	v4 =	vand.u32 $0xFFFFFFC0, v4  }
0x22: {  	v3 =	vor.u32 v3, v4  }
0x23: {  	v4 =	vperm.xlane v3, v0;
	_ =	sdelay $0x1  }
0x24: {  	v4 =	vadd.s32 v1, v4;
	_ =	sdelay $0x4  }
0x25: {  	[tilespmem:s25], [sflag:$0x1] =	stream.indirect_vreg.gather [hbm4b:s3+s2], $0x80, v4, vm0, $0xb8;
	[tilespmem:$0x10100] =	vst v63  }
0x26: {  	s23 =	simm.s32 $0x900;
	v3 =	vperm.xlane v3, v2  }
0x27: {  	[tilespmem:s23], [sflag:$0x1] =	stream.indirect_vreg.gather [hbm4b:s4+s2], $0x80, v4, vm0, $0xb8;
	[tilespmem:$0x10100] =	vst v63  }
0x28: {  	v3 =	vadd.s32 v1, v3  }
0x29: {  	[tilespmem:s24], [sflag:$0x1] =	stream.indirect_vreg.gather [hbm4b:s5+s2], $0x80, v4, vm0, $0xb8;
	[tilespmem:$0x10100] =	vst v63  }
0x2a: {  	_ = 	snop  }
0x2b: {  	[tilespmem:s26], [sflag:$0x1] =	stream.indirect_vreg.gather [hbm4b:s6+s2], $0x80, v4, vm0, $0xb8;
	[tilespmem:$0x10100] =	vst v63  }
0x2c: {  	_ = 	snop  }
0x2d: {  	[tilespmem:s28], [sflag:$0x1] =	stream.indirect_vreg.gather [hbm4b:s3+s2], $0x80, v3, vm0, $0xb8;
	[tilespmem:$0x10100] =	vst v63  }
0x2e: {  	_ = 	snop  }
0x2f: {  	[tilespmem:s29], [sflag:$0x1] =	stream.indirect_vreg.gather [hbm4b:s4+s2], $0x80, v3, vm0, $0xb8;
	[tilespmem:$0x10100] =	vst v63  }
0x30: {  	_ = 	snop  }
0x31: {  	[tilespmem:s30], [sflag:$0x1] =	stream.indirect_vreg.gather [hbm4b:s5+s2], $0x80, v3, vm0, $0xb8;
	[tilespmem:$0x10100] =	vst v63  }
0x32: {  	_ = 	snop  }
0x33: {  	[tilespmem:s31], [sflag:$0x1] =	stream.indirect_vreg.gather [hbm4b:s6+s2], $0x80, v3, vm0, $0xb8;
	[tilespmem:$0x10100] =	vst v63  }
0x34: {  	v3 =	vld [tilespmem:$0x10];
	_ =	sdelay $0x4  }
0x35: {  	v57 =	vshll.u32 v3, $0x3  }
0x36: {  	v3 =	vand.u32 $0x7, v3;
	v4 =	vand.u32 $0xFFFFFFC0, v57  }
0x37: {  	v3 =	vor.u32 v3, v4  }
0x38: {  	v4 =	vperm.xlane v3, v0;
	_ =	sdelay $0x1  }
0x39: {  	v4 =	vadd.s32 v1, v4;
	_ =	sdelay $0x3  }
0x3a: {  	s0 =	simm.s32 $0x4100  }
0x3b: {  	[tilespmem:s0], [sflag:$0x1] =	stream.indirect_vreg.gather [hbm4b:s3+s2], $0x80, v4, vm0, $0xb8;
	[tilespmem:$0x10100] =	vst v63  }
0x3c: {  	v3 =	vperm.xlane v3, v2  }
0x3d: {  	[tilespmem:s1], [sflag:$0x1] =	stream.indirect_vreg.gather [hbm4b:s4+s2], $0x80, v4, vm0, $0xb8;
	[tilespmem:$0x10100] =	vst v63  }
0x3e: {  	v3 =	vadd.s32 v1, v3  }
0x3f: {  	[tilespmem:s10], [sflag:$0x1] =	stream.indirect_vreg.gather [hbm4b:s5+s2], $0x80, v4, vm0, $0xb8;
	[tilespmem:$0x10100] =	vst v63  }
0x40: {  	_ = 	snop  }
0x41: {  	[tilespmem:s11], [sflag:$0x1] =	stream.indirect_vreg.gather [hbm4b:s6+s2], $0x80, v4, vm0, $0xb8;
	[tilespmem:$0x10100] =	vst v63  }
0x42: {  	_ = 	snop  }
0x43: {  	[tilespmem:s12], [sflag:$0x1] =	stream.indirect_vreg.gather [hbm4b:s3+s2], $0x80, v3, vm0, $0xb8;
	[tilespmem:$0x10100] =	vst v63  }
0x44: {  	_ = 	snop  }
0x45: {  	[tilespmem:s13], [sflag:$0x1] =	stream.indirect_vreg.gather [hbm4b:s4+s2], $0x80, v3, vm0, $0xb8;
	[tilespmem:$0x10100] =	vst v63  }
0x46: {  	_ = 	snop  }
0x47: {  	[tilespmem:s14], [sflag:$0x1] =	stream.indirect_vreg.gather [hbm4b:s5+s2], $0x80, v3, vm0, $0xb8;
	[tilespmem:$0x10100] =	vst v63  }
0x48: {  	_ = 	snop  }
0x49: {  	[tilespmem:s15], [sflag:$0x1] =	stream.indirect_vreg.gather [hbm4b:s6+s2], $0x80, v3, vm0, $0xb8;
	[tilespmem:$0x10100] =	vst v63  }
0x4a: {  	v3 =	vld [tilespmem:$0x20];
	_ =	sdelay $0x4  }
0x4b: {  	v58 =	vshll.u32 v3, $0x3  }
0x4c: {  	v3 =	vand.u32 $0x7, v3;
	v4 =	vand.u32 $0xFFFFFFC0, v58  }
0x4d: {  	v3 =	vor.u32 v3, v4  }
0x4e: {  	v4 =	vperm.xlane v3, v0;
	_ =	sdelay $0x1  }
0x4f: {  	v4 =	vadd.s32 v1, v4;
	_ =	sdelay $0x4  }
0x50: {  	[tilespmem:s8], [sflag:$0x2] =	stream.indirect_vreg.gather [hbm4b:s3+s2], $0x80, v4, vm0, $0xb8;
	[tilespmem:$0x10100] =	vst v63  }
0x51: {  	v3 =	vperm.xlane v3, v2  }
0x52: {  	[tilespmem:s16], [sflag:$0x2] =	stream.indirect_vreg.gather [hbm4b:s4+s2], $0x80, v4, vm0, $0xb8;
	[tilespmem:$0x10100] =	vst v63  }
0x53: {  	v3 =	vadd.s32 v1, v3  }
0x54: {  	[tilespmem:s17], [sflag:$0x2] =	stream.indirect_vreg.gather [hbm4b:s5+s2], $0x80, v4, vm0, $0xb8;
	[tilespmem:$0x10100] =	vst v63  }
0x55: {  	_ = 	snop  }
0x56: {  	[tilespmem:s9], [sflag:$0x2] =	stream.indirect_vreg.gather [hbm4b:s6+s2], $0x80, v4, vm0, $0xb8;
	[tilespmem:$0x10100] =	vst v63  }
0x57: {  	s22 =	simm.s32 $0xA100  }
0x58: {  	[tilespmem:s22], [sflag:$0x2] =	stream.indirect_vreg.gather [hbm4b:s3+s2], $0x80, v3, vm0, $0xb8;
	[tilespmem:$0x10100] =	vst v63  }
0x59: {  	s22 =	simm.s32 $0xA900  }
0x5a: {  	[tilespmem:s22], [sflag:$0x2] =	stream.indirect_vreg.gather [hbm4b:s4+s2], $0x80, v3, vm0, $0xb8;
	[tilespmem:$0x10100] =	vst v63  }
0x5b: {  	s22 =	simm.s32 $0xB100  }
0x5c: {  	[tilespmem:s22], [sflag:$0x2] =	stream.indirect_vreg.gather [hbm4b:s5+s2], $0x80, v3, vm0, $0xb8;
	[tilespmem:$0x10100] =	vst v63  }
0x5d: {  	s22 =	simm.s32 $0xB900  }
0x5e: {  	[tilespmem:s22], [sflag:$0x2] =	stream.indirect_vreg.gather [hbm4b:s6+s2], $0x80, v3, vm0, $0xb8;
	[tilespmem:$0x10100] =	vst v63  }
0x5f: {  	v3 =	vld [tilespmem:$0x30];
	_ =	sdelay $0x4  }
0x60: {  	v59 =	vshll.u32 v3, $0x3  }
0x61: {  	v3 =	vand.u32 $0x7, v3;
	v4 =	vand.u32 $0xFFFFFFC0, v59  }
0x62: {  	v3 =	vor.u32 v3, v4  }
0x63: {  	v4 =	vperm.xlane v3, v0;
	_ =	sdelay $0x1  }
0x64: {  	v4 =	vadd.s32 v1, v4;
	_ =	sdelay $0x3  }
0x65: {  	s22 =	simm.s32 $0xC100  }
0x66: {  	[tilespmem:s22], [sflag:$0x2] =	stream.indirect_vreg.gather [hbm4b:s3+s2], $0x80, v4, vm0, $0xb8;
	[tilespmem:$0x10100] =	vst v63  }
0x67: {  	v3 =	vperm.xlane v3, v2;
	s22 =	simm.s32 $0xC900  }
0x68: {  	[tilespmem:s22], [sflag:$0x2] =	stream.indirect_vreg.gather [hbm4b:s4+s2], $0x80, v4, vm0, $0xb8;
	[tilespmem:$0x10100] =	vst v63  }
0x69: {  	v3 =	vadd.s32 v1, v3;
	s22 =	simm.s32 $0xD100  }
0x6a: {  	[tilespmem:s22], [sflag:$0x2] =	stream.indirect_vreg.gather [hbm4b:s5+s2], $0x80, v4, vm0, $0xb8;
	[tilespmem:$0x10100] =	vst v63  }
0x6b: {  	s22 =	simm.s32 $0xD900  }
0x6c: {  	[tilespmem:s22], [sflag:$0x2] =	stream.indirect_vreg.gather [hbm4b:s6+s2], $0x80, v4, vm0, $0xb8;
	[tilespmem:$0x10100] =	vst v63  }
0x6d: {  	s22 =	simm.s32 $0xE100  }
0x6e: {  	[tilespmem:s22], [sflag:$0x2] =	stream.indirect_vreg.gather [hbm4b:s3+s2], $0x80, v3, vm0, $0xb8;
	[tilespmem:$0x10100] =	vst v63  }
0x6f: {  	s22 =	simm.s32 $0xE900  }
0x70: {  	[tilespmem:s22], [sflag:$0x2] =	stream.indirect_vreg.gather [hbm4b:s4+s2], $0x80, v3, vm0, $0xb8;
	[tilespmem:$0x10100] =	vst v63  }
0x71: {  	s22 =	simm.s32 $0xF100  }
0x72: {  	[tilespmem:s22], [sflag:$0x2] =	stream.indirect_vreg.gather [hbm4b:s5+s2], $0x80, v3, vm0, $0xb8;
	[tilespmem:$0x10100] =	vst v63  }
0x73: {  	s22 =	simm.s32 $0xF900  }
0x74: {  	[tilespmem:s22], [sflag:$0x2] =	stream.indirect_vreg.gather [hbm4b:s6+s2], $0x80, v3, vm0, $0xb8;
	[tilespmem:$0x10100] =	vst v63  }
0x75: {  	_ =	swait.ge [sflag:s18], $0x8000  }
0x76: {  	[sflag:s18] =	ssyncset.done $0x0  }
0x77: {  	s22 =	rddreg [dreg:$0x5];
	[sflag:s18] =	ssyncadd.s32 $0xFFFF8000  }
0x78: {  	[hbm4b:s22+s2] =	stream.linear.scatter [tilespmem:s25], [sflag:$0x3], $0x8000, $0x38;
	[tilespmem:$0x10100] =	vst v63  }
0x79: {  	_ =	swait.ge [sflag:s19], $0x8000  }
0x7a: {  	[sflag:s19] =	ssyncset.done $0x0  }
0x7b: {  	s22 =	rddreg [dreg:$0x6];
	[sflag:s19] =	ssyncadd.s32 $0xFFFF8000  }
0x7c: {  	[hbm4b:s22+s2] =	stream.linear.scatter [tilespmem:s8], [sflag:$0x4], $0x8000, $0x38;
	[tilespmem:$0x10100] =	vst v63  }
0x7d: {  	_ =	swait.ge [sflag:s20], $0x8000  }
0x7e: {  	[sflag:s20] =	ssyncset.done $0x0  }
0x7f: {  	[sflag:s20] =	ssyncadd.s32 $0xFFFF8000  }
0x80: {  	v3 =	vld [tilespmem:$0x80];
	_ =	sdelay $0x4  }
0x81: {  	v60 =	vshll.u32 v3, $0x3  }
0x82: {  	v3 =	vand.u32 $0x7, v3;
	v4 =	vand.u32 $0xFFFFFFC0, v60  }
0x83: {  	v3 =	vor.u32 v3, v4  }
0x84: {  	v4 =	vperm.xlane v3, v0;
	_ =	sdelay $0x1  }
0x85: {  	v4 =	vadd.s32 v1, v4;
	_ =	sdelay $0x4  }
0x86: {  	[tilespmem:s25], [sflag:$0x1] =	stream.indirect_vreg.gather [hbm4b:s3+s2], $0x80, v4, vm0, $0xb8;
	[tilespmem:$0x10100] =	vst v63  }
0x87: {  	v3 =	vperm.xlane v3, v2  }
0x88: {  	[tilespmem:s23], [sflag:$0x1] =	stream.indirect_vreg.gather [hbm4b:s4+s2], $0x80, v4, vm0, $0xb8;
	[tilespmem:$0x10100] =	vst v63  }
0x89: {  	v3 =	vadd.s32 v1, v3  }
0x8a: {  	[tilespmem:s24], [sflag:$0x1] =	stream.indirect_vreg.gather [hbm4b:s5+s2], $0x80, v4, vm0, $0xb8;
	[tilespmem:$0x10100] =	vst v63  }
0x8b: {  	_ = 	snop  }
0x8c: {  	[tilespmem:s26], [sflag:$0x1] =	stream.indirect_vreg.gather [hbm4b:s6+s2], $0x80, v4, vm0, $0xb8;
	[tilespmem:$0x10100] =	vst v63  }
0x8d: {  	_ = 	snop  }
0x8e: {  	[tilespmem:s28], [sflag:$0x1] =	stream.indirect_vreg.gather [hbm4b:s3+s2], $0x80, v3, vm0, $0xb8;
	[tilespmem:$0x10100] =	vst v63  }
0x8f: {  	_ = 	snop  }
0x90: {  	[tilespmem:s29], [sflag:$0x1] =	stream.indirect_vreg.gather [hbm4b:s4+s2], $0x80, v3, vm0, $0xb8;
	[tilespmem:$0x10100] =	vst v63  }
0x91: {  	_ = 	snop  }
0x92: {  	[tilespmem:s30], [sflag:$0x1] =	stream.indirect_vreg.gather [hbm4b:s5+s2], $0x80, v3, vm0, $0xb8;
	[tilespmem:$0x10100] =	vst v63  }
0x93: {  	_ = 	snop  }
0x94: {  	[tilespmem:s31], [sflag:$0x1] =	stream.indirect_vreg.gather [hbm4b:s6+s2], $0x80, v3, vm0, $0xb8;
	[tilespmem:$0x10100] =	vst v63  }
0x95: {  	v3 =	vld [tilespmem:$0x90];
	_ =	sdelay $0x4  }
0x96: {  	v61 =	vshll.u32 v3, $0x3  }
0x97: {  	v3 =	vand.u32 $0x7, v3;
	v4 =	vand.u32 $0xFFFFFFC0, v61  }
0x98: {  	v3 =	vor.u32 v3, v4  }
0x99: {  	v4 =	vperm.xlane v3, v0;
	_ =	sdelay $0x1  }
0x9a: {  	v4 =	vadd.s32 v1, v4;
	_ =	sdelay $0x4  }
0x9b: {  	[tilespmem:s0], [sflag:$0x1] =	stream.indirect_vreg.gather [hbm4b:s3+s2], $0x80, v4, vm0, $0xb8;
	[tilespmem:$0x10100] =	vst v63  }
0x9c: {  	v3 =	vperm.xlane v3, v2  }
0x9d: {  	[tilespmem:s1], [sflag:$0x1] =	stream.indirect_vreg.gather [hbm4b:s4+s2], $0x80, v4, vm0, $0xb8;
	[tilespmem:$0x10100] =	vst v63  }
0x9e: {  	v3 =	vadd.s32 v1, v3  }
0x9f: {  	[tilespmem:s10], [sflag:$0x1] =	stream.indirect_vreg.gather [hbm4b:s5+s2], $0x80, v4, vm0, $0xb8;
	[tilespmem:$0x10100] =	vst v63  }
0xa0: {  	_ = 	snop  }
0xa1: {  	[tilespmem:s11], [sflag:$0x1] =	stream.indirect_vreg.gather [hbm4b:s6+s2], $0x80, v4, vm0, $0xb8;
	[tilespmem:$0x10100] =	vst v63  }
0xa2: {  	_ = 	snop  }
0xa3: {  	[tilespmem:s12], [sflag:$0x1] =	stream.indirect_vreg.gather [hbm4b:s3+s2], $0x80, v3, vm0, $0xb8;
	[tilespmem:$0x10100] =	vst v63  }
0xa4: {  	_ = 	snop  }
0xa5: {  	[tilespmem:s13], [sflag:$0x1] =	stream.indirect_vreg.gather [hbm4b:s4+s2], $0x80, v3, vm0, $0xb8;
	[tilespmem:$0x10100] =	vst v63  }
0xa6: {  	_ = 	snop  }
0xa7: {  	[tilespmem:s14], [sflag:$0x1] =	stream.indirect_vreg.gather [hbm4b:s5+s2], $0x80, v3, vm0, $0xb8;
	[tilespmem:$0x10100] =	vst v63  }
0xa8: {  	_ = 	snop  }
0xa9: {  	[tilespmem:s15], [sflag:$0x1] =	stream.indirect_vreg.gather [hbm4b:s6+s2], $0x80, v3, vm0, $0xb8;
	[tilespmem:$0x10100] =	vst v63  }
0xaa: {  	_ =	swait.ge [sflag:s21], $0x8000  }
0xab: {  	[sflag:s21] =	ssyncset.done $0x0  }
0xac: {  	[sflag:s21] =	ssyncadd.s32 $0xFFFF8000  }
0xad: {  	v3 =	vld [tilespmem:$0xA0];
	_ =	sdelay $0x4  }
0xae: {  	v62 =	vshll.u32 v3, $0x3  }
0xaf: {  	v3 =	vand.u32 $0x7, v3;
	v4 =	vand.u32 $0xFFFFFFC0, v62  }
0xb0: {  	v3 =	vor.u32 v3, v4  }
0xb1: {  	v4 =	vperm.xlane v3, v0;
	_ =	sdelay $0x1  }
0xb2: {  	v4 =	vadd.s32 v1, v4;
	_ =	sdelay $0x4  }
0xb3: {  	[tilespmem:s8], [sflag:$0x2] =	stream.indirect_vreg.gather [hbm4b:s3+s2], $0x80, v4, vm0, $0xb8;
	[tilespmem:$0x10100] =	vst v63  }
0xb4: {  	v3 =	vperm.xlane v3, v2  }
0xb5: {  	[tilespmem:s16], [sflag:$0x2] =	stream.indirect_vreg.gather [hbm4b:s4+s2], $0x80, v4, vm0, $0xb8;
	[tilespmem:$0x10100] =	vst v63  }
0xb6: {  	v3 =	vadd.s32 v1, v3  }
0xb7: {  	[tilespmem:s17], [sflag:$0x2] =	stream.indirect_vreg.gather [hbm4b:s5+s2], $0x80, v4, vm0, $0xb8;
	[tilespmem:$0x10100] =	vst v63  }
0xb8: {  	_ = 	snop  }
0xb9: {  	[tilespmem:s9], [sflag:$0x2] =	stream.indirect_vreg.gather [hbm4b:s6+s2], $0x80, v4, vm0, $0xb8;
	[tilespmem:$0x10100] =	vst v63  }
0xba: {  	s22 =	simm.s32 $0xA100  }
0xbb: {  	[tilespmem:s22], [sflag:$0x2] =	stream.indirect_vreg.gather [hbm4b:s3+s2], $0x80, v3, vm0, $0xb8;
	[tilespmem:$0x10100] =	vst v63  }
0xbc: {  	s23 =	simm.s32 $0xA900  }
0xbd: {  	[tilespmem:s23], [sflag:$0x2] =	stream.indirect_vreg.gather [hbm4b:s4+s2], $0x80, v3, vm0, $0xb8;
	[tilespmem:$0x10100] =	vst v63  }
0xbe: {  	s22 =	simm.s32 $0xB100  }
0xbf: {  	[tilespmem:s22], [sflag:$0x2] =	stream.indirect_vreg.gather [hbm4b:s5+s2], $0x80, v3, vm0, $0xb8;
	[tilespmem:$0x10100] =	vst v63  }
0xc0: {  	s23 =	simm.s32 $0xB900  }
0xc1: {  	[tilespmem:s23], [sflag:$0x2] =	stream.indirect_vreg.gather [hbm4b:s6+s2], $0x80, v3, vm0, $0xb8;
	[tilespmem:$0x10100] =	vst v63  }
0xc2: {  	v3 =	vld [tilespmem:$0xB0];
	_ =	sdelay $0x4  }
0xc3: {  	v63 =	vshll.u32 v3, $0x3  }
0xc4: {  	v3 =	vand.u32 $0x7, v3;
	v4 =	vand.u32 $0xFFFFFFC0, v63  }
0xc5: {  	v3 =	vor.u32 v3, v4  }
0xc6: {  	v4 =	vperm.xlane v3, v0;
	_ =	sdelay $0x1  }
0xc7: {  	v4 =	vadd.s32 v1, v4;
	_ =	sdelay $0x3  }
0xc8: {  	s22 =	simm.s32 $0xC100  }
0xc9: {  	[tilespmem:s22], [sflag:$0x2] =	stream.indirect_vreg.gather [hbm4b:s3+s2], $0x80, v4, vm0, $0xb8;
	[tilespmem:$0x10100] =	vst v63  }
0xca: {  	s23 =	simm.s32 $0xC900;
	v3 =	vperm.xlane v3, v2  }
0xcb: {  	[tilespmem:s23], [sflag:$0x2] =	stream.indirect_vreg.gather [hbm4b:s4+s2], $0x80, v4, vm0, $0xb8;
	[tilespmem:$0x10100] =	vst v63  }
0xcc: {  	v3 =	vadd.s32 v1, v3;
	s22 =	simm.s32 $0xD100  }
0xcd: {  	[tilespmem:s22], [sflag:$0x2] =	stream.indirect_vreg.gather [hbm4b:s5+s2], $0x80, v4, vm0, $0xb8;
	[tilespmem:$0x10100] =	vst v63  }
0xce: {  	s23 =	simm.s32 $0xD900  }
0xcf: {  	[tilespmem:s23], [sflag:$0x2] =	stream.indirect_vreg.gather [hbm4b:s6+s2], $0x80, v4, vm0, $0xb8;
	[tilespmem:$0x10100] =	vst v63  }
0xd0: {  	s22 =	simm.s32 $0xE100  }
0xd1: {  	[tilespmem:s22], [sflag:$0x2] =	stream.indirect_vreg.gather [hbm4b:s3+s2], $0x80, v3, vm0, $0xb8;
	[tilespmem:$0x10100] =	vst v63  }
0xd2: {  	s23 =	simm.s32 $0xE900  }
0xd3: {  	[tilespmem:s23], [sflag:$0x2] =	stream.indirect_vreg.gather [hbm4b:s4+s2], $0x80, v3, vm0, $0xb8;
	[tilespmem:$0x10100] =	vst v63  }
0xd4: {  	s22 =	simm.s32 $0xF100  }
0xd5: {  	[tilespmem:s22], [sflag:$0x2] =	stream.indirect_vreg.gather [hbm4b:s5+s2], $0x80, v3, vm0, $0xb8;
	[tilespmem:$0x10100] =	vst v63  }
0xd6: {  	s23 =	simm.s32 $0xF900  }
0xd7: {  	[tilespmem:s23], [sflag:$0x2] =	stream.indirect_vreg.gather [hbm4b:s6+s2], $0x80, v3, vm0, $0xb8;
	[tilespmem:$0x10100] =	vst v63  }
0xd8: {  	_ =	swait.ge [sflag:s18], $0x8000  }
0xd9: {  	[sflag:s18] =	ssyncset.done $0x0  }
0xda: {  	s0 =	rddreg [dreg:$0x7];
	[sflag:s18] =	ssyncadd.s32 $0xFFFF8000  }
0xdb: {  	[hbm4b:s0+s2] =	stream.linear.scatter [tilespmem:s25], [sflag:$0x3], $0x8000, $0x38;
	[tilespmem:$0x10100] =	vst v63  }
0xdc: {  	_ =	swait.ge [sflag:s19], $0x8000  }
0xdd: {  	[sflag:s19] =	ssyncset.done $0x0  }
0xde: {  	s23 =	rddreg [dreg:$0x8];
	[sflag:s19] =	ssyncadd.s32 $0xFFFF8000  }
0xdf: {  	[hbm4b:s23+s2] =	stream.linear.scatter [tilespmem:s8], [sflag:$0x4], $0x8000, $0x38;
	[tilespmem:$0x10100] =	vst v63  }
0xe0: {  	p0 =	sne.s32 s7, $0x1;
	_ =	swait.ge [sflag:s20], $0x8000  }
.Ltmp0:
0xe1: {  	[sflag:s20] =	ssyncset.done $0x0;
	(pc) =	sbr.rel @p0 .LBB2_1-.Ltmp0, $4  }
0xe2: {  	[sflag:s20] =	ssyncadd.s32 $0xFFFF8000  }
0xe3: {  	_ =	swait.ge [sflag:s21], $0x8000  }
0xe4: {  	[sflag:s21] =	ssyncset.done $0x0  }
0xe5: {  	s7 =	sadd.s32 $0xFFFFFFFF, s7;
	[sflag:s21] =	ssyncadd.s32 $0xFFFF8000  }
0xe6: {  	_ =	sfence.sel $0x180000  }
0xe7: {  	[bflag:$0x0] =	sbarrier.arrive $0xFFFF  }
0xe8: {  	_ =	strace $0x9000004A  }
0xe9: {  	s0 =	stileid.u32;
	[bflag:$0x2] =	sbarrier.arrive $0xFFFF  }
0xea: {  	p0 =	sne.s32 s0, $0x0;
	s0 =	rddreg [dreg:$0x2]  }
0xeb: {  	s0 =	sadd.s32 @!p0 $0x100000, s0  }
0xec: {  	[sflag:s0] =	ssyncadd.tile.s32 @!p0 $0x1;
	_ =	shalt  }
.Lfunc_end2:
_tile_overlayer_lowered:
.L_overlay_start_2:
0xed: {  	(tag) =	ssettag $0x2  }
0xee: {  	s0 =	rddreg [dreg:$0x0];
	s2 =	stileid.u32  }
0xef: {  	s1 =	rddreg [dreg:$0x1];
	p0 =	sne.s32 s2, $0x0  }
0xf0: {  	s3 =	rddreg [dreg:$0x2];
	[bflag:$0x3] =	sbarrier.arrive $0xFFFF;
	s2 =	simm.s32 @!p0 $0x1C05  }
0xf1: {  	[timem:s3], [sflag:s2] =	dma.local @!p0 [hbm:s0], s1  }
0xf2: {  	s0 =	simm.s32 @!p0 $0x5  }
0xf3: {  	_ =	swait.ge @!p0 [sflag:s0], s1  }
0xf4: {  	s1 =	ssub.s32 @!p0 $0x0, s1;
	[sflag:s0] =	ssyncset.done @!p0 $0x0  }
0xf5: {  	[sflag:s0] =	ssyncadd.s32 @!p0 s1  }
0xf6: {  	[bflag:$0x3] =	sbarrier.arrive $0xFFFF  }
0xf7: {  	_ =	shalt  }

// kernel: kernel.7.cloned.1.call-start
scs
__scs_entry_jumppad:
0x0: {  	(pc) =	sbr.rel $0x88, $3  }
0x1: {  	(tag) =	ssettag $0x0;
	lr =	simm.s32 $0x1  }
0x2: {  	[smem:$0x3F9C] =	sst lr;
	_ =	strace $0xD0000000  }
0x3: {  	_ = 	snop  }
0x4: {  	_ = 	snop  }
0x5: {  	_ = 	snop  }
0x6: {  	_ = 	snop  }
0x7: {  	_ = 	snop  }
__scs_overlays_trampoline_lowered:
0x8: {  	[smem:$0x3FAB] =	sst s0  }
0x9: {  	[smem:$0x3FAC] =	sst s1  }
0xa: {  	[smem:$0x3FAD] =	sst s2  }
0xb: {  	[smem:$0x3FAE] =	sst s3  }
0xc: {  	[smem:$0x3FAF] =	sst s4  }
0xd: {  	[smem:$0x3FB0] =	sst s5  }
0xe: {  	[smem:$0x3FB1] =	sst s6  }
0xf: {  	[smem:$0x3FB2] =	sst s7  }
0x10: {  	[smem:$0x3FB3] =	sst s8  }
0x11: {  	[smem:$0x3FB4] =	sst s9;
	s0 =	simm.s32 @!p0 $0x0  }
0x12: {  	s1 =	sld [smem:$0x3F9A];
	s0 =	simm.s32 @p0 $0x1  }
0x13: {  	[smem:$0x3FB5] =	sst s0;
	s0 =	simm.s32 @!p1 $0x0  }
0x14: {  	s2 =	sld [smem:$0x3F99];
	s0 =	simm.s32 @p1 $0x1  }
0x15: {  	[smem:$0x3FB6] =	sst s0;
	s0 =	simm.s32 @!p2 $0x0  }
0x16: {  	s3 =	sld [smem:$0x3FDB];
	s0 =	simm.s32 @p2 $0x1  }
0x17: {  	s4 =	simm.s32 $0x1BF5;
	[smem:$0x3FB8] =	sst s0  }
0x18: {  	s0 =	sld [smem:$0x3F9B];
	_ =	swait.ge [sflag:s4], $0x0  }
0x19: {  	s7 =	sld [smem:$0x3F9C]  }
0x1a: {  	s8 =	sadd.s32 $0xFFFFE003, lr  }
0x1b: {  	s9 =	sadd.s32 $0xFFFFFEF7, lr;
	s5 =	simm.s32 $0xFFFFFFFF;
	p2 =	slt.u32 s8, $0xFFFFF086  }
0x1c: {  	p1 =	slt.u32 s9, $0xF7A;
	s5 =	simm.s32 @!p2 $0x0  }
0x1d: {  	s5 =	simm.s32 @p1 $0x1;
	p0 =	seq.s32 s7, s2  }
0x1e: {  	s7 =	smul.u32 @!p0 $0xF7A, s2;
	p2 =	seq.s32 @!p0 s5, $0x0  }
0x1f: {  	s9 =	smul.u32 $0xF7A, s1;
	s8 =	simm.s32 @!p0 $0x1BF5;
	p2 =	por !p2, p0  }
0x20: {  	[sflag:s8] =	ssyncset.s32 @!p0 $0xFFFFF086;
	s6 =	sadd.s32 @!p0 s3, s7;
	s7 =	simm.s32 @!p0 $0x108  }
0x21: {  	s3 =	sadd.s32 s3, s9;
	s6 =	sadd.s32 @!p0 $0x88, s6;
	s7 =	simm.s32 @p2 $0x1082  }
0x22: {  	[simem:s7], [sflag:s8] =	dma.local @!p0 [hbm:s6], $0xF7A  }
0x23: {  	s9 =	sor.u32 $0xD0000000, s2;
	s6 =	simm.s32 $0x108;
	_ =	swait.ge @!p0 [sflag:s8], $0x0  }
0x24: {  	s3 =	sadd.s32 $0x88, s3;
	s6 =	simm.s32 @!p1 $0x1082;
	[sflag:s4] =	ssyncset.s32 $0xFFFFF086  }
0x25: {  	[simem:s6], [sflag:s4] =	dma.local [hbm:s3], $0xF7A  }
0x26: {  	[smem:$0x3F9C] =	sst s1;
	(tag) =	ssettag s2;
	_ =	strace s9  }
0x27: {  	s1 =	sld [smem:$0x3FAC]  }
0x28: {  	s2 =	sld [smem:$0x3FAD]  }
0x29: {  	s4 =	sld [smem:$0x3FAF]  }
0x2a: {  	p0 =	seq.s32 s5, $0x0;
	s5 =	sld [smem:$0x3FB0]  }
0x2b: {  	s6 =	sld [smem:$0x3FB1]  }
0x2c: {  	s7 =	sld [smem:$0x3FB2]  }
0x2d: {  	s3 =	simm.s32 $0x108;
	s8 =	sld [smem:$0x3FB3]  }
0x2e: {  	s3 =	simm.s32 @!p0 $0x1082;
	s9 =	sld [smem:$0x3FB4]  }
0x2f: {  	lr =	sadd.s32 s0, s3;
	s0 =	sld [smem:$0x3FAB]  }
0x30: {  	s3 =	sld [smem:$0x3FAE]  }
0x31: {  	[smem:$0x3FB7] =	sst s10  }
0x32: {  	s10 =	sld [smem:$0x3FB5];
	_ =	sdelay $0x3  }
0x33: {  	p0 =	seq.s32 s10, $0x1;
	s10 =	sld [smem:$0x3FB7];
	_ =	sdelay $0x3  }
0x34: {  	[smem:$0x3FB7] =	sst s10  }
0x35: {  	s10 =	sld [smem:$0x3FB6];
	_ =	sdelay $0x3  }
0x36: {  	p1 =	seq.s32 s10, $0x1;
	s10 =	sld [smem:$0x3FB7];
	_ =	sdelay $0x3  }
0x37: {  	[smem:$0x3FB7] =	sst s10  }
0x38: {  	s10 =	sld [smem:$0x3FB8]  }
0x39: {  	_ = 	snop;
	(pc) =	sbr.ind lr, $3  }
0x3a: {  	_ = 	snop  }
0x3b: {  	_ = 	snop  }
0x3c: {  	p2 =	seq.s32 s10, $0x1;
	s10 =	sld [smem:$0x3FB7]  }
0x3d: {  	_ =	shalt  }
0x3e: {  	_ =	shalt  }
0x3f: {  	_ =	shalt  }
0x40: {  	_ =	shalt  }
0x41: {  	_ =	shalt  }
0x42: {  	_ =	shalt  }
0x43: {  	_ =	shalt  }
0x44: {  	_ =	shalt  }
0x45: {  	_ =	shalt  }
0x46: {  	_ =	shalt  }
0x47: {  	_ =	shalt  }
0x48: {  	_ =	shalt  }
0x49: {  	_ =	shalt  }
0x4a: {  	_ =	shalt  }
0x4b: {  	_ =	shalt  }
0x4c: {  	_ =	shalt  }
0x4d: {  	_ =	shalt  }
0x4e: {  	_ =	shalt  }
0x4f: {  	_ =	shalt  }
0x50: {  	_ =	shalt  }
0x51: {  	_ =	shalt  }
0x52: {  	_ =	shalt  }
0x53: {  	_ =	shalt  }
0x54: {  	_ =	shalt  }
0x55: {  	_ =	shalt  }
0x56: {  	_ =	shalt  }
0x57: {  	_ =	shalt  }
0x58: {  	_ =	shalt  }
0x59: {  	_ =	shalt  }
0x5a: {  	_ =	shalt  }
0x5b: {  	_ =	shalt  }
0x5c: {  	_ =	shalt  }
0x5d: {  	_ =	shalt  }
0x5e: {  	_ =	shalt  }
0x5f: {  	_ =	shalt  }
0x60: {  	_ =	shalt  }
0x61: {  	_ =	shalt  }
0x62: {  	_ =	shalt  }
0x63: {  	_ =	shalt  }
0x64: {  	_ =	shalt  }
0x65: {  	_ =	shalt  }
0x66: {  	_ =	shalt  }
0x67: {  	_ =	shalt  }
0x68: {  	_ =	shalt  }
0x69: {  	_ =	shalt  }
0x6a: {  	_ =	shalt  }
0x6b: {  	_ =	shalt  }
0x6c: {  	_ =	shalt  }
0x6d: {  	_ =	shalt  }
0x6e: {  	_ =	shalt  }
0x6f: {  	_ =	shalt  }
0x70: {  	_ =	shalt  }
0x71: {  	_ =	shalt  }
0x72: {  	_ =	shalt  }
0x73: {  	_ =	shalt  }
0x74: {  	_ =	shalt  }
0x75: {  	_ =	shalt  }
0x76: {  	_ =	shalt  }
0x77: {  	_ =	shalt  }
0x78: {  	_ =	shalt  }
0x79: {  	_ =	shalt  }
0x7a: {  	_ =	shalt  }
0x7b: {  	_ =	shalt  }
0x7c: {  	_ =	shalt  }
0x7d: {  	_ =	shalt  }
0x7e: {  	_ =	shalt  }
0x7f: {  	_ =	shalt  }
0x80: {  	_ =	shalt  }
0x81: {  	_ =	shalt  }
0x82: {  	_ =	shalt  }
0x83: {  	_ =	shalt  }
0x84: {  	_ =	shalt  }
0x85: {  	_ =	shalt  }
0x86: {  	_ =	shalt  }
0x87: {  	_ =	shalt  }
.Lfunc_end0:
.L_simem_size_0:
called_computation_lowered:
.L_overlay_start_0:
0x88: {  	s2 =	sld [smem:$0x3FD9]  }
0x89: {  	s3 =	sld [smem:$0x3FFE];
	_ =	sdelay $0x1  }
0x8a: {  	s1 =	srdreg.scid  }
0x8b: {  	s0 =	sand.u32 $0x1, s1  }
0x8c: {  	s17 =	sshll.u32 s0, $0xA;
	s2 =	sadd.s32 s3, s2  }
0x8d: {  	s2 =	sadd.s32 s2, s17  }
0x8e: {  	[smem:$0x3FC3] =	sst s2  }
0x8f: {  	_ = 	snop  }
0x90: {  	s2 =	sld [smem:$0x3FC9];
	(tm) =	ssettm $0x1  }
0x91: {  	s18 =	sld [smem:$0x3FFB];
	_ =	sdelay $0x3  }
0x92: {  	_ =	strace s18  }
0x93: {  	s3 =	sld [smem:$0x3FFC];
	_ =	sdelay $0x3  }
0x94: {  	_ =	strace s3  }
0x95: {  	s3 =	sld [smem:$0x3FFD];
	_ =	sdelay $0x3  }
0x96: {  	_ =	strace s3  }
0x97: {  	_ =	strace $0x8FFFFFFF  }
0x98: {  	s19 =	sld [smem:$0x3FDB];
	_ =	sdelay $0x1  }
0x99: {  	s4 =	simm.s32 $_scs_section_size  }
0x9a: {  	s5 =	simm.s32 $_size__tile_overlayer_lowered;
	s6 =	simm.s32 $_tile_overlayer_lowered  }
0x9b: {  	s22 =	simm.s32 $0x1BFF;
	s21 =	sshll.u32 s6, $0x1;
	s3 =	sadd.s32 s4, s19  }
0x9c: {  	s7 =	simm.s32 $0x0;
	s20 =	sshll.u32 s5, $0x1;
	s5 =	sadd.s32 s21, s3  }
0x9d: {  	[timem:s7], [sflag:s22] =	dma.local [hbm:s5], s20  }
0x9e: {  	_ =	swait.ge [sflag:s22], s20  }
0x9f: {  	s4 =	ssub.s32 $0x0, s20;
	[sflag:s22] =	ssyncset.done $0x0  }
0xa0: {  	[sflag:s22] =	ssyncadd.s32 s4;
	_ =	sdelay $0x1  }
0xa1: {  	s23 =	simm.s32 $0x1B8B  }
0xa2: {  	_ =	swait.ge [sflag:s23], $0x1  }
0xa3: {  	[sflag:s23] =	ssyncset.done $0x0  }
0xa4: {  	s25 =	simm.s32 $0x1B8E;
	s24 =	sld [smem:$0x3FFE];
	[sflag:s23] =	ssyncadd.s32 $0xFFFFFFFF  }
0xa5: {  	s26 =	simm.s32 $execute0_lowered;
	[smem:$0x3FD2] =	sst s25  }
0xa6: {  	s5 =	sshll.u32 s26, $0x1;
	_ =	strace $0x80000046;
	[dreg:$0x1] =	wrdreg $0xFFFFFFFF  }
0xa7: {  	s28 =	simm.s32 $_size_execute0_lowered;
	s3 =	sadd.s32 s3, s5;
	[dreg:$0x0] =	wrdreg $0x0  }
0xa8: {  	s5 =	sshll.u32 s28, $0x1;
	[dreg:$0x2] =	wrdreg s3  }
0xa9: {  	[dreg:$0x3] =	wrdreg s5  }
0xaa: {  	[dreg:$0x4] =	wrdreg $0xC0  }
0xab: {  	_ =	task [dreg:s7], $0x5FFFF  }
0xac: {  	[dreg:$0x1] =	wrdreg $0xFFFFFFFF  }
0xad: {  	[dreg:$0x0] =	wrdreg $0x60  }
0xae: {  	[dreg:$0x2] =	wrdreg s2  }
0xaf: {  	[dreg:$0x3] =	wrdreg s24  }
0xb0: {  	[dreg:$0x4] =	wrdreg $0x9  }
0xb1: {  	_ =	task.clear_ibuf [dreg:s7], $0x5FFFF;
	_ =	strace $0x90000046  }
0xb2: {  	s29 =	simm.s32 $0x9;
	_ =	strace $0x80000048  }
0xb3: {  	_ =	swait.ge [sflag:s29], $0x1  }
0xb4: {  	[sflag:s29] =	ssyncadd.s32 $0xFFFFFFFF  }
0xb5: {  	_ =	strace $0x90000048  }
0xb6: {  	_ =	sfence  }
0xb7: {  	s30 =	sld [smem:$0x0];
	_ =	sdelay $0x2  }
0xb8: {  	s31 =	sshll.u32 s1, $0xD;
	s1 =	sshrl.u32 s1, $0x2  }
0xb9: {  	s3 =	sand.u32 $0x4000, s31;
	s1 =	sadd.s32 s1, s30  }
0xba: {  	s0 =	sor.u32 s3, s0;
	s1 =	sshll.u32 s1, $0x11  }
0xbb: {  	s0 =	sor.u32 s1, s0  }
0xbc: {  	s0 =	sadd.s32 $0x8F2B, s0  }
0xbd: {  	[sflag:s0] =	ssyncadd.remote.s32 $0x1  }
0xbe: {  	_ =	sfence.sel $0xFFFF  }
0xbf: {  	[dreg:$0x0] =	wrdreg $0xFFFFFFFF;
	(pc) =	sbr.abs _section_cstart, $3  }
0xc0: {  	[dreg:$0x1] =	wrdreg $0xFFFFFFFF  }
0xc1: {  	_ =	task.clear_ibuf [dreg:s7], $0x2FFFF;
	_ =	strace $0x9FFFFFFF  }
0xc2: {  	(tm) =	ssettm $0x7FFFFFFF  }
0xc3: {  	_ =	shalt  }
tec
execute0_lowered:
.L_overlay_start_1:
0x0: {  	(tag) =	ssettag $0x1  }
0x1: {  	s0 =	srdreg.scid  }
0x2: {  	s1 =	rddreg [dreg:$0x0];
	s2 =	stileid.u32  }
0x3: {  	s6 =	rddreg [dreg:$0x1];
	s26 =	simm.s32 $0x80;
	s8 =	simm.s32 $0x2  }
0x4: {  	s18 =	simm.s32 $0x100;
	s21 =	simm.s32 $0x1900;
	s22 =	simm.s32 $0x2100  }
0x5: {  	s23 =	simm.s32 $0x2900;
	s24 =	simm.s32 $0x3100;
	s28 =	simm.s32 $0x4900  }
0x6: {  	s29 =	simm.s32 $0x5100;
	s30 =	simm.s32 $0x5900;
	s31 =	simm.s32 $0x6100  }
0x7: {  	s10 =	simm.s32 $0x7900;
	s11 =	simm.s32 $0x8100;
	s12 =	simm.s32 $0x8900  }
0x8: {  	s13 =	simm.s32 $0x9100;
	s14 =	simm.s32 $0x9900;
	s15 =	simm.s32 $0xA100  }
0x9: {  	s16 =	simm.s32 $0xA900;
	s17 =	simm.s32 $0xB100;
	s9 =	simm.s32 $0xB900  }
0xa: {  	s0 =	sand.u32 $0x1, s0;
	s3 =	sshll.u32 s2, $0x7;
	s2 =	simm.s32 $0x0  }
0xb: {  	s4 =	sshll.u32 s0, $0x6;
	[smem:$0x7FF] =	sst s2;
	s0 =	ssub.s32 $0x2, s0  }
0xc: {  	s4 =	sor.u32 s4, s3;
	_ =	strace $0x80000047;
	s25 =	sshrl.u32 s0, $0x1  }
0xd: {  	[dreg:$0x6] =	wrdreg s26;
	s3 =	sshrl.u32 s4, $0x3;
	s4 =	sshll.u32 s4, $0x7  }
0xe: {  	s26 =	simm.s32 $0x4100;
	s5 =	sadd.s32 s3, s6;
	s1 =	sadd.s32 s1, s4  }
0xf: {  	s0 =	ssub.s32 s0, s25;
	s7 =	sadd.s32 $0x1A00, s5;
	[dreg:$0x5] =	wrdreg s1  }
0x10: {  	v2 =	vlaneseq.u32;
	s25 =	simm.s32 $0x3900;
	s5 =	sadd.s32 $0x1C00, s5;
	[dreg:$0x3] =	wrdreg s7  }
0x11: {  	vm0 =	vmmov $0xffff;
	v1 =	vshrl.u32 v2, $0x3;
	s3 =	sadd.s32 $0x2200, s6;
	s4 =	sadd.s32 $0x2300, s6;
	[dreg:$0x4] =	wrdreg s5  }
0x12: {  	v0 =	vand.u32 $0x7, v2;
	v2 =	vor.u32 $0x8, v2;
	v1 =	vmul.u32 $0x8, v1;
	s5 =	sadd.s32 $0x2400, s6;
	s6 =	sadd.s32 $0x2500, s6;
	s7 =	smax.u32 s0, $0x1  }
.LBB2_1:
0x13: {  	s19 =	rddreg [dreg:$0x3]  }
0x14: {  	[tilespmem:s2], [sflag:$0x2] =	stream.linear.gather [hbm4b:s19+s2], $0x40, $0x38;
	[tilespmem:$0x10100] =	vst v63  }
0x15: {  	_ =	swait.ge [sflag:s8], $0x40  }
0x16: {  	s0 =	rddreg [dreg:$0x4];
	[sflag:s8] =	ssyncset.done $0x0  }
0x17: {  	s20 =	rddreg [dreg:$0x6];
	[sflag:s8] =	ssyncadd.s32 $0xFFFFFFC0  }
0x18: {  	[tilespmem:s20], [sflag:$0x2] =	stream.linear.gather [hbm4b:s0+s2], $0x40, $0x38;
	[tilespmem:$0x10100] =	vst v63  }
0x19: {  	_ =	swait.ge [sflag:s8], $0x40  }
0x1a: {  	[sflag:s8] =	ssyncset.done $0x0  }
0x1b: {  	s1 =	rddreg [dreg:$0x5];
	[sflag:s8] =	ssyncadd.s32 $0xFFFFFFC0  }
0x1c: {  	[tilespmem:s18], [sflag:$0x2] =	stream.linear.gather [hbm4b:s1+s2], $0x10000, $0x38;
	[tilespmem:$0x10100] =	vst v63  }
0x1d: {  	_ =	swait.ge [sflag:s8], $0x10000  }
0x1e: {  	[sflag:s8] =	ssyncset.done $0x0  }
0x1f: {  	[sflag:s8] =	ssyncadd.s32 $0xFFFF0000  }
0x20: {  	v3 =	vld [tilespmem:$0x0];
	_ =	sdelay $0x4  }
0x21: {  	v4 =	vshll.u32 v3, $0x3  }
0x22: {  	v3 =	vand.u32 $0x7, v3;
	v4 =	vand.u32 $0xFFFFFFC0, v4  }
0x23: {  	v3 =	vor.u32 v3, v4  }
0x24: {  	v4 =	vperm.xlane v3, v0;
	_ =	sdelay $0x1  }
0x25: {  	v4 =	vadd.s32 v1, v4;
	_ =	sdelay $0x4  }
0x26: {  	[hbm4b:s3+s2] =	stream.indirect_vreg.scatter [tilespmem:s18], [sflag:$0x1], $0x80, v4, vm0, $0xb8;
	[tilespmem:$0x10100] =	vst v63  }
0x27: {  	s19 =	simm.s32 $0x900;
	v3 =	vperm.xlane v3, v2  }
0x28: {  	[hbm4b:s4+s2] =	stream.indirect_vreg.scatter [tilespmem:s19], [sflag:$0x1], $0x80, v4, vm0, $0xb8;
	[tilespmem:$0x10100] =	vst v63  }
0x29: {  	s20 =	simm.s32 $0x1100;
	v3 =	vadd.s32 v1, v3  }
0x2a: {  	[hbm4b:s5+s2] =	stream.indirect_vreg.scatter [tilespmem:s20], [sflag:$0x1], $0x80, v4, vm0, $0xb8;
	[tilespmem:$0x10100] =	vst v63  }
0x2b: {  	_ = 	snop  }
0x2c: {  	[hbm4b:s6+s2] =	stream.indirect_vreg.scatter [tilespmem:s21], [sflag:$0x1], $0x80, v4, vm0, $0xb8;
	[tilespmem:$0x10100] =	vst v63  }
0x2d: {  	_ = 	snop  }
0x2e: {  	[hbm4b:s3+s2] =	stream.indirect_vreg.scatter [tilespmem:s22], [sflag:$0x1], $0x80, v3, vm0, $0xb8;
	[tilespmem:$0x10100] =	vst v63  }
0x2f: {  	_ = 	snop  }
0x30: {  	[hbm4b:s4+s2] =	stream.indirect_vreg.scatter [tilespmem:s23], [sflag:$0x1], $0x80, v3, vm0, $0xb8;
	[tilespmem:$0x10100] =	vst v63  }
0x31: {  	_ = 	snop  }
0x32: {  	[hbm4b:s5+s2] =	stream.indirect_vreg.scatter [tilespmem:s24], [sflag:$0x1], $0x80, v3, vm0, $0xb8;
	[tilespmem:$0x10100] =	vst v63  }
0x33: {  	_ = 	snop  }
0x34: {  	[hbm4b:s6+s2] =	stream.indirect_vreg.scatter [tilespmem:s25], [sflag:$0x1], $0x80, v3, vm0, $0xb8;
	[tilespmem:$0x10100] =	vst v63  }
0x35: {  	v3 =	vld [tilespmem:$0x10];
	_ =	sdelay $0x4  }
0x36: {  	v57 =	vshll.u32 v3, $0x3  }
0x37: {  	v3 =	vand.u32 $0x7, v3;
	v4 =	vand.u32 $0xFFFFFFC0, v57  }
0x38: {  	v3 =	vor.u32 v3, v4  }
0x39: {  	v4 =	vperm.xlane v3, v0;
	_ =	sdelay $0x1  }
0x3a: {  	v4 =	vadd.s32 v1, v4;
	_ =	sdelay $0x4  }
0x3b: {  	[hbm4b:s3+s2] =	stream.indirect_vreg.scatter [tilespmem:s26], [sflag:$0x1], $0x80, v4, vm0, $0xb8;
	[tilespmem:$0x10100] =	vst v63  }
0x3c: {  	v3 =	vperm.xlane v3, v2  }
0x3d: {  	[hbm4b:s4+s2] =	stream.indirect_vreg.scatter [tilespmem:s28], [sflag:$0x1], $0x80, v4, vm0, $0xb8;
	[tilespmem:$0x10100] =	vst v63  }
0x3e: {  	v3 =	vadd.s32 v1, v3  }
0x3f: {  	[hbm4b:s5+s2] =	stream.indirect_vreg.scatter [tilespmem:s29], [sflag:$0x1], $0x80, v4, vm0, $0xb8;
	[tilespmem:$0x10100] =	vst v63  }
0x40: {  	_ = 	snop  }
0x41: {  	[hbm4b:s6+s2] =	stream.indirect_vreg.scatter [tilespmem:s30], [sflag:$0x1], $0x80, v4, vm0, $0xb8;
	[tilespmem:$0x10100] =	vst v63  }
0x42: {  	_ = 	snop  }
0x43: {  	[hbm4b:s3+s2] =	stream.indirect_vreg.scatter [tilespmem:s31], [sflag:$0x1], $0x80, v3, vm0, $0xb8;
	[tilespmem:$0x10100] =	vst v63  }
0x44: {  	s1 =	simm.s32 $0x6900  }
0x45: {  	[hbm4b:s4+s2] =	stream.indirect_vreg.scatter [tilespmem:s1], [sflag:$0x1], $0x80, v3, vm0, $0xb8;
	[tilespmem:$0x10100] =	vst v63  }
0x46: {  	s0 =	simm.s32 $0x7100  }
0x47: {  	[hbm4b:s5+s2] =	stream.indirect_vreg.scatter [tilespmem:s0], [sflag:$0x1], $0x80, v3, vm0, $0xb8;
	[tilespmem:$0x10100] =	vst v63  }
0x48: {  	_ = 	snop  }
0x49: {  	[hbm4b:s6+s2] =	stream.indirect_vreg.scatter [tilespmem:s10], [sflag:$0x1], $0x80, v3, vm0, $0xb8;
	[tilespmem:$0x10100] =	vst v63  }
0x4a: {  	v3 =	vld [tilespmem:$0x20];
	_ =	sdelay $0x4  }
0x4b: {  	v58 =	vshll.u32 v3, $0x3  }
0x4c: {  	v3 =	vand.u32 $0x7, v3;
	v4 =	vand.u32 $0xFFFFFFC0, v58  }
0x4d: {  	v3 =	vor.u32 v3, v4  }
0x4e: {  	v4 =	vperm.xlane v3, v0;
	_ =	sdelay $0x1  }
0x4f: {  	v4 =	vadd.s32 v1, v4;
	_ =	sdelay $0x4  }
0x50: {  	[hbm4b:s3+s2] =	stream.indirect_vreg.scatter [tilespmem:s11], [sflag:$0x1], $0x80, v4, vm0, $0xb8;
	[tilespmem:$0x10100] =	vst v63  }
0x51: {  	v3 =	vperm.xlane v3, v2  }
0x52: {  	[hbm4b:s4+s2] =	stream.indirect_vreg.scatter [tilespmem:s12], [sflag:$0x1], $0x80, v4, vm0, $0xb8;
	[tilespmem:$0x10100] =	vst v63  }
0x53: {  	v3 =	vadd.s32 v1, v3  }
0x54: {  	[hbm4b:s5+s2] =	stream.indirect_vreg.scatter [tilespmem:s13], [sflag:$0x1], $0x80, v4, vm0, $0xb8;
	[tilespmem:$0x10100] =	vst v63  }
0x55: {  	_ = 	snop  }
0x56: {  	[hbm4b:s6+s2] =	stream.indirect_vreg.scatter [tilespmem:s14], [sflag:$0x1], $0x80, v4, vm0, $0xb8;
	[tilespmem:$0x10100] =	vst v63  }
0x57: {  	_ = 	snop  }
0x58: {  	[hbm4b:s3+s2] =	stream.indirect_vreg.scatter [tilespmem:s15], [sflag:$0x1], $0x80, v3, vm0, $0xb8;
	[tilespmem:$0x10100] =	vst v63  }
0x59: {  	_ = 	snop  }
0x5a: {  	[hbm4b:s4+s2] =	stream.indirect_vreg.scatter [tilespmem:s16], [sflag:$0x1], $0x80, v3, vm0, $0xb8;
	[tilespmem:$0x10100] =	vst v63  }
0x5b: {  	_ = 	snop  }
0x5c: {  	[hbm4b:s5+s2] =	stream.indirect_vreg.scatter [tilespmem:s17], [sflag:$0x1], $0x80, v3, vm0, $0xb8;
	[tilespmem:$0x10100] =	vst v63  }
0x5d: {  	_ = 	snop  }
0x5e: {  	[hbm4b:s6+s2] =	stream.indirect_vreg.scatter [tilespmem:s9], [sflag:$0x1], $0x80, v3, vm0, $0xb8;
	[tilespmem:$0x10100] =	vst v63  }
0x5f: {  	v3 =	vld [tilespmem:$0x30];
	_ =	sdelay $0x4  }
0x60: {  	v59 =	vshll.u32 v3, $0x3  }
0x61: {  	v3 =	vand.u32 $0x7, v3;
	v4 =	vand.u32 $0xFFFFFFC0, v59  }
0x62: {  	v3 =	vor.u32 v3, v4  }
0x63: {  	v4 =	vperm.xlane v3, v0;
	_ =	sdelay $0x1  }
0x64: {  	v4 =	vadd.s32 v1, v4;
	_ =	sdelay $0x3  }
0x65: {  	s0 =	simm.s32 $0xC100  }
0x66: {  	[hbm4b:s3+s2] =	stream.indirect_vreg.scatter [tilespmem:s0], [sflag:$0x1], $0x80, v4, vm0, $0xb8;
	[tilespmem:$0x10100] =	vst v63  }
0x67: {  	v3 =	vperm.xlane v3, v2;
	s0 =	simm.s32 $0xC900  }
0x68: {  	[hbm4b:s4+s2] =	stream.indirect_vreg.scatter [tilespmem:s0], [sflag:$0x1], $0x80, v4, vm0, $0xb8;
	[tilespmem:$0x10100] =	vst v63  }
0x69: {  	v3 =	vadd.s32 v1, v3;
	s0 =	simm.s32 $0xD100  }
0x6a: {  	[hbm4b:s5+s2] =	stream.indirect_vreg.scatter [tilespmem:s0], [sflag:$0x1], $0x80, v4, vm0, $0xb8;
	[tilespmem:$0x10100] =	vst v63  }
0x6b: {  	s0 =	simm.s32 $0xD900  }
0x6c: {  	[hbm4b:s6+s2] =	stream.indirect_vreg.scatter [tilespmem:s0], [sflag:$0x1], $0x80, v4, vm0, $0xb8;
	[tilespmem:$0x10100] =	vst v63  }
0x6d: {  	s0 =	simm.s32 $0xE100  }
0x6e: {  	[hbm4b:s3+s2] =	stream.indirect_vreg.scatter [tilespmem:s0], [sflag:$0x1], $0x80, v3, vm0, $0xb8;
	[tilespmem:$0x10100] =	vst v63  }
0x6f: {  	s0 =	simm.s32 $0xE900  }
0x70: {  	[hbm4b:s4+s2] =	stream.indirect_vreg.scatter [tilespmem:s0], [sflag:$0x1], $0x80, v3, vm0, $0xb8;
	[tilespmem:$0x10100] =	vst v63  }
0x71: {  	s0 =	simm.s32 $0xF100  }
0x72: {  	[hbm4b:s5+s2] =	stream.indirect_vreg.scatter [tilespmem:s0], [sflag:$0x1], $0x80, v3, vm0, $0xb8;
	[tilespmem:$0x10100] =	vst v63  }
0x73: {  	s0 =	simm.s32 $0xF900  }
0x74: {  	[hbm4b:s6+s2] =	stream.indirect_vreg.scatter [tilespmem:s0], [sflag:$0x1], $0x80, v3, vm0, $0xb8;
	[tilespmem:$0x10100] =	vst v63  }
0x75: {  	v3 =	vld [tilespmem:$0x80];
	_ =	sdelay $0x4  }
0x76: {  	v60 =	vshll.u32 v3, $0x3  }
0x77: {  	v3 =	vand.u32 $0x7, v3;
	v4 =	vand.u32 $0xFFFFFFC0, v60  }
0x78: {  	v3 =	vor.u32 v3, v4  }
0x79: {  	v4 =	vperm.xlane v3, v0;
	_ =	sdelay $0x1  }
0x7a: {  	v4 =	vadd.s32 v1, v4;
	_ =	sdelay $0x4  }
0x7b: {  	[hbm4b:s3+s2] =	stream.indirect_vreg.scatter [tilespmem:s18], [sflag:$0x1], $0x80, v4, vm0, $0xb8;
	[tilespmem:$0x10100] =	vst v63  }
0x7c: {  	v3 =	vperm.xlane v3, v2  }
0x7d: {  	[hbm4b:s4+s2] =	stream.indirect_vreg.scatter [tilespmem:s19], [sflag:$0x1], $0x80, v4, vm0, $0xb8;
	[tilespmem:$0x10100] =	vst v63  }
0x7e: {  	v3 =	vadd.s32 v1, v3  }
0x7f: {  	[hbm4b:s5+s2] =	stream.indirect_vreg.scatter [tilespmem:s20], [sflag:$0x1], $0x80, v4, vm0, $0xb8;
	[tilespmem:$0x10100] =	vst v63  }
0x80: {  	_ = 	snop  }
0x81: {  	[hbm4b:s6+s2] =	stream.indirect_vreg.scatter [tilespmem:s21], [sflag:$0x1], $0x80, v4, vm0, $0xb8;
	[tilespmem:$0x10100] =	vst v63  }
0x82: {  	_ = 	snop  }
0x83: {  	[hbm4b:s3+s2] =	stream.indirect_vreg.scatter [tilespmem:s22], [sflag:$0x1], $0x80, v3, vm0, $0xb8;
	[tilespmem:$0x10100] =	vst v63  }
0x84: {  	_ = 	snop  }
0x85: {  	[hbm4b:s4+s2] =	stream.indirect_vreg.scatter [tilespmem:s23], [sflag:$0x1], $0x80, v3, vm0, $0xb8;
	[tilespmem:$0x10100] =	vst v63  }
0x86: {  	_ = 	snop  }
0x87: {  	[hbm4b:s5+s2] =	stream.indirect_vreg.scatter [tilespmem:s24], [sflag:$0x1], $0x80, v3, vm0, $0xb8;
	[tilespmem:$0x10100] =	vst v63  }
0x88: {  	_ = 	snop  }
0x89: {  	[hbm4b:s6+s2] =	stream.indirect_vreg.scatter [tilespmem:s25], [sflag:$0x1], $0x80, v3, vm0, $0xb8;
	[tilespmem:$0x10100] =	vst v63  }
0x8a: {  	v3 =	vld [tilespmem:$0x90];
	_ =	sdelay $0x4  }
0x8b: {  	v61 =	vshll.u32 v3, $0x3  }
0x8c: {  	v3 =	vand.u32 $0x7, v3;
	v4 =	vand.u32 $0xFFFFFFC0, v61  }
0x8d: {  	v3 =	vor.u32 v3, v4  }
0x8e: {  	v4 =	vperm.xlane v3, v0;
	_ =	sdelay $0x1  }
0x8f: {  	v4 =	vadd.s32 v1, v4;
	_ =	sdelay $0x4  }
0x90: {  	[hbm4b:s3+s2] =	stream.indirect_vreg.scatter [tilespmem:s26], [sflag:$0x1], $0x80, v4, vm0, $0xb8;
	[tilespmem:$0x10100] =	vst v63  }
0x91: {  	v3 =	vperm.xlane v3, v2  }
0x92: {  	[hbm4b:s4+s2] =	stream.indirect_vreg.scatter [tilespmem:s28], [sflag:$0x1], $0x80, v4, vm0, $0xb8;
	[tilespmem:$0x10100] =	vst v63  }
0x93: {  	v3 =	vadd.s32 v1, v3  }
0x94: {  	[hbm4b:s5+s2] =	stream.indirect_vreg.scatter [tilespmem:s29], [sflag:$0x1], $0x80, v4, vm0, $0xb8;
	[tilespmem:$0x10100] =	vst v63  }
0x95: {  	_ = 	snop  }
0x96: {  	[hbm4b:s6+s2] =	stream.indirect_vreg.scatter [tilespmem:s30], [sflag:$0x1], $0x80, v4, vm0, $0xb8;
	[tilespmem:$0x10100] =	vst v63  }
0x97: {  	_ = 	snop  }
0x98: {  	[hbm4b:s3+s2] =	stream.indirect_vreg.scatter [tilespmem:s31], [sflag:$0x1], $0x80, v3, vm0, $0xb8;
	[tilespmem:$0x10100] =	vst v63  }
0x99: {  	_ = 	snop  }
0x9a: {  	[hbm4b:s4+s2] =	stream.indirect_vreg.scatter [tilespmem:s1], [sflag:$0x1], $0x80, v3, vm0, $0xb8;
	[tilespmem:$0x10100] =	vst v63  }
0x9b: {  	s20 =	simm.s32 $0x7100  }
0x9c: {  	[hbm4b:s5+s2] =	stream.indirect_vreg.scatter [tilespmem:s20], [sflag:$0x1], $0x80, v3, vm0, $0xb8;
	[tilespmem:$0x10100] =	vst v63  }
0x9d: {  	_ = 	snop  }
0x9e: {  	[hbm4b:s6+s2] =	stream.indirect_vreg.scatter [tilespmem:s10], [sflag:$0x1], $0x80, v3, vm0, $0xb8;
	[tilespmem:$0x10100] =	vst v63  }
0x9f: {  	v3 =	vld [tilespmem:$0xA0];
	_ =	sdelay $0x4  }
0xa0: {  	v62 =	vshll.u32 v3, $0x3  }
0xa1: {  	v3 =	vand.u32 $0x7, v3;
	v4 =	vand.u32 $0xFFFFFFC0, v62  }
0xa2: {  	v3 =	vor.u32 v3, v4  }
0xa3: {  	v4 =	vperm.xlane v3, v0;
	_ =	sdelay $0x1  }
0xa4: {  	v4 =	vadd.s32 v1, v4;
	_ =	sdelay $0x4  }
0xa5: {  	[hbm4b:s3+s2] =	stream.indirect_vreg.scatter [tilespmem:s11], [sflag:$0x1], $0x80, v4, vm0, $0xb8;
	[tilespmem:$0x10100] =	vst v63  }
0xa6: {  	v3 =	vperm.xlane v3, v2  }
0xa7: {  	[hbm4b:s4+s2] =	stream.indirect_vreg.scatter [tilespmem:s12], [sflag:$0x1], $0x80, v4, vm0, $0xb8;
	[tilespmem:$0x10100] =	vst v63  }
0xa8: {  	v3 =	vadd.s32 v1, v3  }
0xa9: {  	[hbm4b:s5+s2] =	stream.indirect_vreg.scatter [tilespmem:s13], [sflag:$0x1], $0x80, v4, vm0, $0xb8;
	[tilespmem:$0x10100] =	vst v63  }
0xaa: {  	_ = 	snop  }
0xab: {  	[hbm4b:s6+s2] =	stream.indirect_vreg.scatter [tilespmem:s14], [sflag:$0x1], $0x80, v4, vm0, $0xb8;
	[tilespmem:$0x10100] =	vst v63  }
0xac: {  	_ = 	snop  }
0xad: {  	[hbm4b:s3+s2] =	stream.indirect_vreg.scatter [tilespmem:s15], [sflag:$0x1], $0x80, v3, vm0, $0xb8;
	[tilespmem:$0x10100] =	vst v63  }
0xae: {  	_ = 	snop  }
0xaf: {  	[hbm4b:s4+s2] =	stream.indirect_vreg.scatter [tilespmem:s16], [sflag:$0x1], $0x80, v3, vm0, $0xb8;
	[tilespmem:$0x10100] =	vst v63  }
0xb0: {  	_ = 	snop  }
0xb1: {  	[hbm4b:s5+s2] =	stream.indirect_vreg.scatter [tilespmem:s17], [sflag:$0x1], $0x80, v3, vm0, $0xb8;
	[tilespmem:$0x10100] =	vst v63  }
0xb2: {  	_ = 	snop  }
0xb3: {  	[hbm4b:s6+s2] =	stream.indirect_vreg.scatter [tilespmem:s9], [sflag:$0x1], $0x80, v3, vm0, $0xb8;
	[tilespmem:$0x10100] =	vst v63  }
0xb4: {  	v3 =	vld [tilespmem:$0xB0];
	_ =	sdelay $0x4  }
0xb5: {  	v63 =	vshll.u32 v3, $0x3  }
0xb6: {  	v3 =	vand.u32 $0x7, v3;
	v4 =	vand.u32 $0xFFFFFFC0, v63  }
0xb7: {  	v3 =	vor.u32 v3, v4  }
0xb8: {  	v4 =	vperm.xlane v3, v0;
	_ =	sdelay $0x1  }
0xb9: {  	v4 =	vadd.s32 v1, v4;
	_ =	sdelay $0x3  }
0xba: {  	s19 =	simm.s32 $0xC100  }
0xbb: {  	[hbm4b:s3+s2] =	stream.indirect_vreg.scatter [tilespmem:s19], [sflag:$0x1], $0x80, v4, vm0, $0xb8;
	[tilespmem:$0x10100] =	vst v63  }
0xbc: {  	s20 =	simm.s32 $0xC900;
	v3 =	vperm.xlane v3, v2  }
0xbd: {  	[hbm4b:s4+s2] =	stream.indirect_vreg.scatter [tilespmem:s20], [sflag:$0x1], $0x80, v4, vm0, $0xb8;
	[tilespmem:$0x10100] =	vst v63  }
0xbe: {  	v3 =	vadd.s32 v1, v3;
	s19 =	simm.s32 $0xD100  }
0xbf: {  	[hbm4b:s5+s2] =	stream.indirect_vreg.scatter [tilespmem:s19], [sflag:$0x1], $0x80, v4, vm0, $0xb8;
	[tilespmem:$0x10100] =	vst v63  }
0xc0: {  	s20 =	simm.s32 $0xD900  }
0xc1: {  	[hbm4b:s6+s2] =	stream.indirect_vreg.scatter [tilespmem:s20], [sflag:$0x1], $0x80, v4, vm0, $0xb8;
	[tilespmem:$0x10100] =	vst v63  }
0xc2: {  	s19 =	simm.s32 $0xE100  }
0xc3: {  	[hbm4b:s3+s2] =	stream.indirect_vreg.scatter [tilespmem:s19], [sflag:$0x1], $0x80, v3, vm0, $0xb8;
	[tilespmem:$0x10100] =	vst v63  }
0xc4: {  	s20 =	simm.s32 $0xE900  }
0xc5: {  	[hbm4b:s4+s2] =	stream.indirect_vreg.scatter [tilespmem:s20], [sflag:$0x1], $0x80, v3, vm0, $0xb8;
	[tilespmem:$0x10100] =	vst v63  }
0xc6: {  	s19 =	simm.s32 $0xF100  }
0xc7: {  	[hbm4b:s5+s2] =	stream.indirect_vreg.scatter [tilespmem:s19], [sflag:$0x1], $0x80, v3, vm0, $0xb8;
	[tilespmem:$0x10100] =	vst v63  }
0xc8: {  	s20 =	simm.s32 $0x1  }
0xc9: {  	[hbm4b:s6+s2] =	stream.indirect_vreg.scatter [tilespmem:s0], [sflag:$0x1], $0x80, v3, vm0, $0xb8;
	[tilespmem:$0x10100] =	vst v63  }
0xca: {  	p0 =	sne.s32 s7, $0x1;
	_ =	swait.ge [sflag:s20], $0x10000  }
.Ltmp0:
0xcb: {  	[sflag:s20] =	ssyncset.done $0x0;
	(pc) =	sbr.rel @p0 .LBB2_1-.Ltmp0, $4  }
0xcc: {  	[sflag:s20] =	ssyncadd.s32 $0xFFFF0000  }
0xcd: {  	_ =	swait.ge [sflag:s20], $0x10000  }
0xce: {  	[sflag:s20] =	ssyncset.done $0x0  }
0xcf: {  	s7 =	sadd.s32 $0xFFFFFFFF, s7;
	[sflag:s20] =	ssyncadd.s32 $0xFFFF0000  }
0xd0: {  	_ =	sfence.sel $0x180000  }
0xd1: {  	[bflag:$0x0] =	sbarrier.arrive $0xFFFF  }
0xd2: {  	_ =	strace $0x90000047  }
0xd3: {  	s0 =	stileid.u32;
	[bflag:$0x2] =	sbarrier.arrive $0xFFFF  }
0xd4: {  	p0 =	sne.s32 s0, $0x0;
	s0 =	rddreg [dreg:$0x2]  }
0xd5: {  	s0 =	sadd.s32 @!p0 $0x100000, s0  }
0xd6: {  	[sflag:s0] =	ssyncadd.tile.s32 @!p0 $0x1;
	_ =	shalt  }
.Lfunc_end2:
_tile_overlayer_lowered:
.L_overlay_start_2:
0xd7: {  	(tag) =	ssettag $0x2  }
0xd8: {  	s0 =	rddreg [dreg:$0x0];
	s2 =	stileid.u32  }
0xd9: {  	s1 =	rddreg [dreg:$0x1];
	p0 =	sne.s32 s2, $0x0  }
0xda: {  	s3 =	rddreg [dreg:$0x2];
	[bflag:$0x3] =	sbarrier.arrive $0xFFFF;
	s2 =	simm.s32 @!p0 $0x1C02  }
0xdb: {  	[timem:s3], [sflag:s2] =	dma.local @!p0 [hbm:s0], s1  }
0xdc: {  	s0 =	simm.s32 @!p0 $0x2  }
0xdd: {  	_ =	swait.ge @!p0 [sflag:s0], s1  }
0xde: {  	s1 =	ssub.s32 @!p0 $0x0, s1;
	[sflag:s0] =	ssyncset.done @!p0 $0x0  }
0xdf: {  	[sflag:s0] =	ssyncadd.s32 @!p0 s1  }
0xe0: {  	[bflag:$0x3] =	sbarrier.arrive $0xFFFF  }
0xe1: {  	_ =	shalt  }

</sc_bundles>
